<compile_context>
chip_gen: v7x
topology: tpu7x:2x2x1
jax: 0.10.2.dev20260603
libtpu: 0.0.44.dev20260713+nightly
codegen_flags: <defaults>
</compile_context>

<pallas_src>
import jax
import jax.numpy as jnp
from jax import lax
from jax.experimental import pallas as pl
from jax.experimental.pallas import tpu as pltpu
from jax.experimental.pallas import tpu_sc as plsc

_B = 1024
_L = 200
_D = 64
_N = _B * _L

_NC = 2
_NS = 16
_NW = _NC * _NS

_GB = 4
_GROUP_ROWS = _GB * _L
_SPLITS = ((0, 104), (104, 96))
_G = _B // (_NW * _GB)


def _body(ids_hbm, table_hbm, pos_hbm, out_hbm,
          idx0, idx1, rows0, rows1, pos_v,
          isem0, isem1, gsem0, gsem1, ssem0, ssem1):
    c = lax.axis_index("c")
    s = lax.axis_index("s")
    wid = s * _NC + c

    idx = [idx0, idx1]
    rows = [rows0, rows1]
    isem = [isem0, isem1]
    gsem = [gsem0, gsem1]
    ssem = [ssem0, ssem1]

    pltpu.sync_copy(pos_hbm.at[pl.ds(0, _L)], pos_v)

    base_batch = wid * (_G * _GB)

    def idx_copy(g):
        return pltpu.async_copy(
            ids_hbm.at[pl.ds(base_batch + g * _GB, _GB)],
            idx[g % 2], isem[g % 2])

    def issue_gathers(g):
        hs = []
        for b in range(_GB):
            for off, size in _SPLITS:
                hs.append(pltpu.async_copy(
                    table_hbm.at[idx[g % 2].at[b, pl.ds(off, size)]],
                    rows[g % 2].at[pl.ds(b * _L + off, size)],
                    gsem[g % 2]))
        return hs

    ih = {0: idx_copy(0), 1: idx_copy(1)}
    ih[0].wait()
    gh = {0: issue_gathers(0)}
    sh = {}

    for g in range(_G):
        p = g % 2
        for h in gh[g]:
            h.wait()
        if g + 1 < _G:
            if g >= 1:
                sh[g - 1].wait()
            ih[g + 1].wait()
            gh[g + 1] = issue_gathers(g + 1)
            if g + 2 < _G:
                ih[g + 2] = idx_copy(g + 2)

        rv = rows[p]

        def add_body(r, carry):
            for j in range(_D // 16):
                pv = pos_v[r, pl.ds(j * 16, 16)]
                for b in range(_GB):
                    plsc.addupdate(rv.at[b * _L + r, pl.ds(j * 16, 16)], pv)
            return carry

        lax.fori_loop(0, _L, add_body, 0)

        sh[g] = pltpu.async_copy(
            rv, out_hbm.at[pl.ds((wid * _G + g) * _GROUP_ROWS, _GROUP_ROWS)],
            ssem[p])

    sh[_G - 2].wait()
    sh[_G - 1].wait()


@jax.jit
def _embed(ids2d, token_table, pos_table):
    mesh = plsc.VectorSubcoreMesh(core_axis_name="c", subcore_axis_name="s")
    f = pl.kernel(
        _body,
        out_type=jax.ShapeDtypeStruct((_N, _D), jnp.float32),
        mesh=mesh,
        scratch_types=[
            pltpu.VMEM((_GB, _L), jnp.int32),
            pltpu.VMEM((_GB, _L), jnp.int32),
            pltpu.VMEM((_GROUP_ROWS, _D), jnp.float32),
            pltpu.VMEM((_GROUP_ROWS, _D), jnp.float32),
            pltpu.VMEM((_L, _D), jnp.float32),
            pltpu.SemaphoreType.DMA,
            pltpu.SemaphoreType.DMA,
            pltpu.SemaphoreType.DMA,
            pltpu.SemaphoreType.DMA,
            pltpu.SemaphoreType.DMA,
            pltpu.SemaphoreType.DMA,
        ],
        compiler_params=pltpu.CompilerParams(use_tc_tiling_on_sc=False),
    )
    return f(ids2d, token_table, pos_table)


def kernel(input_ids, token_table, pos_table):
    out = _embed(input_ids.astype(jnp.int32), token_table, pos_table)
    return out.reshape(_B, _L, _D)

# --- scband reference (transcript-rebuilt; emitter-appended) ---
"""Pipeline reference for scband-gptembedding-64544768525276 (READ-ONLY COPY).

The authoritative reference and input builder live on the scoring server;
editing this copy changes nothing except your own understanding.
"""

import jax, jax.numpy as jnp
import numpy as np

VOCAB = 1000000
EMBED = 64
MAXLEN = 2048
B = 1024
L = 200

def setup_inputs(seed: int = 0) -> dict:
    key = jax.random.key(seed)
    k1, k2, k3 = jax.random.split(key, 3)
    input_ids = jax.random.randint(k1, (B, L), 0, VOCAB, dtype=jnp.int64 if jax.config.jax_enable_x64 else jnp.int32)
    token_table = jax.random.normal(k2, (VOCAB, EMBED), dtype=jnp.float32) * 0.02
    pos_table = jax.random.normal(k3, (MAXLEN, EMBED), dtype=jnp.float32) * 0.02
    return {"input_ids": input_ids, "token_table": token_table, "pos_table": pos_table}

def reference(input_ids, token_table, pos_table):
    # token embedding: gather rows from the table
    tok_emb = jnp.take(token_table, input_ids, axis=0)  # [B, L, EMBED]
    # position embedding
    batch_size, seq_length = input_ids.shape
    positions = jnp.arange(seq_length)
    positions = jnp.broadcast_to(positions[None, :], (batch_size, seq_length))
    pos_emb = jnp.take(pos_table, positions, axis=0)  # [B, L, EMBED]
    # dropout is identity at inference time
    return tok_emb + pos_emb

if __name__ == "__main__":
    import jax
    _d = setup_inputs()
    print(jax.jit(kernel)(*tuple(_d.values())))

</pallas_src>

<mosaic_0001>
#map = affine_map<(d0, d1) -> (0, 0)>
module attributes {stable_mosaic.version = 14 : i64} {
  func.func @_body(%arg0: i32, %arg1: i32, %arg2: memref<1024x200xi32, #tpu.memory_space<hbm>>, %arg3: memref<1000000x64xf32, #tpu.memory_space<hbm>>, %arg4: memref<2048x64xf32, #tpu.memory_space<hbm>>, %arg5: memref<204800x64xf32, #tpu.memory_space<hbm>>, %arg6: memref<4x200xi32, #tpu.memory_space<vmem>>, %arg7: memref<4x200xi32, #tpu.memory_space<vmem>>, %arg8: memref<800x64xf32, #tpu.memory_space<vmem>>, %arg9: memref<800x64xf32, #tpu.memory_space<vmem>>, %arg10: memref<200x64xf32, #tpu.memory_space<vmem>>, %arg11: memref<!tpu.dma_semaphore, #tpu.memory_space<semaphore_mem>>, %arg12: memref<!tpu.dma_semaphore, #tpu.memory_space<semaphore_mem>>, %arg13: memref<!tpu.dma_semaphore, #tpu.memory_space<semaphore_mem>>, %arg14: memref<!tpu.dma_semaphore, #tpu.memory_space<semaphore_mem>>, %arg15: memref<!tpu.dma_semaphore, #tpu.memory_space<semaphore_mem>>, %arg16: memref<!tpu.dma_semaphore, #tpu.memory_space<semaphore_mem>>) attributes {dimension_semantics = [#tpu.dimension_semantics<core_parallel>, #tpu.dimension_semantics<subcore_parallel>], iteration_bounds = array<i64: 2, 16>, scalar_prefetch = 0 : i64, scratch_operands = 11 : i64, tpu.core_type = #tpu.core_type<sc_vector_subcore>, window_params = [{transform_indices = #map}, {transform_indices = #map}, {transform_indices = #map}, {transform_indices = #map}]} {
    %mul3A = arith.constant 2 : i32
    %mul3A_0 = arith.muli %arg1, %mul3A : i32
    %add3A = arith.addi %mul3A_0, %arg0 : i32
    "tpu.region"() ({
      %run_scoped3A = tpu.sem_alloc : memref<!tpu.dma_semaphore, #tpu.memory_space<semaphore_mem>>
      %dma_start3A_1520 = arith.constant 0 : i32
      %dma_start3A_1521 = arith.constant 0 : i32
      %dma_start3A_1522 = tpu.memref_slice %arg4[%dma_start3A_1520, %dma_start3A_1521] : memref<2048x64xf32, #tpu.memory_space<hbm>> -> memref<200x64xf32, #tpu.memory_space<hbm>>
      %dma_start3A_1523 = arith.constant 0 : i32
      %dma_start3A_1524 = arith.constant 0 : i32
      %dma_start3A_1525 = tpu.memref_slice %arg4[%dma_start3A_1523, %dma_start3A_1524] : memref<2048x64xf32, #tpu.memory_space<hbm>> -> memref<200x64xf32, #tpu.memory_space<hbm>>
      tpu.enqueue_dma source(%dma_start3A_1525 : memref<200x64xf32, #tpu.memory_space<hbm>>) target(%arg10 : memref<200x64xf32, #tpu.memory_space<vmem>>) target_semaphore(%run_scoped3A : memref<!tpu.dma_semaphore, #tpu.memory_space<semaphore_mem>>)
      %dma_wait3A_1526 = arith.constant 0 : i32
      %dma_wait3A_1527 = arith.constant 0 : i32
      %dma_wait3A_1528 = tpu.memref_slice %arg4[%dma_wait3A_1526, %dma_wait3A_1527] : memref<2048x64xf32, #tpu.memory_space<hbm>> -> memref<200x64xf32, #tpu.memory_space<hbm>>
      %dma_wait3A_1529 = arith.constant 0 : i32
      %dma_wait3A_1530 = arith.constant 0 : i32
      %dma_wait3A_1531 = tpu.memref_slice %arg4[%dma_wait3A_1529, %dma_wait3A_1530] : memref<2048x64xf32, #tpu.memory_space<hbm>> -> memref<200x64xf32, #tpu.memory_space<hbm>>
      tpu.wait_dma2 semaphore(%run_scoped3A : memref<!tpu.dma_semaphore, #tpu.memory_space<semaphore_mem>>) src(%dma_wait3A_1531 : memref<200x64xf32, #tpu.memory_space<hbm>>) dst(%arg10 : memref<200x64xf32, #tpu.memory_space<vmem>>)
      tpu.yield
    }) : () -> ()
    %mul3A_1 = arith.constant 32 : i32
    %mul3A_2 = arith.muli %add3A, %mul3A_1 : i32
    %add3A_3 = arith.constant 0 : i32
    %add3A_4 = arith.addi %mul3A_2, %add3A_3 : i32
    %dma_start3A = arith.constant 0 : i32
    %dma_start3A_5 = tpu.memref_slice %arg2[%add3A_4, %dma_start3A] : memref<1024x200xi32, #tpu.memory_space<hbm>> -> memref<4x200xi32, #tpu.memory_space<hbm>>
    %dma_start3A_6 = arith.constant 0 : i32
    %dma_start3A_7 = tpu.memref_slice %arg2[%add3A_4, %dma_start3A_6] : memref<1024x200xi32, #tpu.memory_space<hbm>> -> memref<4x200xi32, #tpu.memory_space<hbm>>
    tpu.enqueue_dma source(%dma_start3A_7 : memref<4x200xi32, #tpu.memory_space<hbm>>) target(%arg6 : memref<4x200xi32, #tpu.memory_space<vmem>>) target_semaphore(%arg11 : memref<!tpu.dma_semaphore, #tpu.memory_space<semaphore_mem>>)
    %add3A_8 = arith.constant 4 : i32
    %add3A_9 = arith.addi %mul3A_2, %add3A_8 : i32
    %dma_start3A_10 = arith.constant 0 : i32
    %dma_start3A_11 = tpu.memref_slice %arg2[%add3A_9, %dma_start3A_10] : memref<1024x200xi32, #tpu.memory_space<hbm>> -> memref<4x200xi32, #tpu.memory_space<hbm>>
    %dma_start3A_12 = arith.constant 0 : i32
    %dma_start3A_13 = tpu.memref_slice %arg2[%add3A_9, %dma_start3A_12] : memref<1024x200xi32, #tpu.memory_space<hbm>> -> memref<4x200xi32, #tpu.memory_space<hbm>>
    tpu.enqueue_dma source(%dma_start3A_13 : memref<4x200xi32, #tpu.memory_space<hbm>>) target(%arg7 : memref<4x200xi32, #tpu.memory_space<vmem>>) target_semaphore(%arg12 : memref<!tpu.dma_semaphore, #tpu.memory_space<semaphore_mem>>)
    %dma_wait3A = arith.constant 0 : i32
    %dma_wait3A_14 = tpu.memref_slice %arg2[%add3A_4, %dma_wait3A] : memref<1024x200xi32, #tpu.memory_space<hbm>> -> memref<4x200xi32, #tpu.memory_space<hbm>>
    %dma_wait3A_15 = arith.constant 0 : i32
    %dma_wait3A_16 = tpu.memref_slice %arg2[%add3A_4, %dma_wait3A_15] : memref<1024x200xi32, #tpu.memory_space<hbm>> -> memref<4x200xi32, #tpu.memory_space<hbm>>
    tpu.wait_dma2 semaphore(%arg11 : memref<!tpu.dma_semaphore, #tpu.memory_space<semaphore_mem>>) src(%dma_wait3A_16 : memref<4x200xi32, #tpu.memory_space<hbm>>) dst(%arg6 : memref<4x200xi32, #tpu.memory_space<vmem>>)
    %dma_start3A_17 = arith.constant 0 : i32
    %dma_start3A_18 = arith.constant 0 : i32
    %dma_start3A_19 = arith.constant 0 : i32
    %dma_start3A_20 = tpu.memref_slice %arg8[%dma_start3A_18, %dma_start3A_19] : memref<800x64xf32, #tpu.memory_space<vmem>> -> memref<104x64xf32, #tpu.memory_space<vmem>>
    %dma_start3A_21 = arith.constant 0 : i32
    %dma_start3A_22 = tpu.memref_slice %arg6[%dma_start3A_17, %dma_start3A_21] : memref<4x200xi32, #tpu.memory_space<vmem>> -> memref<1x104xi32, #tpu.memory_space<vmem>>
    %dma_start3A_23 = tpu.memref_squeeze %dma_start3A_22 : memref<1x104xi32, #tpu.memory_space<vmem>> -> memref<104xi32, #tpu.memory_space<vmem>>
    %dma_start3A_24 = arith.constant 0 : i32
    %dma_start3A_25 = arith.constant 0 : i32
    %dma_start3A_26 = tpu.memref_slice %arg3[%dma_start3A_24, %dma_start3A_25] : memref<1000000x64xf32, #tpu.memory_space<hbm>> -> memref<1000000x64xf32, #tpu.memory_space<hbm>>
    tpu.enqueue_indirect_dma source(%dma_start3A_26 : memref<1000000x64xf32, #tpu.memory_space<hbm>>) target(%dma_start3A_20 : memref<104x64xf32, #tpu.memory_space<vmem>>) offsets(%dma_start3A_23 : memref<104xi32, #tpu.memory_space<vmem>>) semaphore(%arg13 : memref<!tpu.dma_semaphore, #tpu.memory_space<semaphore_mem>>)
    %dma_start3A_27 = arith.constant 0 : i32
    %dma_start3A_28 = arith.constant 104 : i32
    %dma_start3A_29 = arith.constant 0 : i32
    %dma_start3A_30 = tpu.memref_slice %arg8[%dma_start3A_28, %dma_start3A_29] : memref<800x64xf32, #tpu.memory_space<vmem>> -> memref<96x64xf32, #tpu.memory_space<vmem>>
    %dma_start3A_31 = arith.constant 104 : i32
    %dma_start3A_32 = tpu.memref_slice %arg6[%dma_start3A_27, %dma_start3A_31] : memref<4x200xi32, #tpu.memory_space<vmem>> -> memref<1x96xi32, #tpu.memory_space<vmem>>
    %dma_start3A_33 = tpu.memref_squeeze %dma_start3A_32 : memref<1x96xi32, #tpu.memory_space<vmem>> -> memref<96xi32, #tpu.memory_space<vmem>>
    %dma_start3A_34 = arith.constant 0 : i32
    %dma_start3A_35 = arith.constant 0 : i32
    %dma_start3A_36 = tpu.memref_slice %arg3[%dma_start3A_34, %dma_start3A_35] : memref<1000000x64xf32, #tpu.memory_space<hbm>> -> memref<1000000x64xf32, #tpu.memory_space<hbm>>
    tpu.enqueue_indirect_dma source(%dma_start3A_36 : memref<1000000x64xf32, #tpu.memory_space<hbm>>) target(%dma_start3A_30 : memref<96x64xf32, #tpu.memory_space<vmem>>) offsets(%dma_start3A_33 : memref<96xi32, #tpu.memory_space<vmem>>) semaphore(%arg13 : memref<!tpu.dma_semaphore, #tpu.memory_space<semaphore_mem>>)
    %dma_start3A_37 = arith.constant 1 : i32
    %dma_start3A_38 = arith.constant 200 : i32
    %dma_start3A_39 = arith.constant 0 : i32
    %dma_start3A_40 = tpu.memref_slice %arg8[%dma_start3A_38, %dma_start3A_39] : memref<800x64xf32, #tpu.memory_space<vmem>> -> memref<104x64xf32, #tpu.memory_space<vmem>>
    %dma_start3A_41 = arith.constant 0 : i32
    %dma_start3A_42 = tpu.memref_slice %arg6[%dma_start3A_37, %dma_start3A_41] : memref<4x200xi32, #tpu.memory_space<vmem>> -> memref<1x104xi32, #tpu.memory_space<vmem>>
    %dma_start3A_43 = tpu.memref_squeeze %dma_start3A_42 : memref<1x104xi32, #tpu.memory_space<vmem>> -> memref<104xi32, #tpu.memory_space<vmem>>
    %dma_start3A_44 = arith.constant 0 : i32
    %dma_start3A_45 = arith.constant 0 : i32
    %dma_start3A_46 = tpu.memref_slice %arg3[%dma_start3A_44, %dma_start3A_45] : memref<1000000x64xf32, #tpu.memory_space<hbm>> -> memref<1000000x64xf32, #tpu.memory_space<hbm>>
    tpu.enqueue_indirect_dma source(%dma_start3A_46 : memref<1000000x64xf32, #tpu.memory_space<hbm>>) target(%dma_start3A_40 : memref<104x64xf32, #tpu.memory_space<vmem>>) offsets(%dma_start3A_43 : memref<104xi32, #tpu.memory_space<vmem>>) semaphore(%arg13 : memref<!tpu.dma_semaphore, #tpu.memory_space<semaphore_mem>>)
    %dma_start3A_47 = arith.constant 1 : i32
    %dma_start3A_48 = arith.constant 304 : i32
    %dma_start3A_49 = arith.constant 0 : i32
    %dma_start3A_50 = tpu.memref_slice %arg8[%dma_start3A_48, %dma_start3A_49] : memref<800x64xf32, #tpu.memory_space<vmem>> -> memref<96x64xf32, #tpu.memory_space<vmem>>
    %dma_start3A_51 = arith.constant 104 : i32
    %dma_start3A_52 = tpu.memref_slice %arg6[%dma_start3A_47, %dma_start3A_51] : memref<4x200xi32, #tpu.memory_space<vmem>> -> memref<1x96xi32, #tpu.memory_space<vmem>>
    %dma_start3A_53 = tpu.memref_squeeze %dma_start3A_52 : memref<1x96xi32, #tpu.memory_space<vmem>> -> memref<96xi32, #tpu.memory_space<vmem>>
    %dma_start3A_54 = arith.constant 0 : i32
    %dma_start3A_55 = arith.constant 0 : i32
    %dma_start3A_56 = tpu.memref_slice %arg3[%dma_start3A_54, %dma_start3A_55] : memref<1000000x64xf32, #tpu.memory_space<hbm>> -> memref<1000000x64xf32, #tpu.memory_space<hbm>>
    tpu.enqueue_indirect_dma source(%dma_start3A_56 : memref<1000000x64xf32, #tpu.memory_space<hbm>>) target(%dma_start3A_50 : memref<96x64xf32, #tpu.memory_space<vmem>>) offsets(%dma_start3A_53 : memref<96xi32, #tpu.memory_space<vmem>>) semaphore(%arg13 : memref<!tpu.dma_semaphore, #tpu.memory_space<semaphore_mem>>)
    %dma_start3A_57 = arith.constant 2 : i32
    %dma_start3A_58 = arith.constant 400 : i32
    %dma_start3A_59 = arith.constant 0 : i32
    %dma_start3A_60 = tpu.memref_slice %arg8[%dma_start3A_58, %dma_start3A_59] : memref<800x64xf32, #tpu.memory_space<vmem>> -> memref<104x64xf32, #tpu.memory_space<vmem>>
    %dma_start3A_61 = arith.constant 0 : i32
    %dma_start3A_62 = tpu.memref_slice %arg6[%dma_start3A_57, %dma_start3A_61] : memref<4x200xi32, #tpu.memory_space<vmem>> -> memref<1x104xi32, #tpu.memory_space<vmem>>
    %dma_start3A_63 = tpu.memref_squeeze %dma_start3A_62 : memref<1x104xi32, #tpu.memory_space<vmem>> -> memref<104xi32, #tpu.memory_space<vmem>>
    %dma_start3A_64 = arith.constant 0 : i32
    %dma_start3A_65 = arith.constant 0 : i32
    %dma_start3A_66 = tpu.memref_slice %arg3[%dma_start3A_64, %dma_start3A_65] : memref<1000000x64xf32, #tpu.memory_space<hbm>> -> memref<1000000x64xf32, #tpu.memory_space<hbm>>
    tpu.enqueue_indirect_dma source(%dma_start3A_66 : memref<1000000x64xf32, #tpu.memory_space<hbm>>) target(%dma_start3A_60 : memref<104x64xf32, #tpu.memory_space<vmem>>) offsets(%dma_start3A_63 : memref<104xi32, #tpu.memory_space<vmem>>) semaphore(%arg13 : memref<!tpu.dma_semaphore, #tpu.memory_space<semaphore_mem>>)
    %dma_start3A_67 = arith.constant 2 : i32
    %dma_start3A_68 = arith.constant 504 : i32
    %dma_start3A_69 = arith.constant 0 : i32
    %dma_start3A_70 = tpu.memref_slice %arg8[%dma_start3A_68, %dma_start3A_69] : memref<800x64xf32, #tpu.memory_space<vmem>> -> memref<96x64xf32, #tpu.memory_space<vmem>>
    %dma_start3A_71 = arith.constant 104 : i32
    %dma_start3A_72 = tpu.memref_slice %arg6[%dma_start3A_67, %dma_start3A_71] : memref<4x200xi32, #tpu.memory_space<vmem>> -> memref<1x96xi32, #tpu.memory_space<vmem>>
    %dma_start3A_73 = tpu.memref_squeeze %dma_start3A_72 : memref<1x96xi32, #tpu.memory_space<vmem>> -> memref<96xi32, #tpu.memory_space<vmem>>
    %dma_start3A_74 = arith.constant 0 : i32
    %dma_start3A_75 = arith.constant 0 : i32
    %dma_start3A_76 = tpu.memref_slice %arg3[%dma_start3A_74, %dma_start3A_75] : memref<1000000x64xf32, #tpu.memory_space<hbm>> -> memref<1000000x64xf32, #tpu.memory_space<hbm>>
    tpu.enqueue_indirect_dma source(%dma_start3A_76 : memref<1000000x64xf32, #tpu.memory_space<hbm>>) target(%dma_start3A_70 : memref<96x64xf32, #tpu.memory_space<vmem>>) offsets(%dma_start3A_73 : memref<96xi32, #tpu.memory_space<vmem>>) semaphore(%arg13 : memref<!tpu.dma_semaphore, #tpu.memory_space<semaphore_mem>>)
    %dma_start3A_77 = arith.constant 3 : i32
    %dma_start3A_78 = arith.constant 600 : i32
    %dma_start3A_79 = arith.constant 0 : i32
    %dma_start3A_80 = tpu.memref_slice %arg8[%dma_start3A_78, %dma_start3A_79] : memref<800x64xf32, #tpu.memory_space<vmem>> -> memref<104x64xf32, #tpu.memory_space<vmem>>
    %dma_start3A_81 = arith.constant 0 : i32
    %dma_start3A_82 = tpu.memref_slice %arg6[%dma_start3A_77, %dma_start3A_81] : memref<4x200xi32, #tpu.memory_space<vmem>> -> memref<1x104xi32, #tpu.memory_space<vmem>>
    %dma_start3A_83 = tpu.memref_squeeze %dma_start3A_82 : memref<1x104xi32, #tpu.memory_space<vmem>> -> memref<104xi32, #tpu.memory_space<vmem>>
    %dma_start3A_84 = arith.constant 0 : i32
    %dma_start3A_85 = arith.constant 0 : i32
    %dma_start3A_86 = tpu.memref_slice %arg3[%dma_start3A_84, %dma_start3A_85] : memref<1000000x64xf32, #tpu.memory_space<hbm>> -> memref<1000000x64xf32, #tpu.memory_space<hbm>>
    tpu.enqueue_indirect_dma source(%dma_start3A_86 : memref<1000000x64xf32, #tpu.memory_space<hbm>>) target(%dma_start3A_80 : memref<104x64xf32, #tpu.memory_space<vmem>>) offsets(%dma_start3A_83 : memref<104xi32, #tpu.memory_space<vmem>>) semaphore(%arg13 : memref<!tpu.dma_semaphore, #tpu.memory_space<semaphore_mem>>)
    %dma_start3A_87 = arith.constant 3 : i32
    %dma_start3A_88 = arith.constant 704 : i32
    %dma_start3A_89 = arith.constant 0 : i32
    %dma_start3A_90 = tpu.memref_slice %arg8[%dma_start3A_88, %dma_start3A_89] : memref<800x64xf32, #tpu.memory_space<vmem>> -> memref<96x64xf32, #tpu.memory_space<vmem>>
    %dma_start3A_91 = arith.constant 104 : i32
    %dma_start3A_92 = tpu.memref_slice %arg6[%dma_start3A_87, %dma_start3A_91] : memref<4x200xi32, #tpu.memory_space<vmem>> -> memref<1x96xi32, #tpu.memory_space<vmem>>
    %dma_start3A_93 = tpu.memref_squeeze %dma_start3A_92 : memref<1x96xi32, #tpu.memory_space<vmem>> -> memref<96xi32, #tpu.memory_space<vmem>>
    %dma_start3A_94 = arith.constant 0 : i32
    %dma_start3A_95 = arith.constant 0 : i32
    %dma_start3A_96 = tpu.memref_slice %arg3[%dma_start3A_94, %dma_start3A_95] : memref<1000000x64xf32, #tpu.memory_space<hbm>> -> memref<1000000x64xf32, #tpu.memory_space<hbm>>
    tpu.enqueue_indirect_dma source(%dma_start3A_96 : memref<1000000x64xf32, #tpu.memory_space<hbm>>) target(%dma_start3A_90 : memref<96x64xf32, #tpu.memory_space<vmem>>) offsets(%dma_start3A_93 : memref<96xi32, #tpu.memory_space<vmem>>) semaphore(%arg13 : memref<!tpu.dma_semaphore, #tpu.memory_space<semaphore_mem>>)
    %dma_wait3A_97 = arith.constant 0 : i32
    %dma_wait3A_98 = arith.constant 0 : i32
    %dma_wait3A_99 = arith.constant 0 : i32
    %dma_wait3A_100 = tpu.memref_slice %arg8[%dma_wait3A_98, %dma_wait3A_99] : memref<800x64xf32, #tpu.memory_space<vmem>> -> memref<104x64xf32, #tpu.memory_space<vmem>>
    %dma_wait3A_101 = arith.constant 0 : i32
    %dma_wait3A_102 = tpu.memref_slice %arg6[%dma_wait3A_97, %dma_wait3A_101] : memref<4x200xi32, #tpu.memory_space<vmem>> -> memref<1x104xi32, #tpu.memory_space<vmem>>
    %dma_wait3A_103 = tpu.memref_squeeze %dma_wait3A_102 : memref<1x104xi32, #tpu.memory_space<vmem>> -> memref<104xi32, #tpu.memory_space<vmem>>
    %dma_wait3A_104 = arith.constant 0 : i32
    %dma_wait3A_105 = arith.constant 0 : i32
    %dma_wait3A_106 = tpu.memref_slice %arg3[%dma_wait3A_104, %dma_wait3A_105] : memref<1000000x64xf32, #tpu.memory_space<hbm>> -> memref<1000000x64xf32, #tpu.memory_space<hbm>>
    tpu.wait_indirect_dma semaphore(%arg13 : memref<!tpu.dma_semaphore, #tpu.memory_space<semaphore_mem>>) src(%dma_wait3A_106 : memref<1000000x64xf32, #tpu.memory_space<hbm>>) dst(%dma_wait3A_100 : memref<104x64xf32, #tpu.memory_space<vmem>>)
    %dma_wait3A_107 = arith.constant 0 : i32
    %dma_wait3A_108 = arith.constant 104 : i32
    %dma_wait3A_109 = arith.constant 0 : i32
    %dma_wait3A_110 = tpu.memref_slice %arg8[%dma_wait3A_108, %dma_wait3A_109] : memref<800x64xf32, #tpu.memory_space<vmem>> -> memref<96x64xf32, #tpu.memory_space<vmem>>
    %dma_wait3A_111 = arith.constant 104 : i32
    %dma_wait3A_112 = tpu.memref_slice %arg6[%dma_wait3A_107, %dma_wait3A_111] : memref<4x200xi32, #tpu.memory_space<vmem>> -> memref<1x96xi32, #tpu.memory_space<vmem>>
    %dma_wait3A_113 = tpu.memref_squeeze %dma_wait3A_112 : memref<1x96xi32, #tpu.memory_space<vmem>> -> memref<96xi32, #tpu.memory_space<vmem>>
    %dma_wait3A_114 = arith.constant 0 : i32
    %dma_wait3A_115 = arith.constant 0 : i32
    %dma_wait3A_116 = tpu.memref_slice %arg3[%dma_wait3A_114, %dma_wait3A_115] : memref<1000000x64xf32, #tpu.memory_space<hbm>> -> memref<1000000x64xf32, #tpu.memory_space<hbm>>
    tpu.wait_indirect_dma semaphore(%arg13 : memref<!tpu.dma_semaphore, #tpu.memory_space<semaphore_mem>>) src(%dma_wait3A_116 : memref<1000000x64xf32, #tpu.memory_space<hbm>>) dst(%dma_wait3A_110 : memref<96x64xf32, #tpu.memory_space<vmem>>)
    %dma_wait3A_117 = arith.constant 1 : i32
    %dma_wait3A_118 = arith.constant 200 : i32
    %dma_wait3A_119 = arith.constant 0 : i32
    %dma_wait3A_120 = tpu.memref_slice %arg8[%dma_wait3A_118, %dma_wait3A_119] : memref<800x64xf32, #tpu.memory_space<vmem>> -> memref<104x64xf32, #tpu.memory_space<vmem>>
    %dma_wait3A_121 = arith.constant 0 : i32
    %dma_wait3A_122 = tpu.memref_slice %arg6[%dma_wait3A_117, %dma_wait3A_121] : memref<4x200xi32, #tpu.memory_space<vmem>> -> memref<1x104xi32, #tpu.memory_space<vmem>>
    %dma_wait3A_123 = tpu.memref_squeeze %dma_wait3A_122 : memref<1x104xi32, #tpu.memory_space<vmem>> -> memref<104xi32, #tpu.memory_space<vmem>>
    %dma_wait3A_124 = arith.constant 0 : i32
    %dma_wait3A_125 = arith.constant 0 : i32
    %dma_wait3A_126 = tpu.memref_slice %arg3[%dma_wait3A_124, %dma_wait3A_125] : memref<1000000x64xf32, #tpu.memory_space<hbm>> -> memref<1000000x64xf32, #tpu.memory_space<hbm>>
    tpu.wait_indirect_dma semaphore(%arg13 : memref<!tpu.dma_semaphore, #tpu.memory_space<semaphore_mem>>) src(%dma_wait3A_126 : memref<1000000x64xf32, #tpu.memory_space<hbm>>) dst(%dma_wait3A_120 : memref<104x64xf32, #tpu.memory_space<vmem>>)
    %dma_wait3A_127 = arith.constant 1 : i32
    %dma_wait3A_128 = arith.constant 304 : i32
    %dma_wait3A_129 = arith.constant 0 : i32
    %dma_wait3A_130 = tpu.memref_slice %arg8[%dma_wait3A_128, %dma_wait3A_129] : memref<800x64xf32, #tpu.memory_space<vmem>> -> memref<96x64xf32, #tpu.memory_space<vmem>>
    %dma_wait3A_131 = arith.constant 104 : i32
    %dma_wait3A_132 = tpu.memref_slice %arg6[%dma_wait3A_127, %dma_wait3A_131] : memref<4x200xi32, #tpu.memory_space<vmem>> -> memref<1x96xi32, #tpu.memory_space<vmem>>
    %dma_wait3A_133 = tpu.memref_squeeze %dma_wait3A_132 : memref<1x96xi32, #tpu.memory_space<vmem>> -> memref<96xi32, #tpu.memory_space<vmem>>
    %dma_wait3A_134 = arith.constant 0 : i32
    %dma_wait3A_135 = arith.constant 0 : i32
    %dma_wait3A_136 = tpu.memref_slice %arg3[%dma_wait3A_134, %dma_wait3A_135] : memref<1000000x64xf32, #tpu.memory_space<hbm>> -> memref<1000000x64xf32, #tpu.memory_space<hbm>>
    tpu.wait_indirect_dma semaphore(%arg13 : memref<!tpu.dma_semaphore, #tpu.memory_space<semaphore_mem>>) src(%dma_wait3A_136 : memref<1000000x64xf32, #tpu.memory_space<hbm>>) dst(%dma_wait3A_130 : memref<96x64xf32, #tpu.memory_space<vmem>>)
    %dma_wait3A_137 = arith.constant 2 : i32
    %dma_wait3A_138 = arith.constant 400 : i32
    %dma_wait3A_139 = arith.constant 0 : i32
    %dma_wait3A_140 = tpu.memref_slice %arg8[%dma_wait3A_138, %dma_wait3A_139] : memref<800x64xf32, #tpu.memory_space<vmem>> -> memref<104x64xf32, #tpu.memory_space<vmem>>
    %dma_wait3A_141 = arith.constant 0 : i32
    %dma_wait3A_142 = tpu.memref_slice %arg6[%dma_wait3A_137, %dma_wait3A_141] : memref<4x200xi32, #tpu.memory_space<vmem>> -> memref<1x104xi32, #tpu.memory_space<vmem>>
    %dma_wait3A_143 = tpu.memref_squeeze %dma_wait3A_142 : memref<1x104xi32, #tpu.memory_space<vmem>> -> memref<104xi32, #tpu.memory_space<vmem>>
    %dma_wait3A_144 = arith.constant 0 : i32
    %dma_wait3A_145 = arith.constant 0 : i32
    %dma_wait3A_146 = tpu.memref_slice %arg3[%dma_wait3A_144, %dma_wait3A_145] : memref<1000000x64xf32, #tpu.memory_space<hbm>> -> memref<1000000x64xf32, #tpu.memory_space<hbm>>
    tpu.wait_indirect_dma semaphore(%arg13 : memref<!tpu.dma_semaphore, #tpu.memory_space<semaphore_mem>>) src(%dma_wait3A_146 : memref<1000000x64xf32, #tpu.memory_space<hbm>>) dst(%dma_wait3A_140 : memref<104x64xf32, #tpu.memory_space<vmem>>)
    %dma_wait3A_147 = arith.constant 2 : i32
    %dma_wait3A_148 = arith.constant 504 : i32
    %dma_wait3A_149 = arith.constant 0 : i32
    %dma_wait3A_150 = tpu.memref_slice %arg8[%dma_wait3A_148, %dma_wait3A_149] : memref<800x64xf32, #tpu.memory_space<vmem>> -> memref<96x64xf32, #tpu.memory_space<vmem>>
    %dma_wait3A_151 = arith.constant 104 : i32
    %dma_wait3A_152 = tpu.memref_slice %arg6[%dma_wait3A_147, %dma_wait3A_151] : memref<4x200xi32, #tpu.memory_space<vmem>> -> memref<1x96xi32, #tpu.memory_space<vmem>>
    %dma_wait3A_153 = tpu.memref_squeeze %dma_wait3A_152 : memref<1x96xi32, #tpu.memory_space<vmem>> -> memref<96xi32, #tpu.memory_space<vmem>>
    %dma_wait3A_154 = arith.constant 0 : i32
    %dma_wait3A_155 = arith.constant 0 : i32
    %dma_wait3A_156 = tpu.memref_slice %arg3[%dma_wait3A_154, %dma_wait3A_155] : memref<1000000x64xf32, #tpu.memory_space<hbm>> -> memref<1000000x64xf32, #tpu.memory_space<hbm>>
    tpu.wait_indirect_dma semaphore(%arg13 : memref<!tpu.dma_semaphore, #tpu.memory_space<semaphore_mem>>) src(%dma_wait3A_156 : memref<1000000x64xf32, #tpu.memory_space<hbm>>) dst(%dma_wait3A_150 : memref<96x64xf32, #tpu.memory_space<vmem>>)
    %dma_wait3A_157 = arith.constant 3 : i32
    %dma_wait3A_158 = arith.constant 600 : i32
    %dma_wait3A_159 = arith.constant 0 : i32
    %dma_wait3A_160 = tpu.memref_slice %arg8[%dma_wait3A_158, %dma_wait3A_159] : memref<800x64xf32, #tpu.memory_space<vmem>> -> memref<104x64xf32, #tpu.memory_space<vmem>>
    %dma_wait3A_161 = arith.constant 0 : i32
    %dma_wait3A_162 = tpu.memref_slice %arg6[%dma_wait3A_157, %dma_wait3A_161] : memref<4x200xi32, #tpu.memory_space<vmem>> -> memref<1x104xi32, #tpu.memory_space<vmem>>
    %dma_wait3A_163 = tpu.memref_squeeze %dma_wait3A_162 : memref<1x104xi32, #tpu.memory_space<vmem>> -> memref<104xi32, #tpu.memory_space<vmem>>
    %dma_wait3A_164 = arith.constant 0 : i32
    %dma_wait3A_165 = arith.constant 0 : i32
    %dma_wait3A_166 = tpu.memref_slice %arg3[%dma_wait3A_164, %dma_wait3A_165] : memref<1000000x64xf32, #tpu.memory_space<hbm>> -> memref<1000000x64xf32, #tpu.memory_space<hbm>>
    tpu.wait_indirect_dma semaphore(%arg13 : memref<!tpu.dma_semaphore, #tpu.memory_space<semaphore_mem>>) src(%dma_wait3A_166 : memref<1000000x64xf32, #tpu.memory_space<hbm>>) dst(%dma_wait3A_160 : memref<104x64xf32, #tpu.memory_space<vmem>>)
    %dma_wait3A_167 = arith.constant 3 : i32
    %dma_wait3A_168 = arith.constant 704 : i32
    %dma_wait3A_169 = arith.constant 0 : i32
    %dma_wait3A_170 = tpu.memref_slice %arg8[%dma_wait3A_168, %dma_wait3A_169] : memref<800x64xf32, #tpu.memory_space<vmem>> -> memref<96x64xf32, #tpu.memory_space<vmem>>
    %dma_wait3A_171 = arith.constant 104 : i32
    %dma_wait3A_172 = tpu.memref_slice %arg6[%dma_wait3A_167, %dma_wait3A_171] : memref<4x200xi32, #tpu.memory_space<vmem>> -> memref<1x96xi32, #tpu.memory_space<vmem>>
    %dma_wait3A_173 = tpu.memref_squeeze %dma_wait3A_172 : memref<1x96xi32, #tpu.memory_space<vmem>> -> memref<96xi32, #tpu.memory_space<vmem>>
    %dma_wait3A_174 = arith.constant 0 : i32
    %dma_wait3A_175 = arith.constant 0 : i32
    %dma_wait3A_176 = tpu.memref_slice %arg3[%dma_wait3A_174, %dma_wait3A_175] : memref<1000000x64xf32, #tpu.memory_space<hbm>> -> memref<1000000x64xf32, #tpu.memory_space<hbm>>
    tpu.wait_indirect_dma semaphore(%arg13 : memref<!tpu.dma_semaphore, #tpu.memory_space<semaphore_mem>>) src(%dma_wait3A_176 : memref<1000000x64xf32, #tpu.memory_space<hbm>>) dst(%dma_wait3A_170 : memref<96x64xf32, #tpu.memory_space<vmem>>)
    %dma_wait3A_177 = arith.constant 0 : i32
    %dma_wait3A_178 = tpu.memref_slice %arg2[%add3A_9, %dma_wait3A_177] : memref<1024x200xi32, #tpu.memory_space<hbm>> -> memref<4x200xi32, #tpu.memory_space<hbm>>
    %dma_wait3A_179 = arith.constant 0 : i32
    %dma_wait3A_180 = tpu.memref_slice %arg2[%add3A_9, %dma_wait3A_179] : memref<1024x200xi32, #tpu.memory_space<hbm>> -> memref<4x200xi32, #tpu.memory_space<hbm>>
    tpu.wait_dma2 semaphore(%arg12 : memref<!tpu.dma_semaphore, #tpu.memory_space<semaphore_mem>>) src(%dma_wait3A_180 : memref<4x200xi32, #tpu.memory_space<hbm>>) dst(%arg7 : memref<4x200xi32, #tpu.memory_space<vmem>>)
    %dma_start3A_181 = arith.constant 0 : i32
    %dma_start3A_182 = arith.constant 0 : i32
    %dma_start3A_183 = arith.constant 0 : i32
    %dma_start3A_184 = tpu.memref_slice %arg9[%dma_start3A_182, %dma_start3A_183] : memref<800x64xf32, #tpu.memory_space<vmem>> -> memref<104x64xf32, #tpu.memory_space<vmem>>
    %dma_start3A_185 = arith.constant 0 : i32
    %dma_start3A_186 = tpu.memref_slice %arg7[%dma_start3A_181, %dma_start3A_185] : memref<4x200xi32, #tpu.memory_space<vmem>> -> memref<1x104xi32, #tpu.memory_space<vmem>>
    %dma_start3A_187 = tpu.memref_squeeze %dma_start3A_186 : memref<1x104xi32, #tpu.memory_space<vmem>> -> memref<104xi32, #tpu.memory_space<vmem>>
    %dma_start3A_188 = arith.constant 0 : i32
    %dma_start3A_189 = arith.constant 0 : i32
    %dma_start3A_190 = tpu.memref_slice %arg3[%dma_start3A_188, %dma_start3A_189] : memref<1000000x64xf32, #tpu.memory_space<hbm>> -> memref<1000000x64xf32, #tpu.memory_space<hbm>>
    tpu.enqueue_indirect_dma source(%dma_start3A_190 : memref<1000000x64xf32, #tpu.memory_space<hbm>>) target(%dma_start3A_184 : memref<104x64xf32, #tpu.memory_space<vmem>>) offsets(%dma_start3A_187 : memref<104xi32, #tpu.memory_space<vmem>>) semaphore(%arg14 : memref<!tpu.dma_semaphore, #tpu.memory_space<semaphore_mem>>)
    %dma_start3A_191 = arith.constant 0 : i32
    %dma_start3A_192 = arith.constant 104 : i32
    %dma_start3A_193 = arith.constant 0 : i32
    %dma_start3A_194 = tpu.memref_slice %arg9[%dma_start3A_192, %dma_start3A_193] : memref<800x64xf32, #tpu.memory_space<vmem>> -> memref<96x64xf32, #tpu.memory_space<vmem>>
    %dma_start3A_195 = arith.constant 104 : i32
    %dma_start3A_196 = tpu.memref_slice %arg7[%dma_start3A_191, %dma_start3A_195] : memref<4x200xi32, #tpu.memory_space<vmem>> -> memref<1x96xi32, #tpu.memory_space<vmem>>
    %dma_start3A_197 = tpu.memref_squeeze %dma_start3A_196 : memref<1x96xi32, #tpu.memory_space<vmem>> -> memref<96xi32, #tpu.memory_space<vmem>>
    %dma_start3A_198 = arith.constant 0 : i32
    %dma_start3A_199 = arith.constant 0 : i32
    %dma_start3A_200 = tpu.memref_slice %arg3[%dma_start3A_198, %dma_start3A_199] : memref<1000000x64xf32, #tpu.memory_space<hbm>> -> memref<1000000x64xf32, #tpu.memory_space<hbm>>
    tpu.enqueue_indirect_dma source(%dma_start3A_200 : memref<1000000x64xf32, #tpu.memory_space<hbm>>) target(%dma_start3A_194 : memref<96x64xf32, #tpu.memory_space<vmem>>) offsets(%dma_start3A_197 : memref<96xi32, #tpu.memory_space<vmem>>) semaphore(%arg14 : memref<!tpu.dma_semaphore, #tpu.memory_space<semaphore_mem>>)
    %dma_start3A_201 = arith.constant 1 : i32
    %dma_start3A_202 = arith.constant 200 : i32
    %dma_start3A_203 = arith.constant 0 : i32
    %dma_start3A_204 = tpu.memref_slice %arg9[%dma_start3A_202, %dma_start3A_203] : memref<800x64xf32, #tpu.memory_space<vmem>> -> memref<104x64xf32, #tpu.memory_space<vmem>>
    %dma_start3A_205 = arith.constant 0 : i32
    %dma_start3A_206 = tpu.memref_slice %arg7[%dma_start3A_201, %dma_start3A_205] : memref<4x200xi32, #tpu.memory_space<vmem>> -> memref<1x104xi32, #tpu.memory_space<vmem>>
    %dma_start3A_207 = tpu.memref_squeeze %dma_start3A_206 : memref<1x104xi32, #tpu.memory_space<vmem>> -> memref<104xi32, #tpu.memory_space<vmem>>
    %dma_start3A_208 = arith.constant 0 : i32
    %dma_start3A_209 = arith.constant 0 : i32
    %dma_start3A_210 = tpu.memref_slice %arg3[%dma_start3A_208, %dma_start3A_209] : memref<1000000x64xf32, #tpu.memory_space<hbm>> -> memref<1000000x64xf32, #tpu.memory_space<hbm>>
    tpu.enqueue_indirect_dma source(%dma_start3A_210 : memref<1000000x64xf32, #tpu.memory_space<hbm>>) target(%dma_start3A_204 : memref<104x64xf32, #tpu.memory_space<vmem>>) offsets(%dma_start3A_207 : memref<104xi32, #tpu.memory_space<vmem>>) semaphore(%arg14 : memref<!tpu.dma_semaphore, #tpu.memory_space<semaphore_mem>>)
    %dma_start3A_211 = arith.constant 1 : i32
    %dma_start3A_212 = arith.constant 304 : i32
    %dma_start3A_213 = arith.constant 0 : i32
    %dma_start3A_214 = tpu.memref_slice %arg9[%dma_start3A_212, %dma_start3A_213] : memref<800x64xf32, #tpu.memory_space<vmem>> -> memref<96x64xf32, #tpu.memory_space<vmem>>
    %dma_start3A_215 = arith.constant 104 : i32
    %dma_start3A_216 = tpu.memref_slice %arg7[%dma_start3A_211, %dma_start3A_215] : memref<4x200xi32, #tpu.memory_space<vmem>> -> memref<1x96xi32, #tpu.memory_space<vmem>>
    %dma_start3A_217 = tpu.memref_squeeze %dma_start3A_216 : memref<1x96xi32, #tpu.memory_space<vmem>> -> memref<96xi32, #tpu.memory_space<vmem>>
    %dma_start3A_218 = arith.constant 0 : i32
    %dma_start3A_219 = arith.constant 0 : i32
    %dma_start3A_220 = tpu.memref_slice %arg3[%dma_start3A_218, %dma_start3A_219] : memref<1000000x64xf32, #tpu.memory_space<hbm>> -> memref<1000000x64xf32, #tpu.memory_space<hbm>>
    tpu.enqueue_indirect_dma source(%dma_start3A_220 : memref<1000000x64xf32, #tpu.memory_space<hbm>>) target(%dma_start3A_214 : memref<96x64xf32, #tpu.memory_space<vmem>>) offsets(%dma_start3A_217 : memref<96xi32, #tpu.memory_space<vmem>>) semaphore(%arg14 : memref<!tpu.dma_semaphore, #tpu.memory_space<semaphore_mem>>)
    %dma_start3A_221 = arith.constant 2 : i32
    %dma_start3A_222 = arith.constant 400 : i32
    %dma_start3A_223 = arith.constant 0 : i32
    %dma_start3A_224 = tpu.memref_slice %arg9[%dma_start3A_222, %dma_start3A_223] : memref<800x64xf32, #tpu.memory_space<vmem>> -> memref<104x64xf32, #tpu.memory_space<vmem>>
    %dma_start3A_225 = arith.constant 0 : i32
    %dma_start3A_226 = tpu.memref_slice %arg7[%dma_start3A_221, %dma_start3A_225] : memref<4x200xi32, #tpu.memory_space<vmem>> -> memref<1x104xi32, #tpu.memory_space<vmem>>
    %dma_start3A_227 = tpu.memref_squeeze %dma_start3A_226 : memref<1x104xi32, #tpu.memory_space<vmem>> -> memref<104xi32, #tpu.memory_space<vmem>>
    %dma_start3A_228 = arith.constant 0 : i32
    %dma_start3A_229 = arith.constant 0 : i32
    %dma_start3A_230 = tpu.memref_slice %arg3[%dma_start3A_228, %dma_start3A_229] : memref<1000000x64xf32, #tpu.memory_space<hbm>> -> memref<1000000x64xf32, #tpu.memory_space<hbm>>
    tpu.enqueue_indirect_dma source(%dma_start3A_230 : memref<1000000x64xf32, #tpu.memory_space<hbm>>) target(%dma_start3A_224 : memref<104x64xf32, #tpu.memory_space<vmem>>) offsets(%dma_start3A_227 : memref<104xi32, #tpu.memory_space<vmem>>) semaphore(%arg14 : memref<!tpu.dma_semaphore, #tpu.memory_space<semaphore_mem>>)
    %dma_start3A_231 = arith.constant 2 : i32
    %dma_start3A_232 = arith.constant 504 : i32
    %dma_start3A_233 = arith.constant 0 : i32
    %dma_start3A_234 = tpu.memref_slice %arg9[%dma_start3A_232, %dma_start3A_233] : memref<800x64xf32, #tpu.memory_space<vmem>> -> memref<96x64xf32, #tpu.memory_space<vmem>>
    %dma_start3A_235 = arith.constant 104 : i32
    %dma_start3A_236 = tpu.memref_slice %arg7[%dma_start3A_231, %dma_start3A_235] : memref<4x200xi32, #tpu.memory_space<vmem>> -> memref<1x96xi32, #tpu.memory_space<vmem>>
    %dma_start3A_237 = tpu.memref_squeeze %dma_start3A_236 : memref<1x96xi32, #tpu.memory_space<vmem>> -> memref<96xi32, #tpu.memory_space<vmem>>
    %dma_start3A_238 = arith.constant 0 : i32
    %dma_start3A_239 = arith.constant 0 : i32
    %dma_start3A_240 = tpu.memref_slice %arg3[%dma_start3A_238, %dma_start3A_239] : memref<1000000x64xf32, #tpu.memory_space<hbm>> -> memref<1000000x64xf32, #tpu.memory_space<hbm>>
    tpu.enqueue_indirect_dma source(%dma_start3A_240 : memref<1000000x64xf32, #tpu.memory_space<hbm>>) target(%dma_start3A_234 : memref<96x64xf32, #tpu.memory_space<vmem>>) offsets(%dma_start3A_237 : memref<96xi32, #tpu.memory_space<vmem>>) semaphore(%arg14 : memref<!tpu.dma_semaphore, #tpu.memory_space<semaphore_mem>>)
    %dma_start3A_241 = arith.constant 3 : i32
    %dma_start3A_242 = arith.constant 600 : i32
    %dma_start3A_243 = arith.constant 0 : i32
    %dma_start3A_244 = tpu.memref_slice %arg9[%dma_start3A_242, %dma_start3A_243] : memref<800x64xf32, #tpu.memory_space<vmem>> -> memref<104x64xf32, #tpu.memory_space<vmem>>
    %dma_start3A_245 = arith.constant 0 : i32
    %dma_start3A_246 = tpu.memref_slice %arg7[%dma_start3A_241, %dma_start3A_245] : memref<4x200xi32, #tpu.memory_space<vmem>> -> memref<1x104xi32, #tpu.memory_space<vmem>>
    %dma_start3A_247 = tpu.memref_squeeze %dma_start3A_246 : memref<1x104xi32, #tpu.memory_space<vmem>> -> memref<104xi32, #tpu.memory_space<vmem>>
    %dma_start3A_248 = arith.constant 0 : i32
    %dma_start3A_249 = arith.constant 0 : i32
    %dma_start3A_250 = tpu.memref_slice %arg3[%dma_start3A_248, %dma_start3A_249] : memref<1000000x64xf32, #tpu.memory_space<hbm>> -> memref<1000000x64xf32, #tpu.memory_space<hbm>>
    tpu.enqueue_indirect_dma source(%dma_start3A_250 : memref<1000000x64xf32, #tpu.memory_space<hbm>>) target(%dma_start3A_244 : memref<104x64xf32, #tpu.memory_space<vmem>>) offsets(%dma_start3A_247 : memref<104xi32, #tpu.memory_space<vmem>>) semaphore(%arg14 : memref<!tpu.dma_semaphore, #tpu.memory_space<semaphore_mem>>)
    %dma_start3A_251 = arith.constant 3 : i32
    %dma_start3A_252 = arith.constant 704 : i32
    %dma_start3A_253 = arith.constant 0 : i32
    %dma_start3A_254 = tpu.memref_slice %arg9[%dma_start3A_252, %dma_start3A_253] : memref<800x64xf32, #tpu.memory_space<vmem>> -> memref<96x64xf32, #tpu.memory_space<vmem>>
    %dma_start3A_255 = arith.constant 104 : i32
    %dma_start3A_256 = tpu.memref_slice %arg7[%dma_start3A_251, %dma_start3A_255] : memref<4x200xi32, #tpu.memory_space<vmem>> -> memref<1x96xi32, #tpu.memory_space<vmem>>
    %dma_start3A_257 = tpu.memref_squeeze %dma_start3A_256 : memref<1x96xi32, #tpu.memory_space<vmem>> -> memref<96xi32, #tpu.memory_space<vmem>>
    %dma_start3A_258 = arith.constant 0 : i32
    %dma_start3A_259 = arith.constant 0 : i32
    %dma_start3A_260 = tpu.memref_slice %arg3[%dma_start3A_258, %dma_start3A_259] : memref<1000000x64xf32, #tpu.memory_space<hbm>> -> memref<1000000x64xf32, #tpu.memory_space<hbm>>
    tpu.enqueue_indirect_dma source(%dma_start3A_260 : memref<1000000x64xf32, #tpu.memory_space<hbm>>) target(%dma_start3A_254 : memref<96x64xf32, #tpu.memory_space<vmem>>) offsets(%dma_start3A_257 : memref<96xi32, #tpu.memory_space<vmem>>) semaphore(%arg14 : memref<!tpu.dma_semaphore, #tpu.memory_space<semaphore_mem>>)
    %add3A_261 = arith.constant 8 : i32
    %add3A_262 = arith.addi %mul3A_2, %add3A_261 : i32
    %dma_start3A_263 = arith.constant 0 : i32
    %dma_start3A_264 = tpu.memref_slice %arg2[%add3A_262, %dma_start3A_263] : memref<1024x200xi32, #tpu.memory_space<hbm>> -> memref<4x200xi32, #tpu.memory_space<hbm>>
    %dma_start3A_265 = arith.constant 0 : i32
    %dma_start3A_266 = tpu.memref_slice %arg2[%add3A_262, %dma_start3A_265] : memref<1024x200xi32, #tpu.memory_space<hbm>> -> memref<4x200xi32, #tpu.memory_space<hbm>>
    tpu.enqueue_dma source(%dma_start3A_266 : memref<4x200xi32, #tpu.memory_space<hbm>>) target(%arg6 : memref<4x200xi32, #tpu.memory_space<vmem>>) target_semaphore(%arg11 : memref<!tpu.dma_semaphore, #tpu.memory_space<semaphore_mem>>)
    %scan3A = arith.constant 0 : i32
    %scan3A_267 = arith.constant 0 : i32
    %scan3A_268 = arith.constant 200 : i32
    %scan3A_269 = arith.addi %scan3A_267, %scan3A_268 : i32
    %scan3A_270 = arith.constant 1 : i32
    scf.for %scan3A_1520 = %scan3A_267 to %scan3A_269 step %scan3A_270  : i32 {
      %get3A = arith.index_cast %scan3A_1520 : i32 to index
      %get3A_1521 = arith.constant 0 : index
      %get3A_1522 = tpu.vector_load %arg10[%get3A, %get3A_1521] {strides = array<i32>} : memref<200x64xf32, #tpu.memory_space<vmem>>, vector<1x16xf32>,
      %get3A_1523 = vector.shape_cast %get3A_1522 : vector<1x16xf32> to vector<16xf32>
      %add3A_1524 = arith.constant 0 : i32
      %add3A_1525 = arith.addi %add3A_1524, %scan3A_1520 : i32
      %swap3A = arith.index_cast %add3A_1525 : i32 to index
      %swap3A_1526 = arith.constant 0 : index
      %swap3A_1527 = tpu.vector_load %arg8[%swap3A, %swap3A_1526] {strides = array<i32>} : memref<800x64xf32, #tpu.memory_space<vmem>>, vector<1x16xf32>,
      %swap3A_1528 = vector.shape_cast %swap3A_1527 : vector<1x16xf32> to vector<16xf32>
      %swap3A_1529 = vector.shape_cast %get3A_1523 : vector<16xf32> to vector<1x16xf32>
      tpu.vector_store %arg8[%swap3A, %swap3A_1526], %swap3A_1529 {add = true, strides = array<i32>} : memref<800x64xf32, #tpu.memory_space<vmem>>, vector<1x16xf32>,
      %add3A_1530 = arith.constant 200 : i32
      %add3A_1531 = arith.addi %add3A_1530, %scan3A_1520 : i32
      %swap3A_1532 = arith.index_cast %add3A_1531 : i32 to index
      %swap3A_1533 = arith.constant 0 : index
      %swap3A_1534 = tpu.vector_load %arg8[%swap3A_1532, %swap3A_1533] {strides = array<i32>} : memref<800x64xf32, #tpu.memory_space<vmem>>, vector<1x16xf32>,
      %swap3A_1535 = vector.shape_cast %swap3A_1534 : vector<1x16xf32> to vector<16xf32>
      %swap3A_1536 = vector.shape_cast %get3A_1523 : vector<16xf32> to vector<1x16xf32>
      tpu.vector_store %arg8[%swap3A_1532, %swap3A_1533], %swap3A_1536 {add = true, strides = array<i32>} : memref<800x64xf32, #tpu.memory_space<vmem>>, vector<1x16xf32>,
      %add3A_1537 = arith.constant 400 : i32
      %add3A_1538 = arith.addi %add3A_1537, %scan3A_1520 : i32
      %swap3A_1539 = arith.index_cast %add3A_1538 : i32 to index
      %swap3A_1540 = arith.constant 0 : index
      %swap3A_1541 = tpu.vector_load %arg8[%swap3A_1539, %swap3A_1540] {strides = array<i32>} : memref<800x64xf32, #tpu.memory_space<vmem>>, vector<1x16xf32>,
      %swap3A_1542 = vector.shape_cast %swap3A_1541 : vector<1x16xf32> to vector<16xf32>
      %swap3A_1543 = vector.shape_cast %get3A_1523 : vector<16xf32> to vector<1x16xf32>
      tpu.vector_store %arg8[%swap3A_1539, %swap3A_1540], %swap3A_1543 {add = true, strides = array<i32>} : memref<800x64xf32, #tpu.memory_space<vmem>>, vector<1x16xf32>,
      %add3A_1544 = arith.constant 600 : i32
      %add3A_1545 = arith.addi %add3A_1544, %scan3A_1520 : i32
      %swap3A_1546 = arith.index_cast %add3A_1545 : i32 to index
      %swap3A_1547 = arith.constant 0 : index
      %swap3A_1548 = tpu.vector_load %arg8[%swap3A_1546, %swap3A_1547] {strides = array<i32>} : memref<800x64xf32, #tpu.memory_space<vmem>>, vector<1x16xf32>,
      %swap3A_1549 = vector.shape_cast %swap3A_1548 : vector<1x16xf32> to vector<16xf32>
      %swap3A_1550 = vector.shape_cast %get3A_1523 : vector<16xf32> to vector<1x16xf32>
      tpu.vector_store %arg8[%swap3A_1546, %swap3A_1547], %swap3A_1550 {add = true, strides = array<i32>} : memref<800x64xf32, #tpu.memory_space<vmem>>, vector<1x16xf32>,
      %get3A_1551 = arith.index_cast %scan3A_1520 : i32 to index
      %get3A_1552 = arith.constant 16 : index
      %get3A_1553 = tpu.vector_load %arg10[%get3A_1551, %get3A_1552] {strides = array<i32>} : memref<200x64xf32, #tpu.memory_space<vmem>>, vector<1x16xf32>,
      %get3A_1554 = vector.shape_cast %get3A_1553 : vector<1x16xf32> to vector<16xf32>
      %add3A_1555 = arith.constant 0 : i32
      %add3A_1556 = arith.addi %add3A_1555, %scan3A_1520 : i32
      %swap3A_1557 = arith.index_cast %add3A_1556 : i32 to index
      %swap3A_1558 = arith.constant 16 : index
      %swap3A_1559 = tpu.vector_load %arg8[%swap3A_1557, %swap3A_1558] {strides = array<i32>} : memref<800x64xf32, #tpu.memory_space<vmem>>, vector<1x16xf32>,
      %swap3A_1560 = vector.shape_cast %swap3A_1559 : vector<1x16xf32> to vector<16xf32>
      %swap3A_1561 = vector.shape_cast %get3A_1554 : vector<16xf32> to vector<1x16xf32>
      tpu.vector_store %arg8[%swap3A_1557, %swap3A_1558], %swap3A_1561 {add = true, strides = array<i32>} : memref<800x64xf32, #tpu.memory_space<vmem>>, vector<1x16xf32>,
      %add3A_1562 = arith.constant 200 : i32
      %add3A_1563 = arith.addi %add3A_1562, %scan3A_1520 : i32
      %swap3A_1564 = arith.index_cast %add3A_1563 : i32 to index
      %swap3A_1565 = arith.constant 16 : index
      %swap3A_1566 = tpu.vector_load %arg8[%swap3A_1564, %swap3A_1565] {strides = array<i32>} : memref<800x64xf32, #tpu.memory_space<vmem>>, vector<1x16xf32>,
      %swap3A_1567 = vector.shape_cast %swap3A_1566 : vector<1x16xf32> to vector<16xf32>
      %swap3A_1568 = vector.shape_cast %get3A_1554 : vector<16xf32> to vector<1x16xf32>
      tpu.vector_store %arg8[%swap3A_1564, %swap3A_1565], %swap3A_1568 {add = true, strides = array<i32>} : memref<800x64xf32, #tpu.memory_space<vmem>>, vector<1x16xf32>,
      %add3A_1569 = arith.constant 400 : i32
      %add3A_1570 = arith.addi %add3A_1569, %scan3A_1520 : i32
      %swap3A_1571 = arith.index_cast %add3A_1570 : i32 to index
      %swap3A_1572 = arith.constant 16 : index
      %swap3A_1573 = tpu.vector_load %arg8[%swap3A_1571, %swap3A_1572] {strides = array<i32>} : memref<800x64xf32, #tpu.memory_space<vmem>>, vector<1x16xf32>,
      %swap3A_1574 = vector.shape_cast %swap3A_1573 : vector<1x16xf32> to vector<16xf32>
      %swap3A_1575 = vector.shape_cast %get3A_1554 : vector<16xf32> to vector<1x16xf32>
      tpu.vector_store %arg8[%swap3A_1571, %swap3A_1572], %swap3A_1575 {add = true, strides = array<i32>} : memref<800x64xf32, #tpu.memory_space<vmem>>, vector<1x16xf32>,
      %add3A_1576 = arith.constant 600 : i32
      %add3A_1577 = arith.addi %add3A_1576, %scan3A_1520 : i32
      %swap3A_1578 = arith.index_cast %add3A_1577 : i32 to index
      %swap3A_1579 = arith.constant 16 : index
      %swap3A_1580 = tpu.vector_load %arg8[%swap3A_1578, %swap3A_1579] {strides = array<i32>} : memref<800x64xf32, #tpu.memory_space<vmem>>, vector<1x16xf32>,
      %swap3A_1581 = vector.shape_cast %swap3A_1580 : vector<1x16xf32> to vector<16xf32>
      %swap3A_1582 = vector.shape_cast %get3A_1554 : vector<16xf32> to vector<1x16xf32>
      tpu.vector_store %arg8[%swap3A_1578, %swap3A_1579], %swap3A_1582 {add = true, strides = array<i32>} : memref<800x64xf32, #tpu.memory_space<vmem>>, vector<1x16xf32>,
      %get3A_1583 = arith.index_cast %scan3A_1520 : i32 to index
      %get3A_1584 = arith.constant 32 : index
      %get3A_1585 = tpu.vector_load %arg10[%get3A_1583, %get3A_1584] {strides = array<i32>} : memref<200x64xf32, #tpu.memory_space<vmem>>, vector<1x16xf32>,
      %get3A_1586 = vector.shape_cast %get3A_1585 : vector<1x16xf32> to vector<16xf32>
      %add3A_1587 = arith.constant 0 : i32
      %add3A_1588 = arith.addi %add3A_1587, %scan3A_1520 : i32
      %swap3A_1589 = arith.index_cast %add3A_1588 : i32 to index
      %swap3A_1590 = arith.constant 32 : index
      %swap3A_1591 = tpu.vector_load %arg8[%swap3A_1589, %swap3A_1590] {strides = array<i32>} : memref<800x64xf32, #tpu.memory_space<vmem>>, vector<1x16xf32>,
      %swap3A_1592 = vector.shape_cast %swap3A_1591 : vector<1x16xf32> to vector<16xf32>
      %swap3A_1593 = vector.shape_cast %get3A_1586 : vector<16xf32> to vector<1x16xf32>
      tpu.vector_store %arg8[%swap3A_1589, %swap3A_1590], %swap3A_1593 {add = true, strides = array<i32>} : memref<800x64xf32, #tpu.memory_space<vmem>>, vector<1x16xf32>,
      %add3A_1594 = arith.constant 200 : i32
      %add3A_1595 = arith.addi %add3A_1594, %scan3A_1520 : i32
      %swap3A_1596 = arith.index_cast %add3A_1595 : i32 to index
      %swap3A_1597 = arith.constant 32 : index
      %swap3A_1598 = tpu.vector_load %arg8[%swap3A_1596, %swap3A_1597] {strides = array<i32>} : memref<800x64xf32, #tpu.memory_space<vmem>>, vector<1x16xf32>,
      %swap3A_1599 = vector.shape_cast %swap3A_1598 : vector<1x16xf32> to vector<16xf32>
      %swap3A_1600 = vector.shape_cast %get3A_1586 : vector<16xf32> to vector<1x16xf32>
      tpu.vector_store %arg8[%swap3A_1596, %swap3A_1597], %swap3A_1600 {add = true, strides = array<i32>} : memref<800x64xf32, #tpu.memory_space<vmem>>, vector<1x16xf32>,
      %add3A_1601 = arith.constant 400 : i32
      %add3A_1602 = arith.addi %add3A_1601, %scan3A_1520 : i32
      %swap3A_1603 = arith.index_cast %add3A_1602 : i32 to index
      %swap3A_1604 = arith.constant 32 : index
      %swap3A_1605 = tpu.vector_load %arg8[%swap3A_1603, %swap3A_1604] {strides = array<i32>} : memref<800x64xf32, #tpu.memory_space<vmem>>, vector<1x16xf32>,
      %swap3A_1606 = vector.shape_cast %swap3A_1605 : vector<1x16xf32> to vector<16xf32>
      %swap3A_1607 = vector.shape_cast %get3A_1586 : vector<16xf32> to vector<1x16xf32>
      tpu.vector_store %arg8[%swap3A_1603, %swap3A_1604], %swap3A_1607 {add = true, strides = array<i32>} : memref<800x64xf32, #tpu.memory_space<vmem>>, vector<1x16xf32>,
      %add3A_1608 = arith.constant 600 : i32
      %add3A_1609 = arith.addi %add3A_1608, %scan3A_1520 : i32
      %swap3A_1610 = arith.index_cast %add3A_1609 : i32 to index
      %swap3A_1611 = arith.constant 32 : index
      %swap3A_1612 = tpu.vector_load %arg8[%swap3A_1610, %swap3A_1611] {strides = array<i32>} : memref<800x64xf32, #tpu.memory_space<vmem>>, vector<1x16xf32>,
      %swap3A_1613 = vector.shape_cast %swap3A_1612 : vector<1x16xf32> to vector<16xf32>
      %swap3A_1614 = vector.shape_cast %get3A_1586 : vector<16xf32> to vector<1x16xf32>
      tpu.vector_store %arg8[%swap3A_1610, %swap3A_1611], %swap3A_1614 {add = true, strides = array<i32>} : memref<800x64xf32, #tpu.memory_space<vmem>>, vector<1x16xf32>,
      %get3A_1615 = arith.index_cast %scan3A_1520 : i32 to index
      %get3A_1616 = arith.constant 48 : index
      %get3A_1617 = tpu.vector_load %arg10[%get3A_1615, %get3A_1616] {strides = array<i32>} : memref<200x64xf32, #tpu.memory_space<vmem>>, vector<1x16xf32>,
      %get3A_1618 = vector.shape_cast %get3A_1617 : vector<1x16xf32> to vector<16xf32>
      %add3A_1619 = arith.constant 0 : i32
      %add3A_1620 = arith.addi %add3A_1619, %scan3A_1520 : i32
      %swap3A_1621 = arith.index_cast %add3A_1620 : i32 to index
      %swap3A_1622 = arith.constant 48 : index
      %swap3A_1623 = tpu.vector_load %arg8[%swap3A_1621, %swap3A_1622] {strides = array<i32>} : memref<800x64xf32, #tpu.memory_space<vmem>>, vector<1x16xf32>,
      %swap3A_1624 = vector.shape_cast %swap3A_1623 : vector<1x16xf32> to vector<16xf32>
      %swap3A_1625 = vector.shape_cast %get3A_1618 : vector<16xf32> to vector<1x16xf32>
      tpu.vector_store %arg8[%swap3A_1621, %swap3A_1622], %swap3A_1625 {add = true, strides = array<i32>} : memref<800x64xf32, #tpu.memory_space<vmem>>, vector<1x16xf32>,
      %add3A_1626 = arith.constant 200 : i32
      %add3A_1627 = arith.addi %add3A_1626, %scan3A_1520 : i32
      %swap3A_1628 = arith.index_cast %add3A_1627 : i32 to index
      %swap3A_1629 = arith.constant 48 : index
      %swap3A_1630 = tpu.vector_load %arg8[%swap3A_1628, %swap3A_1629] {strides = array<i32>} : memref<800x64xf32, #tpu.memory_space<vmem>>, vector<1x16xf32>,
      %swap3A_1631 = vector.shape_cast %swap3A_1630 : vector<1x16xf32> to vector<16xf32>
      %swap3A_1632 = vector.shape_cast %get3A_1618 : vector<16xf32> to vector<1x16xf32>
      tpu.vector_store %arg8[%swap3A_1628, %swap3A_1629], %swap3A_1632 {add = true, strides = array<i32>} : memref<800x64xf32, #tpu.memory_space<vmem>>, vector<1x16xf32>,
      %add3A_1633 = arith.constant 400 : i32
      %add3A_1634 = arith.addi %add3A_1633, %scan3A_1520 : i32
      %swap3A_1635 = arith.index_cast %add3A_1634 : i32 to index
      %swap3A_1636 = arith.constant 48 : index
      %swap3A_1637 = tpu.vector_load %arg8[%swap3A_1635, %swap3A_1636] {strides = array<i32>} : memref<800x64xf32, #tpu.memory_space<vmem>>, vector<1x16xf32>,
      %swap3A_1638 = vector.shape_cast %swap3A_1637 : vector<1x16xf32> to vector<16xf32>
      %swap3A_1639 = vector.shape_cast %get3A_1618 : vector<16xf32> to vector<1x16xf32>
      tpu.vector_store %arg8[%swap3A_1635, %swap3A_1636], %swap3A_1639 {add = true, strides = array<i32>} : memref<800x64xf32, #tpu.memory_space<vmem>>, vector<1x16xf32>,
      %add3A_1640 = arith.constant 600 : i32
      %add3A_1641 = arith.addi %add3A_1640, %scan3A_1520 : i32
      %swap3A_1642 = arith.index_cast %add3A_1641 : i32 to index
      %swap3A_1643 = arith.constant 48 : index
      %swap3A_1644 = tpu.vector_load %arg8[%swap3A_1642, %swap3A_1643] {strides = array<i32>} : memref<800x64xf32, #tpu.memory_space<vmem>>, vector<1x16xf32>,
      %swap3A_1645 = vector.shape_cast %swap3A_1644 : vector<1x16xf32> to vector<16xf32>
      %swap3A_1646 = vector.shape_cast %get3A_1618 : vector<16xf32> to vector<1x16xf32>
      tpu.vector_store %arg8[%swap3A_1642, %swap3A_1643], %swap3A_1646 {add = true, strides = array<i32>} : memref<800x64xf32, #tpu.memory_space<vmem>>, vector<1x16xf32>,
    }
    %scan3A_271 = arith.constant 200 : i32
    %mul3A_272 = arith.constant 8 : i32
    %mul3A_273 = arith.muli %add3A, %mul3A_272 : i32
    %add3A_274 = arith.constant 0 : i32
    %add3A_275 = arith.addi %mul3A_273, %add3A_274 : i32
    %mul3A_276 = arith.constant 800 : i32
    %mul3A_277 = arith.muli %add3A_275, %mul3A_276 : i32
    %dma_start3A_278 = arith.constant 0 : i32
    %dma_start3A_279 = tpu.memref_slice %arg5[%mul3A_277, %dma_start3A_278] : memref<204800x64xf32, #tpu.memory_space<hbm>> -> memref<800x64xf32, #tpu.memory_space<hbm>>
    %dma_start3A_280 = arith.constant 0 : i32
    %dma_start3A_281 = tpu.memref_slice %arg5[%mul3A_277, %dma_start3A_280] : memref<204800x64xf32, #tpu.memory_space<hbm>> -> memref<800x64xf32, #tpu.memory_space<hbm>>
    tpu.enqueue_dma source(%arg8 : memref<800x64xf32, #tpu.memory_space<vmem>>) target(%dma_start3A_281 : memref<800x64xf32, #tpu.memory_space<hbm>>) target_semaphore(%arg15 : memref<!tpu.dma_semaphore, #tpu.memory_space<semaphore_mem>>)
    %dma_wait3A_282 = arith.constant 0 : i32
    %dma_wait3A_283 = arith.constant 0 : i32
    %dma_wait3A_284 = arith.constant 0 : i32
    %dma_wait3A_285 = tpu.memref_slice %arg9[%dma_wait3A_283, %dma_wait3A_284] : memref<800x64xf32, #tpu.memory_space<vmem>> -> memref<104x64xf32, #tpu.memory_space<vmem>>
    %dma_wait3A_286 = arith.constant 0 : i32
    %dma_wait3A_287 = tpu.memref_slice %arg7[%dma_wait3A_282, %dma_wait3A_286] : memref<4x200xi32, #tpu.memory_space<vmem>> -> memref<1x104xi32, #tpu.memory_space<vmem>>
    %dma_wait3A_288 = tpu.memref_squeeze %dma_wait3A_287 : memref<1x104xi32, #tpu.memory_space<vmem>> -> memref<104xi32, #tpu.memory_space<vmem>>
    %dma_wait3A_289 = arith.constant 0 : i32
    %dma_wait3A_290 = arith.constant 0 : i32
    %dma_wait3A_291 = tpu.memref_slice %arg3[%dma_wait3A_289, %dma_wait3A_290] : memref<1000000x64xf32, #tpu.memory_space<hbm>> -> memref<1000000x64xf32, #tpu.memory_space<hbm>>
    tpu.wait_indirect_dma semaphore(%arg14 : memref<!tpu.dma_semaphore, #tpu.memory_space<semaphore_mem>>) src(%dma_wait3A_291 : memref<1000000x64xf32, #tpu.memory_space<hbm>>) dst(%dma_wait3A_285 : memref<104x64xf32, #tpu.memory_space<vmem>>)
    %dma_wait3A_292 = arith.constant 0 : i32
    %dma_wait3A_293 = arith.constant 104 : i32
    %dma_wait3A_294 = arith.constant 0 : i32
    %dma_wait3A_295 = tpu.memref_slice %arg9[%dma_wait3A_293, %dma_wait3A_294] : memref<800x64xf32, #tpu.memory_space<vmem>> -> memref<96x64xf32, #tpu.memory_space<vmem>>
    %dma_wait3A_296 = arith.constant 104 : i32
    %dma_wait3A_297 = tpu.memref_slice %arg7[%dma_wait3A_292, %dma_wait3A_296] : memref<4x200xi32, #tpu.memory_space<vmem>> -> memref<1x96xi32, #tpu.memory_space<vmem>>
    %dma_wait3A_298 = tpu.memref_squeeze %dma_wait3A_297 : memref<1x96xi32, #tpu.memory_space<vmem>> -> memref<96xi32, #tpu.memory_space<vmem>>
    %dma_wait3A_299 = arith.constant 0 : i32
    %dma_wait3A_300 = arith.constant 0 : i32
    %dma_wait3A_301 = tpu.memref_slice %arg3[%dma_wait3A_299, %dma_wait3A_300] : memref<1000000x64xf32, #tpu.memory_space<hbm>> -> memref<1000000x64xf32, #tpu.memory_space<hbm>>
    tpu.wait_indirect_dma semaphore(%arg14 : memref<!tpu.dma_semaphore, #tpu.memory_space<semaphore_mem>>) src(%dma_wait3A_301 : memref<1000000x64xf32, #tpu.memory_space<hbm>>) dst(%dma_wait3A_295 : memref<96x64xf32, #tpu.memory_space<vmem>>)
    %dma_wait3A_302 = arith.constant 1 : i32
    %dma_wait3A_303 = arith.constant 200 : i32
    %dma_wait3A_304 = arith.constant 0 : i32
    %dma_wait3A_305 = tpu.memref_slice %arg9[%dma_wait3A_303, %dma_wait3A_304] : memref<800x64xf32, #tpu.memory_space<vmem>> -> memref<104x64xf32, #tpu.memory_space<vmem>>
    %dma_wait3A_306 = arith.constant 0 : i32
    %dma_wait3A_307 = tpu.memref_slice %arg7[%dma_wait3A_302, %dma_wait3A_306] : memref<4x200xi32, #tpu.memory_space<vmem>> -> memref<1x104xi32, #tpu.memory_space<vmem>>
    %dma_wait3A_308 = tpu.memref_squeeze %dma_wait3A_307 : memref<1x104xi32, #tpu.memory_space<vmem>> -> memref<104xi32, #tpu.memory_space<vmem>>
    %dma_wait3A_309 = arith.constant 0 : i32
    %dma_wait3A_310 = arith.constant 0 : i32
    %dma_wait3A_311 = tpu.memref_slice %arg3[%dma_wait3A_309, %dma_wait3A_310] : memref<1000000x64xf32, #tpu.memory_space<hbm>> -> memref<1000000x64xf32, #tpu.memory_space<hbm>>
    tpu.wait_indirect_dma semaphore(%arg14 : memref<!tpu.dma_semaphore, #tpu.memory_space<semaphore_mem>>) src(%dma_wait3A_311 : memref<1000000x64xf32, #tpu.memory_space<hbm>>) dst(%dma_wait3A_305 : memref<104x64xf32, #tpu.memory_space<vmem>>)
    %dma_wait3A_312 = arith.constant 1 : i32
    %dma_wait3A_313 = arith.constant 304 : i32
    %dma_wait3A_314 = arith.constant 0 : i32
    %dma_wait3A_315 = tpu.memref_slice %arg9[%dma_wait3A_313, %dma_wait3A_314] : memref<800x64xf32, #tpu.memory_space<vmem>> -> memref<96x64xf32, #tpu.memory_space<vmem>>
    %dma_wait3A_316 = arith.constant 104 : i32
    %dma_wait3A_317 = tpu.memref_slice %arg7[%dma_wait3A_312, %dma_wait3A_316] : memref<4x200xi32, #tpu.memory_space<vmem>> -> memref<1x96xi32, #tpu.memory_space<vmem>>
    %dma_wait3A_318 = tpu.memref_squeeze %dma_wait3A_317 : memref<1x96xi32, #tpu.memory_space<vmem>> -> memref<96xi32, #tpu.memory_space<vmem>>
    %dma_wait3A_319 = arith.constant 0 : i32
    %dma_wait3A_320 = arith.constant 0 : i32
    %dma_wait3A_321 = tpu.memref_slice %arg3[%dma_wait3A_319, %dma_wait3A_320] : memref<1000000x64xf32, #tpu.memory_space<hbm>> -> memref<1000000x64xf32, #tpu.memory_space<hbm>>
    tpu.wait_indirect_dma semaphore(%arg14 : memref<!tpu.dma_semaphore, #tpu.memory_space<semaphore_mem>>) src(%dma_wait3A_321 : memref<1000000x64xf32, #tpu.memory_space<hbm>>) dst(%dma_wait3A_315 : memref<96x64xf32, #tpu.memory_space<vmem>>)
    %dma_wait3A_322 = arith.constant 2 : i32
    %dma_wait3A_323 = arith.constant 400 : i32
    %dma_wait3A_324 = arith.constant 0 : i32
    %dma_wait3A_325 = tpu.memref_slice %arg9[%dma_wait3A_323, %dma_wait3A_324] : memref<800x64xf32, #tpu.memory_space<vmem>> -> memref<104x64xf32, #tpu.memory_space<vmem>>
    %dma_wait3A_326 = arith.constant 0 : i32
    %dma_wait3A_327 = tpu.memref_slice %arg7[%dma_wait3A_322, %dma_wait3A_326] : memref<4x200xi32, #tpu.memory_space<vmem>> -> memref<1x104xi32, #tpu.memory_space<vmem>>
    %dma_wait3A_328 = tpu.memref_squeeze %dma_wait3A_327 : memref<1x104xi32, #tpu.memory_space<vmem>> -> memref<104xi32, #tpu.memory_space<vmem>>
    %dma_wait3A_329 = arith.constant 0 : i32
    %dma_wait3A_330 = arith.constant 0 : i32
    %dma_wait3A_331 = tpu.memref_slice %arg3[%dma_wait3A_329, %dma_wait3A_330] : memref<1000000x64xf32, #tpu.memory_space<hbm>> -> memref<1000000x64xf32, #tpu.memory_space<hbm>>
    tpu.wait_indirect_dma semaphore(%arg14 : memref<!tpu.dma_semaphore, #tpu.memory_space<semaphore_mem>>) src(%dma_wait3A_331 : memref<1000000x64xf32, #tpu.memory_space<hbm>>) dst(%dma_wait3A_325 : memref<104x64xf32, #tpu.memory_space<vmem>>)
    %dma_wait3A_332 = arith.constant 2 : i32
    %dma_wait3A_333 = arith.constant 504 : i32
    %dma_wait3A_334 = arith.constant 0 : i32
    %dma_wait3A_335 = tpu.memref_slice %arg9[%dma_wait3A_333, %dma_wait3A_334] : memref<800x64xf32, #tpu.memory_space<vmem>> -> memref<96x64xf32, #tpu.memory_space<vmem>>
    %dma_wait3A_336 = arith.constant 104 : i32
    %dma_wait3A_337 = tpu.memref_slice %arg7[%dma_wait3A_332, %dma_wait3A_336] : memref<4x200xi32, #tpu.memory_space<vmem>> -> memref<1x96xi32, #tpu.memory_space<vmem>>
    %dma_wait3A_338 = tpu.memref_squeeze %dma_wait3A_337 : memref<1x96xi32, #tpu.memory_space<vmem>> -> memref<96xi32, #tpu.memory_space<vmem>>
    %dma_wait3A_339 = arith.constant 0 : i32
    %dma_wait3A_340 = arith.constant 0 : i32
    %dma_wait3A_341 = tpu.memref_slice %arg3[%dma_wait3A_339, %dma_wait3A_340] : memref<1000000x64xf32, #tpu.memory_space<hbm>> -> memref<1000000x64xf32, #tpu.memory_space<hbm>>
    tpu.wait_indirect_dma semaphore(%arg14 : memref<!tpu.dma_semaphore, #tpu.memory_space<semaphore_mem>>) src(%dma_wait3A_341 : memref<1000000x64xf32, #tpu.memory_space<hbm>>) dst(%dma_wait3A_335 : memref<96x64xf32, #tpu.memory_space<vmem>>)
    %dma_wait3A_342 = arith.constant 3 : i32
    %dma_wait3A_343 = arith.constant 600 : i32
    %dma_wait3A_344 = arith.constant 0 : i32
    %dma_wait3A_345 = tpu.memref_slice %arg9[%dma_wait3A_343, %dma_wait3A_344] : memref<800x64xf32, #tpu.memory_space<vmem>> -> memref<104x64xf32, #tpu.memory_space<vmem>>
    %dma_wait3A_346 = arith.constant 0 : i32
    %dma_wait3A_347 = tpu.memref_slice %arg7[%dma_wait3A_342, %dma_wait3A_346] : memref<4x200xi32, #tpu.memory_space<vmem>> -> memref<1x104xi32, #tpu.memory_space<vmem>>
    %dma_wait3A_348 = tpu.memref_squeeze %dma_wait3A_347 : memref<1x104xi32, #tpu.memory_space<vmem>> -> memref<104xi32, #tpu.memory_space<vmem>>
    %dma_wait3A_349 = arith.constant 0 : i32
    %dma_wait3A_350 = arith.constant 0 : i32
    %dma_wait3A_351 = tpu.memref_slice %arg3[%dma_wait3A_349, %dma_wait3A_350] : memref<1000000x64xf32, #tpu.memory_space<hbm>> -> memref<1000000x64xf32, #tpu.memory_space<hbm>>
    tpu.wait_indirect_dma semaphore(%arg14 : memref<!tpu.dma_semaphore, #tpu.memory_space<semaphore_mem>>) src(%dma_wait3A_351 : memref<1000000x64xf32, #tpu.memory_space<hbm>>) dst(%dma_wait3A_345 : memref<104x64xf32, #tpu.memory_space<vmem>>)
    %dma_wait3A_352 = arith.constant 3 : i32
    %dma_wait3A_353 = arith.constant 704 : i32
    %dma_wait3A_354 = arith.constant 0 : i32
    %dma_wait3A_355 = tpu.memref_slice %arg9[%dma_wait3A_353, %dma_wait3A_354] : memref<800x64xf32, #tpu.memory_space<vmem>> -> memref<96x64xf32, #tpu.memory_space<vmem>>
    %dma_wait3A_356 = arith.constant 104 : i32
    %dma_wait3A_357 = tpu.memref_slice %arg7[%dma_wait3A_352, %dma_wait3A_356] : memref<4x200xi32, #tpu.memory_space<vmem>> -> memref<1x96xi32, #tpu.memory_space<vmem>>
    %dma_wait3A_358 = tpu.memref_squeeze %dma_wait3A_357 : memref<1x96xi32, #tpu.memory_space<vmem>> -> memref<96xi32, #tpu.memory_space<vmem>>
    %dma_wait3A_359 = arith.constant 0 : i32
    %dma_wait3A_360 = arith.constant 0 : i32
    %dma_wait3A_361 = tpu.memref_slice %arg3[%dma_wait3A_359, %dma_wait3A_360] : memref<1000000x64xf32, #tpu.memory_space<hbm>> -> memref<1000000x64xf32, #tpu.memory_space<hbm>>
    tpu.wait_indirect_dma semaphore(%arg14 : memref<!tpu.dma_semaphore, #tpu.memory_space<semaphore_mem>>) src(%dma_wait3A_361 : memref<1000000x64xf32, #tpu.memory_space<hbm>>) dst(%dma_wait3A_355 : memref<96x64xf32, #tpu.memory_space<vmem>>)
    %dma_wait3A_362 = arith.constant 0 : i32
    %dma_wait3A_363 = tpu.memref_slice %arg5[%mul3A_277, %dma_wait3A_362] : memref<204800x64xf32, #tpu.memory_space<hbm>> -> memref<800x64xf32, #tpu.memory_space<hbm>>
    %dma_wait3A_364 = arith.constant 0 : i32
    %dma_wait3A_365 = tpu.memref_slice %arg5[%mul3A_277, %dma_wait3A_364] : memref<204800x64xf32, #tpu.memory_space<hbm>> -> memref<800x64xf32, #tpu.memory_space<hbm>>
    tpu.wait_dma2 semaphore(%arg15 : memref<!tpu.dma_semaphore, #tpu.memory_space<semaphore_mem>>) src(%arg8 : memref<800x64xf32, #tpu.memory_space<vmem>>) dst(%dma_wait3A_365 : memref<800x64xf32, #tpu.memory_space<hbm>>)
    %dma_wait3A_366 = arith.constant 0 : i32
    %dma_wait3A_367 = tpu.memref_slice %arg2[%add3A_262, %dma_wait3A_366] : memref<1024x200xi32, #tpu.memory_space<hbm>> -> memref<4x200xi32, #tpu.memory_space<hbm>>
    %dma_wait3A_368 = arith.constant 0 : i32
    %dma_wait3A_369 = tpu.memref_slice %arg2[%add3A_262, %dma_wait3A_368] : memref<1024x200xi32, #tpu.memory_space<hbm>> -> memref<4x200xi32, #tpu.memory_space<hbm>>
    tpu.wait_dma2 semaphore(%arg11 : memref<!tpu.dma_semaphore, #tpu.memory_space<semaphore_mem>>) src(%dma_wait3A_369 : memref<4x200xi32, #tpu.memory_space<hbm>>) dst(%arg6 : memref<4x200xi32, #tpu.memory_space<vmem>>)
    %dma_start3A_370 = arith.constant 0 : i32
    %dma_start3A_371 = arith.constant 0 : i32
    %dma_start3A_372 = arith.constant 0 : i32
    %dma_start3A_373 = tpu.memref_slice %arg8[%dma_start3A_371, %dma_start3A_372] : memref<800x64xf32, #tpu.memory_space<vmem>> -> memref<104x64xf32, #tpu.memory_space<vmem>>
    %dma_start3A_374 = arith.constant 0 : i32
    %dma_start3A_375 = tpu.memref_slice %arg6[%dma_start3A_370, %dma_start3A_374] : memref<4x200xi32, #tpu.memory_space<vmem>> -> memref<1x104xi32, #tpu.memory_space<vmem>>
    %dma_start3A_376 = tpu.memref_squeeze %dma_start3A_375 : memref<1x104xi32, #tpu.memory_space<vmem>> -> memref<104xi32, #tpu.memory_space<vmem>>
    %dma_start3A_377 = arith.constant 0 : i32
    %dma_start3A_378 = arith.constant 0 : i32
    %dma_start3A_379 = tpu.memref_slice %arg3[%dma_start3A_377, %dma_start3A_378] : memref<1000000x64xf32, #tpu.memory_space<hbm>> -> memref<1000000x64xf32, #tpu.memory_space<hbm>>
    tpu.enqueue_indirect_dma source(%dma_start3A_379 : memref<1000000x64xf32, #tpu.memory_space<hbm>>) target(%dma_start3A_373 : memref<104x64xf32, #tpu.memory_space<vmem>>) offsets(%dma_start3A_376 : memref<104xi32, #tpu.memory_space<vmem>>) semaphore(%arg13 : memref<!tpu.dma_semaphore, #tpu.memory_space<semaphore_mem>>)
    %dma_start3A_380 = arith.constant 0 : i32
    %dma_start3A_381 = arith.constant 104 : i32
    %dma_start3A_382 = arith.constant 0 : i32
    %dma_start3A_383 = tpu.memref_slice %arg8[%dma_start3A_381, %dma_start3A_382] : memref<800x64xf32, #tpu.memory_space<vmem>> -> memref<96x64xf32, #tpu.memory_space<vmem>>
    %dma_start3A_384 = arith.constant 104 : i32
    %dma_start3A_385 = tpu.memref_slice %arg6[%dma_start3A_380, %dma_start3A_384] : memref<4x200xi32, #tpu.memory_space<vmem>> -> memref<1x96xi32, #tpu.memory_space<vmem>>
    %dma_start3A_386 = tpu.memref_squeeze %dma_start3A_385 : memref<1x96xi32, #tpu.memory_space<vmem>> -> memref<96xi32, #tpu.memory_space<vmem>>
    %dma_start3A_387 = arith.constant 0 : i32
    %dma_start3A_388 = arith.constant 0 : i32
    %dma_start3A_389 = tpu.memref_slice %arg3[%dma_start3A_387, %dma_start3A_388] : memref<1000000x64xf32, #tpu.memory_space<hbm>> -> memref<1000000x64xf32, #tpu.memory_space<hbm>>
    tpu.enqueue_indirect_dma source(%dma_start3A_389 : memref<1000000x64xf32, #tpu.memory_space<hbm>>) target(%dma_start3A_383 : memref<96x64xf32, #tpu.memory_space<vmem>>) offsets(%dma_start3A_386 : memref<96xi32, #tpu.memory_space<vmem>>) semaphore(%arg13 : memref<!tpu.dma_semaphore, #tpu.memory_space<semaphore_mem>>)
    %dma_start3A_390 = arith.constant 1 : i32
    %dma_start3A_391 = arith.constant 200 : i32
    %dma_start3A_392 = arith.constant 0 : i32
    %dma_start3A_393 = tpu.memref_slice %arg8[%dma_start3A_391, %dma_start3A_392] : memref<800x64xf32, #tpu.memory_space<vmem>> -> memref<104x64xf32, #tpu.memory_space<vmem>>
    %dma_start3A_394 = arith.constant 0 : i32
    %dma_start3A_395 = tpu.memref_slice %arg6[%dma_start3A_390, %dma_start3A_394] : memref<4x200xi32, #tpu.memory_space<vmem>> -> memref<1x104xi32, #tpu.memory_space<vmem>>
    %dma_start3A_396 = tpu.memref_squeeze %dma_start3A_395 : memref<1x104xi32, #tpu.memory_space<vmem>> -> memref<104xi32, #tpu.memory_space<vmem>>
    %dma_start3A_397 = arith.constant 0 : i32
    %dma_start3A_398 = arith.constant 0 : i32
    %dma_start3A_399 = tpu.memref_slice %arg3[%dma_start3A_397, %dma_start3A_398] : memref<1000000x64xf32, #tpu.memory_space<hbm>> -> memref<1000000x64xf32, #tpu.memory_space<hbm>>
    tpu.enqueue_indirect_dma source(%dma_start3A_399 : memref<1000000x64xf32, #tpu.memory_space<hbm>>) target(%dma_start3A_393 : memref<104x64xf32, #tpu.memory_space<vmem>>) offsets(%dma_start3A_396 : memref<104xi32, #tpu.memory_space<vmem>>) semaphore(%arg13 : memref<!tpu.dma_semaphore, #tpu.memory_space<semaphore_mem>>)
    %dma_start3A_400 = arith.constant 1 : i32
    %dma_start3A_401 = arith.constant 304 : i32
    %dma_start3A_402 = arith.constant 0 : i32
    %dma_start3A_403 = tpu.memref_slice %arg8[%dma_start3A_401, %dma_start3A_402] : memref<800x64xf32, #tpu.memory_space<vmem>> -> memref<96x64xf32, #tpu.memory_space<vmem>>
    %dma_start3A_404 = arith.constant 104 : i32
    %dma_start3A_405 = tpu.memref_slice %arg6[%dma_start3A_400, %dma_start3A_404] : memref<4x200xi32, #tpu.memory_space<vmem>> -> memref<1x96xi32, #tpu.memory_space<vmem>>
    %dma_start3A_406 = tpu.memref_squeeze %dma_start3A_405 : memref<1x96xi32, #tpu.memory_space<vmem>> -> memref<96xi32, #tpu.memory_space<vmem>>
    %dma_start3A_407 = arith.constant 0 : i32
    %dma_start3A_408 = arith.constant 0 : i32
    %dma_start3A_409 = tpu.memref_slice %arg3[%dma_start3A_407, %dma_start3A_408] : memref<1000000x64xf32, #tpu.memory_space<hbm>> -> memref<1000000x64xf32, #tpu.memory_space<hbm>>
    tpu.enqueue_indirect_dma source(%dma_start3A_409 : memref<1000000x64xf32, #tpu.memory_space<hbm>>) target(%dma_start3A_403 : memref<96x64xf32, #tpu.memory_space<vmem>>) offsets(%dma_start3A_406 : memref<96xi32, #tpu.memory_space<vmem>>) semaphore(%arg13 : memref<!tpu.dma_semaphore, #tpu.memory_space<semaphore_mem>>)
    %dma_start3A_410 = arith.constant 2 : i32
    %dma_start3A_411 = arith.constant 400 : i32
    %dma_start3A_412 = arith.constant 0 : i32
    %dma_start3A_413 = tpu.memref_slice %arg8[%dma_start3A_411, %dma_start3A_412] : memref<800x64xf32, #tpu.memory_space<vmem>> -> memref<104x64xf32, #tpu.memory_space<vmem>>
    %dma_start3A_414 = arith.constant 0 : i32
    %dma_start3A_415 = tpu.memref_slice %arg6[%dma_start3A_410, %dma_start3A_414] : memref<4x200xi32, #tpu.memory_space<vmem>> -> memref<1x104xi32, #tpu.memory_space<vmem>>
    %dma_start3A_416 = tpu.memref_squeeze %dma_start3A_415 : memref<1x104xi32, #tpu.memory_space<vmem>> -> memref<104xi32, #tpu.memory_space<vmem>>
    %dma_start3A_417 = arith.constant 0 : i32
    %dma_start3A_418 = arith.constant 0 : i32
    %dma_start3A_419 = tpu.memref_slice %arg3[%dma_start3A_417, %dma_start3A_418] : memref<1000000x64xf32, #tpu.memory_space<hbm>> -> memref<1000000x64xf32, #tpu.memory_space<hbm>>
    tpu.enqueue_indirect_dma source(%dma_start3A_419 : memref<1000000x64xf32, #tpu.memory_space<hbm>>) target(%dma_start3A_413 : memref<104x64xf32, #tpu.memory_space<vmem>>) offsets(%dma_start3A_416 : memref<104xi32, #tpu.memory_space<vmem>>) semaphore(%arg13 : memref<!tpu.dma_semaphore, #tpu.memory_space<semaphore_mem>>)
    %dma_start3A_420 = arith.constant 2 : i32
    %dma_start3A_421 = arith.constant 504 : i32
    %dma_start3A_422 = arith.constant 0 : i32
    %dma_start3A_423 = tpu.memref_slice %arg8[%dma_start3A_421, %dma_start3A_422] : memref<800x64xf32, #tpu.memory_space<vmem>> -> memref<96x64xf32, #tpu.memory_space<vmem>>
    %dma_start3A_424 = arith.constant 104 : i32
    %dma_start3A_425 = tpu.memref_slice %arg6[%dma_start3A_420, %dma_start3A_424] : memref<4x200xi32, #tpu.memory_space<vmem>> -> memref<1x96xi32, #tpu.memory_space<vmem>>
    %dma_start3A_426 = tpu.memref_squeeze %dma_start3A_425 : memref<1x96xi32, #tpu.memory_space<vmem>> -> memref<96xi32, #tpu.memory_space<vmem>>
    %dma_start3A_427 = arith.constant 0 : i32
    %dma_start3A_428 = arith.constant 0 : i32
    %dma_start3A_429 = tpu.memref_slice %arg3[%dma_start3A_427, %dma_start3A_428] : memref<1000000x64xf32, #tpu.memory_space<hbm>> -> memref<1000000x64xf32, #tpu.memory_space<hbm>>
    tpu.enqueue_indirect_dma source(%dma_start3A_429 : memref<1000000x64xf32, #tpu.memory_space<hbm>>) target(%dma_start3A_423 : memref<96x64xf32, #tpu.memory_space<vmem>>) offsets(%dma_start3A_426 : memref<96xi32, #tpu.memory_space<vmem>>) semaphore(%arg13 : memref<!tpu.dma_semaphore, #tpu.memory_space<semaphore_mem>>)
    %dma_start3A_430 = arith.constant 3 : i32
    %dma_start3A_431 = arith.constant 600 : i32
    %dma_start3A_432 = arith.constant 0 : i32
    %dma_start3A_433 = tpu.memref_slice %arg8[%dma_start3A_431, %dma_start3A_432] : memref<800x64xf32, #tpu.memory_space<vmem>> -> memref<104x64xf32, #tpu.memory_space<vmem>>
    %dma_start3A_434 = arith.constant 0 : i32
    %dma_start3A_435 = tpu.memref_slice %arg6[%dma_start3A_430, %dma_start3A_434] : memref<4x200xi32, #tpu.memory_space<vmem>> -> memref<1x104xi32, #tpu.memory_space<vmem>>
    %dma_start3A_436 = tpu.memref_squeeze %dma_start3A_435 : memref<1x104xi32, #tpu.memory_space<vmem>> -> memref<104xi32, #tpu.memory_space<vmem>>
    %dma_start3A_437 = arith.constant 0 : i32
    %dma_start3A_438 = arith.constant 0 : i32
    %dma_start3A_439 = tpu.memref_slice %arg3[%dma_start3A_437, %dma_start3A_438] : memref<1000000x64xf32, #tpu.memory_space<hbm>> -> memref<1000000x64xf32, #tpu.memory_space<hbm>>
    tpu.enqueue_indirect_dma source(%dma_start3A_439 : memref<1000000x64xf32, #tpu.memory_space<hbm>>) target(%dma_start3A_433 : memref<104x64xf32, #tpu.memory_space<vmem>>) offsets(%dma_start3A_436 : memref<104xi32, #tpu.memory_space<vmem>>) semaphore(%arg13 : memref<!tpu.dma_semaphore, #tpu.memory_space<semaphore_mem>>)
    %dma_start3A_440 = arith.constant 3 : i32
    %dma_start3A_441 = arith.constant 704 : i32
    %dma_start3A_442 = arith.constant 0 : i32
    %dma_start3A_443 = tpu.memref_slice %arg8[%dma_start3A_441, %dma_start3A_442] : memref<800x64xf32, #tpu.memory_space<vmem>> -> memref<96x64xf32, #tpu.memory_space<vmem>>
    %dma_start3A_444 = arith.constant 104 : i32
    %dma_start3A_445 = tpu.memref_slice %arg6[%dma_start3A_440, %dma_start3A_444] : memref<4x200xi32, #tpu.memory_space<vmem>> -> memref<1x96xi32, #tpu.memory_space<vmem>>
    %dma_start3A_446 = tpu.memref_squeeze %dma_start3A_445 : memref<1x96xi32, #tpu.memory_space<vmem>> -> memref<96xi32, #tpu.memory_space<vmem>>
    %dma_start3A_447 = arith.constant 0 : i32
    %dma_start3A_448 = arith.constant 0 : i32
    %dma_start3A_449 = tpu.memref_slice %arg3[%dma_start3A_447, %dma_start3A_448] : memref<1000000x64xf32, #tpu.memory_space<hbm>> -> memref<1000000x64xf32, #tpu.memory_space<hbm>>
    tpu.enqueue_indirect_dma source(%dma_start3A_449 : memref<1000000x64xf32, #tpu.memory_space<hbm>>) target(%dma_start3A_443 : memref<96x64xf32, #tpu.memory_space<vmem>>) offsets(%dma_start3A_446 : memref<96xi32, #tpu.memory_space<vmem>>) semaphore(%arg13 : memref<!tpu.dma_semaphore, #tpu.memory_space<semaphore_mem>>)
    %add3A_450 = arith.constant 12 : i32
    %add3A_451 = arith.addi %mul3A_2, %add3A_450 : i32
    %dma_start3A_452 = arith.constant 0 : i32
    %dma_start3A_453 = tpu.memref_slice %arg2[%add3A_451, %dma_start3A_452] : memref<1024x200xi32, #tpu.memory_space<hbm>> -> memref<4x200xi32, #tpu.memory_space<hbm>>
    %dma_start3A_454 = arith.constant 0 : i32
    %dma_start3A_455 = tpu.memref_slice %arg2[%add3A_451, %dma_start3A_454] : memref<1024x200xi32, #tpu.memory_space<hbm>> -> memref<4x200xi32, #tpu.memory_space<hbm>>
    tpu.enqueue_dma source(%dma_start3A_455 : memref<4x200xi32, #tpu.memory_space<hbm>>) target(%arg7 : memref<4x200xi32, #tpu.memory_space<vmem>>) target_semaphore(%arg12 : memref<!tpu.dma_semaphore, #tpu.memory_space<semaphore_mem>>)
    %scan3A_456 = arith.constant 0 : i32
    %scan3A_457 = arith.constant 0 : i32
    %scan3A_458 = arith.constant 200 : i32
    %scan3A_459 = arith.addi %scan3A_457, %scan3A_458 : i32
    %scan3A_460 = arith.constant 1 : i32
    scf.for %scan3A_1520 = %scan3A_457 to %scan3A_459 step %scan3A_460  : i32 {
      %get3A = arith.index_cast %scan3A_1520 : i32 to index
      %get3A_1521 = arith.constant 0 : index
      %get3A_1522 = tpu.vector_load %arg10[%get3A, %get3A_1521] {strides = array<i32>} : memref<200x64xf32, #tpu.memory_space<vmem>>, vector<1x16xf32>,
      %get3A_1523 = vector.shape_cast %get3A_1522 : vector<1x16xf32> to vector<16xf32>
      %add3A_1524 = arith.constant 0 : i32
      %add3A_1525 = arith.addi %add3A_1524, %scan3A_1520 : i32
      %swap3A = arith.index_cast %add3A_1525 : i32 to index
      %swap3A_1526 = arith.constant 0 : index
      %swap3A_1527 = tpu.vector_load %arg9[%swap3A, %swap3A_1526] {strides = array<i32>} : memref<800x64xf32, #tpu.memory_space<vmem>>, vector<1x16xf32>,
      %swap3A_1528 = vector.shape_cast %swap3A_1527 : vector<1x16xf32> to vector<16xf32>
      %swap3A_1529 = vector.shape_cast %get3A_1523 : vector<16xf32> to vector<1x16xf32>
      tpu.vector_store %arg9[%swap3A, %swap3A_1526], %swap3A_1529 {add = true, strides = array<i32>} : memref<800x64xf32, #tpu.memory_space<vmem>>, vector<1x16xf32>,
      %add3A_1530 = arith.constant 200 : i32
      %add3A_1531 = arith.addi %add3A_1530, %scan3A_1520 : i32
      %swap3A_1532 = arith.index_cast %add3A_1531 : i32 to index
      %swap3A_1533 = arith.constant 0 : index
      %swap3A_1534 = tpu.vector_load %arg9[%swap3A_1532, %swap3A_1533] {strides = array<i32>} : memref<800x64xf32, #tpu.memory_space<vmem>>, vector<1x16xf32>,
      %swap3A_1535 = vector.shape_cast %swap3A_1534 : vector<1x16xf32> to vector<16xf32>
      %swap3A_1536 = vector.shape_cast %get3A_1523 : vector<16xf32> to vector<1x16xf32>
      tpu.vector_store %arg9[%swap3A_1532, %swap3A_1533], %swap3A_1536 {add = true, strides = array<i32>} : memref<800x64xf32, #tpu.memory_space<vmem>>, vector<1x16xf32>,
      %add3A_1537 = arith.constant 400 : i32
      %add3A_1538 = arith.addi %add3A_1537, %scan3A_1520 : i32
      %swap3A_1539 = arith.index_cast %add3A_1538 : i32 to index
      %swap3A_1540 = arith.constant 0 : index
      %swap3A_1541 = tpu.vector_load %arg9[%swap3A_1539, %swap3A_1540] {strides = array<i32>} : memref<800x64xf32, #tpu.memory_space<vmem>>, vector<1x16xf32>,
      %swap3A_1542 = vector.shape_cast %swap3A_1541 : vector<1x16xf32> to vector<16xf32>
      %swap3A_1543 = vector.shape_cast %get3A_1523 : vector<16xf32> to vector<1x16xf32>
      tpu.vector_store %arg9[%swap3A_1539, %swap3A_1540], %swap3A_1543 {add = true, strides = array<i32>} : memref<800x64xf32, #tpu.memory_space<vmem>>, vector<1x16xf32>,
      %add3A_1544 = arith.constant 600 : i32
      %add3A_1545 = arith.addi %add3A_1544, %scan3A_1520 : i32
      %swap3A_1546 = arith.index_cast %add3A_1545 : i32 to index
      %swap3A_1547 = arith.constant 0 : index
      %swap3A_1548 = tpu.vector_load %arg9[%swap3A_1546, %swap3A_1547] {strides = array<i32>} : memref<800x64xf32, #tpu.memory_space<vmem>>, vector<1x16xf32>,
      %swap3A_1549 = vector.shape_cast %swap3A_1548 : vector<1x16xf32> to vector<16xf32>
      %swap3A_1550 = vector.shape_cast %get3A_1523 : vector<16xf32> to vector<1x16xf32>
      tpu.vector_store %arg9[%swap3A_1546, %swap3A_1547], %swap3A_1550 {add = true, strides = array<i32>} : memref<800x64xf32, #tpu.memory_space<vmem>>, vector<1x16xf32>,
      %get3A_1551 = arith.index_cast %scan3A_1520 : i32 to index
      %get3A_1552 = arith.constant 16 : index
      %get3A_1553 = tpu.vector_load %arg10[%get3A_1551, %get3A_1552] {strides = array<i32>} : memref<200x64xf32, #tpu.memory_space<vmem>>, vector<1x16xf32>,
      %get3A_1554 = vector.shape_cast %get3A_1553 : vector<1x16xf32> to vector<16xf32>
      %add3A_1555 = arith.constant 0 : i32
      %add3A_1556 = arith.addi %add3A_1555, %scan3A_1520 : i32
      %swap3A_1557 = arith.index_cast %add3A_1556 : i32 to index
      %swap3A_1558 = arith.constant 16 : index
      %swap3A_1559 = tpu.vector_load %arg9[%swap3A_1557, %swap3A_1558] {strides = array<i32>} : memref<800x64xf32, #tpu.memory_space<vmem>>, vector<1x16xf32>,
      %swap3A_1560 = vector.shape_cast %swap3A_1559 : vector<1x16xf32> to vector<16xf32>
      %swap3A_1561 = vector.shape_cast %get3A_1554 : vector<16xf32> to vector<1x16xf32>
      tpu.vector_store %arg9[%swap3A_1557, %swap3A_1558], %swap3A_1561 {add = true, strides = array<i32>} : memref<800x64xf32, #tpu.memory_space<vmem>>, vector<1x16xf32>,
      %add3A_1562 = arith.constant 200 : i32
      %add3A_1563 = arith.addi %add3A_1562, %scan3A_1520 : i32
      %swap3A_1564 = arith.index_cast %add3A_1563 : i32 to index
      %swap3A_1565 = arith.constant 16 : index
      %swap3A_1566 = tpu.vector_load %arg9[%swap3A_1564, %swap3A_1565] {strides = array<i32>} : memref<800x64xf32, #tpu.memory_space<vmem>>, vector<1x16xf32>,
      %swap3A_1567 = vector.shape_cast %swap3A_1566 : vector<1x16xf32> to vector<16xf32>
      %swap3A_1568 = vector.shape_cast %get3A_1554 : vector<16xf32> to vector<1x16xf32>
      tpu.vector_store %arg9[%swap3A_1564, %swap3A_1565], %swap3A_1568 {add = true, strides = array<i32>} : memref<800x64xf32, #tpu.memory_space<vmem>>, vector<1x16xf32>,
      %add3A_1569 = arith.constant 400 : i32
      %add3A_1570 = arith.addi %add3A_1569, %scan3A_1520 : i32
      %swap3A_1571 = arith.index_cast %add3A_1570 : i32 to index
      %swap3A_1572 = arith.constant 16 : index
      %swap3A_1573 = tpu.vector_load %arg9[%swap3A_1571, %swap3A_1572] {strides = array<i32>} : memref<800x64xf32, #tpu.memory_space<vmem>>, vector<1x16xf32>,
      %swap3A_1574 = vector.shape_cast %swap3A_1573 : vector<1x16xf32> to vector<16xf32>
      %swap3A_1575 = vector.shape_cast %get3A_1554 : vector<16xf32> to vector<1x16xf32>
      tpu.vector_store %arg9[%swap3A_1571, %swap3A_1572], %swap3A_1575 {add = true, strides = array<i32>} : memref<800x64xf32, #tpu.memory_space<vmem>>, vector<1x16xf32>,
      %add3A_1576 = arith.constant 600 : i32
      %add3A_1577 = arith.addi %add3A_1576, %scan3A_1520 : i32
      %swap3A_1578 = arith.index_cast %add3A_1577 : i32 to index
      %swap3A_1579 = arith.constant 16 : index
      %swap3A_1580 = tpu.vector_load %arg9[%swap3A_1578, %swap3A_1579] {strides = array<i32>} : memref<800x64xf32, #tpu.memory_space<vmem>>, vector<1x16xf32>,
      %swap3A_1581 = vector.shape_cast %swap3A_1580 : vector<1x16xf32> to vector<16xf32>
      %swap3A_1582 = vector.shape_cast %get3A_1554 : vector<16xf32> to vector<1x16xf32>
      tpu.vector_store %arg9[%swap3A_1578, %swap3A_1579], %swap3A_1582 {add = true, strides = array<i32>} : memref<800x64xf32, #tpu.memory_space<vmem>>, vector<1x16xf32>,
      %get3A_1583 = arith.index_cast %scan3A_1520 : i32 to index
      %get3A_1584 = arith.constant 32 : index
      %get3A_1585 = tpu.vector_load %arg10[%get3A_1583, %get3A_1584] {strides = array<i32>} : memref<200x64xf32, #tpu.memory_space<vmem>>, vector<1x16xf32>,
      %get3A_1586 = vector.shape_cast %get3A_1585 : vector<1x16xf32> to vector<16xf32>
      %add3A_1587 = arith.constant 0 : i32
      %add3A_1588 = arith.addi %add3A_1587, %scan3A_1520 : i32
      %swap3A_1589 = arith.index_cast %add3A_1588 : i32 to index
      %swap3A_1590 = arith.constant 32 : index
      %swap3A_1591 = tpu.vector_load %arg9[%swap3A_1589, %swap3A_1590] {strides = array<i32>} : memref<800x64xf32, #tpu.memory_space<vmem>>, vector<1x16xf32>,
      %swap3A_1592 = vector.shape_cast %swap3A_1591 : vector<1x16xf32> to vector<16xf32>
      %swap3A_1593 = vector.shape_cast %get3A_1586 : vector<16xf32> to vector<1x16xf32>
      tpu.vector_store %arg9[%swap3A_1589, %swap3A_1590], %swap3A_1593 {add = true, strides = array<i32>} : memref<800x64xf32, #tpu.memory_space<vmem>>, vector<1x16xf32>,
      %add3A_1594 = arith.constant 200 : i32
      %add3A_1595 = arith.addi %add3A_1594, %scan3A_1520 : i32
      %swap3A_1596 = arith.index_cast %add3A_1595 : i32 to index
      %swap3A_1597 = arith.constant 32 : index
      %swap3A_1598 = tpu.vector_load %arg9[%swap3A_1596, %swap3A_1597] {strides = array<i32>} : memref<800x64xf32, #tpu.memory_space<vmem>>, vector<1x16xf32>,
      %swap3A_1599 = vector.shape_cast %swap3A_1598 : vector<1x16xf32> to vector<16xf32>
      %swap3A_1600 = vector.shape_cast %get3A_1586 : vector<16xf32> to vector<1x16xf32>
      tpu.vector_store %arg9[%swap3A_1596, %swap3A_1597], %swap3A_1600 {add = true, strides = array<i32>} : memref<800x64xf32, #tpu.memory_space<vmem>>, vector<1x16xf32>,
      %add3A_1601 = arith.constant 400 : i32
      %add3A_1602 = arith.addi %add3A_1601, %scan3A_1520 : i32
      %swap3A_1603 = arith.index_cast %add3A_1602 : i32 to index
      %swap3A_1604 = arith.constant 32 : index
      %swap3A_1605 = tpu.vector_load %arg9[%swap3A_1603, %swap3A_1604] {strides = array<i32>} : memref<800x64xf32, #tpu.memory_space<vmem>>, vector<1x16xf32>,
      %swap3A_1606 = vector.shape_cast %swap3A_1605 : vector<1x16xf32> to vector<16xf32>
      %swap3A_1607 = vector.shape_cast %get3A_1586 : vector<16xf32> to vector<1x16xf32>
      tpu.vector_store %arg9[%swap3A_1603, %swap3A_1604], %swap3A_1607 {add = true, strides = array<i32>} : memref<800x64xf32, #tpu.memory_space<vmem>>, vector<1x16xf32>,
      %add3A_1608 = arith.constant 600 : i32
      %add3A_1609 = arith.addi %add3A_1608, %scan3A_1520 : i32
      %swap3A_1610 = arith.index_cast %add3A_1609 : i32 to index
      %swap3A_1611 = arith.constant 32 : index
      %swap3A_1612 = tpu.vector_load %arg9[%swap3A_1610, %swap3A_1611] {strides = array<i32>} : memref<800x64xf32, #tpu.memory_space<vmem>>, vector<1x16xf32>,
      %swap3A_1613 = vector.shape_cast %swap3A_1612 : vector<1x16xf32> to vector<16xf32>
      %swap3A_1614 = vector.shape_cast %get3A_1586 : vector<16xf32> to vector<1x16xf32>
      tpu.vector_store %arg9[%swap3A_1610, %swap3A_1611], %swap3A_1614 {add = true, strides = array<i32>} : memref<800x64xf32, #tpu.memory_space<vmem>>, vector<1x16xf32>,
      %get3A_1615 = arith.index_cast %scan3A_1520 : i32 to index
      %get3A_1616 = arith.constant 48 : index
      %get3A_1617 = tpu.vector_load %arg10[%get3A_1615, %get3A_1616] {strides = array<i32>} : memref<200x64xf32, #tpu.memory_space<vmem>>, vector<1x16xf32>,
      %get3A_1618 = vector.shape_cast %get3A_1617 : vector<1x16xf32> to vector<16xf32>
      %add3A_1619 = arith.constant 0 : i32
      %add3A_1620 = arith.addi %add3A_1619, %scan3A_1520 : i32
      %swap3A_1621 = arith.index_cast %add3A_1620 : i32 to index
      %swap3A_1622 = arith.constant 48 : index
      %swap3A_1623 = tpu.vector_load %arg9[%swap3A_1621, %swap3A_1622] {strides = array<i32>} : memref<800x64xf32, #tpu.memory_space<vmem>>, vector<1x16xf32>,
      %swap3A_1624 = vector.shape_cast %swap3A_1623 : vector<1x16xf32> to vector<16xf32>
      %swap3A_1625 = vector.shape_cast %get3A_1618 : vector<16xf32> to vector<1x16xf32>
      tpu.vector_store %arg9[%swap3A_1621, %swap3A_1622], %swap3A_1625 {add = true, strides = array<i32>} : memref<800x64xf32, #tpu.memory_space<vmem>>, vector<1x16xf32>,
      %add3A_1626 = arith.constant 200 : i32
      %add3A_1627 = arith.addi %add3A_1626, %scan3A_1520 : i32
      %swap3A_1628 = arith.index_cast %add3A_1627 : i32 to index
      %swap3A_1629 = arith.constant 48 : index
      %swap3A_1630 = tpu.vector_load %arg9[%swap3A_1628, %swap3A_1629] {strides = array<i32>} : memref<800x64xf32, #tpu.memory_space<vmem>>, vector<1x16xf32>,
      %swap3A_1631 = vector.shape_cast %swap3A_1630 : vector<1x16xf32> to vector<16xf32>
      %swap3A_1632 = vector.shape_cast %get3A_1618 : vector<16xf32> to vector<1x16xf32>
      tpu.vector_store %arg9[%swap3A_1628, %swap3A_1629], %swap3A_1632 {add = true, strides = array<i32>} : memref<800x64xf32, #tpu.memory_space<vmem>>, vector<1x16xf32>,
      %add3A_1633 = arith.constant 400 : i32
      %add3A_1634 = arith.addi %add3A_1633, %scan3A_1520 : i32
      %swap3A_1635 = arith.index_cast %add3A_1634 : i32 to index
      %swap3A_1636 = arith.constant 48 : index
      %swap3A_1637 = tpu.vector_load %arg9[%swap3A_1635, %swap3A_1636] {strides = array<i32>} : memref<800x64xf32, #tpu.memory_space<vmem>>, vector<1x16xf32>,
      %swap3A_1638 = vector.shape_cast %swap3A_1637 : vector<1x16xf32> to vector<16xf32>
      %swap3A_1639 = vector.shape_cast %get3A_1618 : vector<16xf32> to vector<1x16xf32>
      tpu.vector_store %arg9[%swap3A_1635, %swap3A_1636], %swap3A_1639 {add = true, strides = array<i32>} : memref<800x64xf32, #tpu.memory_space<vmem>>, vector<1x16xf32>,
      %add3A_1640 = arith.constant 600 : i32
      %add3A_1641 = arith.addi %add3A_1640, %scan3A_1520 : i32
      %swap3A_1642 = arith.index_cast %add3A_1641 : i32 to index
      %swap3A_1643 = arith.constant 48 : index
      %swap3A_1644 = tpu.vector_load %arg9[%swap3A_1642, %swap3A_1643] {strides = array<i32>} : memref<800x64xf32, #tpu.memory_space<vmem>>, vector<1x16xf32>,
      %swap3A_1645 = vector.shape_cast %swap3A_1644 : vector<1x16xf32> to vector<16xf32>
      %swap3A_1646 = vector.shape_cast %get3A_1618 : vector<16xf32> to vector<1x16xf32>
      tpu.vector_store %arg9[%swap3A_1642, %swap3A_1643], %swap3A_1646 {add = true, strides = array<i32>} : memref<800x64xf32, #tpu.memory_space<vmem>>, vector<1x16xf32>,
    }
    %scan3A_461 = arith.constant 200 : i32
    %mul3A_462 = arith.constant 8 : i32
    %mul3A_463 = arith.muli %add3A, %mul3A_462 : i32
    %add3A_464 = arith.constant 1 : i32
    %add3A_465 = arith.addi %mul3A_463, %add3A_464 : i32
    %mul3A_466 = arith.constant 800 : i32
    %mul3A_467 = arith.muli %add3A_465, %mul3A_466 : i32
    %dma_start3A_468 = arith.constant 0 : i32
    %dma_start3A_469 = tpu.memref_slice %arg5[%mul3A_467, %dma_start3A_468] : memref<204800x64xf32, #tpu.memory_space<hbm>> -> memref<800x64xf32, #tpu.memory_space<hbm>>
    %dma_start3A_470 = arith.constant 0 : i32
    %dma_start3A_471 = tpu.memref_slice %arg5[%mul3A_467, %dma_start3A_470] : memref<204800x64xf32, #tpu.memory_space<hbm>> -> memref<800x64xf32, #tpu.memory_space<hbm>>
    tpu.enqueue_dma source(%arg9 : memref<800x64xf32, #tpu.memory_space<vmem>>) target(%dma_start3A_471 : memref<800x64xf32, #tpu.memory_space<hbm>>) target_semaphore(%arg16 : memref<!tpu.dma_semaphore, #tpu.memory_space<semaphore_mem>>)
    %dma_wait3A_472 = arith.constant 0 : i32
    %dma_wait3A_473 = arith.constant 0 : i32
    %dma_wait3A_474 = arith.constant 0 : i32
    %dma_wait3A_475 = tpu.memref_slice %arg8[%dma_wait3A_473, %dma_wait3A_474] : memref<800x64xf32, #tpu.memory_space<vmem>> -> memref<104x64xf32, #tpu.memory_space<vmem>>
    %dma_wait3A_476 = arith.constant 0 : i32
    %dma_wait3A_477 = tpu.memref_slice %arg6[%dma_wait3A_472, %dma_wait3A_476] : memref<4x200xi32, #tpu.memory_space<vmem>> -> memref<1x104xi32, #tpu.memory_space<vmem>>
    %dma_wait3A_478 = tpu.memref_squeeze %dma_wait3A_477 : memref<1x104xi32, #tpu.memory_space<vmem>> -> memref<104xi32, #tpu.memory_space<vmem>>
    %dma_wait3A_479 = arith.constant 0 : i32
    %dma_wait3A_480 = arith.constant 0 : i32
    %dma_wait3A_481 = tpu.memref_slice %arg3[%dma_wait3A_479, %dma_wait3A_480] : memref<1000000x64xf32, #tpu.memory_space<hbm>> -> memref<1000000x64xf32, #tpu.memory_space<hbm>>
    tpu.wait_indirect_dma semaphore(%arg13 : memref<!tpu.dma_semaphore, #tpu.memory_space<semaphore_mem>>) src(%dma_wait3A_481 : memref<1000000x64xf32, #tpu.memory_space<hbm>>) dst(%dma_wait3A_475 : memref<104x64xf32, #tpu.memory_space<vmem>>)
    %dma_wait3A_482 = arith.constant 0 : i32
    %dma_wait3A_483 = arith.constant 104 : i32
    %dma_wait3A_484 = arith.constant 0 : i32
    %dma_wait3A_485 = tpu.memref_slice %arg8[%dma_wait3A_483, %dma_wait3A_484] : memref<800x64xf32, #tpu.memory_space<vmem>> -> memref<96x64xf32, #tpu.memory_space<vmem>>
    %dma_wait3A_486 = arith.constant 104 : i32
    %dma_wait3A_487 = tpu.memref_slice %arg6[%dma_wait3A_482, %dma_wait3A_486] : memref<4x200xi32, #tpu.memory_space<vmem>> -> memref<1x96xi32, #tpu.memory_space<vmem>>
    %dma_wait3A_488 = tpu.memref_squeeze %dma_wait3A_487 : memref<1x96xi32, #tpu.memory_space<vmem>> -> memref<96xi32, #tpu.memory_space<vmem>>
    %dma_wait3A_489 = arith.constant 0 : i32
    %dma_wait3A_490 = arith.constant 0 : i32
    %dma_wait3A_491 = tpu.memref_slice %arg3[%dma_wait3A_489, %dma_wait3A_490] : memref<1000000x64xf32, #tpu.memory_space<hbm>> -> memref<1000000x64xf32, #tpu.memory_space<hbm>>
    tpu.wait_indirect_dma semaphore(%arg13 : memref<!tpu.dma_semaphore, #tpu.memory_space<semaphore_mem>>) src(%dma_wait3A_491 : memref<1000000x64xf32, #tpu.memory_space<hbm>>) dst(%dma_wait3A_485 : memref<96x64xf32, #tpu.memory_space<vmem>>)
    %dma_wait3A_492 = arith.constant 1 : i32
    %dma_wait3A_493 = arith.constant 200 : i32
    %dma_wait3A_494 = arith.constant 0 : i32
    %dma_wait3A_495 = tpu.memref_slice %arg8[%dma_wait3A_493, %dma_wait3A_494] : memref<800x64xf32, #tpu.memory_space<vmem>> -> memref<104x64xf32, #tpu.memory_space<vmem>>
    %dma_wait3A_496 = arith.constant 0 : i32
    %dma_wait3A_497 = tpu.memref_slice %arg6[%dma_wait3A_492, %dma_wait3A_496] : memref<4x200xi32, #tpu.memory_space<vmem>> -> memref<1x104xi32, #tpu.memory_space<vmem>>
    %dma_wait3A_498 = tpu.memref_squeeze %dma_wait3A_497 : memref<1x104xi32, #tpu.memory_space<vmem>> -> memref<104xi32, #tpu.memory_space<vmem>>
    %dma_wait3A_499 = arith.constant 0 : i32
    %dma_wait3A_500 = arith.constant 0 : i32
    %dma_wait3A_501 = tpu.memref_slice %arg3[%dma_wait3A_499, %dma_wait3A_500] : memref<1000000x64xf32, #tpu.memory_space<hbm>> -> memref<1000000x64xf32, #tpu.memory_space<hbm>>
    tpu.wait_indirect_dma semaphore(%arg13 : memref<!tpu.dma_semaphore, #tpu.memory_space<semaphore_mem>>) src(%dma_wait3A_501 : memref<1000000x64xf32, #tpu.memory_space<hbm>>) dst(%dma_wait3A_495 : memref<104x64xf32, #tpu.memory_space<vmem>>)
    %dma_wait3A_502 = arith.constant 1 : i32
    %dma_wait3A_503 = arith.constant 304 : i32
    %dma_wait3A_504 = arith.constant 0 : i32
    %dma_wait3A_505 = tpu.memref_slice %arg8[%dma_wait3A_503, %dma_wait3A_504] : memref<800x64xf32, #tpu.memory_space<vmem>> -> memref<96x64xf32, #tpu.memory_space<vmem>>
    %dma_wait3A_506 = arith.constant 104 : i32
    %dma_wait3A_507 = tpu.memref_slice %arg6[%dma_wait3A_502, %dma_wait3A_506] : memref<4x200xi32, #tpu.memory_space<vmem>> -> memref<1x96xi32, #tpu.memory_space<vmem>>
    %dma_wait3A_508 = tpu.memref_squeeze %dma_wait3A_507 : memref<1x96xi32, #tpu.memory_space<vmem>> -> memref<96xi32, #tpu.memory_space<vmem>>
    %dma_wait3A_509 = arith.constant 0 : i32
    %dma_wait3A_510 = arith.constant 0 : i32
    %dma_wait3A_511 = tpu.memref_slice %arg3[%dma_wait3A_509, %dma_wait3A_510] : memref<1000000x64xf32, #tpu.memory_space<hbm>> -> memref<1000000x64xf32, #tpu.memory_space<hbm>>
    tpu.wait_indirect_dma semaphore(%arg13 : memref<!tpu.dma_semaphore, #tpu.memory_space<semaphore_mem>>) src(%dma_wait3A_511 : memref<1000000x64xf32, #tpu.memory_space<hbm>>) dst(%dma_wait3A_505 : memref<96x64xf32, #tpu.memory_space<vmem>>)
    %dma_wait3A_512 = arith.constant 2 : i32
    %dma_wait3A_513 = arith.constant 400 : i32
    %dma_wait3A_514 = arith.constant 0 : i32
    %dma_wait3A_515 = tpu.memref_slice %arg8[%dma_wait3A_513, %dma_wait3A_514] : memref<800x64xf32, #tpu.memory_space<vmem>> -> memref<104x64xf32, #tpu.memory_space<vmem>>
    %dma_wait3A_516 = arith.constant 0 : i32
    %dma_wait3A_517 = tpu.memref_slice %arg6[%dma_wait3A_512, %dma_wait3A_516] : memref<4x200xi32, #tpu.memory_space<vmem>> -> memref<1x104xi32, #tpu.memory_space<vmem>>
    %dma_wait3A_518 = tpu.memref_squeeze %dma_wait3A_517 : memref<1x104xi32, #tpu.memory_space<vmem>> -> memref<104xi32, #tpu.memory_space<vmem>>
    %dma_wait3A_519 = arith.constant 0 : i32
    %dma_wait3A_520 = arith.constant 0 : i32
    %dma_wait3A_521 = tpu.memref_slice %arg3[%dma_wait3A_519, %dma_wait3A_520] : memref<1000000x64xf32, #tpu.memory_space<hbm>> -> memref<1000000x64xf32, #tpu.memory_space<hbm>>
    tpu.wait_indirect_dma semaphore(%arg13 : memref<!tpu.dma_semaphore, #tpu.memory_space<semaphore_mem>>) src(%dma_wait3A_521 : memref<1000000x64xf32, #tpu.memory_space<hbm>>) dst(%dma_wait3A_515 : memref<104x64xf32, #tpu.memory_space<vmem>>)
    %dma_wait3A_522 = arith.constant 2 : i32
    %dma_wait3A_523 = arith.constant 504 : i32
    %dma_wait3A_524 = arith.constant 0 : i32
    %dma_wait3A_525 = tpu.memref_slice %arg8[%dma_wait3A_523, %dma_wait3A_524] : memref<800x64xf32, #tpu.memory_space<vmem>> -> memref<96x64xf32, #tpu.memory_space<vmem>>
    %dma_wait3A_526 = arith.constant 104 : i32
    %dma_wait3A_527 = tpu.memref_slice %arg6[%dma_wait3A_522, %dma_wait3A_526] : memref<4x200xi32, #tpu.memory_space<vmem>> -> memref<1x96xi32, #tpu.memory_space<vmem>>
    %dma_wait3A_528 = tpu.memref_squeeze %dma_wait3A_527 : memref<1x96xi32, #tpu.memory_space<vmem>> -> memref<96xi32, #tpu.memory_space<vmem>>
    %dma_wait3A_529 = arith.constant 0 : i32
    %dma_wait3A_530 = arith.constant 0 : i32
    %dma_wait3A_531 = tpu.memref_slice %arg3[%dma_wait3A_529, %dma_wait3A_530] : memref<1000000x64xf32, #tpu.memory_space<hbm>> -> memref<1000000x64xf32, #tpu.memory_space<hbm>>
    tpu.wait_indirect_dma semaphore(%arg13 : memref<!tpu.dma_semaphore, #tpu.memory_space<semaphore_mem>>) src(%dma_wait3A_531 : memref<1000000x64xf32, #tpu.memory_space<hbm>>) dst(%dma_wait3A_525 : memref<96x64xf32, #tpu.memory_space<vmem>>)
    %dma_wait3A_532 = arith.constant 3 : i32
    %dma_wait3A_533 = arith.constant 600 : i32
    %dma_wait3A_534 = arith.constant 0 : i32
    %dma_wait3A_535 = tpu.memref_slice %arg8[%dma_wait3A_533, %dma_wait3A_534] : memref<800x64xf32, #tpu.memory_space<vmem>> -> memref<104x64xf32, #tpu.memory_space<vmem>>
    %dma_wait3A_536 = arith.constant 0 : i32
    %dma_wait3A_537 = tpu.memref_slice %arg6[%dma_wait3A_532, %dma_wait3A_536] : memref<4x200xi32, #tpu.memory_space<vmem>> -> memref<1x104xi32, #tpu.memory_space<vmem>>
    %dma_wait3A_538 = tpu.memref_squeeze %dma_wait3A_537 : memref<1x104xi32, #tpu.memory_space<vmem>> -> memref<104xi32, #tpu.memory_space<vmem>>
    %dma_wait3A_539 = arith.constant 0 : i32
    %dma_wait3A_540 = arith.constant 0 : i32
    %dma_wait3A_541 = tpu.memref_slice %arg3[%dma_wait3A_539, %dma_wait3A_540] : memref<1000000x64xf32, #tpu.memory_space<hbm>> -> memref<1000000x64xf32, #tpu.memory_space<hbm>>
    tpu.wait_indirect_dma semaphore(%arg13 : memref<!tpu.dma_semaphore, #tpu.memory_space<semaphore_mem>>) src(%dma_wait3A_541 : memref<1000000x64xf32, #tpu.memory_space<hbm>>) dst(%dma_wait3A_535 : memref<104x64xf32, #tpu.memory_space<vmem>>)
    %dma_wait3A_542 = arith.constant 3 : i32
    %dma_wait3A_543 = arith.constant 704 : i32
    %dma_wait3A_544 = arith.constant 0 : i32
    %dma_wait3A_545 = tpu.memref_slice %arg8[%dma_wait3A_543, %dma_wait3A_544] : memref<800x64xf32, #tpu.memory_space<vmem>> -> memref<96x64xf32, #tpu.memory_space<vmem>>
    %dma_wait3A_546 = arith.constant 104 : i32
    %dma_wait3A_547 = tpu.memref_slice %arg6[%dma_wait3A_542, %dma_wait3A_546] : memref<4x200xi32, #tpu.memory_space<vmem>> -> memref<1x96xi32, #tpu.memory_space<vmem>>
    %dma_wait3A_548 = tpu.memref_squeeze %dma_wait3A_547 : memref<1x96xi32, #tpu.memory_space<vmem>> -> memref<96xi32, #tpu.memory_space<vmem>>
    %dma_wait3A_549 = arith.constant 0 : i32
    %dma_wait3A_550 = arith.constant 0 : i32
    %dma_wait3A_551 = tpu.memref_slice %arg3[%dma_wait3A_549, %dma_wait3A_550] : memref<1000000x64xf32, #tpu.memory_space<hbm>> -> memref<1000000x64xf32, #tpu.memory_space<hbm>>
    tpu.wait_indirect_dma semaphore(%arg13 : memref<!tpu.dma_semaphore, #tpu.memory_space<semaphore_mem>>) src(%dma_wait3A_551 : memref<1000000x64xf32, #tpu.memory_space<hbm>>) dst(%dma_wait3A_545 : memref<96x64xf32, #tpu.memory_space<vmem>>)
    %dma_wait3A_552 = arith.constant 0 : i32
    %dma_wait3A_553 = tpu.memref_slice %arg5[%mul3A_467, %dma_wait3A_552] : memref<204800x64xf32, #tpu.memory_space<hbm>> -> memref<800x64xf32, #tpu.memory_space<hbm>>
    %dma_wait3A_554 = arith.constant 0 : i32
    %dma_wait3A_555 = tpu.memref_slice %arg5[%mul3A_467, %dma_wait3A_554] : memref<204800x64xf32, #tpu.memory_space<hbm>> -> memref<800x64xf32, #tpu.memory_space<hbm>>
    tpu.wait_dma2 semaphore(%arg16 : memref<!tpu.dma_semaphore, #tpu.memory_space<semaphore_mem>>) src(%arg9 : memref<800x64xf32, #tpu.memory_space<vmem>>) dst(%dma_wait3A_555 : memref<800x64xf32, #tpu.memory_space<hbm>>)
    %dma_wait3A_556 = arith.constant 0 : i32
    %dma_wait3A_557 = tpu.memref_slice %arg2[%add3A_451, %dma_wait3A_556] : memref<1024x200xi32, #tpu.memory_space<hbm>> -> memref<4x200xi32, #tpu.memory_space<hbm>>
    %dma_wait3A_558 = arith.constant 0 : i32
    %dma_wait3A_559 = tpu.memref_slice %arg2[%add3A_451, %dma_wait3A_558] : memref<1024x200xi32, #tpu.memory_space<hbm>> -> memref<4x200xi32, #tpu.memory_space<hbm>>
    tpu.wait_dma2 semaphore(%arg12 : memref<!tpu.dma_semaphore, #tpu.memory_space<semaphore_mem>>) src(%dma_wait3A_559 : memref<4x200xi32, #tpu.memory_space<hbm>>) dst(%arg7 : memref<4x200xi32, #tpu.memory_space<vmem>>)
    %dma_start3A_560 = arith.constant 0 : i32
    %dma_start3A_561 = arith.constant 0 : i32
    %dma_start3A_562 = arith.constant 0 : i32
    %dma_start3A_563 = tpu.memref_slice %arg9[%dma_start3A_561, %dma_start3A_562] : memref<800x64xf32, #tpu.memory_space<vmem>> -> memref<104x64xf32, #tpu.memory_space<vmem>>
    %dma_start3A_564 = arith.constant 0 : i32
    %dma_start3A_565 = tpu.memref_slice %arg7[%dma_start3A_560, %dma_start3A_564] : memref<4x200xi32, #tpu.memory_space<vmem>> -> memref<1x104xi32, #tpu.memory_space<vmem>>
    %dma_start3A_566 = tpu.memref_squeeze %dma_start3A_565 : memref<1x104xi32, #tpu.memory_space<vmem>> -> memref<104xi32, #tpu.memory_space<vmem>>
    %dma_start3A_567 = arith.constant 0 : i32
    %dma_start3A_568 = arith.constant 0 : i32
    %dma_start3A_569 = tpu.memref_slice %arg3[%dma_start3A_567, %dma_start3A_568] : memref<1000000x64xf32, #tpu.memory_space<hbm>> -> memref<1000000x64xf32, #tpu.memory_space<hbm>>
    tpu.enqueue_indirect_dma source(%dma_start3A_569 : memref<1000000x64xf32, #tpu.memory_space<hbm>>) target(%dma_start3A_563 : memref<104x64xf32, #tpu.memory_space<vmem>>) offsets(%dma_start3A_566 : memref<104xi32, #tpu.memory_space<vmem>>) semaphore(%arg14 : memref<!tpu.dma_semaphore, #tpu.memory_space<semaphore_mem>>)
    %dma_start3A_570 = arith.constant 0 : i32
    %dma_start3A_571 = arith.constant 104 : i32
    %dma_start3A_572 = arith.constant 0 : i32
    %dma_start3A_573 = tpu.memref_slice %arg9[%dma_start3A_571, %dma_start3A_572] : memref<800x64xf32, #tpu.memory_space<vmem>> -> memref<96x64xf32, #tpu.memory_space<vmem>>
    %dma_start3A_574 = arith.constant 104 : i32
    %dma_start3A_575 = tpu.memref_slice %arg7[%dma_start3A_570, %dma_start3A_574] : memref<4x200xi32, #tpu.memory_space<vmem>> -> memref<1x96xi32, #tpu.memory_space<vmem>>
    %dma_start3A_576 = tpu.memref_squeeze %dma_start3A_575 : memref<1x96xi32, #tpu.memory_space<vmem>> -> memref<96xi32, #tpu.memory_space<vmem>>
    %dma_start3A_577 = arith.constant 0 : i32
    %dma_start3A_578 = arith.constant 0 : i32
    %dma_start3A_579 = tpu.memref_slice %arg3[%dma_start3A_577, %dma_start3A_578] : memref<1000000x64xf32, #tpu.memory_space<hbm>> -> memref<1000000x64xf32, #tpu.memory_space<hbm>>
    tpu.enqueue_indirect_dma source(%dma_start3A_579 : memref<1000000x64xf32, #tpu.memory_space<hbm>>) target(%dma_start3A_573 : memref<96x64xf32, #tpu.memory_space<vmem>>) offsets(%dma_start3A_576 : memref<96xi32, #tpu.memory_space<vmem>>) semaphore(%arg14 : memref<!tpu.dma_semaphore, #tpu.memory_space<semaphore_mem>>)
    %dma_start3A_580 = arith.constant 1 : i32
    %dma_start3A_581 = arith.constant 200 : i32
    %dma_start3A_582 = arith.constant 0 : i32
    %dma_start3A_583 = tpu.memref_slice %arg9[%dma_start3A_581, %dma_start3A_582] : memref<800x64xf32, #tpu.memory_space<vmem>> -> memref<104x64xf32, #tpu.memory_space<vmem>>
    %dma_start3A_584 = arith.constant 0 : i32
    %dma_start3A_585 = tpu.memref_slice %arg7[%dma_start3A_580, %dma_start3A_584] : memref<4x200xi32, #tpu.memory_space<vmem>> -> memref<1x104xi32, #tpu.memory_space<vmem>>
    %dma_start3A_586 = tpu.memref_squeeze %dma_start3A_585 : memref<1x104xi32, #tpu.memory_space<vmem>> -> memref<104xi32, #tpu.memory_space<vmem>>
    %dma_start3A_587 = arith.constant 0 : i32
    %dma_start3A_588 = arith.constant 0 : i32
    %dma_start3A_589 = tpu.memref_slice %arg3[%dma_start3A_587, %dma_start3A_588] : memref<1000000x64xf32, #tpu.memory_space<hbm>> -> memref<1000000x64xf32, #tpu.memory_space<hbm>>
    tpu.enqueue_indirect_dma source(%dma_start3A_589 : memref<1000000x64xf32, #tpu.memory_space<hbm>>) target(%dma_start3A_583 : memref<104x64xf32, #tpu.memory_space<vmem>>) offsets(%dma_start3A_586 : memref<104xi32, #tpu.memory_space<vmem>>) semaphore(%arg14 : memref<!tpu.dma_semaphore, #tpu.memory_space<semaphore_mem>>)
    %dma_start3A_590 = arith.constant 1 : i32
    %dma_start3A_591 = arith.constant 304 : i32
    %dma_start3A_592 = arith.constant 0 : i32
    %dma_start3A_593 = tpu.memref_slice %arg9[%dma_start3A_591, %dma_start3A_592] : memref<800x64xf32, #tpu.memory_space<vmem>> -> memref<96x64xf32, #tpu.memory_space<vmem>>
    %dma_start3A_594 = arith.constant 104 : i32
    %dma_start3A_595 = tpu.memref_slice %arg7[%dma_start3A_590, %dma_start3A_594] : memref<4x200xi32, #tpu.memory_space<vmem>> -> memref<1x96xi32, #tpu.memory_space<vmem>>
    %dma_start3A_596 = tpu.memref_squeeze %dma_start3A_595 : memref<1x96xi32, #tpu.memory_space<vmem>> -> memref<96xi32, #tpu.memory_space<vmem>>
    %dma_start3A_597 = arith.constant 0 : i32
    %dma_start3A_598 = arith.constant 0 : i32
    %dma_start3A_599 = tpu.memref_slice %arg3[%dma_start3A_597, %dma_start3A_598] : memref<1000000x64xf32, #tpu.memory_space<hbm>> -> memref<1000000x64xf32, #tpu.memory_space<hbm>>
    tpu.enqueue_indirect_dma source(%dma_start3A_599 : memref<1000000x64xf32, #tpu.memory_space<hbm>>) target(%dma_start3A_593 : memref<96x64xf32, #tpu.memory_space<vmem>>) offsets(%dma_start3A_596 : memref<96xi32, #tpu.memory_space<vmem>>) semaphore(%arg14 : memref<!tpu.dma_semaphore, #tpu.memory_space<semaphore_mem>>)
    %dma_start3A_600 = arith.constant 2 : i32
    %dma_start3A_601 = arith.constant 400 : i32
    %dma_start3A_602 = arith.constant 0 : i32
    %dma_start3A_603 = tpu.memref_slice %arg9[%dma_start3A_601, %dma_start3A_602] : memref<800x64xf32, #tpu.memory_space<vmem>> -> memref<104x64xf32, #tpu.memory_space<vmem>>
    %dma_start3A_604 = arith.constant 0 : i32
    %dma_start3A_605 = tpu.memref_slice %arg7[%dma_start3A_600, %dma_start3A_604] : memref<4x200xi32, #tpu.memory_space<vmem>> -> memref<1x104xi32, #tpu.memory_space<vmem>>
    %dma_start3A_606 = tpu.memref_squeeze %dma_start3A_605 : memref<1x104xi32, #tpu.memory_space<vmem>> -> memref<104xi32, #tpu.memory_space<vmem>>
    %dma_start3A_607 = arith.constant 0 : i32
    %dma_start3A_608 = arith.constant 0 : i32
    %dma_start3A_609 = tpu.memref_slice %arg3[%dma_start3A_607, %dma_start3A_608] : memref<1000000x64xf32, #tpu.memory_space<hbm>> -> memref<1000000x64xf32, #tpu.memory_space<hbm>>
    tpu.enqueue_indirect_dma source(%dma_start3A_609 : memref<1000000x64xf32, #tpu.memory_space<hbm>>) target(%dma_start3A_603 : memref<104x64xf32, #tpu.memory_space<vmem>>) offsets(%dma_start3A_606 : memref<104xi32, #tpu.memory_space<vmem>>) semaphore(%arg14 : memref<!tpu.dma_semaphore, #tpu.memory_space<semaphore_mem>>)
    %dma_start3A_610 = arith.constant 2 : i32
    %dma_start3A_611 = arith.constant 504 : i32
    %dma_start3A_612 = arith.constant 0 : i32
    %dma_start3A_613 = tpu.memref_slice %arg9[%dma_start3A_611, %dma_start3A_612] : memref<800x64xf32, #tpu.memory_space<vmem>> -> memref<96x64xf32, #tpu.memory_space<vmem>>
    %dma_start3A_614 = arith.constant 104 : i32
    %dma_start3A_615 = tpu.memref_slice %arg7[%dma_start3A_610, %dma_start3A_614] : memref<4x200xi32, #tpu.memory_space<vmem>> -> memref<1x96xi32, #tpu.memory_space<vmem>>
    %dma_start3A_616 = tpu.memref_squeeze %dma_start3A_615 : memref<1x96xi32, #tpu.memory_space<vmem>> -> memref<96xi32, #tpu.memory_space<vmem>>
    %dma_start3A_617 = arith.constant 0 : i32
    %dma_start3A_618 = arith.constant 0 : i32
    %dma_start3A_619 = tpu.memref_slice %arg3[%dma_start3A_617, %dma_start3A_618] : memref<1000000x64xf32, #tpu.memory_space<hbm>> -> memref<1000000x64xf32, #tpu.memory_space<hbm>>
    tpu.enqueue_indirect_dma source(%dma_start3A_619 : memref<1000000x64xf32, #tpu.memory_space<hbm>>) target(%dma_start3A_613 : memref<96x64xf32, #tpu.memory_space<vmem>>) offsets(%dma_start3A_616 : memref<96xi32, #tpu.memory_space<vmem>>) semaphore(%arg14 : memref<!tpu.dma_semaphore, #tpu.memory_space<semaphore_mem>>)
    %dma_start3A_620 = arith.constant 3 : i32
    %dma_start3A_621 = arith.constant 600 : i32
    %dma_start3A_622 = arith.constant 0 : i32
    %dma_start3A_623 = tpu.memref_slice %arg9[%dma_start3A_621, %dma_start3A_622] : memref<800x64xf32, #tpu.memory_space<vmem>> -> memref<104x64xf32, #tpu.memory_space<vmem>>
    %dma_start3A_624 = arith.constant 0 : i32
    %dma_start3A_625 = tpu.memref_slice %arg7[%dma_start3A_620, %dma_start3A_624] : memref<4x200xi32, #tpu.memory_space<vmem>> -> memref<1x104xi32, #tpu.memory_space<vmem>>
    %dma_start3A_626 = tpu.memref_squeeze %dma_start3A_625 : memref<1x104xi32, #tpu.memory_space<vmem>> -> memref<104xi32, #tpu.memory_space<vmem>>
    %dma_start3A_627 = arith.constant 0 : i32
    %dma_start3A_628 = arith.constant 0 : i32
    %dma_start3A_629 = tpu.memref_slice %arg3[%dma_start3A_627, %dma_start3A_628] : memref<1000000x64xf32, #tpu.memory_space<hbm>> -> memref<1000000x64xf32, #tpu.memory_space<hbm>>
    tpu.enqueue_indirect_dma source(%dma_start3A_629 : memref<1000000x64xf32, #tpu.memory_space<hbm>>) target(%dma_start3A_623 : memref<104x64xf32, #tpu.memory_space<vmem>>) offsets(%dma_start3A_626 : memref<104xi32, #tpu.memory_space<vmem>>) semaphore(%arg14 : memref<!tpu.dma_semaphore, #tpu.memory_space<semaphore_mem>>)
    %dma_start3A_630 = arith.constant 3 : i32
    %dma_start3A_631 = arith.constant 704 : i32
    %dma_start3A_632 = arith.constant 0 : i32
    %dma_start3A_633 = tpu.memref_slice %arg9[%dma_start3A_631, %dma_start3A_632] : memref<800x64xf32, #tpu.memory_space<vmem>> -> memref<96x64xf32, #tpu.memory_space<vmem>>
    %dma_start3A_634 = arith.constant 104 : i32
    %dma_start3A_635 = tpu.memref_slice %arg7[%dma_start3A_630, %dma_start3A_634] : memref<4x200xi32, #tpu.memory_space<vmem>> -> memref<1x96xi32, #tpu.memory_space<vmem>>
    %dma_start3A_636 = tpu.memref_squeeze %dma_start3A_635 : memref<1x96xi32, #tpu.memory_space<vmem>> -> memref<96xi32, #tpu.memory_space<vmem>>
    %dma_start3A_637 = arith.constant 0 : i32
    %dma_start3A_638 = arith.constant 0 : i32
    %dma_start3A_639 = tpu.memref_slice %arg3[%dma_start3A_637, %dma_start3A_638] : memref<1000000x64xf32, #tpu.memory_space<hbm>> -> memref<1000000x64xf32, #tpu.memory_space<hbm>>
    tpu.enqueue_indirect_dma source(%dma_start3A_639 : memref<1000000x64xf32, #tpu.memory_space<hbm>>) target(%dma_start3A_633 : memref<96x64xf32, #tpu.memory_space<vmem>>) offsets(%dma_start3A_636 : memref<96xi32, #tpu.memory_space<vmem>>) semaphore(%arg14 : memref<!tpu.dma_semaphore, #tpu.memory_space<semaphore_mem>>)
    %add3A_640 = arith.constant 16 : i32
    %add3A_641 = arith.addi %mul3A_2, %add3A_640 : i32
    %dma_start3A_642 = arith.constant 0 : i32
    %dma_start3A_643 = tpu.memref_slice %arg2[%add3A_641, %dma_start3A_642] : memref<1024x200xi32, #tpu.memory_space<hbm>> -> memref<4x200xi32, #tpu.memory_space<hbm>>
    %dma_start3A_644 = arith.constant 0 : i32
    %dma_start3A_645 = tpu.memref_slice %arg2[%add3A_641, %dma_start3A_644] : memref<1024x200xi32, #tpu.memory_space<hbm>> -> memref<4x200xi32, #tpu.memory_space<hbm>>
    tpu.enqueue_dma source(%dma_start3A_645 : memref<4x200xi32, #tpu.memory_space<hbm>>) target(%arg6 : memref<4x200xi32, #tpu.memory_space<vmem>>) target_semaphore(%arg11 : memref<!tpu.dma_semaphore, #tpu.memory_space<semaphore_mem>>)
    %scan3A_646 = arith.constant 0 : i32
    %scan3A_647 = arith.constant 0 : i32
    %scan3A_648 = arith.constant 200 : i32
    %scan3A_649 = arith.addi %scan3A_647, %scan3A_648 : i32
    %scan3A_650 = arith.constant 1 : i32
    scf.for %scan3A_1520 = %scan3A_647 to %scan3A_649 step %scan3A_650  : i32 {
      %get3A = arith.index_cast %scan3A_1520 : i32 to index
      %get3A_1521 = arith.constant 0 : index
      %get3A_1522 = tpu.vector_load %arg10[%get3A, %get3A_1521] {strides = array<i32>} : memref<200x64xf32, #tpu.memory_space<vmem>>, vector<1x16xf32>,
      %get3A_1523 = vector.shape_cast %get3A_1522 : vector<1x16xf32> to vector<16xf32>
      %add3A_1524 = arith.constant 0 : i32
      %add3A_1525 = arith.addi %add3A_1524, %scan3A_1520 : i32
      %swap3A = arith.index_cast %add3A_1525 : i32 to index
      %swap3A_1526 = arith.constant 0 : index
      %swap3A_1527 = tpu.vector_load %arg8[%swap3A, %swap3A_1526] {strides = array<i32>} : memref<800x64xf32, #tpu.memory_space<vmem>>, vector<1x16xf32>,
      %swap3A_1528 = vector.shape_cast %swap3A_1527 : vector<1x16xf32> to vector<16xf32>
      %swap3A_1529 = vector.shape_cast %get3A_1523 : vector<16xf32> to vector<1x16xf32>
      tpu.vector_store %arg8[%swap3A, %swap3A_1526], %swap3A_1529 {add = true, strides = array<i32>} : memref<800x64xf32, #tpu.memory_space<vmem>>, vector<1x16xf32>,
      %add3A_1530 = arith.constant 200 : i32
      %add3A_1531 = arith.addi %add3A_1530, %scan3A_1520 : i32
      %swap3A_1532 = arith.index_cast %add3A_1531 : i32 to index
      %swap3A_1533 = arith.constant 0 : index
      %swap3A_1534 = tpu.vector_load %arg8[%swap3A_1532, %swap3A_1533] {strides = array<i32>} : memref<800x64xf32, #tpu.memory_space<vmem>>, vector<1x16xf32>,
      %swap3A_1535 = vector.shape_cast %swap3A_1534 : vector<1x16xf32> to vector<16xf32>
      %swap3A_1536 = vector.shape_cast %get3A_1523 : vector<16xf32> to vector<1x16xf32>
      tpu.vector_store %arg8[%swap3A_1532, %swap3A_1533], %swap3A_1536 {add = true, strides = array<i32>} : memref<800x64xf32, #tpu.memory_space<vmem>>, vector<1x16xf32>,
      %add3A_1537 = arith.constant 400 : i32
      %add3A_1538 = arith.addi %add3A_1537, %scan3A_1520 : i32
      %swap3A_1539 = arith.index_cast %add3A_1538 : i32 to index
      %swap3A_1540 = arith.constant 0 : index
      %swap3A_1541 = tpu.vector_load %arg8[%swap3A_1539, %swap3A_1540] {strides = array<i32>} : memref<800x64xf32, #tpu.memory_space<vmem>>, vector<1x16xf32>,
      %swap3A_1542 = vector.shape_cast %swap3A_1541 : vector<1x16xf32> to vector<16xf32>
      %swap3A_1543 = vector.shape_cast %get3A_1523 : vector<16xf32> to vector<1x16xf32>
      tpu.vector_store %arg8[%swap3A_1539, %swap3A_1540], %swap3A_1543 {add = true, strides = array<i32>} : memref<800x64xf32, #tpu.memory_space<vmem>>, vector<1x16xf32>,
      %add3A_1544 = arith.constant 600 : i32
      %add3A_1545 = arith.addi %add3A_1544, %scan3A_1520 : i32
      %swap3A_1546 = arith.index_cast %add3A_1545 : i32 to index
      %swap3A_1547 = arith.constant 0 : index
      %swap3A_1548 = tpu.vector_load %arg8[%swap3A_1546, %swap3A_1547] {strides = array<i32>} : memref<800x64xf32, #tpu.memory_space<vmem>>, vector<1x16xf32>,
      %swap3A_1549 = vector.shape_cast %swap3A_1548 : vector<1x16xf32> to vector<16xf32>
      %swap3A_1550 = vector.shape_cast %get3A_1523 : vector<16xf32> to vector<1x16xf32>
      tpu.vector_store %arg8[%swap3A_1546, %swap3A_1547], %swap3A_1550 {add = true, strides = array<i32>} : memref<800x64xf32, #tpu.memory_space<vmem>>, vector<1x16xf32>,
      %get3A_1551 = arith.index_cast %scan3A_1520 : i32 to index
      %get3A_1552 = arith.constant 16 : index
      %get3A_1553 = tpu.vector_load %arg10[%get3A_1551, %get3A_1552] {strides = array<i32>} : memref<200x64xf32, #tpu.memory_space<vmem>>, vector<1x16xf32>,
      %get3A_1554 = vector.shape_cast %get3A_1553 : vector<1x16xf32> to vector<16xf32>
      %add3A_1555 = arith.constant 0 : i32
      %add3A_1556 = arith.addi %add3A_1555, %scan3A_1520 : i32
      %swap3A_1557 = arith.index_cast %add3A_1556 : i32 to index
      %swap3A_1558 = arith.constant 16 : index
      %swap3A_1559 = tpu.vector_load %arg8[%swap3A_1557, %swap3A_1558] {strides = array<i32>} : memref<800x64xf32, #tpu.memory_space<vmem>>, vector<1x16xf32>,
      %swap3A_1560 = vector.shape_cast %swap3A_1559 : vector<1x16xf32> to vector<16xf32>
      %swap3A_1561 = vector.shape_cast %get3A_1554 : vector<16xf32> to vector<1x16xf32>
      tpu.vector_store %arg8[%swap3A_1557, %swap3A_1558], %swap3A_1561 {add = true, strides = array<i32>} : memref<800x64xf32, #tpu.memory_space<vmem>>, vector<1x16xf32>,
      %add3A_1562 = arith.constant 200 : i32
      %add3A_1563 = arith.addi %add3A_1562, %scan3A_1520 : i32
      %swap3A_1564 = arith.index_cast %add3A_1563 : i32 to index
      %swap3A_1565 = arith.constant 16 : index
      %swap3A_1566 = tpu.vector_load %arg8[%swap3A_1564, %swap3A_1565] {strides = array<i32>} : memref<800x64xf32, #tpu.memory_space<vmem>>, vector<1x16xf32>,
      %swap3A_1567 = vector.shape_cast %swap3A_1566 : vector<1x16xf32> to vector<16xf32>
      %swap3A_1568 = vector.shape_cast %get3A_1554 : vector<16xf32> to vector<1x16xf32>
      tpu.vector_store %arg8[%swap3A_1564, %swap3A_1565], %swap3A_1568 {add = true, strides = array<i32>} : memref<800x64xf32, #tpu.memory_space<vmem>>, vector<1x16xf32>,
      %add3A_1569 = arith.constant 400 : i32
      %add3A_1570 = arith.addi %add3A_1569, %scan3A_1520 : i32
      %swap3A_1571 = arith.index_cast %add3A_1570 : i32 to index
      %swap3A_1572 = arith.constant 16 : index
      %swap3A_1573 = tpu.vector_load %arg8[%swap3A_1571, %swap3A_1572] {strides = array<i32>} : memref<800x64xf32, #tpu.memory_space<vmem>>, vector<1x16xf32>,
      %swap3A_1574 = vector.shape_cast %swap3A_1573 : vector<1x16xf32> to vector<16xf32>
      %swap3A_1575 = vector.shape_cast %get3A_1554 : vector<16xf32> to vector<1x16xf32>
      tpu.vector_store %arg8[%swap3A_1571, %swap3A_1572], %swap3A_1575 {add = true, strides = array<i32>} : memref<800x64xf32, #tpu.memory_space<vmem>>, vector<1x16xf32>,
      %add3A_1576 = arith.constant 600 : i32
      %add3A_1577 = arith.addi %add3A_1576, %scan3A_1520 : i32
      %swap3A_1578 = arith.index_cast %add3A_1577 : i32 to index
      %swap3A_1579 = arith.constant 16 : index
      %swap3A_1580 = tpu.vector_load %arg8[%swap3A_1578, %swap3A_1579] {strides = array<i32>} : memref<800x64xf32, #tpu.memory_space<vmem>>, vector<1x16xf32>,
      %swap3A_1581 = vector.shape_cast %swap3A_1580 : vector<1x16xf32> to vector<16xf32>
      %swap3A_1582 = vector.shape_cast %get3A_1554 : vector<16xf32> to vector<1x16xf32>
      tpu.vector_store %arg8[%swap3A_1578, %swap3A_1579], %swap3A_1582 {add = true, strides = array<i32>} : memref<800x64xf32, #tpu.memory_space<vmem>>, vector<1x16xf32>,
      %get3A_1583 = arith.index_cast %scan3A_1520 : i32 to index
      %get3A_1584 = arith.constant 32 : index
      %get3A_1585 = tpu.vector_load %arg10[%get3A_1583, %get3A_1584] {strides = array<i32>} : memref<200x64xf32, #tpu.memory_space<vmem>>, vector<1x16xf32>,
      %get3A_1586 = vector.shape_cast %get3A_1585 : vector<1x16xf32> to vector<16xf32>
      %add3A_1587 = arith.constant 0 : i32
      %add3A_1588 = arith.addi %add3A_1587, %scan3A_1520 : i32
      %swap3A_1589 = arith.index_cast %add3A_1588 : i32 to index
      %swap3A_1590 = arith.constant 32 : index
      %swap3A_1591 = tpu.vector_load %arg8[%swap3A_1589, %swap3A_1590] {strides = array<i32>} : memref<800x64xf32, #tpu.memory_space<vmem>>, vector<1x16xf32>,
      %swap3A_1592 = vector.shape_cast %swap3A_1591 : vector<1x16xf32> to vector<16xf32>
      %swap3A_1593 = vector.shape_cast %get3A_1586 : vector<16xf32> to vector<1x16xf32>
      tpu.vector_store %arg8[%swap3A_1589, %swap3A_1590], %swap3A_1593 {add = true, strides = array<i32>} : memref<800x64xf32, #tpu.memory_space<vmem>>, vector<1x16xf32>,
      %add3A_1594 = arith.constant 200 : i32
      %add3A_1595 = arith.addi %add3A_1594, %scan3A_1520 : i32
      %swap3A_1596 = arith.index_cast %add3A_1595 : i32 to index
      %swap3A_1597 = arith.constant 32 : index
      %swap3A_1598 = tpu.vector_load %arg8[%swap3A_1596, %swap3A_1597] {strides = array<i32>} : memref<800x64xf32, #tpu.memory_space<vmem>>, vector<1x16xf32>,
      %swap3A_1599 = vector.shape_cast %swap3A_1598 : vector<1x16xf32> to vector<16xf32>
      %swap3A_1600 = vector.shape_cast %get3A_1586 : vector<16xf32> to vector<1x16xf32>
      tpu.vector_store %arg8[%swap3A_1596, %swap3A_1597], %swap3A_1600 {add = true, strides = array<i32>} : memref<800x64xf32, #tpu.memory_space<vmem>>, vector<1x16xf32>,
      %add3A_1601 = arith.constant 400 : i32
      %add3A_1602 = arith.addi %add3A_1601, %scan3A_1520 : i32
      %swap3A_1603 = arith.index_cast %add3A_1602 : i32 to index
      %swap3A_1604 = arith.constant 32 : index
      %swap3A_1605 = tpu.vector_load %arg8[%swap3A_1603, %swap3A_1604] {strides = array<i32>} : memref<800x64xf32, #tpu.memory_space<vmem>>, vector<1x16xf32>,
      %swap3A_1606 = vector.shape_cast %swap3A_1605 : vector<1x16xf32> to vector<16xf32>
      %swap3A_1607 = vector.shape_cast %get3A_1586 : vector<16xf32> to vector<1x16xf32>
      tpu.vector_store %arg8[%swap3A_1603, %swap3A_1604], %swap3A_1607 {add = true, strides = array<i32>} : memref<800x64xf32, #tpu.memory_space<vmem>>, vector<1x16xf32>,
      %add3A_1608 = arith.constant 600 : i32
      %add3A_1609 = arith.addi %add3A_1608, %scan3A_1520 : i32
      %swap3A_1610 = arith.index_cast %add3A_1609 : i32 to index
      %swap3A_1611 = arith.constant 32 : index
      %swap3A_1612 = tpu.vector_load %arg8[%swap3A_1610, %swap3A_1611] {strides = array<i32>} : memref<800x64xf32, #tpu.memory_space<vmem>>, vector<1x16xf32>,
      %swap3A_1613 = vector.shape_cast %swap3A_1612 : vector<1x16xf32> to vector<16xf32>
      %swap3A_1614 = vector.shape_cast %get3A_1586 : vector<16xf32> to vector<1x16xf32>
      tpu.vector_store %arg8[%swap3A_1610, %swap3A_1611], %swap3A_1614 {add = true, strides = array<i32>} : memref<800x64xf32, #tpu.memory_space<vmem>>, vector<1x16xf32>,
      %get3A_1615 = arith.index_cast %scan3A_1520 : i32 to index
      %get3A_1616 = arith.constant 48 : index
      %get3A_1617 = tpu.vector_load %arg10[%get3A_1615, %get3A_1616] {strides = array<i32>} : memref<200x64xf32, #tpu.memory_space<vmem>>, vector<1x16xf32>,
      %get3A_1618 = vector.shape_cast %get3A_1617 : vector<1x16xf32> to vector<16xf32>
      %add3A_1619 = arith.constant 0 : i32
      %add3A_1620 = arith.addi %add3A_1619, %scan3A_1520 : i32
      %swap3A_1621 = arith.index_cast %add3A_1620 : i32 to index
      %swap3A_1622 = arith.constant 48 : index
      %swap3A_1623 = tpu.vector_load %arg8[%swap3A_1621, %swap3A_1622] {strides = array<i32>} : memref<800x64xf32, #tpu.memory_space<vmem>>, vector<1x16xf32>,
      %swap3A_1624 = vector.shape_cast %swap3A_1623 : vector<1x16xf32> to vector<16xf32>
      %swap3A_1625 = vector.shape_cast %get3A_1618 : vector<16xf32> to vector<1x16xf32>
      tpu.vector_store %arg8[%swap3A_1621, %swap3A_1622], %swap3A_1625 {add = true, strides = array<i32>} : memref<800x64xf32, #tpu.memory_space<vmem>>, vector<1x16xf32>,
      %add3A_1626 = arith.constant 200 : i32
      %add3A_1627 = arith.addi %add3A_1626, %scan3A_1520 : i32
      %swap3A_1628 = arith.index_cast %add3A_1627 : i32 to index
      %swap3A_1629 = arith.constant 48 : index
      %swap3A_1630 = tpu.vector_load %arg8[%swap3A_1628, %swap3A_1629] {strides = array<i32>} : memref<800x64xf32, #tpu.memory_space<vmem>>, vector<1x16xf32>,
      %swap3A_1631 = vector.shape_cast %swap3A_1630 : vector<1x16xf32> to vector<16xf32>
      %swap3A_1632 = vector.shape_cast %get3A_1618 : vector<16xf32> to vector<1x16xf32>
      tpu.vector_store %arg8[%swap3A_1628, %swap3A_1629], %swap3A_1632 {add = true, strides = array<i32>} : memref<800x64xf32, #tpu.memory_space<vmem>>, vector<1x16xf32>,
      %add3A_1633 = arith.constant 400 : i32
      %add3A_1634 = arith.addi %add3A_1633, %scan3A_1520 : i32
      %swap3A_1635 = arith.index_cast %add3A_1634 : i32 to index
      %swap3A_1636 = arith.constant 48 : index
      %swap3A_1637 = tpu.vector_load %arg8[%swap3A_1635, %swap3A_1636] {strides = array<i32>} : memref<800x64xf32, #tpu.memory_space<vmem>>, vector<1x16xf32>,
      %swap3A_1638 = vector.shape_cast %swap3A_1637 : vector<1x16xf32> to vector<16xf32>
      %swap3A_1639 = vector.shape_cast %get3A_1618 : vector<16xf32> to vector<1x16xf32>
      tpu.vector_store %arg8[%swap3A_1635, %swap3A_1636], %swap3A_1639 {add = true, strides = array<i32>} : memref<800x64xf32, #tpu.memory_space<vmem>>, vector<1x16xf32>,
      %add3A_1640 = arith.constant 600 : i32
      %add3A_1641 = arith.addi %add3A_1640, %scan3A_1520 : i32
      %swap3A_1642 = arith.index_cast %add3A_1641 : i32 to index
      %swap3A_1643 = arith.constant 48 : index
      %swap3A_1644 = tpu.vector_load %arg8[%swap3A_1642, %swap3A_1643] {strides = array<i32>} : memref<800x64xf32, #tpu.memory_space<vmem>>, vector<1x16xf32>,
      %swap3A_1645 = vector.shape_cast %swap3A_1644 : vector<1x16xf32> to vector<16xf32>
      %swap3A_1646 = vector.shape_cast %get3A_1618 : vector<16xf32> to vector<1x16xf32>
      tpu.vector_store %arg8[%swap3A_1642, %swap3A_1643], %swap3A_1646 {add = true, strides = array<i32>} : memref<800x64xf32, #tpu.memory_space<vmem>>, vector<1x16xf32>,
    }
    %scan3A_651 = arith.constant 200 : i32
    %mul3A_652 = arith.constant 8 : i32
    %mul3A_653 = arith.muli %add3A, %mul3A_652 : i32
    %add3A_654 = arith.constant 2 : i32
    %add3A_655 = arith.addi %mul3A_653, %add3A_654 : i32
    %mul3A_656 = arith.constant 800 : i32
    %mul3A_657 = arith.muli %add3A_655, %mul3A_656 : i32
    %dma_start3A_658 = arith.constant 0 : i32
    %dma_start3A_659 = tpu.memref_slice %arg5[%mul3A_657, %dma_start3A_658] : memref<204800x64xf32, #tpu.memory_space<hbm>> -> memref<800x64xf32, #tpu.memory_space<hbm>>
    %dma_start3A_660 = arith.constant 0 : i32
    %dma_start3A_661 = tpu.memref_slice %arg5[%mul3A_657, %dma_start3A_660] : memref<204800x64xf32, #tpu.memory_space<hbm>> -> memref<800x64xf32, #tpu.memory_space<hbm>>
    tpu.enqueue_dma source(%arg8 : memref<800x64xf32, #tpu.memory_space<vmem>>) target(%dma_start3A_661 : memref<800x64xf32, #tpu.memory_space<hbm>>) target_semaphore(%arg15 : memref<!tpu.dma_semaphore, #tpu.memory_space<semaphore_mem>>)
    %dma_wait3A_662 = arith.constant 0 : i32
    %dma_wait3A_663 = arith.constant 0 : i32
    %dma_wait3A_664 = arith.constant 0 : i32
    %dma_wait3A_665 = tpu.memref_slice %arg9[%dma_wait3A_663, %dma_wait3A_664] : memref<800x64xf32, #tpu.memory_space<vmem>> -> memref<104x64xf32, #tpu.memory_space<vmem>>
    %dma_wait3A_666 = arith.constant 0 : i32
    %dma_wait3A_667 = tpu.memref_slice %arg7[%dma_wait3A_662, %dma_wait3A_666] : memref<4x200xi32, #tpu.memory_space<vmem>> -> memref<1x104xi32, #tpu.memory_space<vmem>>
    %dma_wait3A_668 = tpu.memref_squeeze %dma_wait3A_667 : memref<1x104xi32, #tpu.memory_space<vmem>> -> memref<104xi32, #tpu.memory_space<vmem>>
    %dma_wait3A_669 = arith.constant 0 : i32
    %dma_wait3A_670 = arith.constant 0 : i32
    %dma_wait3A_671 = tpu.memref_slice %arg3[%dma_wait3A_669, %dma_wait3A_670] : memref<1000000x64xf32, #tpu.memory_space<hbm>> -> memref<1000000x64xf32, #tpu.memory_space<hbm>>
    tpu.wait_indirect_dma semaphore(%arg14 : memref<!tpu.dma_semaphore, #tpu.memory_space<semaphore_mem>>) src(%dma_wait3A_671 : memref<1000000x64xf32, #tpu.memory_space<hbm>>) dst(%dma_wait3A_665 : memref<104x64xf32, #tpu.memory_space<vmem>>)
    %dma_wait3A_672 = arith.constant 0 : i32
    %dma_wait3A_673 = arith.constant 104 : i32
    %dma_wait3A_674 = arith.constant 0 : i32
    %dma_wait3A_675 = tpu.memref_slice %arg9[%dma_wait3A_673, %dma_wait3A_674] : memref<800x64xf32, #tpu.memory_space<vmem>> -> memref<96x64xf32, #tpu.memory_space<vmem>>
    %dma_wait3A_676 = arith.constant 104 : i32
    %dma_wait3A_677 = tpu.memref_slice %arg7[%dma_wait3A_672, %dma_wait3A_676] : memref<4x200xi32, #tpu.memory_space<vmem>> -> memref<1x96xi32, #tpu.memory_space<vmem>>
    %dma_wait3A_678 = tpu.memref_squeeze %dma_wait3A_677 : memref<1x96xi32, #tpu.memory_space<vmem>> -> memref<96xi32, #tpu.memory_space<vmem>>
    %dma_wait3A_679 = arith.constant 0 : i32
    %dma_wait3A_680 = arith.constant 0 : i32
    %dma_wait3A_681 = tpu.memref_slice %arg3[%dma_wait3A_679, %dma_wait3A_680] : memref<1000000x64xf32, #tpu.memory_space<hbm>> -> memref<1000000x64xf32, #tpu.memory_space<hbm>>
    tpu.wait_indirect_dma semaphore(%arg14 : memref<!tpu.dma_semaphore, #tpu.memory_space<semaphore_mem>>) src(%dma_wait3A_681 : memref<1000000x64xf32, #tpu.memory_space<hbm>>) dst(%dma_wait3A_675 : memref<96x64xf32, #tpu.memory_space<vmem>>)
    %dma_wait3A_682 = arith.constant 1 : i32
    %dma_wait3A_683 = arith.constant 200 : i32
    %dma_wait3A_684 = arith.constant 0 : i32
    %dma_wait3A_685 = tpu.memref_slice %arg9[%dma_wait3A_683, %dma_wait3A_684] : memref<800x64xf32, #tpu.memory_space<vmem>> -> memref<104x64xf32, #tpu.memory_space<vmem>>
    %dma_wait3A_686 = arith.constant 0 : i32
    %dma_wait3A_687 = tpu.memref_slice %arg7[%dma_wait3A_682, %dma_wait3A_686] : memref<4x200xi32, #tpu.memory_space<vmem>> -> memref<1x104xi32, #tpu.memory_space<vmem>>
    %dma_wait3A_688 = tpu.memref_squeeze %dma_wait3A_687 : memref<1x104xi32, #tpu.memory_space<vmem>> -> memref<104xi32, #tpu.memory_space<vmem>>
    %dma_wait3A_689 = arith.constant 0 : i32
    %dma_wait3A_690 = arith.constant 0 : i32
    %dma_wait3A_691 = tpu.memref_slice %arg3[%dma_wait3A_689, %dma_wait3A_690] : memref<1000000x64xf32, #tpu.memory_space<hbm>> -> memref<1000000x64xf32, #tpu.memory_space<hbm>>
    tpu.wait_indirect_dma semaphore(%arg14 : memref<!tpu.dma_semaphore, #tpu.memory_space<semaphore_mem>>) src(%dma_wait3A_691 : memref<1000000x64xf32, #tpu.memory_space<hbm>>) dst(%dma_wait3A_685 : memref<104x64xf32, #tpu.memory_space<vmem>>)
    %dma_wait3A_692 = arith.constant 1 : i32
    %dma_wait3A_693 = arith.constant 304 : i32
    %dma_wait3A_694 = arith.constant 0 : i32
    %dma_wait3A_695 = tpu.memref_slice %arg9[%dma_wait3A_693, %dma_wait3A_694] : memref<800x64xf32, #tpu.memory_space<vmem>> -> memref<96x64xf32, #tpu.memory_space<vmem>>
    %dma_wait3A_696 = arith.constant 104 : i32
    %dma_wait3A_697 = tpu.memref_slice %arg7[%dma_wait3A_692, %dma_wait3A_696] : memref<4x200xi32, #tpu.memory_space<vmem>> -> memref<1x96xi32, #tpu.memory_space<vmem>>
    %dma_wait3A_698 = tpu.memref_squeeze %dma_wait3A_697 : memref<1x96xi32, #tpu.memory_space<vmem>> -> memref<96xi32, #tpu.memory_space<vmem>>
    %dma_wait3A_699 = arith.constant 0 : i32
    %dma_wait3A_700 = arith.constant 0 : i32
    %dma_wait3A_701 = tpu.memref_slice %arg3[%dma_wait3A_699, %dma_wait3A_700] : memref<1000000x64xf32, #tpu.memory_space<hbm>> -> memref<1000000x64xf32, #tpu.memory_space<hbm>>
    tpu.wait_indirect_dma semaphore(%arg14 : memref<!tpu.dma_semaphore, #tpu.memory_space<semaphore_mem>>) src(%dma_wait3A_701 : memref<1000000x64xf32, #tpu.memory_space<hbm>>) dst(%dma_wait3A_695 : memref<96x64xf32, #tpu.memory_space<vmem>>)
    %dma_wait3A_702 = arith.constant 2 : i32
    %dma_wait3A_703 = arith.constant 400 : i32
    %dma_wait3A_704 = arith.constant 0 : i32
    %dma_wait3A_705 = tpu.memref_slice %arg9[%dma_wait3A_703, %dma_wait3A_704] : memref<800x64xf32, #tpu.memory_space<vmem>> -> memref<104x64xf32, #tpu.memory_space<vmem>>
    %dma_wait3A_706 = arith.constant 0 : i32
    %dma_wait3A_707 = tpu.memref_slice %arg7[%dma_wait3A_702, %dma_wait3A_706] : memref<4x200xi32, #tpu.memory_space<vmem>> -> memref<1x104xi32, #tpu.memory_space<vmem>>
    %dma_wait3A_708 = tpu.memref_squeeze %dma_wait3A_707 : memref<1x104xi32, #tpu.memory_space<vmem>> -> memref<104xi32, #tpu.memory_space<vmem>>
    %dma_wait3A_709 = arith.constant 0 : i32
    %dma_wait3A_710 = arith.constant 0 : i32
    %dma_wait3A_711 = tpu.memref_slice %arg3[%dma_wait3A_709, %dma_wait3A_710] : memref<1000000x64xf32, #tpu.memory_space<hbm>> -> memref<1000000x64xf32, #tpu.memory_space<hbm>>
    tpu.wait_indirect_dma semaphore(%arg14 : memref<!tpu.dma_semaphore, #tpu.memory_space<semaphore_mem>>) src(%dma_wait3A_711 : memref<1000000x64xf32, #tpu.memory_space<hbm>>) dst(%dma_wait3A_705 : memref<104x64xf32, #tpu.memory_space<vmem>>)
    %dma_wait3A_712 = arith.constant 2 : i32
    %dma_wait3A_713 = arith.constant 504 : i32
    %dma_wait3A_714 = arith.constant 0 : i32
    %dma_wait3A_715 = tpu.memref_slice %arg9[%dma_wait3A_713, %dma_wait3A_714] : memref<800x64xf32, #tpu.memory_space<vmem>> -> memref<96x64xf32, #tpu.memory_space<vmem>>
    %dma_wait3A_716 = arith.constant 104 : i32
    %dma_wait3A_717 = tpu.memref_slice %arg7[%dma_wait3A_712, %dma_wait3A_716] : memref<4x200xi32, #tpu.memory_space<vmem>> -> memref<1x96xi32, #tpu.memory_space<vmem>>
    %dma_wait3A_718 = tpu.memref_squeeze %dma_wait3A_717 : memref<1x96xi32, #tpu.memory_space<vmem>> -> memref<96xi32, #tpu.memory_space<vmem>>
    %dma_wait3A_719 = arith.constant 0 : i32
    %dma_wait3A_720 = arith.constant 0 : i32
    %dma_wait3A_721 = tpu.memref_slice %arg3[%dma_wait3A_719, %dma_wait3A_720] : memref<1000000x64xf32, #tpu.memory_space<hbm>> -> memref<1000000x64xf32, #tpu.memory_space<hbm>>
    tpu.wait_indirect_dma semaphore(%arg14 : memref<!tpu.dma_semaphore, #tpu.memory_space<semaphore_mem>>) src(%dma_wait3A_721 : memref<1000000x64xf32, #tpu.memory_space<hbm>>) dst(%dma_wait3A_715 : memref<96x64xf32, #tpu.memory_space<vmem>>)
    %dma_wait3A_722 = arith.constant 3 : i32
    %dma_wait3A_723 = arith.constant 600 : i32
    %dma_wait3A_724 = arith.constant 0 : i32
    %dma_wait3A_725 = tpu.memref_slice %arg9[%dma_wait3A_723, %dma_wait3A_724] : memref<800x64xf32, #tpu.memory_space<vmem>> -> memref<104x64xf32, #tpu.memory_space<vmem>>
    %dma_wait3A_726 = arith.constant 0 : i32
    %dma_wait3A_727 = tpu.memref_slice %arg7[%dma_wait3A_722, %dma_wait3A_726] : memref<4x200xi32, #tpu.memory_space<vmem>> -> memref<1x104xi32, #tpu.memory_space<vmem>>
    %dma_wait3A_728 = tpu.memref_squeeze %dma_wait3A_727 : memref<1x104xi32, #tpu.memory_space<vmem>> -> memref<104xi32, #tpu.memory_space<vmem>>
    %dma_wait3A_729 = arith.constant 0 : i32
    %dma_wait3A_730 = arith.constant 0 : i32
    %dma_wait3A_731 = tpu.memref_slice %arg3[%dma_wait3A_729, %dma_wait3A_730] : memref<1000000x64xf32, #tpu.memory_space<hbm>> -> memref<1000000x64xf32, #tpu.memory_space<hbm>>
    tpu.wait_indirect_dma semaphore(%arg14 : memref<!tpu.dma_semaphore, #tpu.memory_space<semaphore_mem>>) src(%dma_wait3A_731 : memref<1000000x64xf32, #tpu.memory_space<hbm>>) dst(%dma_wait3A_725 : memref<104x64xf32, #tpu.memory_space<vmem>>)
    %dma_wait3A_732 = arith.constant 3 : i32
    %dma_wait3A_733 = arith.constant 704 : i32
    %dma_wait3A_734 = arith.constant 0 : i32
    %dma_wait3A_735 = tpu.memref_slice %arg9[%dma_wait3A_733, %dma_wait3A_734] : memref<800x64xf32, #tpu.memory_space<vmem>> -> memref<96x64xf32, #tpu.memory_space<vmem>>
    %dma_wait3A_736 = arith.constant 104 : i32
    %dma_wait3A_737 = tpu.memref_slice %arg7[%dma_wait3A_732, %dma_wait3A_736] : memref<4x200xi32, #tpu.memory_space<vmem>> -> memref<1x96xi32, #tpu.memory_space<vmem>>
    %dma_wait3A_738 = tpu.memref_squeeze %dma_wait3A_737 : memref<1x96xi32, #tpu.memory_space<vmem>> -> memref<96xi32, #tpu.memory_space<vmem>>
    %dma_wait3A_739 = arith.constant 0 : i32
    %dma_wait3A_740 = arith.constant 0 : i32
    %dma_wait3A_741 = tpu.memref_slice %arg3[%dma_wait3A_739, %dma_wait3A_740] : memref<1000000x64xf32, #tpu.memory_space<hbm>> -> memref<1000000x64xf32, #tpu.memory_space<hbm>>
    tpu.wait_indirect_dma semaphore(%arg14 : memref<!tpu.dma_semaphore, #tpu.memory_space<semaphore_mem>>) src(%dma_wait3A_741 : memref<1000000x64xf32, #tpu.memory_space<hbm>>) dst(%dma_wait3A_735 : memref<96x64xf32, #tpu.memory_space<vmem>>)
    %dma_wait3A_742 = arith.constant 0 : i32
    %dma_wait3A_743 = tpu.memref_slice %arg5[%mul3A_657, %dma_wait3A_742] : memref<204800x64xf32, #tpu.memory_space<hbm>> -> memref<800x64xf32, #tpu.memory_space<hbm>>
    %dma_wait3A_744 = arith.constant 0 : i32
    %dma_wait3A_745 = tpu.memref_slice %arg5[%mul3A_657, %dma_wait3A_744] : memref<204800x64xf32, #tpu.memory_space<hbm>> -> memref<800x64xf32, #tpu.memory_space<hbm>>
    tpu.wait_dma2 semaphore(%arg15 : memref<!tpu.dma_semaphore, #tpu.memory_space<semaphore_mem>>) src(%arg8 : memref<800x64xf32, #tpu.memory_space<vmem>>) dst(%dma_wait3A_745 : memref<800x64xf32, #tpu.memory_space<hbm>>)
    %dma_wait3A_746 = arith.constant 0 : i32
    %dma_wait3A_747 = tpu.memref_slice %arg2[%add3A_641, %dma_wait3A_746] : memref<1024x200xi32, #tpu.memory_space<hbm>> -> memref<4x200xi32, #tpu.memory_space<hbm>>
    %dma_wait3A_748 = arith.constant 0 : i32
    %dma_wait3A_749 = tpu.memref_slice %arg2[%add3A_641, %dma_wait3A_748] : memref<1024x200xi32, #tpu.memory_space<hbm>> -> memref<4x200xi32, #tpu.memory_space<hbm>>
    tpu.wait_dma2 semaphore(%arg11 : memref<!tpu.dma_semaphore, #tpu.memory_space<semaphore_mem>>) src(%dma_wait3A_749 : memref<4x200xi32, #tpu.memory_space<hbm>>) dst(%arg6 : memref<4x200xi32, #tpu.memory_space<vmem>>)
    %dma_start3A_750 = arith.constant 0 : i32
    %dma_start3A_751 = arith.constant 0 : i32
    %dma_start3A_752 = arith.constant 0 : i32
    %dma_start3A_753 = tpu.memref_slice %arg8[%dma_start3A_751, %dma_start3A_752] : memref<800x64xf32, #tpu.memory_space<vmem>> -> memref<104x64xf32, #tpu.memory_space<vmem>>
    %dma_start3A_754 = arith.constant 0 : i32
    %dma_start3A_755 = tpu.memref_slice %arg6[%dma_start3A_750, %dma_start3A_754] : memref<4x200xi32, #tpu.memory_space<vmem>> -> memref<1x104xi32, #tpu.memory_space<vmem>>
    %dma_start3A_756 = tpu.memref_squeeze %dma_start3A_755 : memref<1x104xi32, #tpu.memory_space<vmem>> -> memref<104xi32, #tpu.memory_space<vmem>>
    %dma_start3A_757 = arith.constant 0 : i32
    %dma_start3A_758 = arith.constant 0 : i32
    %dma_start3A_759 = tpu.memref_slice %arg3[%dma_start3A_757, %dma_start3A_758] : memref<1000000x64xf32, #tpu.memory_space<hbm>> -> memref<1000000x64xf32, #tpu.memory_space<hbm>>
    tpu.enqueue_indirect_dma source(%dma_start3A_759 : memref<1000000x64xf32, #tpu.memory_space<hbm>>) target(%dma_start3A_753 : memref<104x64xf32, #tpu.memory_space<vmem>>) offsets(%dma_start3A_756 : memref<104xi32, #tpu.memory_space<vmem>>) semaphore(%arg13 : memref<!tpu.dma_semaphore, #tpu.memory_space<semaphore_mem>>)
    %dma_start3A_760 = arith.constant 0 : i32
    %dma_start3A_761 = arith.constant 104 : i32
    %dma_start3A_762 = arith.constant 0 : i32
    %dma_start3A_763 = tpu.memref_slice %arg8[%dma_start3A_761, %dma_start3A_762] : memref<800x64xf32, #tpu.memory_space<vmem>> -> memref<96x64xf32, #tpu.memory_space<vmem>>
    %dma_start3A_764 = arith.constant 104 : i32
    %dma_start3A_765 = tpu.memref_slice %arg6[%dma_start3A_760, %dma_start3A_764] : memref<4x200xi32, #tpu.memory_space<vmem>> -> memref<1x96xi32, #tpu.memory_space<vmem>>
    %dma_start3A_766 = tpu.memref_squeeze %dma_start3A_765 : memref<1x96xi32, #tpu.memory_space<vmem>> -> memref<96xi32, #tpu.memory_space<vmem>>
    %dma_start3A_767 = arith.constant 0 : i32
    %dma_start3A_768 = arith.constant 0 : i32
    %dma_start3A_769 = tpu.memref_slice %arg3[%dma_start3A_767, %dma_start3A_768] : memref<1000000x64xf32, #tpu.memory_space<hbm>> -> memref<1000000x64xf32, #tpu.memory_space<hbm>>
    tpu.enqueue_indirect_dma source(%dma_start3A_769 : memref<1000000x64xf32, #tpu.memory_space<hbm>>) target(%dma_start3A_763 : memref<96x64xf32, #tpu.memory_space<vmem>>) offsets(%dma_start3A_766 : memref<96xi32, #tpu.memory_space<vmem>>) semaphore(%arg13 : memref<!tpu.dma_semaphore, #tpu.memory_space<semaphore_mem>>)
    %dma_start3A_770 = arith.constant 1 : i32
    %dma_start3A_771 = arith.constant 200 : i32
    %dma_start3A_772 = arith.constant 0 : i32
    %dma_start3A_773 = tpu.memref_slice %arg8[%dma_start3A_771, %dma_start3A_772] : memref<800x64xf32, #tpu.memory_space<vmem>> -> memref<104x64xf32, #tpu.memory_space<vmem>>
    %dma_start3A_774 = arith.constant 0 : i32
    %dma_start3A_775 = tpu.memref_slice %arg6[%dma_start3A_770, %dma_start3A_774] : memref<4x200xi32, #tpu.memory_space<vmem>> -> memref<1x104xi32, #tpu.memory_space<vmem>>
    %dma_start3A_776 = tpu.memref_squeeze %dma_start3A_775 : memref<1x104xi32, #tpu.memory_space<vmem>> -> memref<104xi32, #tpu.memory_space<vmem>>
    %dma_start3A_777 = arith.constant 0 : i32
    %dma_start3A_778 = arith.constant 0 : i32
    %dma_start3A_779 = tpu.memref_slice %arg3[%dma_start3A_777, %dma_start3A_778] : memref<1000000x64xf32, #tpu.memory_space<hbm>> -> memref<1000000x64xf32, #tpu.memory_space<hbm>>
    tpu.enqueue_indirect_dma source(%dma_start3A_779 : memref<1000000x64xf32, #tpu.memory_space<hbm>>) target(%dma_start3A_773 : memref<104x64xf32, #tpu.memory_space<vmem>>) offsets(%dma_start3A_776 : memref<104xi32, #tpu.memory_space<vmem>>) semaphore(%arg13 : memref<!tpu.dma_semaphore, #tpu.memory_space<semaphore_mem>>)
    %dma_start3A_780 = arith.constant 1 : i32
    %dma_start3A_781 = arith.constant 304 : i32
    %dma_start3A_782 = arith.constant 0 : i32
    %dma_start3A_783 = tpu.memref_slice %arg8[%dma_start3A_781, %dma_start3A_782] : memref<800x64xf32, #tpu.memory_space<vmem>> -> memref<96x64xf32, #tpu.memory_space<vmem>>
    %dma_start3A_784 = arith.constant 104 : i32
    %dma_start3A_785 = tpu.memref_slice %arg6[%dma_start3A_780, %dma_start3A_784] : memref<4x200xi32, #tpu.memory_space<vmem>> -> memref<1x96xi32, #tpu.memory_space<vmem>>
    %dma_start3A_786 = tpu.memref_squeeze %dma_start3A_785 : memref<1x96xi32, #tpu.memory_space<vmem>> -> memref<96xi32, #tpu.memory_space<vmem>>
    %dma_start3A_787 = arith.constant 0 : i32
    %dma_start3A_788 = arith.constant 0 : i32
    %dma_start3A_789 = tpu.memref_slice %arg3[%dma_start3A_787, %dma_start3A_788] : memref<1000000x64xf32, #tpu.memory_space<hbm>> -> memref<1000000x64xf32, #tpu.memory_space<hbm>>
    tpu.enqueue_indirect_dma source(%dma_start3A_789 : memref<1000000x64xf32, #tpu.memory_space<hbm>>) target(%dma_start3A_783 : memref<96x64xf32, #tpu.memory_space<vmem>>) offsets(%dma_start3A_786 : memref<96xi32, #tpu.memory_space<vmem>>) semaphore(%arg13 : memref<!tpu.dma_semaphore, #tpu.memory_space<semaphore_mem>>)
    %dma_start3A_790 = arith.constant 2 : i32
    %dma_start3A_791 = arith.constant 400 : i32
    %dma_start3A_792 = arith.constant 0 : i32
    %dma_start3A_793 = tpu.memref_slice %arg8[%dma_start3A_791, %dma_start3A_792] : memref<800x64xf32, #tpu.memory_space<vmem>> -> memref<104x64xf32, #tpu.memory_space<vmem>>
    %dma_start3A_794 = arith.constant 0 : i32
    %dma_start3A_795 = tpu.memref_slice %arg6[%dma_start3A_790, %dma_start3A_794] : memref<4x200xi32, #tpu.memory_space<vmem>> -> memref<1x104xi32, #tpu.memory_space<vmem>>
    %dma_start3A_796 = tpu.memref_squeeze %dma_start3A_795 : memref<1x104xi32, #tpu.memory_space<vmem>> -> memref<104xi32, #tpu.memory_space<vmem>>
    %dma_start3A_797 = arith.constant 0 : i32
    %dma_start3A_798 = arith.constant 0 : i32
    %dma_start3A_799 = tpu.memref_slice %arg3[%dma_start3A_797, %dma_start3A_798] : memref<1000000x64xf32, #tpu.memory_space<hbm>> -> memref<1000000x64xf32, #tpu.memory_space<hbm>>
    tpu.enqueue_indirect_dma source(%dma_start3A_799 : memref<1000000x64xf32, #tpu.memory_space<hbm>>) target(%dma_start3A_793 : memref<104x64xf32, #tpu.memory_space<vmem>>) offsets(%dma_start3A_796 : memref<104xi32, #tpu.memory_space<vmem>>) semaphore(%arg13 : memref<!tpu.dma_semaphore, #tpu.memory_space<semaphore_mem>>)
    %dma_start3A_800 = arith.constant 2 : i32
    %dma_start3A_801 = arith.constant 504 : i32
    %dma_start3A_802 = arith.constant 0 : i32
    %dma_start3A_803 = tpu.memref_slice %arg8[%dma_start3A_801, %dma_start3A_802] : memref<800x64xf32, #tpu.memory_space<vmem>> -> memref<96x64xf32, #tpu.memory_space<vmem>>
    %dma_start3A_804 = arith.constant 104 : i32
    %dma_start3A_805 = tpu.memref_slice %arg6[%dma_start3A_800, %dma_start3A_804] : memref<4x200xi32, #tpu.memory_space<vmem>> -> memref<1x96xi32, #tpu.memory_space<vmem>>
    %dma_start3A_806 = tpu.memref_squeeze %dma_start3A_805 : memref<1x96xi32, #tpu.memory_space<vmem>> -> memref<96xi32, #tpu.memory_space<vmem>>
    %dma_start3A_807 = arith.constant 0 : i32
    %dma_start3A_808 = arith.constant 0 : i32
    %dma_start3A_809 = tpu.memref_slice %arg3[%dma_start3A_807, %dma_start3A_808] : memref<1000000x64xf32, #tpu.memory_space<hbm>> -> memref<1000000x64xf32, #tpu.memory_space<hbm>>
    tpu.enqueue_indirect_dma source(%dma_start3A_809 : memref<1000000x64xf32, #tpu.memory_space<hbm>>) target(%dma_start3A_803 : memref<96x64xf32, #tpu.memory_space<vmem>>) offsets(%dma_start3A_806 : memref<96xi32, #tpu.memory_space<vmem>>) semaphore(%arg13 : memref<!tpu.dma_semaphore, #tpu.memory_space<semaphore_mem>>)
    %dma_start3A_810 = arith.constant 3 : i32
    %dma_start3A_811 = arith.constant 600 : i32
    %dma_start3A_812 = arith.constant 0 : i32
    %dma_start3A_813 = tpu.memref_slice %arg8[%dma_start3A_811, %dma_start3A_812] : memref<800x64xf32, #tpu.memory_space<vmem>> -> memref<104x64xf32, #tpu.memory_space<vmem>>
    %dma_start3A_814 = arith.constant 0 : i32
    %dma_start3A_815 = tpu.memref_slice %arg6[%dma_start3A_810, %dma_start3A_814] : memref<4x200xi32, #tpu.memory_space<vmem>> -> memref<1x104xi32, #tpu.memory_space<vmem>>
    %dma_start3A_816 = tpu.memref_squeeze %dma_start3A_815 : memref<1x104xi32, #tpu.memory_space<vmem>> -> memref<104xi32, #tpu.memory_space<vmem>>
    %dma_start3A_817 = arith.constant 0 : i32
    %dma_start3A_818 = arith.constant 0 : i32
    %dma_start3A_819 = tpu.memref_slice %arg3[%dma_start3A_817, %dma_start3A_818] : memref<1000000x64xf32, #tpu.memory_space<hbm>> -> memref<1000000x64xf32, #tpu.memory_space<hbm>>
    tpu.enqueue_indirect_dma source(%dma_start3A_819 : memref<1000000x64xf32, #tpu.memory_space<hbm>>) target(%dma_start3A_813 : memref<104x64xf32, #tpu.memory_space<vmem>>) offsets(%dma_start3A_816 : memref<104xi32, #tpu.memory_space<vmem>>) semaphore(%arg13 : memref<!tpu.dma_semaphore, #tpu.memory_space<semaphore_mem>>)
    %dma_start3A_820 = arith.constant 3 : i32
    %dma_start3A_821 = arith.constant 704 : i32
    %dma_start3A_822 = arith.constant 0 : i32
    %dma_start3A_823 = tpu.memref_slice %arg8[%dma_start3A_821, %dma_start3A_822] : memref<800x64xf32, #tpu.memory_space<vmem>> -> memref<96x64xf32, #tpu.memory_space<vmem>>
    %dma_start3A_824 = arith.constant 104 : i32
    %dma_start3A_825 = tpu.memref_slice %arg6[%dma_start3A_820, %dma_start3A_824] : memref<4x200xi32, #tpu.memory_space<vmem>> -> memref<1x96xi32, #tpu.memory_space<vmem>>
    %dma_start3A_826 = tpu.memref_squeeze %dma_start3A_825 : memref<1x96xi32, #tpu.memory_space<vmem>> -> memref<96xi32, #tpu.memory_space<vmem>>
    %dma_start3A_827 = arith.constant 0 : i32
    %dma_start3A_828 = arith.constant 0 : i32
    %dma_start3A_829 = tpu.memref_slice %arg3[%dma_start3A_827, %dma_start3A_828] : memref<1000000x64xf32, #tpu.memory_space<hbm>> -> memref<1000000x64xf32, #tpu.memory_space<hbm>>
    tpu.enqueue_indirect_dma source(%dma_start3A_829 : memref<1000000x64xf32, #tpu.memory_space<hbm>>) target(%dma_start3A_823 : memref<96x64xf32, #tpu.memory_space<vmem>>) offsets(%dma_start3A_826 : memref<96xi32, #tpu.memory_space<vmem>>) semaphore(%arg13 : memref<!tpu.dma_semaphore, #tpu.memory_space<semaphore_mem>>)
    %add3A_830 = arith.constant 20 : i32
    %add3A_831 = arith.addi %mul3A_2, %add3A_830 : i32
    %dma_start3A_832 = arith.constant 0 : i32
    %dma_start3A_833 = tpu.memref_slice %arg2[%add3A_831, %dma_start3A_832] : memref<1024x200xi32, #tpu.memory_space<hbm>> -> memref<4x200xi32, #tpu.memory_space<hbm>>
    %dma_start3A_834 = arith.constant 0 : i32
    %dma_start3A_835 = tpu.memref_slice %arg2[%add3A_831, %dma_start3A_834] : memref<1024x200xi32, #tpu.memory_space<hbm>> -> memref<4x200xi32, #tpu.memory_space<hbm>>
    tpu.enqueue_dma source(%dma_start3A_835 : memref<4x200xi32, #tpu.memory_space<hbm>>) target(%arg7 : memref<4x200xi32, #tpu.memory_space<vmem>>) target_semaphore(%arg12 : memref<!tpu.dma_semaphore, #tpu.memory_space<semaphore_mem>>)
    %scan3A_836 = arith.constant 0 : i32
    %scan3A_837 = arith.constant 0 : i32
    %scan3A_838 = arith.constant 200 : i32
    %scan3A_839 = arith.addi %scan3A_837, %scan3A_838 : i32
    %scan3A_840 = arith.constant 1 : i32
    scf.for %scan3A_1520 = %scan3A_837 to %scan3A_839 step %scan3A_840  : i32 {
      %get3A = arith.index_cast %scan3A_1520 : i32 to index
      %get3A_1521 = arith.constant 0 : index
      %get3A_1522 = tpu.vector_load %arg10[%get3A, %get3A_1521] {strides = array<i32>} : memref<200x64xf32, #tpu.memory_space<vmem>>, vector<1x16xf32>,
      %get3A_1523 = vector.shape_cast %get3A_1522 : vector<1x16xf32> to vector<16xf32>
      %add3A_1524 = arith.constant 0 : i32
      %add3A_1525 = arith.addi %add3A_1524, %scan3A_1520 : i32
      %swap3A = arith.index_cast %add3A_1525 : i32 to index
      %swap3A_1526 = arith.constant 0 : index
      %swap3A_1527 = tpu.vector_load %arg9[%swap3A, %swap3A_1526] {strides = array<i32>} : memref<800x64xf32, #tpu.memory_space<vmem>>, vector<1x16xf32>,
      %swap3A_1528 = vector.shape_cast %swap3A_1527 : vector<1x16xf32> to vector<16xf32>
      %swap3A_1529 = vector.shape_cast %get3A_1523 : vector<16xf32> to vector<1x16xf32>
      tpu.vector_store %arg9[%swap3A, %swap3A_1526], %swap3A_1529 {add = true, strides = array<i32>} : memref<800x64xf32, #tpu.memory_space<vmem>>, vector<1x16xf32>,
      %add3A_1530 = arith.constant 200 : i32
      %add3A_1531 = arith.addi %add3A_1530, %scan3A_1520 : i32
      %swap3A_1532 = arith.index_cast %add3A_1531 : i32 to index
      %swap3A_1533 = arith.constant 0 : index
      %swap3A_1534 = tpu.vector_load %arg9[%swap3A_1532, %swap3A_1533] {strides = array<i32>} : memref<800x64xf32, #tpu.memory_space<vmem>>, vector<1x16xf32>,
      %swap3A_1535 = vector.shape_cast %swap3A_1534 : vector<1x16xf32> to vector<16xf32>
      %swap3A_1536 = vector.shape_cast %get3A_1523 : vector<16xf32> to vector<1x16xf32>
      tpu.vector_store %arg9[%swap3A_1532, %swap3A_1533], %swap3A_1536 {add = true, strides = array<i32>} : memref<800x64xf32, #tpu.memory_space<vmem>>, vector<1x16xf32>,
      %add3A_1537 = arith.constant 400 : i32
      %add3A_1538 = arith.addi %add3A_1537, %scan3A_1520 : i32
      %swap3A_1539 = arith.index_cast %add3A_1538 : i32 to index
      %swap3A_1540 = arith.constant 0 : index
      %swap3A_1541 = tpu.vector_load %arg9[%swap3A_1539, %swap3A_1540] {strides = array<i32>} : memref<800x64xf32, #tpu.memory_space<vmem>>, vector<1x16xf32>,
      %swap3A_1542 = vector.shape_cast %swap3A_1541 : vector<1x16xf32> to vector<16xf32>
      %swap3A_1543 = vector.shape_cast %get3A_1523 : vector<16xf32> to vector<1x16xf32>
      tpu.vector_store %arg9[%swap3A_1539, %swap3A_1540], %swap3A_1543 {add = true, strides = array<i32>} : memref<800x64xf32, #tpu.memory_space<vmem>>, vector<1x16xf32>,
      %add3A_1544 = arith.constant 600 : i32
      %add3A_1545 = arith.addi %add3A_1544, %scan3A_1520 : i32
      %swap3A_1546 = arith.index_cast %add3A_1545 : i32 to index
      %swap3A_1547 = arith.constant 0 : index
      %swap3A_1548 = tpu.vector_load %arg9[%swap3A_1546, %swap3A_1547] {strides = array<i32>} : memref<800x64xf32, #tpu.memory_space<vmem>>, vector<1x16xf32>,
      %swap3A_1549 = vector.shape_cast %swap3A_1548 : vector<1x16xf32> to vector<16xf32>
      %swap3A_1550 = vector.shape_cast %get3A_1523 : vector<16xf32> to vector<1x16xf32>
      tpu.vector_store %arg9[%swap3A_1546, %swap3A_1547], %swap3A_1550 {add = true, strides = array<i32>} : memref<800x64xf32, #tpu.memory_space<vmem>>, vector<1x16xf32>,
      %get3A_1551 = arith.index_cast %scan3A_1520 : i32 to index
      %get3A_1552 = arith.constant 16 : index
      %get3A_1553 = tpu.vector_load %arg10[%get3A_1551, %get3A_1552] {strides = array<i32>} : memref<200x64xf32, #tpu.memory_space<vmem>>, vector<1x16xf32>,
      %get3A_1554 = vector.shape_cast %get3A_1553 : vector<1x16xf32> to vector<16xf32>
      %add3A_1555 = arith.constant 0 : i32
      %add3A_1556 = arith.addi %add3A_1555, %scan3A_1520 : i32
      %swap3A_1557 = arith.index_cast %add3A_1556 : i32 to index
      %swap3A_1558 = arith.constant 16 : index
      %swap3A_1559 = tpu.vector_load %arg9[%swap3A_1557, %swap3A_1558] {strides = array<i32>} : memref<800x64xf32, #tpu.memory_space<vmem>>, vector<1x16xf32>,
      %swap3A_1560 = vector.shape_cast %swap3A_1559 : vector<1x16xf32> to vector<16xf32>
      %swap3A_1561 = vector.shape_cast %get3A_1554 : vector<16xf32> to vector<1x16xf32>
      tpu.vector_store %arg9[%swap3A_1557, %swap3A_1558], %swap3A_1561 {add = true, strides = array<i32>} : memref<800x64xf32, #tpu.memory_space<vmem>>, vector<1x16xf32>,
      %add3A_1562 = arith.constant 200 : i32
      %add3A_1563 = arith.addi %add3A_1562, %scan3A_1520 : i32
      %swap3A_1564 = arith.index_cast %add3A_1563 : i32 to index
      %swap3A_1565 = arith.constant 16 : index
      %swap3A_1566 = tpu.vector_load %arg9[%swap3A_1564, %swap3A_1565] {strides = array<i32>} : memref<800x64xf32, #tpu.memory_space<vmem>>, vector<1x16xf32>,
      %swap3A_1567 = vector.shape_cast %swap3A_1566 : vector<1x16xf32> to vector<16xf32>
      %swap3A_1568 = vector.shape_cast %get3A_1554 : vector<16xf32> to vector<1x16xf32>
      tpu.vector_store %arg9[%swap3A_1564, %swap3A_1565], %swap3A_1568 {add = true, strides = array<i32>} : memref<800x64xf32, #tpu.memory_space<vmem>>, vector<1x16xf32>,
      %add3A_1569 = arith.constant 400 : i32
      %add3A_1570 = arith.addi %add3A_1569, %scan3A_1520 : i32
      %swap3A_1571 = arith.index_cast %add3A_1570 : i32 to index
      %swap3A_1572 = arith.constant 16 : index
      %swap3A_1573 = tpu.vector_load %arg9[%swap3A_1571, %swap3A_1572] {strides = array<i32>} : memref<800x64xf32, #tpu.memory_space<vmem>>, vector<1x16xf32>,
      %swap3A_1574 = vector.shape_cast %swap3A_1573 : vector<1x16xf32> to vector<16xf32>
      %swap3A_1575 = vector.shape_cast %get3A_1554 : vector<16xf32> to vector<1x16xf32>
      tpu.vector_store %arg9[%swap3A_1571, %swap3A_1572], %swap3A_1575 {add = true, strides = array<i32>} : memref<800x64xf32, #tpu.memory_space<vmem>>, vector<1x16xf32>,
      %add3A_1576 = arith.constant 600 : i32
      %add3A_1577 = arith.addi %add3A_1576, %scan3A_1520 : i32
      %swap3A_1578 = arith.index_cast %add3A_1577 : i32 to index
      %swap3A_1579 = arith.constant 16 : index
      %swap3A_1580 = tpu.vector_load %arg9[%swap3A_1578, %swap3A_1579] {strides = array<i32>} : memref<800x64xf32, #tpu.memory_space<vmem>>, vector<1x16xf32>,
      %swap3A_1581 = vector.shape_cast %swap3A_1580 : vector<1x16xf32> to vector<16xf32>
      %swap3A_1582 = vector.shape_cast %get3A_1554 : vector<16xf32> to vector<1x16xf32>
      tpu.vector_store %arg9[%swap3A_1578, %swap3A_1579], %swap3A_1582 {add = true, strides = array<i32>} : memref<800x64xf32, #tpu.memory_space<vmem>>, vector<1x16xf32>,
      %get3A_1583 = arith.index_cast %scan3A_1520 : i32 to index
      %get3A_1584 = arith.constant 32 : index
      %get3A_1585 = tpu.vector_load %arg10[%get3A_1583, %get3A_1584] {strides = array<i32>} : memref<200x64xf32, #tpu.memory_space<vmem>>, vector<1x16xf32>,
      %get3A_1586 = vector.shape_cast %get3A_1585 : vector<1x16xf32> to vector<16xf32>
      %add3A_1587 = arith.constant 0 : i32
      %add3A_1588 = arith.addi %add3A_1587, %scan3A_1520 : i32
      %swap3A_1589 = arith.index_cast %add3A_1588 : i32 to index
      %swap3A_1590 = arith.constant 32 : index
      %swap3A_1591 = tpu.vector_load %arg9[%swap3A_1589, %swap3A_1590] {strides = array<i32>} : memref<800x64xf32, #tpu.memory_space<vmem>>, vector<1x16xf32>,
      %swap3A_1592 = vector.shape_cast %swap3A_1591 : vector<1x16xf32> to vector<16xf32>
      %swap3A_1593 = vector.shape_cast %get3A_1586 : vector<16xf32> to vector<1x16xf32>
      tpu.vector_store %arg9[%swap3A_1589, %swap3A_1590], %swap3A_1593 {add = true, strides = array<i32>} : memref<800x64xf32, #tpu.memory_space<vmem>>, vector<1x16xf32>,
      %add3A_1594 = arith.constant 200 : i32
      %add3A_1595 = arith.addi %add3A_1594, %scan3A_1520 : i32
      %swap3A_1596 = arith.index_cast %add3A_1595 : i32 to index
      %swap3A_1597 = arith.constant 32 : index
      %swap3A_1598 = tpu.vector_load %arg9[%swap3A_1596, %swap3A_1597] {strides = array<i32>} : memref<800x64xf32, #tpu.memory_space<vmem>>, vector<1x16xf32>,
      %swap3A_1599 = vector.shape_cast %swap3A_1598 : vector<1x16xf32> to vector<16xf32>
      %swap3A_1600 = vector.shape_cast %get3A_1586 : vector<16xf32> to vector<1x16xf32>
      tpu.vector_store %arg9[%swap3A_1596, %swap3A_1597], %swap3A_1600 {add = true, strides = array<i32>} : memref<800x64xf32, #tpu.memory_space<vmem>>, vector<1x16xf32>,
      %add3A_1601 = arith.constant 400 : i32
      %add3A_1602 = arith.addi %add3A_1601, %scan3A_1520 : i32
      %swap3A_1603 = arith.index_cast %add3A_1602 : i32 to index
      %swap3A_1604 = arith.constant 32 : index
      %swap3A_1605 = tpu.vector_load %arg9[%swap3A_1603, %swap3A_1604] {strides = array<i32>} : memref<800x64xf32, #tpu.memory_space<vmem>>, vector<1x16xf32>,
      %swap3A_1606 = vector.shape_cast %swap3A_1605 : vector<1x16xf32> to vector<16xf32>
      %swap3A_1607 = vector.shape_cast %get3A_1586 : vector<16xf32> to vector<1x16xf32>
      tpu.vector_store %arg9[%swap3A_1603, %swap3A_1604], %swap3A_1607 {add = true, strides = array<i32>} : memref<800x64xf32, #tpu.memory_space<vmem>>, vector<1x16xf32>,
      %add3A_1608 = arith.constant 600 : i32
      %add3A_1609 = arith.addi %add3A_1608, %scan3A_1520 : i32
      %swap3A_1610 = arith.index_cast %add3A_1609 : i32 to index
      %swap3A_1611 = arith.constant 32 : index
      %swap3A_1612 = tpu.vector_load %arg9[%swap3A_1610, %swap3A_1611] {strides = array<i32>} : memref<800x64xf32, #tpu.memory_space<vmem>>, vector<1x16xf32>,
      %swap3A_1613 = vector.shape_cast %swap3A_1612 : vector<1x16xf32> to vector<16xf32>
      %swap3A_1614 = vector.shape_cast %get3A_1586 : vector<16xf32> to vector<1x16xf32>
      tpu.vector_store %arg9[%swap3A_1610, %swap3A_1611], %swap3A_1614 {add = true, strides = array<i32>} : memref<800x64xf32, #tpu.memory_space<vmem>>, vector<1x16xf32>,
      %get3A_1615 = arith.index_cast %scan3A_1520 : i32 to index
      %get3A_1616 = arith.constant 48 : index
      %get3A_1617 = tpu.vector_load %arg10[%get3A_1615, %get3A_1616] {strides = array<i32>} : memref<200x64xf32, #tpu.memory_space<vmem>>, vector<1x16xf32>,
      %get3A_1618 = vector.shape_cast %get3A_1617 : vector<1x16xf32> to vector<16xf32>
      %add3A_1619 = arith.constant 0 : i32
      %add3A_1620 = arith.addi %add3A_1619, %scan3A_1520 : i32
      %swap3A_1621 = arith.index_cast %add3A_1620 : i32 to index
      %swap3A_1622 = arith.constant 48 : index
      %swap3A_1623 = tpu.vector_load %arg9[%swap3A_1621, %swap3A_1622] {strides = array<i32>} : memref<800x64xf32, #tpu.memory_space<vmem>>, vector<1x16xf32>,
      %swap3A_1624 = vector.shape_cast %swap3A_1623 : vector<1x16xf32> to vector<16xf32>
      %swap3A_1625 = vector.shape_cast %get3A_1618 : vector<16xf32> to vector<1x16xf32>
      tpu.vector_store %arg9[%swap3A_1621, %swap3A_1622], %swap3A_1625 {add = true, strides = array<i32>} : memref<800x64xf32, #tpu.memory_space<vmem>>, vector<1x16xf32>,
      %add3A_1626 = arith.constant 200 : i32
      %add3A_1627 = arith.addi %add3A_1626, %scan3A_1520 : i32
      %swap3A_1628 = arith.index_cast %add3A_1627 : i32 to index
      %swap3A_1629 = arith.constant 48 : index
      %swap3A_1630 = tpu.vector_load %arg9[%swap3A_1628, %swap3A_1629] {strides = array<i32>} : memref<800x64xf32, #tpu.memory_space<vmem>>, vector<1x16xf32>,
      %swap3A_1631 = vector.shape_cast %swap3A_1630 : vector<1x16xf32> to vector<16xf32>
      %swap3A_1632 = vector.shape_cast %get3A_1618 : vector<16xf32> to vector<1x16xf32>
      tpu.vector_store %arg9[%swap3A_1628, %swap3A_1629], %swap3A_1632 {add = true, strides = array<i32>} : memref<800x64xf32, #tpu.memory_space<vmem>>, vector<1x16xf32>,
      %add3A_1633 = arith.constant 400 : i32
      %add3A_1634 = arith.addi %add3A_1633, %scan3A_1520 : i32
      %swap3A_1635 = arith.index_cast %add3A_1634 : i32 to index
      %swap3A_1636 = arith.constant 48 : index
      %swap3A_1637 = tpu.vector_load %arg9[%swap3A_1635, %swap3A_1636] {strides = array<i32>} : memref<800x64xf32, #tpu.memory_space<vmem>>, vector<1x16xf32>,
      %swap3A_1638 = vector.shape_cast %swap3A_1637 : vector<1x16xf32> to vector<16xf32>
      %swap3A_1639 = vector.shape_cast %get3A_1618 : vector<16xf32> to vector<1x16xf32>
      tpu.vector_store %arg9[%swap3A_1635, %swap3A_1636], %swap3A_1639 {add = true, strides = array<i32>} : memref<800x64xf32, #tpu.memory_space<vmem>>, vector<1x16xf32>,
      %add3A_1640 = arith.constant 600 : i32
      %add3A_1641 = arith.addi %add3A_1640, %scan3A_1520 : i32
      %swap3A_1642 = arith.index_cast %add3A_1641 : i32 to index
      %swap3A_1643 = arith.constant 48 : index
      %swap3A_1644 = tpu.vector_load %arg9[%swap3A_1642, %swap3A_1643] {strides = array<i32>} : memref<800x64xf32, #tpu.memory_space<vmem>>, vector<1x16xf32>,
      %swap3A_1645 = vector.shape_cast %swap3A_1644 : vector<1x16xf32> to vector<16xf32>
      %swap3A_1646 = vector.shape_cast %get3A_1618 : vector<16xf32> to vector<1x16xf32>
      tpu.vector_store %arg9[%swap3A_1642, %swap3A_1643], %swap3A_1646 {add = true, strides = array<i32>} : memref<800x64xf32, #tpu.memory_space<vmem>>, vector<1x16xf32>,
    }
    %scan3A_841 = arith.constant 200 : i32
    %mul3A_842 = arith.constant 8 : i32
    %mul3A_843 = arith.muli %add3A, %mul3A_842 : i32
    %add3A_844 = arith.constant 3 : i32
    %add3A_845 = arith.addi %mul3A_843, %add3A_844 : i32
    %mul3A_846 = arith.constant 800 : i32
    %mul3A_847 = arith.muli %add3A_845, %mul3A_846 : i32
    %dma_start3A_848 = arith.constant 0 : i32
    %dma_start3A_849 = tpu.memref_slice %arg5[%mul3A_847, %dma_start3A_848] : memref<204800x64xf32, #tpu.memory_space<hbm>> -> memref<800x64xf32, #tpu.memory_space<hbm>>
    %dma_start3A_850 = arith.constant 0 : i32
    %dma_start3A_851 = tpu.memref_slice %arg5[%mul3A_847, %dma_start3A_850] : memref<204800x64xf32, #tpu.memory_space<hbm>> -> memref<800x64xf32, #tpu.memory_space<hbm>>
    tpu.enqueue_dma source(%arg9 : memref<800x64xf32, #tpu.memory_space<vmem>>) target(%dma_start3A_851 : memref<800x64xf32, #tpu.memory_space<hbm>>) target_semaphore(%arg16 : memref<!tpu.dma_semaphore, #tpu.memory_space<semaphore_mem>>)
    %dma_wait3A_852 = arith.constant 0 : i32
    %dma_wait3A_853 = arith.constant 0 : i32
    %dma_wait3A_854 = arith.constant 0 : i32
    %dma_wait3A_855 = tpu.memref_slice %arg8[%dma_wait3A_853, %dma_wait3A_854] : memref<800x64xf32, #tpu.memory_space<vmem>> -> memref<104x64xf32, #tpu.memory_space<vmem>>
    %dma_wait3A_856 = arith.constant 0 : i32
    %dma_wait3A_857 = tpu.memref_slice %arg6[%dma_wait3A_852, %dma_wait3A_856] : memref<4x200xi32, #tpu.memory_space<vmem>> -> memref<1x104xi32, #tpu.memory_space<vmem>>
    %dma_wait3A_858 = tpu.memref_squeeze %dma_wait3A_857 : memref<1x104xi32, #tpu.memory_space<vmem>> -> memref<104xi32, #tpu.memory_space<vmem>>
    %dma_wait3A_859 = arith.constant 0 : i32
    %dma_wait3A_860 = arith.constant 0 : i32
    %dma_wait3A_861 = tpu.memref_slice %arg3[%dma_wait3A_859, %dma_wait3A_860] : memref<1000000x64xf32, #tpu.memory_space<hbm>> -> memref<1000000x64xf32, #tpu.memory_space<hbm>>
    tpu.wait_indirect_dma semaphore(%arg13 : memref<!tpu.dma_semaphore, #tpu.memory_space<semaphore_mem>>) src(%dma_wait3A_861 : memref<1000000x64xf32, #tpu.memory_space<hbm>>) dst(%dma_wait3A_855 : memref<104x64xf32, #tpu.memory_space<vmem>>)
    %dma_wait3A_862 = arith.constant 0 : i32
    %dma_wait3A_863 = arith.constant 104 : i32
    %dma_wait3A_864 = arith.constant 0 : i32
    %dma_wait3A_865 = tpu.memref_slice %arg8[%dma_wait3A_863, %dma_wait3A_864] : memref<800x64xf32, #tpu.memory_space<vmem>> -> memref<96x64xf32, #tpu.memory_space<vmem>>
    %dma_wait3A_866 = arith.constant 104 : i32
    %dma_wait3A_867 = tpu.memref_slice %arg6[%dma_wait3A_862, %dma_wait3A_866] : memref<4x200xi32, #tpu.memory_space<vmem>> -> memref<1x96xi32, #tpu.memory_space<vmem>>
    %dma_wait3A_868 = tpu.memref_squeeze %dma_wait3A_867 : memref<1x96xi32, #tpu.memory_space<vmem>> -> memref<96xi32, #tpu.memory_space<vmem>>
    %dma_wait3A_869 = arith.constant 0 : i32
    %dma_wait3A_870 = arith.constant 0 : i32
    %dma_wait3A_871 = tpu.memref_slice %arg3[%dma_wait3A_869, %dma_wait3A_870] : memref<1000000x64xf32, #tpu.memory_space<hbm>> -> memref<1000000x64xf32, #tpu.memory_space<hbm>>
    tpu.wait_indirect_dma semaphore(%arg13 : memref<!tpu.dma_semaphore, #tpu.memory_space<semaphore_mem>>) src(%dma_wait3A_871 : memref<1000000x64xf32, #tpu.memory_space<hbm>>) dst(%dma_wait3A_865 : memref<96x64xf32, #tpu.memory_space<vmem>>)
    %dma_wait3A_872 = arith.constant 1 : i32
    %dma_wait3A_873 = arith.constant 200 : i32
    %dma_wait3A_874 = arith.constant 0 : i32
    %dma_wait3A_875 = tpu.memref_slice %arg8[%dma_wait3A_873, %dma_wait3A_874] : memref<800x64xf32, #tpu.memory_space<vmem>> -> memref<104x64xf32, #tpu.memory_space<vmem>>
    %dma_wait3A_876 = arith.constant 0 : i32
    %dma_wait3A_877 = tpu.memref_slice %arg6[%dma_wait3A_872, %dma_wait3A_876] : memref<4x200xi32, #tpu.memory_space<vmem>> -> memref<1x104xi32, #tpu.memory_space<vmem>>
    %dma_wait3A_878 = tpu.memref_squeeze %dma_wait3A_877 : memref<1x104xi32, #tpu.memory_space<vmem>> -> memref<104xi32, #tpu.memory_space<vmem>>
    %dma_wait3A_879 = arith.constant 0 : i32
    %dma_wait3A_880 = arith.constant 0 : i32
    %dma_wait3A_881 = tpu.memref_slice %arg3[%dma_wait3A_879, %dma_wait3A_880] : memref<1000000x64xf32, #tpu.memory_space<hbm>> -> memref<1000000x64xf32, #tpu.memory_space<hbm>>
    tpu.wait_indirect_dma semaphore(%arg13 : memref<!tpu.dma_semaphore, #tpu.memory_space<semaphore_mem>>) src(%dma_wait3A_881 : memref<1000000x64xf32, #tpu.memory_space<hbm>>) dst(%dma_wait3A_875 : memref<104x64xf32, #tpu.memory_space<vmem>>)
    %dma_wait3A_882 = arith.constant 1 : i32
    %dma_wait3A_883 = arith.constant 304 : i32
    %dma_wait3A_884 = arith.constant 0 : i32
    %dma_wait3A_885 = tpu.memref_slice %arg8[%dma_wait3A_883, %dma_wait3A_884] : memref<800x64xf32, #tpu.memory_space<vmem>> -> memref<96x64xf32, #tpu.memory_space<vmem>>
    %dma_wait3A_886 = arith.constant 104 : i32
    %dma_wait3A_887 = tpu.memref_slice %arg6[%dma_wait3A_882, %dma_wait3A_886] : memref<4x200xi32, #tpu.memory_space<vmem>> -> memref<1x96xi32, #tpu.memory_space<vmem>>
    %dma_wait3A_888 = tpu.memref_squeeze %dma_wait3A_887 : memref<1x96xi32, #tpu.memory_space<vmem>> -> memref<96xi32, #tpu.memory_space<vmem>>
    %dma_wait3A_889 = arith.constant 0 : i32
    %dma_wait3A_890 = arith.constant 0 : i32
    %dma_wait3A_891 = tpu.memref_slice %arg3[%dma_wait3A_889, %dma_wait3A_890] : memref<1000000x64xf32, #tpu.memory_space<hbm>> -> memref<1000000x64xf32, #tpu.memory_space<hbm>>
    tpu.wait_indirect_dma semaphore(%arg13 : memref<!tpu.dma_semaphore, #tpu.memory_space<semaphore_mem>>) src(%dma_wait3A_891 : memref<1000000x64xf32, #tpu.memory_space<hbm>>) dst(%dma_wait3A_885 : memref<96x64xf32, #tpu.memory_space<vmem>>)
    %dma_wait3A_892 = arith.constant 2 : i32
    %dma_wait3A_893 = arith.constant 400 : i32
    %dma_wait3A_894 = arith.constant 0 : i32
    %dma_wait3A_895 = tpu.memref_slice %arg8[%dma_wait3A_893, %dma_wait3A_894] : memref<800x64xf32, #tpu.memory_space<vmem>> -> memref<104x64xf32, #tpu.memory_space<vmem>>
    %dma_wait3A_896 = arith.constant 0 : i32
    %dma_wait3A_897 = tpu.memref_slice %arg6[%dma_wait3A_892, %dma_wait3A_896] : memref<4x200xi32, #tpu.memory_space<vmem>> -> memref<1x104xi32, #tpu.memory_space<vmem>>
    %dma_wait3A_898 = tpu.memref_squeeze %dma_wait3A_897 : memref<1x104xi32, #tpu.memory_space<vmem>> -> memref<104xi32, #tpu.memory_space<vmem>>
    %dma_wait3A_899 = arith.constant 0 : i32
    %dma_wait3A_900 = arith.constant 0 : i32
    %dma_wait3A_901 = tpu.memref_slice %arg3[%dma_wait3A_899, %dma_wait3A_900] : memref<1000000x64xf32, #tpu.memory_space<hbm>> -> memref<1000000x64xf32, #tpu.memory_space<hbm>>
    tpu.wait_indirect_dma semaphore(%arg13 : memref<!tpu.dma_semaphore, #tpu.memory_space<semaphore_mem>>) src(%dma_wait3A_901 : memref<1000000x64xf32, #tpu.memory_space<hbm>>) dst(%dma_wait3A_895 : memref<104x64xf32, #tpu.memory_space<vmem>>)
    %dma_wait3A_902 = arith.constant 2 : i32
    %dma_wait3A_903 = arith.constant 504 : i32
    %dma_wait3A_904 = arith.constant 0 : i32
    %dma_wait3A_905 = tpu.memref_slice %arg8[%dma_wait3A_903, %dma_wait3A_904] : memref<800x64xf32, #tpu.memory_space<vmem>> -> memref<96x64xf32, #tpu.memory_space<vmem>>
    %dma_wait3A_906 = arith.constant 104 : i32
    %dma_wait3A_907 = tpu.memref_slice %arg6[%dma_wait3A_902, %dma_wait3A_906] : memref<4x200xi32, #tpu.memory_space<vmem>> -> memref<1x96xi32, #tpu.memory_space<vmem>>
    %dma_wait3A_908 = tpu.memref_squeeze %dma_wait3A_907 : memref<1x96xi32, #tpu.memory_space<vmem>> -> memref<96xi32, #tpu.memory_space<vmem>>
    %dma_wait3A_909 = arith.constant 0 : i32
    %dma_wait3A_910 = arith.constant 0 : i32
    %dma_wait3A_911 = tpu.memref_slice %arg3[%dma_wait3A_909, %dma_wait3A_910] : memref<1000000x64xf32, #tpu.memory_space<hbm>> -> memref<1000000x64xf32, #tpu.memory_space<hbm>>
    tpu.wait_indirect_dma semaphore(%arg13 : memref<!tpu.dma_semaphore, #tpu.memory_space<semaphore_mem>>) src(%dma_wait3A_911 : memref<1000000x64xf32, #tpu.memory_space<hbm>>) dst(%dma_wait3A_905 : memref<96x64xf32, #tpu.memory_space<vmem>>)
    %dma_wait3A_912 = arith.constant 3 : i32
    %dma_wait3A_913 = arith.constant 600 : i32
    %dma_wait3A_914 = arith.constant 0 : i32
    %dma_wait3A_915 = tpu.memref_slice %arg8[%dma_wait3A_913, %dma_wait3A_914] : memref<800x64xf32, #tpu.memory_space<vmem>> -> memref<104x64xf32, #tpu.memory_space<vmem>>
    %dma_wait3A_916 = arith.constant 0 : i32
    %dma_wait3A_917 = tpu.memref_slice %arg6[%dma_wait3A_912, %dma_wait3A_916] : memref<4x200xi32, #tpu.memory_space<vmem>> -> memref<1x104xi32, #tpu.memory_space<vmem>>
    %dma_wait3A_918 = tpu.memref_squeeze %dma_wait3A_917 : memref<1x104xi32, #tpu.memory_space<vmem>> -> memref<104xi32, #tpu.memory_space<vmem>>
    %dma_wait3A_919 = arith.constant 0 : i32
    %dma_wait3A_920 = arith.constant 0 : i32
    %dma_wait3A_921 = tpu.memref_slice %arg3[%dma_wait3A_919, %dma_wait3A_920] : memref<1000000x64xf32, #tpu.memory_space<hbm>> -> memref<1000000x64xf32, #tpu.memory_space<hbm>>
    tpu.wait_indirect_dma semaphore(%arg13 : memref<!tpu.dma_semaphore, #tpu.memory_space<semaphore_mem>>) src(%dma_wait3A_921 : memref<1000000x64xf32, #tpu.memory_space<hbm>>) dst(%dma_wait3A_915 : memref<104x64xf32, #tpu.memory_space<vmem>>)
    %dma_wait3A_922 = arith.constant 3 : i32
    %dma_wait3A_923 = arith.constant 704 : i32
    %dma_wait3A_924 = arith.constant 0 : i32
    %dma_wait3A_925 = tpu.memref_slice %arg8[%dma_wait3A_923, %dma_wait3A_924] : memref<800x64xf32, #tpu.memory_space<vmem>> -> memref<96x64xf32, #tpu.memory_space<vmem>>
    %dma_wait3A_926 = arith.constant 104 : i32
    %dma_wait3A_927 = tpu.memref_slice %arg6[%dma_wait3A_922, %dma_wait3A_926] : memref<4x200xi32, #tpu.memory_space<vmem>> -> memref<1x96xi32, #tpu.memory_space<vmem>>
    %dma_wait3A_928 = tpu.memref_squeeze %dma_wait3A_927 : memref<1x96xi32, #tpu.memory_space<vmem>> -> memref<96xi32, #tpu.memory_space<vmem>>
    %dma_wait3A_929 = arith.constant 0 : i32
    %dma_wait3A_930 = arith.constant 0 : i32
    %dma_wait3A_931 = tpu.memref_slice %arg3[%dma_wait3A_929, %dma_wait3A_930] : memref<1000000x64xf32, #tpu.memory_space<hbm>> -> memref<1000000x64xf32, #tpu.memory_space<hbm>>
    tpu.wait_indirect_dma semaphore(%arg13 : memref<!tpu.dma_semaphore, #tpu.memory_space<semaphore_mem>>) src(%dma_wait3A_931 : memref<1000000x64xf32, #tpu.memory_space<hbm>>) dst(%dma_wait3A_925 : memref<96x64xf32, #tpu.memory_space<vmem>>)
    %dma_wait3A_932 = arith.constant 0 : i32
    %dma_wait3A_933 = tpu.memref_slice %arg5[%mul3A_847, %dma_wait3A_932] : memref<204800x64xf32, #tpu.memory_space<hbm>> -> memref<800x64xf32, #tpu.memory_space<hbm>>
    %dma_wait3A_934 = arith.constant 0 : i32
    %dma_wait3A_935 = tpu.memref_slice %arg5[%mul3A_847, %dma_wait3A_934] : memref<204800x64xf32, #tpu.memory_space<hbm>> -> memref<800x64xf32, #tpu.memory_space<hbm>>
    tpu.wait_dma2 semaphore(%arg16 : memref<!tpu.dma_semaphore, #tpu.memory_space<semaphore_mem>>) src(%arg9 : memref<800x64xf32, #tpu.memory_space<vmem>>) dst(%dma_wait3A_935 : memref<800x64xf32, #tpu.memory_space<hbm>>)
    %dma_wait3A_936 = arith.constant 0 : i32
    %dma_wait3A_937 = tpu.memref_slice %arg2[%add3A_831, %dma_wait3A_936] : memref<1024x200xi32, #tpu.memory_space<hbm>> -> memref<4x200xi32, #tpu.memory_space<hbm>>
    %dma_wait3A_938 = arith.constant 0 : i32
    %dma_wait3A_939 = tpu.memref_slice %arg2[%add3A_831, %dma_wait3A_938] : memref<1024x200xi32, #tpu.memory_space<hbm>> -> memref<4x200xi32, #tpu.memory_space<hbm>>
    tpu.wait_dma2 semaphore(%arg12 : memref<!tpu.dma_semaphore, #tpu.memory_space<semaphore_mem>>) src(%dma_wait3A_939 : memref<4x200xi32, #tpu.memory_space<hbm>>) dst(%arg7 : memref<4x200xi32, #tpu.memory_space<vmem>>)
    %dma_start3A_940 = arith.constant 0 : i32
    %dma_start3A_941 = arith.constant 0 : i32
    %dma_start3A_942 = arith.constant 0 : i32
    %dma_start3A_943 = tpu.memref_slice %arg9[%dma_start3A_941, %dma_start3A_942] : memref<800x64xf32, #tpu.memory_space<vmem>> -> memref<104x64xf32, #tpu.memory_space<vmem>>
    %dma_start3A_944 = arith.constant 0 : i32
    %dma_start3A_945 = tpu.memref_slice %arg7[%dma_start3A_940, %dma_start3A_944] : memref<4x200xi32, #tpu.memory_space<vmem>> -> memref<1x104xi32, #tpu.memory_space<vmem>>
    %dma_start3A_946 = tpu.memref_squeeze %dma_start3A_945 : memref<1x104xi32, #tpu.memory_space<vmem>> -> memref<104xi32, #tpu.memory_space<vmem>>
    %dma_start3A_947 = arith.constant 0 : i32
    %dma_start3A_948 = arith.constant 0 : i32
    %dma_start3A_949 = tpu.memref_slice %arg3[%dma_start3A_947, %dma_start3A_948] : memref<1000000x64xf32, #tpu.memory_space<hbm>> -> memref<1000000x64xf32, #tpu.memory_space<hbm>>
    tpu.enqueue_indirect_dma source(%dma_start3A_949 : memref<1000000x64xf32, #tpu.memory_space<hbm>>) target(%dma_start3A_943 : memref<104x64xf32, #tpu.memory_space<vmem>>) offsets(%dma_start3A_946 : memref<104xi32, #tpu.memory_space<vmem>>) semaphore(%arg14 : memref<!tpu.dma_semaphore, #tpu.memory_space<semaphore_mem>>)
    %dma_start3A_950 = arith.constant 0 : i32
    %dma_start3A_951 = arith.constant 104 : i32
    %dma_start3A_952 = arith.constant 0 : i32
    %dma_start3A_953 = tpu.memref_slice %arg9[%dma_start3A_951, %dma_start3A_952] : memref<800x64xf32, #tpu.memory_space<vmem>> -> memref<96x64xf32, #tpu.memory_space<vmem>>
    %dma_start3A_954 = arith.constant 104 : i32
    %dma_start3A_955 = tpu.memref_slice %arg7[%dma_start3A_950, %dma_start3A_954] : memref<4x200xi32, #tpu.memory_space<vmem>> -> memref<1x96xi32, #tpu.memory_space<vmem>>
    %dma_start3A_956 = tpu.memref_squeeze %dma_start3A_955 : memref<1x96xi32, #tpu.memory_space<vmem>> -> memref<96xi32, #tpu.memory_space<vmem>>
    %dma_start3A_957 = arith.constant 0 : i32
    %dma_start3A_958 = arith.constant 0 : i32
    %dma_start3A_959 = tpu.memref_slice %arg3[%dma_start3A_957, %dma_start3A_958] : memref<1000000x64xf32, #tpu.memory_space<hbm>> -> memref<1000000x64xf32, #tpu.memory_space<hbm>>
    tpu.enqueue_indirect_dma source(%dma_start3A_959 : memref<1000000x64xf32, #tpu.memory_space<hbm>>) target(%dma_start3A_953 : memref<96x64xf32, #tpu.memory_space<vmem>>) offsets(%dma_start3A_956 : memref<96xi32, #tpu.memory_space<vmem>>) semaphore(%arg14 : memref<!tpu.dma_semaphore, #tpu.memory_space<semaphore_mem>>)
    %dma_start3A_960 = arith.constant 1 : i32
    %dma_start3A_961 = arith.constant 200 : i32
    %dma_start3A_962 = arith.constant 0 : i32
    %dma_start3A_963 = tpu.memref_slice %arg9[%dma_start3A_961, %dma_start3A_962] : memref<800x64xf32, #tpu.memory_space<vmem>> -> memref<104x64xf32, #tpu.memory_space<vmem>>
    %dma_start3A_964 = arith.constant 0 : i32
    %dma_start3A_965 = tpu.memref_slice %arg7[%dma_start3A_960, %dma_start3A_964] : memref<4x200xi32, #tpu.memory_space<vmem>> -> memref<1x104xi32, #tpu.memory_space<vmem>>
    %dma_start3A_966 = tpu.memref_squeeze %dma_start3A_965 : memref<1x104xi32, #tpu.memory_space<vmem>> -> memref<104xi32, #tpu.memory_space<vmem>>
    %dma_start3A_967 = arith.constant 0 : i32
    %dma_start3A_968 = arith.constant 0 : i32
    %dma_start3A_969 = tpu.memref_slice %arg3[%dma_start3A_967, %dma_start3A_968] : memref<1000000x64xf32, #tpu.memory_space<hbm>> -> memref<1000000x64xf32, #tpu.memory_space<hbm>>
    tpu.enqueue_indirect_dma source(%dma_start3A_969 : memref<1000000x64xf32, #tpu.memory_space<hbm>>) target(%dma_start3A_963 : memref<104x64xf32, #tpu.memory_space<vmem>>) offsets(%dma_start3A_966 : memref<104xi32, #tpu.memory_space<vmem>>) semaphore(%arg14 : memref<!tpu.dma_semaphore, #tpu.memory_space<semaphore_mem>>)
    %dma_start3A_970 = arith.constant 1 : i32
    %dma_start3A_971 = arith.constant 304 : i32
    %dma_start3A_972 = arith.constant 0 : i32
    %dma_start3A_973 = tpu.memref_slice %arg9[%dma_start3A_971, %dma_start3A_972] : memref<800x64xf32, #tpu.memory_space<vmem>> -> memref<96x64xf32, #tpu.memory_space<vmem>>
    %dma_start3A_974 = arith.constant 104 : i32
    %dma_start3A_975 = tpu.memref_slice %arg7[%dma_start3A_970, %dma_start3A_974] : memref<4x200xi32, #tpu.memory_space<vmem>> -> memref<1x96xi32, #tpu.memory_space<vmem>>
    %dma_start3A_976 = tpu.memref_squeeze %dma_start3A_975 : memref<1x96xi32, #tpu.memory_space<vmem>> -> memref<96xi32, #tpu.memory_space<vmem>>
    %dma_start3A_977 = arith.constant 0 : i32
    %dma_start3A_978 = arith.constant 0 : i32
    %dma_start3A_979 = tpu.memref_slice %arg3[%dma_start3A_977, %dma_start3A_978] : memref<1000000x64xf32, #tpu.memory_space<hbm>> -> memref<1000000x64xf32, #tpu.memory_space<hbm>>
    tpu.enqueue_indirect_dma source(%dma_start3A_979 : memref<1000000x64xf32, #tpu.memory_space<hbm>>) target(%dma_start3A_973 : memref<96x64xf32, #tpu.memory_space<vmem>>) offsets(%dma_start3A_976 : memref<96xi32, #tpu.memory_space<vmem>>) semaphore(%arg14 : memref<!tpu.dma_semaphore, #tpu.memory_space<semaphore_mem>>)
    %dma_start3A_980 = arith.constant 2 : i32
    %dma_start3A_981 = arith.constant 400 : i32
    %dma_start3A_982 = arith.constant 0 : i32
    %dma_start3A_983 = tpu.memref_slice %arg9[%dma_start3A_981, %dma_start3A_982] : memref<800x64xf32, #tpu.memory_space<vmem>> -> memref<104x64xf32, #tpu.memory_space<vmem>>
    %dma_start3A_984 = arith.constant 0 : i32
    %dma_start3A_985 = tpu.memref_slice %arg7[%dma_start3A_980, %dma_start3A_984] : memref<4x200xi32, #tpu.memory_space<vmem>> -> memref<1x104xi32, #tpu.memory_space<vmem>>
    %dma_start3A_986 = tpu.memref_squeeze %dma_start3A_985 : memref<1x104xi32, #tpu.memory_space<vmem>> -> memref<104xi32, #tpu.memory_space<vmem>>
    %dma_start3A_987 = arith.constant 0 : i32
    %dma_start3A_988 = arith.constant 0 : i32
    %dma_start3A_989 = tpu.memref_slice %arg3[%dma_start3A_987, %dma_start3A_988] : memref<1000000x64xf32, #tpu.memory_space<hbm>> -> memref<1000000x64xf32, #tpu.memory_space<hbm>>
    tpu.enqueue_indirect_dma source(%dma_start3A_989 : memref<1000000x64xf32, #tpu.memory_space<hbm>>) target(%dma_start3A_983 : memref<104x64xf32, #tpu.memory_space<vmem>>) offsets(%dma_start3A_986 : memref<104xi32, #tpu.memory_space<vmem>>) semaphore(%arg14 : memref<!tpu.dma_semaphore, #tpu.memory_space<semaphore_mem>>)
    %dma_start3A_990 = arith.constant 2 : i32
    %dma_start3A_991 = arith.constant 504 : i32
    %dma_start3A_992 = arith.constant 0 : i32
    %dma_start3A_993 = tpu.memref_slice %arg9[%dma_start3A_991, %dma_start3A_992] : memref<800x64xf32, #tpu.memory_space<vmem>> -> memref<96x64xf32, #tpu.memory_space<vmem>>
    %dma_start3A_994 = arith.constant 104 : i32
    %dma_start3A_995 = tpu.memref_slice %arg7[%dma_start3A_990, %dma_start3A_994] : memref<4x200xi32, #tpu.memory_space<vmem>> -> memref<1x96xi32, #tpu.memory_space<vmem>>
    %dma_start3A_996 = tpu.memref_squeeze %dma_start3A_995 : memref<1x96xi32, #tpu.memory_space<vmem>> -> memref<96xi32, #tpu.memory_space<vmem>>
    %dma_start3A_997 = arith.constant 0 : i32
    %dma_start3A_998 = arith.constant 0 : i32
    %dma_start3A_999 = tpu.memref_slice %arg3[%dma_start3A_997, %dma_start3A_998] : memref<1000000x64xf32, #tpu.memory_space<hbm>> -> memref<1000000x64xf32, #tpu.memory_space<hbm>>
    tpu.enqueue_indirect_dma source(%dma_start3A_999 : memref<1000000x64xf32, #tpu.memory_space<hbm>>) target(%dma_start3A_993 : memref<96x64xf32, #tpu.memory_space<vmem>>) offsets(%dma_start3A_996 : memref<96xi32, #tpu.memory_space<vmem>>) semaphore(%arg14 : memref<!tpu.dma_semaphore, #tpu.memory_space<semaphore_mem>>)
    %dma_start3A_1000 = arith.constant 3 : i32
    %dma_start3A_1001 = arith.constant 600 : i32
    %dma_start3A_1002 = arith.constant 0 : i32
    %dma_start3A_1003 = tpu.memref_slice %arg9[%dma_start3A_1001, %dma_start3A_1002] : memref<800x64xf32, #tpu.memory_space<vmem>> -> memref<104x64xf32, #tpu.memory_space<vmem>>
    %dma_start3A_1004 = arith.constant 0 : i32
    %dma_start3A_1005 = tpu.memref_slice %arg7[%dma_start3A_1000, %dma_start3A_1004] : memref<4x200xi32, #tpu.memory_space<vmem>> -> memref<1x104xi32, #tpu.memory_space<vmem>>
    %dma_start3A_1006 = tpu.memref_squeeze %dma_start3A_1005 : memref<1x104xi32, #tpu.memory_space<vmem>> -> memref<104xi32, #tpu.memory_space<vmem>>
    %dma_start3A_1007 = arith.constant 0 : i32
    %dma_start3A_1008 = arith.constant 0 : i32
    %dma_start3A_1009 = tpu.memref_slice %arg3[%dma_start3A_1007, %dma_start3A_1008] : memref<1000000x64xf32, #tpu.memory_space<hbm>> -> memref<1000000x64xf32, #tpu.memory_space<hbm>>
    tpu.enqueue_indirect_dma source(%dma_start3A_1009 : memref<1000000x64xf32, #tpu.memory_space<hbm>>) target(%dma_start3A_1003 : memref<104x64xf32, #tpu.memory_space<vmem>>) offsets(%dma_start3A_1006 : memref<104xi32, #tpu.memory_space<vmem>>) semaphore(%arg14 : memref<!tpu.dma_semaphore, #tpu.memory_space<semaphore_mem>>)
    %dma_start3A_1010 = arith.constant 3 : i32
    %dma_start3A_1011 = arith.constant 704 : i32
    %dma_start3A_1012 = arith.constant 0 : i32
    %dma_start3A_1013 = tpu.memref_slice %arg9[%dma_start3A_1011, %dma_start3A_1012] : memref<800x64xf32, #tpu.memory_space<vmem>> -> memref<96x64xf32, #tpu.memory_space<vmem>>
    %dma_start3A_1014 = arith.constant 104 : i32
    %dma_start3A_1015 = tpu.memref_slice %arg7[%dma_start3A_1010, %dma_start3A_1014] : memref<4x200xi32, #tpu.memory_space<vmem>> -> memref<1x96xi32, #tpu.memory_space<vmem>>
    %dma_start3A_1016 = tpu.memref_squeeze %dma_start3A_1015 : memref<1x96xi32, #tpu.memory_space<vmem>> -> memref<96xi32, #tpu.memory_space<vmem>>
    %dma_start3A_1017 = arith.constant 0 : i32
    %dma_start3A_1018 = arith.constant 0 : i32
    %dma_start3A_1019 = tpu.memref_slice %arg3[%dma_start3A_1017, %dma_start3A_1018] : memref<1000000x64xf32, #tpu.memory_space<hbm>> -> memref<1000000x64xf32, #tpu.memory_space<hbm>>
    tpu.enqueue_indirect_dma source(%dma_start3A_1019 : memref<1000000x64xf32, #tpu.memory_space<hbm>>) target(%dma_start3A_1013 : memref<96x64xf32, #tpu.memory_space<vmem>>) offsets(%dma_start3A_1016 : memref<96xi32, #tpu.memory_space<vmem>>) semaphore(%arg14 : memref<!tpu.dma_semaphore, #tpu.memory_space<semaphore_mem>>)
    %add3A_1020 = arith.constant 24 : i32
    %add3A_1021 = arith.addi %mul3A_2, %add3A_1020 : i32
    %dma_start3A_1022 = arith.constant 0 : i32
    %dma_start3A_1023 = tpu.memref_slice %arg2[%add3A_1021, %dma_start3A_1022] : memref<1024x200xi32, #tpu.memory_space<hbm>> -> memref<4x200xi32, #tpu.memory_space<hbm>>
    %dma_start3A_1024 = arith.constant 0 : i32
    %dma_start3A_1025 = tpu.memref_slice %arg2[%add3A_1021, %dma_start3A_1024] : memref<1024x200xi32, #tpu.memory_space<hbm>> -> memref<4x200xi32, #tpu.memory_space<hbm>>
    tpu.enqueue_dma source(%dma_start3A_1025 : memref<4x200xi32, #tpu.memory_space<hbm>>) target(%arg6 : memref<4x200xi32, #tpu.memory_space<vmem>>) target_semaphore(%arg11 : memref<!tpu.dma_semaphore, #tpu.memory_space<semaphore_mem>>)
    %scan3A_1026 = arith.constant 0 : i32
    %scan3A_1027 = arith.constant 0 : i32
    %scan3A_1028 = arith.constant 200 : i32
    %scan3A_1029 = arith.addi %scan3A_1027, %scan3A_1028 : i32
    %scan3A_1030 = arith.constant 1 : i32
    scf.for %scan3A_1520 = %scan3A_1027 to %scan3A_1029 step %scan3A_1030  : i32 {
      %get3A = arith.index_cast %scan3A_1520 : i32 to index
      %get3A_1521 = arith.constant 0 : index
      %get3A_1522 = tpu.vector_load %arg10[%get3A, %get3A_1521] {strides = array<i32>} : memref<200x64xf32, #tpu.memory_space<vmem>>, vector<1x16xf32>,
      %get3A_1523 = vector.shape_cast %get3A_1522 : vector<1x16xf32> to vector<16xf32>
      %add3A_1524 = arith.constant 0 : i32
      %add3A_1525 = arith.addi %add3A_1524, %scan3A_1520 : i32
      %swap3A = arith.index_cast %add3A_1525 : i32 to index
      %swap3A_1526 = arith.constant 0 : index
      %swap3A_1527 = tpu.vector_load %arg8[%swap3A, %swap3A_1526] {strides = array<i32>} : memref<800x64xf32, #tpu.memory_space<vmem>>, vector<1x16xf32>,
      %swap3A_1528 = vector.shape_cast %swap3A_1527 : vector<1x16xf32> to vector<16xf32>
      %swap3A_1529 = vector.shape_cast %get3A_1523 : vector<16xf32> to vector<1x16xf32>
      tpu.vector_store %arg8[%swap3A, %swap3A_1526], %swap3A_1529 {add = true, strides = array<i32>} : memref<800x64xf32, #tpu.memory_space<vmem>>, vector<1x16xf32>,
      %add3A_1530 = arith.constant 200 : i32
      %add3A_1531 = arith.addi %add3A_1530, %scan3A_1520 : i32
      %swap3A_1532 = arith.index_cast %add3A_1531 : i32 to index
      %swap3A_1533 = arith.constant 0 : index
      %swap3A_1534 = tpu.vector_load %arg8[%swap3A_1532, %swap3A_1533] {strides = array<i32>} : memref<800x64xf32, #tpu.memory_space<vmem>>, vector<1x16xf32>,
      %swap3A_1535 = vector.shape_cast %swap3A_1534 : vector<1x16xf32> to vector<16xf32>
      %swap3A_1536 = vector.shape_cast %get3A_1523 : vector<16xf32> to vector<1x16xf32>
      tpu.vector_store %arg8[%swap3A_1532, %swap3A_1533], %swap3A_1536 {add = true, strides = array<i32>} : memref<800x64xf32, #tpu.memory_space<vmem>>, vector<1x16xf32>,
      %add3A_1537 = arith.constant 400 : i32
      %add3A_1538 = arith.addi %add3A_1537, %scan3A_1520 : i32
      %swap3A_1539 = arith.index_cast %add3A_1538 : i32 to index
      %swap3A_1540 = arith.constant 0 : index
      %swap3A_1541 = tpu.vector_load %arg8[%swap3A_1539, %swap3A_1540] {strides = array<i32>} : memref<800x64xf32, #tpu.memory_space<vmem>>, vector<1x16xf32>,
      %swap3A_1542 = vector.shape_cast %swap3A_1541 : vector<1x16xf32> to vector<16xf32>
      %swap3A_1543 = vector.shape_cast %get3A_1523 : vector<16xf32> to vector<1x16xf32>
      tpu.vector_store %arg8[%swap3A_1539, %swap3A_1540], %swap3A_1543 {add = true, strides = array<i32>} : memref<800x64xf32, #tpu.memory_space<vmem>>, vector<1x16xf32>,
      %add3A_1544 = arith.constant 600 : i32
      %add3A_1545 = arith.addi %add3A_1544, %scan3A_1520 : i32
      %swap3A_1546 = arith.index_cast %add3A_1545 : i32 to index
      %swap3A_1547 = arith.constant 0 : index
      %swap3A_1548 = tpu.vector_load %arg8[%swap3A_1546, %swap3A_1547] {strides = array<i32>} : memref<800x64xf32, #tpu.memory_space<vmem>>, vector<1x16xf32>,
      %swap3A_1549 = vector.shape_cast %swap3A_1548 : vector<1x16xf32> to vector<16xf32>
      %swap3A_1550 = vector.shape_cast %get3A_1523 : vector<16xf32> to vector<1x16xf32>
      tpu.vector_store %arg8[%swap3A_1546, %swap3A_1547], %swap3A_1550 {add = true, strides = array<i32>} : memref<800x64xf32, #tpu.memory_space<vmem>>, vector<1x16xf32>,
      %get3A_1551 = arith.index_cast %scan3A_1520 : i32 to index
      %get3A_1552 = arith.constant 16 : index
      %get3A_1553 = tpu.vector_load %arg10[%get3A_1551, %get3A_1552] {strides = array<i32>} : memref<200x64xf32, #tpu.memory_space<vmem>>, vector<1x16xf32>,
      %get3A_1554 = vector.shape_cast %get3A_1553 : vector<1x16xf32> to vector<16xf32>
      %add3A_1555 = arith.constant 0 : i32
      %add3A_1556 = arith.addi %add3A_1555, %scan3A_1520 : i32
      %swap3A_1557 = arith.index_cast %add3A_1556 : i32 to index
      %swap3A_1558 = arith.constant 16 : index
      %swap3A_1559 = tpu.vector_load %arg8[%swap3A_1557, %swap3A_1558] {strides = array<i32>} : memref<800x64xf32, #tpu.memory_space<vmem>>, vector<1x16xf32>,
      %swap3A_1560 = vector.shape_cast %swap3A_1559 : vector<1x16xf32> to vector<16xf32>
      %swap3A_1561 = vector.shape_cast %get3A_1554 : vector<16xf32> to vector<1x16xf32>
      tpu.vector_store %arg8[%swap3A_1557, %swap3A_1558], %swap3A_1561 {add = true, strides = array<i32>} : memref<800x64xf32, #tpu.memory_space<vmem>>, vector<1x16xf32>,
      %add3A_1562 = arith.constant 200 : i32
      %add3A_1563 = arith.addi %add3A_1562, %scan3A_1520 : i32
      %swap3A_1564 = arith.index_cast %add3A_1563 : i32 to index
      %swap3A_1565 = arith.constant 16 : index
      %swap3A_1566 = tpu.vector_load %arg8[%swap3A_1564, %swap3A_1565] {strides = array<i32>} : memref<800x64xf32, #tpu.memory_space<vmem>>, vector<1x16xf32>,
      %swap3A_1567 = vector.shape_cast %swap3A_1566 : vector<1x16xf32> to vector<16xf32>
      %swap3A_1568 = vector.shape_cast %get3A_1554 : vector<16xf32> to vector<1x16xf32>
      tpu.vector_store %arg8[%swap3A_1564, %swap3A_1565], %swap3A_1568 {add = true, strides = array<i32>} : memref<800x64xf32, #tpu.memory_space<vmem>>, vector<1x16xf32>,
      %add3A_1569 = arith.constant 400 : i32
      %add3A_1570 = arith.addi %add3A_1569, %scan3A_1520 : i32
      %swap3A_1571 = arith.index_cast %add3A_1570 : i32 to index
      %swap3A_1572 = arith.constant 16 : index
      %swap3A_1573 = tpu.vector_load %arg8[%swap3A_1571, %swap3A_1572] {strides = array<i32>} : memref<800x64xf32, #tpu.memory_space<vmem>>, vector<1x16xf32>,
      %swap3A_1574 = vector.shape_cast %swap3A_1573 : vector<1x16xf32> to vector<16xf32>
      %swap3A_1575 = vector.shape_cast %get3A_1554 : vector<16xf32> to vector<1x16xf32>
      tpu.vector_store %arg8[%swap3A_1571, %swap3A_1572], %swap3A_1575 {add = true, strides = array<i32>} : memref<800x64xf32, #tpu.memory_space<vmem>>, vector<1x16xf32>,
      %add3A_1576 = arith.constant 600 : i32
      %add3A_1577 = arith.addi %add3A_1576, %scan3A_1520 : i32
      %swap3A_1578 = arith.index_cast %add3A_1577 : i32 to index
      %swap3A_1579 = arith.constant 16 : index
      %swap3A_1580 = tpu.vector_load %arg8[%swap3A_1578, %swap3A_1579] {strides = array<i32>} : memref<800x64xf32, #tpu.memory_space<vmem>>, vector<1x16xf32>,
      %swap3A_1581 = vector.shape_cast %swap3A_1580 : vector<1x16xf32> to vector<16xf32>
      %swap3A_1582 = vector.shape_cast %get3A_1554 : vector<16xf32> to vector<1x16xf32>
      tpu.vector_store %arg8[%swap3A_1578, %swap3A_1579], %swap3A_1582 {add = true, strides = array<i32>} : memref<800x64xf32, #tpu.memory_space<vmem>>, vector<1x16xf32>,
      %get3A_1583 = arith.index_cast %scan3A_1520 : i32 to index
      %get3A_1584 = arith.constant 32 : index
      %get3A_1585 = tpu.vector_load %arg10[%get3A_1583, %get3A_1584] {strides = array<i32>} : memref<200x64xf32, #tpu.memory_space<vmem>>, vector<1x16xf32>,
      %get3A_1586 = vector.shape_cast %get3A_1585 : vector<1x16xf32> to vector<16xf32>
      %add3A_1587 = arith.constant 0 : i32
      %add3A_1588 = arith.addi %add3A_1587, %scan3A_1520 : i32
      %swap3A_1589 = arith.index_cast %add3A_1588 : i32 to index
      %swap3A_1590 = arith.constant 32 : index
      %swap3A_1591 = tpu.vector_load %arg8[%swap3A_1589, %swap3A_1590] {strides = array<i32>} : memref<800x64xf32, #tpu.memory_space<vmem>>, vector<1x16xf32>,
      %swap3A_1592 = vector.shape_cast %swap3A_1591 : vector<1x16xf32> to vector<16xf32>
      %swap3A_1593 = vector.shape_cast %get3A_1586 : vector<16xf32> to vector<1x16xf32>
      tpu.vector_store %arg8[%swap3A_1589, %swap3A_1590], %swap3A_1593 {add = true, strides = array<i32>} : memref<800x64xf32, #tpu.memory_space<vmem>>, vector<1x16xf32>,
      %add3A_1594 = arith.constant 200 : i32
      %add3A_1595 = arith.addi %add3A_1594, %scan3A_1520 : i32
      %swap3A_1596 = arith.index_cast %add3A_1595 : i32 to index
      %swap3A_1597 = arith.constant 32 : index
      %swap3A_1598 = tpu.vector_load %arg8[%swap3A_1596, %swap3A_1597] {strides = array<i32>} : memref<800x64xf32, #tpu.memory_space<vmem>>, vector<1x16xf32>,
      %swap3A_1599 = vector.shape_cast %swap3A_1598 : vector<1x16xf32> to vector<16xf32>
      %swap3A_1600 = vector.shape_cast %get3A_1586 : vector<16xf32> to vector<1x16xf32>
      tpu.vector_store %arg8[%swap3A_1596, %swap3A_1597], %swap3A_1600 {add = true, strides = array<i32>} : memref<800x64xf32, #tpu.memory_space<vmem>>, vector<1x16xf32>,
      %add3A_1601 = arith.constant 400 : i32
      %add3A_1602 = arith.addi %add3A_1601, %scan3A_1520 : i32
      %swap3A_1603 = arith.index_cast %add3A_1602 : i32 to index
      %swap3A_1604 = arith.constant 32 : index
      %swap3A_1605 = tpu.vector_load %arg8[%swap3A_1603, %swap3A_1604] {strides = array<i32>} : memref<800x64xf32, #tpu.memory_space<vmem>>, vector<1x16xf32>,
      %swap3A_1606 = vector.shape_cast %swap3A_1605 : vector<1x16xf32> to vector<16xf32>
      %swap3A_1607 = vector.shape_cast %get3A_1586 : vector<16xf32> to vector<1x16xf32>
      tpu.vector_store %arg8[%swap3A_1603, %swap3A_1604], %swap3A_1607 {add = true, strides = array<i32>} : memref<800x64xf32, #tpu.memory_space<vmem>>, vector<1x16xf32>,
      %add3A_1608 = arith.constant 600 : i32
      %add3A_1609 = arith.addi %add3A_1608, %scan3A_1520 : i32
      %swap3A_1610 = arith.index_cast %add3A_1609 : i32 to index
      %swap3A_1611 = arith.constant 32 : index
      %swap3A_1612 = tpu.vector_load %arg8[%swap3A_1610, %swap3A_1611] {strides = array<i32>} : memref<800x64xf32, #tpu.memory_space<vmem>>, vector<1x16xf32>,
      %swap3A_1613 = vector.shape_cast %swap3A_1612 : vector<1x16xf32> to vector<16xf32>
      %swap3A_1614 = vector.shape_cast %get3A_1586 : vector<16xf32> to vector<1x16xf32>
      tpu.vector_store %arg8[%swap3A_1610, %swap3A_1611], %swap3A_1614 {add = true, strides = array<i32>} : memref<800x64xf32, #tpu.memory_space<vmem>>, vector<1x16xf32>,
      %get3A_1615 = arith.index_cast %scan3A_1520 : i32 to index
      %get3A_1616 = arith.constant 48 : index
      %get3A_1617 = tpu.vector_load %arg10[%get3A_1615, %get3A_1616] {strides = array<i32>} : memref<200x64xf32, #tpu.memory_space<vmem>>, vector<1x16xf32>,
      %get3A_1618 = vector.shape_cast %get3A_1617 : vector<1x16xf32> to vector<16xf32>
      %add3A_1619 = arith.constant 0 : i32
      %add3A_1620 = arith.addi %add3A_1619, %scan3A_1520 : i32
      %swap3A_1621 = arith.index_cast %add3A_1620 : i32 to index
      %swap3A_1622 = arith.constant 48 : index
      %swap3A_1623 = tpu.vector_load %arg8[%swap3A_1621, %swap3A_1622] {strides = array<i32>} : memref<800x64xf32, #tpu.memory_space<vmem>>, vector<1x16xf32>,
      %swap3A_1624 = vector.shape_cast %swap3A_1623 : vector<1x16xf32> to vector<16xf32>
      %swap3A_1625 = vector.shape_cast %get3A_1618 : vector<16xf32> to vector<1x16xf32>
      tpu.vector_store %arg8[%swap3A_1621, %swap3A_1622], %swap3A_1625 {add = true, strides = array<i32>} : memref<800x64xf32, #tpu.memory_space<vmem>>, vector<1x16xf32>,
      %add3A_1626 = arith.constant 200 : i32
      %add3A_1627 = arith.addi %add3A_1626, %scan3A_1520 : i32
      %swap3A_1628 = arith.index_cast %add3A_1627 : i32 to index
      %swap3A_1629 = arith.constant 48 : index
      %swap3A_1630 = tpu.vector_load %arg8[%swap3A_1628, %swap3A_1629] {strides = array<i32>} : memref<800x64xf32, #tpu.memory_space<vmem>>, vector<1x16xf32>,
      %swap3A_1631 = vector.shape_cast %swap3A_1630 : vector<1x16xf32> to vector<16xf32>
      %swap3A_1632 = vector.shape_cast %get3A_1618 : vector<16xf32> to vector<1x16xf32>
      tpu.vector_store %arg8[%swap3A_1628, %swap3A_1629], %swap3A_1632 {add = true, strides = array<i32>} : memref<800x64xf32, #tpu.memory_space<vmem>>, vector<1x16xf32>,
      %add3A_1633 = arith.constant 400 : i32
      %add3A_1634 = arith.addi %add3A_1633, %scan3A_1520 : i32
      %swap3A_1635 = arith.index_cast %add3A_1634 : i32 to index
      %swap3A_1636 = arith.constant 48 : index
      %swap3A_1637 = tpu.vector_load %arg8[%swap3A_1635, %swap3A_1636] {strides = array<i32>} : memref<800x64xf32, #tpu.memory_space<vmem>>, vector<1x16xf32>,
      %swap3A_1638 = vector.shape_cast %swap3A_1637 : vector<1x16xf32> to vector<16xf32>
      %swap3A_1639 = vector.shape_cast %get3A_1618 : vector<16xf32> to vector<1x16xf32>
      tpu.vector_store %arg8[%swap3A_1635, %swap3A_1636], %swap3A_1639 {add = true, strides = array<i32>} : memref<800x64xf32, #tpu.memory_space<vmem>>, vector<1x16xf32>,
      %add3A_1640 = arith.constant 600 : i32
      %add3A_1641 = arith.addi %add3A_1640, %scan3A_1520 : i32
      %swap3A_1642 = arith.index_cast %add3A_1641 : i32 to index
      %swap3A_1643 = arith.constant 48 : index
      %swap3A_1644 = tpu.vector_load %arg8[%swap3A_1642, %swap3A_1643] {strides = array<i32>} : memref<800x64xf32, #tpu.memory_space<vmem>>, vector<1x16xf32>,
      %swap3A_1645 = vector.shape_cast %swap3A_1644 : vector<1x16xf32> to vector<16xf32>
      %swap3A_1646 = vector.shape_cast %get3A_1618 : vector<16xf32> to vector<1x16xf32>
      tpu.vector_store %arg8[%swap3A_1642, %swap3A_1643], %swap3A_1646 {add = true, strides = array<i32>} : memref<800x64xf32, #tpu.memory_space<vmem>>, vector<1x16xf32>,
    }
    %scan3A_1031 = arith.constant 200 : i32
    %mul3A_1032 = arith.constant 8 : i32
    %mul3A_1033 = arith.muli %add3A, %mul3A_1032 : i32
    %add3A_1034 = arith.constant 4 : i32
    %add3A_1035 = arith.addi %mul3A_1033, %add3A_1034 : i32
    %mul3A_1036 = arith.constant 800 : i32
    %mul3A_1037 = arith.muli %add3A_1035, %mul3A_1036 : i32
    %dma_start3A_1038 = arith.constant 0 : i32
    %dma_start3A_1039 = tpu.memref_slice %arg5[%mul3A_1037, %dma_start3A_1038] : memref<204800x64xf32, #tpu.memory_space<hbm>> -> memref<800x64xf32, #tpu.memory_space<hbm>>
    %dma_start3A_1040 = arith.constant 0 : i32
    %dma_start3A_1041 = tpu.memref_slice %arg5[%mul3A_1037, %dma_start3A_1040] : memref<204800x64xf32, #tpu.memory_space<hbm>> -> memref<800x64xf32, #tpu.memory_space<hbm>>
    tpu.enqueue_dma source(%arg8 : memref<800x64xf32, #tpu.memory_space<vmem>>) target(%dma_start3A_1041 : memref<800x64xf32, #tpu.memory_space<hbm>>) target_semaphore(%arg15 : memref<!tpu.dma_semaphore, #tpu.memory_space<semaphore_mem>>)
    %dma_wait3A_1042 = arith.constant 0 : i32
    %dma_wait3A_1043 = arith.constant 0 : i32
    %dma_wait3A_1044 = arith.constant 0 : i32
    %dma_wait3A_1045 = tpu.memref_slice %arg9[%dma_wait3A_1043, %dma_wait3A_1044] : memref<800x64xf32, #tpu.memory_space<vmem>> -> memref<104x64xf32, #tpu.memory_space<vmem>>
    %dma_wait3A_1046 = arith.constant 0 : i32
    %dma_wait3A_1047 = tpu.memref_slice %arg7[%dma_wait3A_1042, %dma_wait3A_1046] : memref<4x200xi32, #tpu.memory_space<vmem>> -> memref<1x104xi32, #tpu.memory_space<vmem>>
    %dma_wait3A_1048 = tpu.memref_squeeze %dma_wait3A_1047 : memref<1x104xi32, #tpu.memory_space<vmem>> -> memref<104xi32, #tpu.memory_space<vmem>>
    %dma_wait3A_1049 = arith.constant 0 : i32
    %dma_wait3A_1050 = arith.constant 0 : i32
    %dma_wait3A_1051 = tpu.memref_slice %arg3[%dma_wait3A_1049, %dma_wait3A_1050] : memref<1000000x64xf32, #tpu.memory_space<hbm>> -> memref<1000000x64xf32, #tpu.memory_space<hbm>>
    tpu.wait_indirect_dma semaphore(%arg14 : memref<!tpu.dma_semaphore, #tpu.memory_space<semaphore_mem>>) src(%dma_wait3A_1051 : memref<1000000x64xf32, #tpu.memory_space<hbm>>) dst(%dma_wait3A_1045 : memref<104x64xf32, #tpu.memory_space<vmem>>)
    %dma_wait3A_1052 = arith.constant 0 : i32
    %dma_wait3A_1053 = arith.constant 104 : i32
    %dma_wait3A_1054 = arith.constant 0 : i32
    %dma_wait3A_1055 = tpu.memref_slice %arg9[%dma_wait3A_1053, %dma_wait3A_1054] : memref<800x64xf32, #tpu.memory_space<vmem>> -> memref<96x64xf32, #tpu.memory_space<vmem>>
    %dma_wait3A_1056 = arith.constant 104 : i32
    %dma_wait3A_1057 = tpu.memref_slice %arg7[%dma_wait3A_1052, %dma_wait3A_1056] : memref<4x200xi32, #tpu.memory_space<vmem>> -> memref<1x96xi32, #tpu.memory_space<vmem>>
    %dma_wait3A_1058 = tpu.memref_squeeze %dma_wait3A_1057 : memref<1x96xi32, #tpu.memory_space<vmem>> -> memref<96xi32, #tpu.memory_space<vmem>>
    %dma_wait3A_1059 = arith.constant 0 : i32
    %dma_wait3A_1060 = arith.constant 0 : i32
    %dma_wait3A_1061 = tpu.memref_slice %arg3[%dma_wait3A_1059, %dma_wait3A_1060] : memref<1000000x64xf32, #tpu.memory_space<hbm>> -> memref<1000000x64xf32, #tpu.memory_space<hbm>>
    tpu.wait_indirect_dma semaphore(%arg14 : memref<!tpu.dma_semaphore, #tpu.memory_space<semaphore_mem>>) src(%dma_wait3A_1061 : memref<1000000x64xf32, #tpu.memory_space<hbm>>) dst(%dma_wait3A_1055 : memref<96x64xf32, #tpu.memory_space<vmem>>)
    %dma_wait3A_1062 = arith.constant 1 : i32
    %dma_wait3A_1063 = arith.constant 200 : i32
    %dma_wait3A_1064 = arith.constant 0 : i32
    %dma_wait3A_1065 = tpu.memref_slice %arg9[%dma_wait3A_1063, %dma_wait3A_1064] : memref<800x64xf32, #tpu.memory_space<vmem>> -> memref<104x64xf32, #tpu.memory_space<vmem>>
    %dma_wait3A_1066 = arith.constant 0 : i32
    %dma_wait3A_1067 = tpu.memref_slice %arg7[%dma_wait3A_1062, %dma_wait3A_1066] : memref<4x200xi32, #tpu.memory_space<vmem>> -> memref<1x104xi32, #tpu.memory_space<vmem>>
    %dma_wait3A_1068 = tpu.memref_squeeze %dma_wait3A_1067 : memref<1x104xi32, #tpu.memory_space<vmem>> -> memref<104xi32, #tpu.memory_space<vmem>>
    %dma_wait3A_1069 = arith.constant 0 : i32
    %dma_wait3A_1070 = arith.constant 0 : i32
    %dma_wait3A_1071 = tpu.memref_slice %arg3[%dma_wait3A_1069, %dma_wait3A_1070] : memref<1000000x64xf32, #tpu.memory_space<hbm>> -> memref<1000000x64xf32, #tpu.memory_space<hbm>>
    tpu.wait_indirect_dma semaphore(%arg14 : memref<!tpu.dma_semaphore, #tpu.memory_space<semaphore_mem>>) src(%dma_wait3A_1071 : memref<1000000x64xf32, #tpu.memory_space<hbm>>) dst(%dma_wait3A_1065 : memref<104x64xf32, #tpu.memory_space<vmem>>)
    %dma_wait3A_1072 = arith.constant 1 : i32
    %dma_wait3A_1073 = arith.constant 304 : i32
    %dma_wait3A_1074 = arith.constant 0 : i32
    %dma_wait3A_1075 = tpu.memref_slice %arg9[%dma_wait3A_1073, %dma_wait3A_1074] : memref<800x64xf32, #tpu.memory_space<vmem>> -> memref<96x64xf32, #tpu.memory_space<vmem>>
    %dma_wait3A_1076 = arith.constant 104 : i32
    %dma_wait3A_1077 = tpu.memref_slice %arg7[%dma_wait3A_1072, %dma_wait3A_1076] : memref<4x200xi32, #tpu.memory_space<vmem>> -> memref<1x96xi32, #tpu.memory_space<vmem>>
    %dma_wait3A_1078 = tpu.memref_squeeze %dma_wait3A_1077 : memref<1x96xi32, #tpu.memory_space<vmem>> -> memref<96xi32, #tpu.memory_space<vmem>>
    %dma_wait3A_1079 = arith.constant 0 : i32
    %dma_wait3A_1080 = arith.constant 0 : i32
    %dma_wait3A_1081 = tpu.memref_slice %arg3[%dma_wait3A_1079, %dma_wait3A_1080] : memref<1000000x64xf32, #tpu.memory_space<hbm>> -> memref<1000000x64xf32, #tpu.memory_space<hbm>>
    tpu.wait_indirect_dma semaphore(%arg14 : memref<!tpu.dma_semaphore, #tpu.memory_space<semaphore_mem>>) src(%dma_wait3A_1081 : memref<1000000x64xf32, #tpu.memory_space<hbm>>) dst(%dma_wait3A_1075 : memref<96x64xf32, #tpu.memory_space<vmem>>)
    %dma_wait3A_1082 = arith.constant 2 : i32
    %dma_wait3A_1083 = arith.constant 400 : i32
    %dma_wait3A_1084 = arith.constant 0 : i32
    %dma_wait3A_1085 = tpu.memref_slice %arg9[%dma_wait3A_1083, %dma_wait3A_1084] : memref<800x64xf32, #tpu.memory_space<vmem>> -> memref<104x64xf32, #tpu.memory_space<vmem>>
    %dma_wait3A_1086 = arith.constant 0 : i32
    %dma_wait3A_1087 = tpu.memref_slice %arg7[%dma_wait3A_1082, %dma_wait3A_1086] : memref<4x200xi32, #tpu.memory_space<vmem>> -> memref<1x104xi32, #tpu.memory_space<vmem>>
    %dma_wait3A_1088 = tpu.memref_squeeze %dma_wait3A_1087 : memref<1x104xi32, #tpu.memory_space<vmem>> -> memref<104xi32, #tpu.memory_space<vmem>>
    %dma_wait3A_1089 = arith.constant 0 : i32
    %dma_wait3A_1090 = arith.constant 0 : i32
    %dma_wait3A_1091 = tpu.memref_slice %arg3[%dma_wait3A_1089, %dma_wait3A_1090] : memref<1000000x64xf32, #tpu.memory_space<hbm>> -> memref<1000000x64xf32, #tpu.memory_space<hbm>>
    tpu.wait_indirect_dma semaphore(%arg14 : memref<!tpu.dma_semaphore, #tpu.memory_space<semaphore_mem>>) src(%dma_wait3A_1091 : memref<1000000x64xf32, #tpu.memory_space<hbm>>) dst(%dma_wait3A_1085 : memref<104x64xf32, #tpu.memory_space<vmem>>)
    %dma_wait3A_1092 = arith.constant 2 : i32
    %dma_wait3A_1093 = arith.constant 504 : i32
    %dma_wait3A_1094 = arith.constant 0 : i32
    %dma_wait3A_1095 = tpu.memref_slice %arg9[%dma_wait3A_1093, %dma_wait3A_1094] : memref<800x64xf32, #tpu.memory_space<vmem>> -> memref<96x64xf32, #tpu.memory_space<vmem>>
    %dma_wait3A_1096 = arith.constant 104 : i32
    %dma_wait3A_1097 = tpu.memref_slice %arg7[%dma_wait3A_1092, %dma_wait3A_1096] : memref<4x200xi32, #tpu.memory_space<vmem>> -> memref<1x96xi32, #tpu.memory_space<vmem>>
    %dma_wait3A_1098 = tpu.memref_squeeze %dma_wait3A_1097 : memref<1x96xi32, #tpu.memory_space<vmem>> -> memref<96xi32, #tpu.memory_space<vmem>>
    %dma_wait3A_1099 = arith.constant 0 : i32
    %dma_wait3A_1100 = arith.constant 0 : i32
    %dma_wait3A_1101 = tpu.memref_slice %arg3[%dma_wait3A_1099, %dma_wait3A_1100] : memref<1000000x64xf32, #tpu.memory_space<hbm>> -> memref<1000000x64xf32, #tpu.memory_space<hbm>>
    tpu.wait_indirect_dma semaphore(%arg14 : memref<!tpu.dma_semaphore, #tpu.memory_space<semaphore_mem>>) src(%dma_wait3A_1101 : memref<1000000x64xf32, #tpu.memory_space<hbm>>) dst(%dma_wait3A_1095 : memref<96x64xf32, #tpu.memory_space<vmem>>)
    %dma_wait3A_1102 = arith.constant 3 : i32
    %dma_wait3A_1103 = arith.constant 600 : i32
    %dma_wait3A_1104 = arith.constant 0 : i32
    %dma_wait3A_1105 = tpu.memref_slice %arg9[%dma_wait3A_1103, %dma_wait3A_1104] : memref<800x64xf32, #tpu.memory_space<vmem>> -> memref<104x64xf32, #tpu.memory_space<vmem>>
    %dma_wait3A_1106 = arith.constant 0 : i32
    %dma_wait3A_1107 = tpu.memref_slice %arg7[%dma_wait3A_1102, %dma_wait3A_1106] : memref<4x200xi32, #tpu.memory_space<vmem>> -> memref<1x104xi32, #tpu.memory_space<vmem>>
    %dma_wait3A_1108 = tpu.memref_squeeze %dma_wait3A_1107 : memref<1x104xi32, #tpu.memory_space<vmem>> -> memref<104xi32, #tpu.memory_space<vmem>>
    %dma_wait3A_1109 = arith.constant 0 : i32
    %dma_wait3A_1110 = arith.constant 0 : i32
    %dma_wait3A_1111 = tpu.memref_slice %arg3[%dma_wait3A_1109, %dma_wait3A_1110] : memref<1000000x64xf32, #tpu.memory_space<hbm>> -> memref<1000000x64xf32, #tpu.memory_space<hbm>>
    tpu.wait_indirect_dma semaphore(%arg14 : memref<!tpu.dma_semaphore, #tpu.memory_space<semaphore_mem>>) src(%dma_wait3A_1111 : memref<1000000x64xf32, #tpu.memory_space<hbm>>) dst(%dma_wait3A_1105 : memref<104x64xf32, #tpu.memory_space<vmem>>)
    %dma_wait3A_1112 = arith.constant 3 : i32
    %dma_wait3A_1113 = arith.constant 704 : i32
    %dma_wait3A_1114 = arith.constant 0 : i32
    %dma_wait3A_1115 = tpu.memref_slice %arg9[%dma_wait3A_1113, %dma_wait3A_1114] : memref<800x64xf32, #tpu.memory_space<vmem>> -> memref<96x64xf32, #tpu.memory_space<vmem>>
    %dma_wait3A_1116 = arith.constant 104 : i32
    %dma_wait3A_1117 = tpu.memref_slice %arg7[%dma_wait3A_1112, %dma_wait3A_1116] : memref<4x200xi32, #tpu.memory_space<vmem>> -> memref<1x96xi32, #tpu.memory_space<vmem>>
    %dma_wait3A_1118 = tpu.memref_squeeze %dma_wait3A_1117 : memref<1x96xi32, #tpu.memory_space<vmem>> -> memref<96xi32, #tpu.memory_space<vmem>>
    %dma_wait3A_1119 = arith.constant 0 : i32
    %dma_wait3A_1120 = arith.constant 0 : i32
    %dma_wait3A_1121 = tpu.memref_slice %arg3[%dma_wait3A_1119, %dma_wait3A_1120] : memref<1000000x64xf32, #tpu.memory_space<hbm>> -> memref<1000000x64xf32, #tpu.memory_space<hbm>>
    tpu.wait_indirect_dma semaphore(%arg14 : memref<!tpu.dma_semaphore, #tpu.memory_space<semaphore_mem>>) src(%dma_wait3A_1121 : memref<1000000x64xf32, #tpu.memory_space<hbm>>) dst(%dma_wait3A_1115 : memref<96x64xf32, #tpu.memory_space<vmem>>)
    %dma_wait3A_1122 = arith.constant 0 : i32
    %dma_wait3A_1123 = tpu.memref_slice %arg5[%mul3A_1037, %dma_wait3A_1122] : memref<204800x64xf32, #tpu.memory_space<hbm>> -> memref<800x64xf32, #tpu.memory_space<hbm>>
    %dma_wait3A_1124 = arith.constant 0 : i32
    %dma_wait3A_1125 = tpu.memref_slice %arg5[%mul3A_1037, %dma_wait3A_1124] : memref<204800x64xf32, #tpu.memory_space<hbm>> -> memref<800x64xf32, #tpu.memory_space<hbm>>
    tpu.wait_dma2 semaphore(%arg15 : memref<!tpu.dma_semaphore, #tpu.memory_space<semaphore_mem>>) src(%arg8 : memref<800x64xf32, #tpu.memory_space<vmem>>) dst(%dma_wait3A_1125 : memref<800x64xf32, #tpu.memory_space<hbm>>)
    %dma_wait3A_1126 = arith.constant 0 : i32
    %dma_wait3A_1127 = tpu.memref_slice %arg2[%add3A_1021, %dma_wait3A_1126] : memref<1024x200xi32, #tpu.memory_space<hbm>> -> memref<4x200xi32, #tpu.memory_space<hbm>>
    %dma_wait3A_1128 = arith.constant 0 : i32
    %dma_wait3A_1129 = tpu.memref_slice %arg2[%add3A_1021, %dma_wait3A_1128] : memref<1024x200xi32, #tpu.memory_space<hbm>> -> memref<4x200xi32, #tpu.memory_space<hbm>>
    tpu.wait_dma2 semaphore(%arg11 : memref<!tpu.dma_semaphore, #tpu.memory_space<semaphore_mem>>) src(%dma_wait3A_1129 : memref<4x200xi32, #tpu.memory_space<hbm>>) dst(%arg6 : memref<4x200xi32, #tpu.memory_space<vmem>>)
    %dma_start3A_1130 = arith.constant 0 : i32
    %dma_start3A_1131 = arith.constant 0 : i32
    %dma_start3A_1132 = arith.constant 0 : i32
    %dma_start3A_1133 = tpu.memref_slice %arg8[%dma_start3A_1131, %dma_start3A_1132] : memref<800x64xf32, #tpu.memory_space<vmem>> -> memref<104x64xf32, #tpu.memory_space<vmem>>
    %dma_start3A_1134 = arith.constant 0 : i32
    %dma_start3A_1135 = tpu.memref_slice %arg6[%dma_start3A_1130, %dma_start3A_1134] : memref<4x200xi32, #tpu.memory_space<vmem>> -> memref<1x104xi32, #tpu.memory_space<vmem>>
    %dma_start3A_1136 = tpu.memref_squeeze %dma_start3A_1135 : memref<1x104xi32, #tpu.memory_space<vmem>> -> memref<104xi32, #tpu.memory_space<vmem>>
    %dma_start3A_1137 = arith.constant 0 : i32
    %dma_start3A_1138 = arith.constant 0 : i32
    %dma_start3A_1139 = tpu.memref_slice %arg3[%dma_start3A_1137, %dma_start3A_1138] : memref<1000000x64xf32, #tpu.memory_space<hbm>> -> memref<1000000x64xf32, #tpu.memory_space<hbm>>
    tpu.enqueue_indirect_dma source(%dma_start3A_1139 : memref<1000000x64xf32, #tpu.memory_space<hbm>>) target(%dma_start3A_1133 : memref<104x64xf32, #tpu.memory_space<vmem>>) offsets(%dma_start3A_1136 : memref<104xi32, #tpu.memory_space<vmem>>) semaphore(%arg13 : memref<!tpu.dma_semaphore, #tpu.memory_space<semaphore_mem>>)
    %dma_start3A_1140 = arith.constant 0 : i32
    %dma_start3A_1141 = arith.constant 104 : i32
    %dma_start3A_1142 = arith.constant 0 : i32
    %dma_start3A_1143 = tpu.memref_slice %arg8[%dma_start3A_1141, %dma_start3A_1142] : memref<800x64xf32, #tpu.memory_space<vmem>> -> memref<96x64xf32, #tpu.memory_space<vmem>>
    %dma_start3A_1144 = arith.constant 104 : i32
    %dma_start3A_1145 = tpu.memref_slice %arg6[%dma_start3A_1140, %dma_start3A_1144] : memref<4x200xi32, #tpu.memory_space<vmem>> -> memref<1x96xi32, #tpu.memory_space<vmem>>
    %dma_start3A_1146 = tpu.memref_squeeze %dma_start3A_1145 : memref<1x96xi32, #tpu.memory_space<vmem>> -> memref<96xi32, #tpu.memory_space<vmem>>
    %dma_start3A_1147 = arith.constant 0 : i32
    %dma_start3A_1148 = arith.constant 0 : i32
    %dma_start3A_1149 = tpu.memref_slice %arg3[%dma_start3A_1147, %dma_start3A_1148] : memref<1000000x64xf32, #tpu.memory_space<hbm>> -> memref<1000000x64xf32, #tpu.memory_space<hbm>>
    tpu.enqueue_indirect_dma source(%dma_start3A_1149 : memref<1000000x64xf32, #tpu.memory_space<hbm>>) target(%dma_start3A_1143 : memref<96x64xf32, #tpu.memory_space<vmem>>) offsets(%dma_start3A_1146 : memref<96xi32, #tpu.memory_space<vmem>>) semaphore(%arg13 : memref<!tpu.dma_semaphore, #tpu.memory_space<semaphore_mem>>)
    %dma_start3A_1150 = arith.constant 1 : i32
    %dma_start3A_1151 = arith.constant 200 : i32
    %dma_start3A_1152 = arith.constant 0 : i32
    %dma_start3A_1153 = tpu.memref_slice %arg8[%dma_start3A_1151, %dma_start3A_1152] : memref<800x64xf32, #tpu.memory_space<vmem>> -> memref<104x64xf32, #tpu.memory_space<vmem>>
    %dma_start3A_1154 = arith.constant 0 : i32
    %dma_start3A_1155 = tpu.memref_slice %arg6[%dma_start3A_1150, %dma_start3A_1154] : memref<4x200xi32, #tpu.memory_space<vmem>> -> memref<1x104xi32, #tpu.memory_space<vmem>>
    %dma_start3A_1156 = tpu.memref_squeeze %dma_start3A_1155 : memref<1x104xi32, #tpu.memory_space<vmem>> -> memref<104xi32, #tpu.memory_space<vmem>>
    %dma_start3A_1157 = arith.constant 0 : i32
    %dma_start3A_1158 = arith.constant 0 : i32
    %dma_start3A_1159 = tpu.memref_slice %arg3[%dma_start3A_1157, %dma_start3A_1158] : memref<1000000x64xf32, #tpu.memory_space<hbm>> -> memref<1000000x64xf32, #tpu.memory_space<hbm>>
    tpu.enqueue_indirect_dma source(%dma_start3A_1159 : memref<1000000x64xf32, #tpu.memory_space<hbm>>) target(%dma_start3A_1153 : memref<104x64xf32, #tpu.memory_space<vmem>>) offsets(%dma_start3A_1156 : memref<104xi32, #tpu.memory_space<vmem>>) semaphore(%arg13 : memref<!tpu.dma_semaphore, #tpu.memory_space<semaphore_mem>>)
    %dma_start3A_1160 = arith.constant 1 : i32
    %dma_start3A_1161 = arith.constant 304 : i32
    %dma_start3A_1162 = arith.constant 0 : i32
    %dma_start3A_1163 = tpu.memref_slice %arg8[%dma_start3A_1161, %dma_start3A_1162] : memref<800x64xf32, #tpu.memory_space<vmem>> -> memref<96x64xf32, #tpu.memory_space<vmem>>
    %dma_start3A_1164 = arith.constant 104 : i32
    %dma_start3A_1165 = tpu.memref_slice %arg6[%dma_start3A_1160, %dma_start3A_1164] : memref<4x200xi32, #tpu.memory_space<vmem>> -> memref<1x96xi32, #tpu.memory_space<vmem>>
    %dma_start3A_1166 = tpu.memref_squeeze %dma_start3A_1165 : memref<1x96xi32, #tpu.memory_space<vmem>> -> memref<96xi32, #tpu.memory_space<vmem>>
    %dma_start3A_1167 = arith.constant 0 : i32
    %dma_start3A_1168 = arith.constant 0 : i32
    %dma_start3A_1169 = tpu.memref_slice %arg3[%dma_start3A_1167, %dma_start3A_1168] : memref<1000000x64xf32, #tpu.memory_space<hbm>> -> memref<1000000x64xf32, #tpu.memory_space<hbm>>
    tpu.enqueue_indirect_dma source(%dma_start3A_1169 : memref<1000000x64xf32, #tpu.memory_space<hbm>>) target(%dma_start3A_1163 : memref<96x64xf32, #tpu.memory_space<vmem>>) offsets(%dma_start3A_1166 : memref<96xi32, #tpu.memory_space<vmem>>) semaphore(%arg13 : memref<!tpu.dma_semaphore, #tpu.memory_space<semaphore_mem>>)
    %dma_start3A_1170 = arith.constant 2 : i32
    %dma_start3A_1171 = arith.constant 400 : i32
    %dma_start3A_1172 = arith.constant 0 : i32
    %dma_start3A_1173 = tpu.memref_slice %arg8[%dma_start3A_1171, %dma_start3A_1172] : memref<800x64xf32, #tpu.memory_space<vmem>> -> memref<104x64xf32, #tpu.memory_space<vmem>>
    %dma_start3A_1174 = arith.constant 0 : i32
    %dma_start3A_1175 = tpu.memref_slice %arg6[%dma_start3A_1170, %dma_start3A_1174] : memref<4x200xi32, #tpu.memory_space<vmem>> -> memref<1x104xi32, #tpu.memory_space<vmem>>
    %dma_start3A_1176 = tpu.memref_squeeze %dma_start3A_1175 : memref<1x104xi32, #tpu.memory_space<vmem>> -> memref<104xi32, #tpu.memory_space<vmem>>
    %dma_start3A_1177 = arith.constant 0 : i32
    %dma_start3A_1178 = arith.constant 0 : i32
    %dma_start3A_1179 = tpu.memref_slice %arg3[%dma_start3A_1177, %dma_start3A_1178] : memref<1000000x64xf32, #tpu.memory_space<hbm>> -> memref<1000000x64xf32, #tpu.memory_space<hbm>>
    tpu.enqueue_indirect_dma source(%dma_start3A_1179 : memref<1000000x64xf32, #tpu.memory_space<hbm>>) target(%dma_start3A_1173 : memref<104x64xf32, #tpu.memory_space<vmem>>) offsets(%dma_start3A_1176 : memref<104xi32, #tpu.memory_space<vmem>>) semaphore(%arg13 : memref<!tpu.dma_semaphore, #tpu.memory_space<semaphore_mem>>)
    %dma_start3A_1180 = arith.constant 2 : i32
    %dma_start3A_1181 = arith.constant 504 : i32
    %dma_start3A_1182 = arith.constant 0 : i32
    %dma_start3A_1183 = tpu.memref_slice %arg8[%dma_start3A_1181, %dma_start3A_1182] : memref<800x64xf32, #tpu.memory_space<vmem>> -> memref<96x64xf32, #tpu.memory_space<vmem>>
    %dma_start3A_1184 = arith.constant 104 : i32
    %dma_start3A_1185 = tpu.memref_slice %arg6[%dma_start3A_1180, %dma_start3A_1184] : memref<4x200xi32, #tpu.memory_space<vmem>> -> memref<1x96xi32, #tpu.memory_space<vmem>>
    %dma_start3A_1186 = tpu.memref_squeeze %dma_start3A_1185 : memref<1x96xi32, #tpu.memory_space<vmem>> -> memref<96xi32, #tpu.memory_space<vmem>>
    %dma_start3A_1187 = arith.constant 0 : i32
    %dma_start3A_1188 = arith.constant 0 : i32
    %dma_start3A_1189 = tpu.memref_slice %arg3[%dma_start3A_1187, %dma_start3A_1188] : memref<1000000x64xf32, #tpu.memory_space<hbm>> -> memref<1000000x64xf32, #tpu.memory_space<hbm>>
    tpu.enqueue_indirect_dma source(%dma_start3A_1189 : memref<1000000x64xf32, #tpu.memory_space<hbm>>) target(%dma_start3A_1183 : memref<96x64xf32, #tpu.memory_space<vmem>>) offsets(%dma_start3A_1186 : memref<96xi32, #tpu.memory_space<vmem>>) semaphore(%arg13 : memref<!tpu.dma_semaphore, #tpu.memory_space<semaphore_mem>>)
    %dma_start3A_1190 = arith.constant 3 : i32
    %dma_start3A_1191 = arith.constant 600 : i32
    %dma_start3A_1192 = arith.constant 0 : i32
    %dma_start3A_1193 = tpu.memref_slice %arg8[%dma_start3A_1191, %dma_start3A_1192] : memref<800x64xf32, #tpu.memory_space<vmem>> -> memref<104x64xf32, #tpu.memory_space<vmem>>
    %dma_start3A_1194 = arith.constant 0 : i32
    %dma_start3A_1195 = tpu.memref_slice %arg6[%dma_start3A_1190, %dma_start3A_1194] : memref<4x200xi32, #tpu.memory_space<vmem>> -> memref<1x104xi32, #tpu.memory_space<vmem>>
    %dma_start3A_1196 = tpu.memref_squeeze %dma_start3A_1195 : memref<1x104xi32, #tpu.memory_space<vmem>> -> memref<104xi32, #tpu.memory_space<vmem>>
    %dma_start3A_1197 = arith.constant 0 : i32
    %dma_start3A_1198 = arith.constant 0 : i32
    %dma_start3A_1199 = tpu.memref_slice %arg3[%dma_start3A_1197, %dma_start3A_1198] : memref<1000000x64xf32, #tpu.memory_space<hbm>> -> memref<1000000x64xf32, #tpu.memory_space<hbm>>
    tpu.enqueue_indirect_dma source(%dma_start3A_1199 : memref<1000000x64xf32, #tpu.memory_space<hbm>>) target(%dma_start3A_1193 : memref<104x64xf32, #tpu.memory_space<vmem>>) offsets(%dma_start3A_1196 : memref<104xi32, #tpu.memory_space<vmem>>) semaphore(%arg13 : memref<!tpu.dma_semaphore, #tpu.memory_space<semaphore_mem>>)
    %dma_start3A_1200 = arith.constant 3 : i32
    %dma_start3A_1201 = arith.constant 704 : i32
    %dma_start3A_1202 = arith.constant 0 : i32
    %dma_start3A_1203 = tpu.memref_slice %arg8[%dma_start3A_1201, %dma_start3A_1202] : memref<800x64xf32, #tpu.memory_space<vmem>> -> memref<96x64xf32, #tpu.memory_space<vmem>>
    %dma_start3A_1204 = arith.constant 104 : i32
    %dma_start3A_1205 = tpu.memref_slice %arg6[%dma_start3A_1200, %dma_start3A_1204] : memref<4x200xi32, #tpu.memory_space<vmem>> -> memref<1x96xi32, #tpu.memory_space<vmem>>
    %dma_start3A_1206 = tpu.memref_squeeze %dma_start3A_1205 : memref<1x96xi32, #tpu.memory_space<vmem>> -> memref<96xi32, #tpu.memory_space<vmem>>
    %dma_start3A_1207 = arith.constant 0 : i32
    %dma_start3A_1208 = arith.constant 0 : i32
    %dma_start3A_1209 = tpu.memref_slice %arg3[%dma_start3A_1207, %dma_start3A_1208] : memref<1000000x64xf32, #tpu.memory_space<hbm>> -> memref<1000000x64xf32, #tpu.memory_space<hbm>>
    tpu.enqueue_indirect_dma source(%dma_start3A_1209 : memref<1000000x64xf32, #tpu.memory_space<hbm>>) target(%dma_start3A_1203 : memref<96x64xf32, #tpu.memory_space<vmem>>) offsets(%dma_start3A_1206 : memref<96xi32, #tpu.memory_space<vmem>>) semaphore(%arg13 : memref<!tpu.dma_semaphore, #tpu.memory_space<semaphore_mem>>)
    %add3A_1210 = arith.constant 28 : i32
    %add3A_1211 = arith.addi %mul3A_2, %add3A_1210 : i32
    %dma_start3A_1212 = arith.constant 0 : i32
    %dma_start3A_1213 = tpu.memref_slice %arg2[%add3A_1211, %dma_start3A_1212] : memref<1024x200xi32, #tpu.memory_space<hbm>> -> memref<4x200xi32, #tpu.memory_space<hbm>>
    %dma_start3A_1214 = arith.constant 0 : i32
    %dma_start3A_1215 = tpu.memref_slice %arg2[%add3A_1211, %dma_start3A_1214] : memref<1024x200xi32, #tpu.memory_space<hbm>> -> memref<4x200xi32, #tpu.memory_space<hbm>>
    tpu.enqueue_dma source(%dma_start3A_1215 : memref<4x200xi32, #tpu.memory_space<hbm>>) target(%arg7 : memref<4x200xi32, #tpu.memory_space<vmem>>) target_semaphore(%arg12 : memref<!tpu.dma_semaphore, #tpu.memory_space<semaphore_mem>>)
    %scan3A_1216 = arith.constant 0 : i32
    %scan3A_1217 = arith.constant 0 : i32
    %scan3A_1218 = arith.constant 200 : i32
    %scan3A_1219 = arith.addi %scan3A_1217, %scan3A_1218 : i32
    %scan3A_1220 = arith.constant 1 : i32
    scf.for %scan3A_1520 = %scan3A_1217 to %scan3A_1219 step %scan3A_1220  : i32 {
      %get3A = arith.index_cast %scan3A_1520 : i32 to index
      %get3A_1521 = arith.constant 0 : index
      %get3A_1522 = tpu.vector_load %arg10[%get3A, %get3A_1521] {strides = array<i32>} : memref<200x64xf32, #tpu.memory_space<vmem>>, vector<1x16xf32>,
      %get3A_1523 = vector.shape_cast %get3A_1522 : vector<1x16xf32> to vector<16xf32>
      %add3A_1524 = arith.constant 0 : i32
      %add3A_1525 = arith.addi %add3A_1524, %scan3A_1520 : i32
      %swap3A = arith.index_cast %add3A_1525 : i32 to index
      %swap3A_1526 = arith.constant 0 : index
      %swap3A_1527 = tpu.vector_load %arg9[%swap3A, %swap3A_1526] {strides = array<i32>} : memref<800x64xf32, #tpu.memory_space<vmem>>, vector<1x16xf32>,
      %swap3A_1528 = vector.shape_cast %swap3A_1527 : vector<1x16xf32> to vector<16xf32>
      %swap3A_1529 = vector.shape_cast %get3A_1523 : vector<16xf32> to vector<1x16xf32>
      tpu.vector_store %arg9[%swap3A, %swap3A_1526], %swap3A_1529 {add = true, strides = array<i32>} : memref<800x64xf32, #tpu.memory_space<vmem>>, vector<1x16xf32>,
      %add3A_1530 = arith.constant 200 : i32
      %add3A_1531 = arith.addi %add3A_1530, %scan3A_1520 : i32
      %swap3A_1532 = arith.index_cast %add3A_1531 : i32 to index
      %swap3A_1533 = arith.constant 0 : index
      %swap3A_1534 = tpu.vector_load %arg9[%swap3A_1532, %swap3A_1533] {strides = array<i32>} : memref<800x64xf32, #tpu.memory_space<vmem>>, vector<1x16xf32>,
      %swap3A_1535 = vector.shape_cast %swap3A_1534 : vector<1x16xf32> to vector<16xf32>
      %swap3A_1536 = vector.shape_cast %get3A_1523 : vector<16xf32> to vector<1x16xf32>
      tpu.vector_store %arg9[%swap3A_1532, %swap3A_1533], %swap3A_1536 {add = true, strides = array<i32>} : memref<800x64xf32, #tpu.memory_space<vmem>>, vector<1x16xf32>,
      %add3A_1537 = arith.constant 400 : i32
      %add3A_1538 = arith.addi %add3A_1537, %scan3A_1520 : i32
      %swap3A_1539 = arith.index_cast %add3A_1538 : i32 to index
      %swap3A_1540 = arith.constant 0 : index
      %swap3A_1541 = tpu.vector_load %arg9[%swap3A_1539, %swap3A_1540] {strides = array<i32>} : memref<800x64xf32, #tpu.memory_space<vmem>>, vector<1x16xf32>,
      %swap3A_1542 = vector.shape_cast %swap3A_1541 : vector<1x16xf32> to vector<16xf32>
      %swap3A_1543 = vector.shape_cast %get3A_1523 : vector<16xf32> to vector<1x16xf32>
      tpu.vector_store %arg9[%swap3A_1539, %swap3A_1540], %swap3A_1543 {add = true, strides = array<i32>} : memref<800x64xf32, #tpu.memory_space<vmem>>, vector<1x16xf32>,
      %add3A_1544 = arith.constant 600 : i32
      %add3A_1545 = arith.addi %add3A_1544, %scan3A_1520 : i32
      %swap3A_1546 = arith.index_cast %add3A_1545 : i32 to index
      %swap3A_1547 = arith.constant 0 : index
      %swap3A_1548 = tpu.vector_load %arg9[%swap3A_1546, %swap3A_1547] {strides = array<i32>} : memref<800x64xf32, #tpu.memory_space<vmem>>, vector<1x16xf32>,
      %swap3A_1549 = vector.shape_cast %swap3A_1548 : vector<1x16xf32> to vector<16xf32>
      %swap3A_1550 = vector.shape_cast %get3A_1523 : vector<16xf32> to vector<1x16xf32>
      tpu.vector_store %arg9[%swap3A_1546, %swap3A_1547], %swap3A_1550 {add = true, strides = array<i32>} : memref<800x64xf32, #tpu.memory_space<vmem>>, vector<1x16xf32>,
      %get3A_1551 = arith.index_cast %scan3A_1520 : i32 to index
      %get3A_1552 = arith.constant 16 : index
      %get3A_1553 = tpu.vector_load %arg10[%get3A_1551, %get3A_1552] {strides = array<i32>} : memref<200x64xf32, #tpu.memory_space<vmem>>, vector<1x16xf32>,
      %get3A_1554 = vector.shape_cast %get3A_1553 : vector<1x16xf32> to vector<16xf32>
      %add3A_1555 = arith.constant 0 : i32
      %add3A_1556 = arith.addi %add3A_1555, %scan3A_1520 : i32
      %swap3A_1557 = arith.index_cast %add3A_1556 : i32 to index
      %swap3A_1558 = arith.constant 16 : index
      %swap3A_1559 = tpu.vector_load %arg9[%swap3A_1557, %swap3A_1558] {strides = array<i32>} : memref<800x64xf32, #tpu.memory_space<vmem>>, vector<1x16xf32>,
      %swap3A_1560 = vector.shape_cast %swap3A_1559 : vector<1x16xf32> to vector<16xf32>
      %swap3A_1561 = vector.shape_cast %get3A_1554 : vector<16xf32> to vector<1x16xf32>
      tpu.vector_store %arg9[%swap3A_1557, %swap3A_1558], %swap3A_1561 {add = true, strides = array<i32>} : memref<800x64xf32, #tpu.memory_space<vmem>>, vector<1x16xf32>,
      %add3A_1562 = arith.constant 200 : i32
      %add3A_1563 = arith.addi %add3A_1562, %scan3A_1520 : i32
      %swap3A_1564 = arith.index_cast %add3A_1563 : i32 to index
      %swap3A_1565 = arith.constant 16 : index
      %swap3A_1566 = tpu.vector_load %arg9[%swap3A_1564, %swap3A_1565] {strides = array<i32>} : memref<800x64xf32, #tpu.memory_space<vmem>>, vector<1x16xf32>,
      %swap3A_1567 = vector.shape_cast %swap3A_1566 : vector<1x16xf32> to vector<16xf32>
      %swap3A_1568 = vector.shape_cast %get3A_1554 : vector<16xf32> to vector<1x16xf32>
      tpu.vector_store %arg9[%swap3A_1564, %swap3A_1565], %swap3A_1568 {add = true, strides = array<i32>} : memref<800x64xf32, #tpu.memory_space<vmem>>, vector<1x16xf32>,
      %add3A_1569 = arith.constant 400 : i32
      %add3A_1570 = arith.addi %add3A_1569, %scan3A_1520 : i32
      %swap3A_1571 = arith.index_cast %add3A_1570 : i32 to index
      %swap3A_1572 = arith.constant 16 : index
      %swap3A_1573 = tpu.vector_load %arg9[%swap3A_1571, %swap3A_1572] {strides = array<i32>} : memref<800x64xf32, #tpu.memory_space<vmem>>, vector<1x16xf32>,
      %swap3A_1574 = vector.shape_cast %swap3A_1573 : vector<1x16xf32> to vector<16xf32>
      %swap3A_1575 = vector.shape_cast %get3A_1554 : vector<16xf32> to vector<1x16xf32>
      tpu.vector_store %arg9[%swap3A_1571, %swap3A_1572], %swap3A_1575 {add = true, strides = array<i32>} : memref<800x64xf32, #tpu.memory_space<vmem>>, vector<1x16xf32>,
      %add3A_1576 = arith.constant 600 : i32
      %add3A_1577 = arith.addi %add3A_1576, %scan3A_1520 : i32
      %swap3A_1578 = arith.index_cast %add3A_1577 : i32 to index
      %swap3A_1579 = arith.constant 16 : index
      %swap3A_1580 = tpu.vector_load %arg9[%swap3A_1578, %swap3A_1579] {strides = array<i32>} : memref<800x64xf32, #tpu.memory_space<vmem>>, vector<1x16xf32>,
      %swap3A_1581 = vector.shape_cast %swap3A_1580 : vector<1x16xf32> to vector<16xf32>
      %swap3A_1582 = vector.shape_cast %get3A_1554 : vector<16xf32> to vector<1x16xf32>
      tpu.vector_store %arg9[%swap3A_1578, %swap3A_1579], %swap3A_1582 {add = true, strides = array<i32>} : memref<800x64xf32, #tpu.memory_space<vmem>>, vector<1x16xf32>,
      %get3A_1583 = arith.index_cast %scan3A_1520 : i32 to index
      %get3A_1584 = arith.constant 32 : index
      %get3A_1585 = tpu.vector_load %arg10[%get3A_1583, %get3A_1584] {strides = array<i32>} : memref<200x64xf32, #tpu.memory_space<vmem>>, vector<1x16xf32>,
      %get3A_1586 = vector.shape_cast %get3A_1585 : vector<1x16xf32> to vector<16xf32>
      %add3A_1587 = arith.constant 0 : i32
      %add3A_1588 = arith.addi %add3A_1587, %scan3A_1520 : i32
      %swap3A_1589 = arith.index_cast %add3A_1588 : i32 to index
      %swap3A_1590 = arith.constant 32 : index
      %swap3A_1591 = tpu.vector_load %arg9[%swap3A_1589, %swap3A_1590] {strides = array<i32>} : memref<800x64xf32, #tpu.memory_space<vmem>>, vector<1x16xf32>,
      %swap3A_1592 = vector.shape_cast %swap3A_1591 : vector<1x16xf32> to vector<16xf32>
      %swap3A_1593 = vector.shape_cast %get3A_1586 : vector<16xf32> to vector<1x16xf32>
      tpu.vector_store %arg9[%swap3A_1589, %swap3A_1590], %swap3A_1593 {add = true, strides = array<i32>} : memref<800x64xf32, #tpu.memory_space<vmem>>, vector<1x16xf32>,
      %add3A_1594 = arith.constant 200 : i32
      %add3A_1595 = arith.addi %add3A_1594, %scan3A_1520 : i32
      %swap3A_1596 = arith.index_cast %add3A_1595 : i32 to index
      %swap3A_1597 = arith.constant 32 : index
      %swap3A_1598 = tpu.vector_load %arg9[%swap3A_1596, %swap3A_1597] {strides = array<i32>} : memref<800x64xf32, #tpu.memory_space<vmem>>, vector<1x16xf32>,
      %swap3A_1599 = vector.shape_cast %swap3A_1598 : vector<1x16xf32> to vector<16xf32>
      %swap3A_1600 = vector.shape_cast %get3A_1586 : vector<16xf32> to vector<1x16xf32>
      tpu.vector_store %arg9[%swap3A_1596, %swap3A_1597], %swap3A_1600 {add = true, strides = array<i32>} : memref<800x64xf32, #tpu.memory_space<vmem>>, vector<1x16xf32>,
      %add3A_1601 = arith.constant 400 : i32
      %add3A_1602 = arith.addi %add3A_1601, %scan3A_1520 : i32
      %swap3A_1603 = arith.index_cast %add3A_1602 : i32 to index
      %swap3A_1604 = arith.constant 32 : index
      %swap3A_1605 = tpu.vector_load %arg9[%swap3A_1603, %swap3A_1604] {strides = array<i32>} : memref<800x64xf32, #tpu.memory_space<vmem>>, vector<1x16xf32>,
      %swap3A_1606 = vector.shape_cast %swap3A_1605 : vector<1x16xf32> to vector<16xf32>
      %swap3A_1607 = vector.shape_cast %get3A_1586 : vector<16xf32> to vector<1x16xf32>
      tpu.vector_store %arg9[%swap3A_1603, %swap3A_1604], %swap3A_1607 {add = true, strides = array<i32>} : memref<800x64xf32, #tpu.memory_space<vmem>>, vector<1x16xf32>,
      %add3A_1608 = arith.constant 600 : i32
      %add3A_1609 = arith.addi %add3A_1608, %scan3A_1520 : i32
      %swap3A_1610 = arith.index_cast %add3A_1609 : i32 to index
      %swap3A_1611 = arith.constant 32 : index
      %swap3A_1612 = tpu.vector_load %arg9[%swap3A_1610, %swap3A_1611] {strides = array<i32>} : memref<800x64xf32, #tpu.memory_space<vmem>>, vector<1x16xf32>,
      %swap3A_1613 = vector.shape_cast %swap3A_1612 : vector<1x16xf32> to vector<16xf32>
      %swap3A_1614 = vector.shape_cast %get3A_1586 : vector<16xf32> to vector<1x16xf32>
      tpu.vector_store %arg9[%swap3A_1610, %swap3A_1611], %swap3A_1614 {add = true, strides = array<i32>} : memref<800x64xf32, #tpu.memory_space<vmem>>, vector<1x16xf32>,
      %get3A_1615 = arith.index_cast %scan3A_1520 : i32 to index
      %get3A_1616 = arith.constant 48 : index
      %get3A_1617 = tpu.vector_load %arg10[%get3A_1615, %get3A_1616] {strides = array<i32>} : memref<200x64xf32, #tpu.memory_space<vmem>>, vector<1x16xf32>,
      %get3A_1618 = vector.shape_cast %get3A_1617 : vector<1x16xf32> to vector<16xf32>
      %add3A_1619 = arith.constant 0 : i32
      %add3A_1620 = arith.addi %add3A_1619, %scan3A_1520 : i32
      %swap3A_1621 = arith.index_cast %add3A_1620 : i32 to index
      %swap3A_1622 = arith.constant 48 : index
      %swap3A_1623 = tpu.vector_load %arg9[%swap3A_1621, %swap3A_1622] {strides = array<i32>} : memref<800x64xf32, #tpu.memory_space<vmem>>, vector<1x16xf32>,
      %swap3A_1624 = vector.shape_cast %swap3A_1623 : vector<1x16xf32> to vector<16xf32>
      %swap3A_1625 = vector.shape_cast %get3A_1618 : vector<16xf32> to vector<1x16xf32>
      tpu.vector_store %arg9[%swap3A_1621, %swap3A_1622], %swap3A_1625 {add = true, strides = array<i32>} : memref<800x64xf32, #tpu.memory_space<vmem>>, vector<1x16xf32>,
      %add3A_1626 = arith.constant 200 : i32
      %add3A_1627 = arith.addi %add3A_1626, %scan3A_1520 : i32
      %swap3A_1628 = arith.index_cast %add3A_1627 : i32 to index
      %swap3A_1629 = arith.constant 48 : index
      %swap3A_1630 = tpu.vector_load %arg9[%swap3A_1628, %swap3A_1629] {strides = array<i32>} : memref<800x64xf32, #tpu.memory_space<vmem>>, vector<1x16xf32>,
      %swap3A_1631 = vector.shape_cast %swap3A_1630 : vector<1x16xf32> to vector<16xf32>
      %swap3A_1632 = vector.shape_cast %get3A_1618 : vector<16xf32> to vector<1x16xf32>
      tpu.vector_store %arg9[%swap3A_1628, %swap3A_1629], %swap3A_1632 {add = true, strides = array<i32>} : memref<800x64xf32, #tpu.memory_space<vmem>>, vector<1x16xf32>,
      %add3A_1633 = arith.constant 400 : i32
      %add3A_1634 = arith.addi %add3A_1633, %scan3A_1520 : i32
      %swap3A_1635 = arith.index_cast %add3A_1634 : i32 to index
      %swap3A_1636 = arith.constant 48 : index
      %swap3A_1637 = tpu.vector_load %arg9[%swap3A_1635, %swap3A_1636] {strides = array<i32>} : memref<800x64xf32, #tpu.memory_space<vmem>>, vector<1x16xf32>,
      %swap3A_1638 = vector.shape_cast %swap3A_1637 : vector<1x16xf32> to vector<16xf32>
      %swap3A_1639 = vector.shape_cast %get3A_1618 : vector<16xf32> to vector<1x16xf32>
      tpu.vector_store %arg9[%swap3A_1635, %swap3A_1636], %swap3A_1639 {add = true, strides = array<i32>} : memref<800x64xf32, #tpu.memory_space<vmem>>, vector<1x16xf32>,
      %add3A_1640 = arith.constant 600 : i32
      %add3A_1641 = arith.addi %add3A_1640, %scan3A_1520 : i32
      %swap3A_1642 = arith.index_cast %add3A_1641 : i32 to index
      %swap3A_1643 = arith.constant 48 : index
      %swap3A_1644 = tpu.vector_load %arg9[%swap3A_1642, %swap3A_1643] {strides = array<i32>} : memref<800x64xf32, #tpu.memory_space<vmem>>, vector<1x16xf32>,
      %swap3A_1645 = vector.shape_cast %swap3A_1644 : vector<1x16xf32> to vector<16xf32>
      %swap3A_1646 = vector.shape_cast %get3A_1618 : vector<16xf32> to vector<1x16xf32>
      tpu.vector_store %arg9[%swap3A_1642, %swap3A_1643], %swap3A_1646 {add = true, strides = array<i32>} : memref<800x64xf32, #tpu.memory_space<vmem>>, vector<1x16xf32>,
    }
    %scan3A_1221 = arith.constant 200 : i32
    %mul3A_1222 = arith.constant 8 : i32
    %mul3A_1223 = arith.muli %add3A, %mul3A_1222 : i32
    %add3A_1224 = arith.constant 5 : i32
    %add3A_1225 = arith.addi %mul3A_1223, %add3A_1224 : i32
    %mul3A_1226 = arith.constant 800 : i32
    %mul3A_1227 = arith.muli %add3A_1225, %mul3A_1226 : i32
    %dma_start3A_1228 = arith.constant 0 : i32
    %dma_start3A_1229 = tpu.memref_slice %arg5[%mul3A_1227, %dma_start3A_1228] : memref<204800x64xf32, #tpu.memory_space<hbm>> -> memref<800x64xf32, #tpu.memory_space<hbm>>
    %dma_start3A_1230 = arith.constant 0 : i32
    %dma_start3A_1231 = tpu.memref_slice %arg5[%mul3A_1227, %dma_start3A_1230] : memref<204800x64xf32, #tpu.memory_space<hbm>> -> memref<800x64xf32, #tpu.memory_space<hbm>>
    tpu.enqueue_dma source(%arg9 : memref<800x64xf32, #tpu.memory_space<vmem>>) target(%dma_start3A_1231 : memref<800x64xf32, #tpu.memory_space<hbm>>) target_semaphore(%arg16 : memref<!tpu.dma_semaphore, #tpu.memory_space<semaphore_mem>>)
    %dma_wait3A_1232 = arith.constant 0 : i32
    %dma_wait3A_1233 = arith.constant 0 : i32
    %dma_wait3A_1234 = arith.constant 0 : i32
    %dma_wait3A_1235 = tpu.memref_slice %arg8[%dma_wait3A_1233, %dma_wait3A_1234] : memref<800x64xf32, #tpu.memory_space<vmem>> -> memref<104x64xf32, #tpu.memory_space<vmem>>
    %dma_wait3A_1236 = arith.constant 0 : i32
    %dma_wait3A_1237 = tpu.memref_slice %arg6[%dma_wait3A_1232, %dma_wait3A_1236] : memref<4x200xi32, #tpu.memory_space<vmem>> -> memref<1x104xi32, #tpu.memory_space<vmem>>
    %dma_wait3A_1238 = tpu.memref_squeeze %dma_wait3A_1237 : memref<1x104xi32, #tpu.memory_space<vmem>> -> memref<104xi32, #tpu.memory_space<vmem>>
    %dma_wait3A_1239 = arith.constant 0 : i32
    %dma_wait3A_1240 = arith.constant 0 : i32
    %dma_wait3A_1241 = tpu.memref_slice %arg3[%dma_wait3A_1239, %dma_wait3A_1240] : memref<1000000x64xf32, #tpu.memory_space<hbm>> -> memref<1000000x64xf32, #tpu.memory_space<hbm>>
    tpu.wait_indirect_dma semaphore(%arg13 : memref<!tpu.dma_semaphore, #tpu.memory_space<semaphore_mem>>) src(%dma_wait3A_1241 : memref<1000000x64xf32, #tpu.memory_space<hbm>>) dst(%dma_wait3A_1235 : memref<104x64xf32, #tpu.memory_space<vmem>>)
    %dma_wait3A_1242 = arith.constant 0 : i32
    %dma_wait3A_1243 = arith.constant 104 : i32
    %dma_wait3A_1244 = arith.constant 0 : i32
    %dma_wait3A_1245 = tpu.memref_slice %arg8[%dma_wait3A_1243, %dma_wait3A_1244] : memref<800x64xf32, #tpu.memory_space<vmem>> -> memref<96x64xf32, #tpu.memory_space<vmem>>
    %dma_wait3A_1246 = arith.constant 104 : i32
    %dma_wait3A_1247 = tpu.memref_slice %arg6[%dma_wait3A_1242, %dma_wait3A_1246] : memref<4x200xi32, #tpu.memory_space<vmem>> -> memref<1x96xi32, #tpu.memory_space<vmem>>
    %dma_wait3A_1248 = tpu.memref_squeeze %dma_wait3A_1247 : memref<1x96xi32, #tpu.memory_space<vmem>> -> memref<96xi32, #tpu.memory_space<vmem>>
    %dma_wait3A_1249 = arith.constant 0 : i32
    %dma_wait3A_1250 = arith.constant 0 : i32
    %dma_wait3A_1251 = tpu.memref_slice %arg3[%dma_wait3A_1249, %dma_wait3A_1250] : memref<1000000x64xf32, #tpu.memory_space<hbm>> -> memref<1000000x64xf32, #tpu.memory_space<hbm>>
    tpu.wait_indirect_dma semaphore(%arg13 : memref<!tpu.dma_semaphore, #tpu.memory_space<semaphore_mem>>) src(%dma_wait3A_1251 : memref<1000000x64xf32, #tpu.memory_space<hbm>>) dst(%dma_wait3A_1245 : memref<96x64xf32, #tpu.memory_space<vmem>>)
    %dma_wait3A_1252 = arith.constant 1 : i32
    %dma_wait3A_1253 = arith.constant 200 : i32
    %dma_wait3A_1254 = arith.constant 0 : i32
    %dma_wait3A_1255 = tpu.memref_slice %arg8[%dma_wait3A_1253, %dma_wait3A_1254] : memref<800x64xf32, #tpu.memory_space<vmem>> -> memref<104x64xf32, #tpu.memory_space<vmem>>
    %dma_wait3A_1256 = arith.constant 0 : i32
    %dma_wait3A_1257 = tpu.memref_slice %arg6[%dma_wait3A_1252, %dma_wait3A_1256] : memref<4x200xi32, #tpu.memory_space<vmem>> -> memref<1x104xi32, #tpu.memory_space<vmem>>
    %dma_wait3A_1258 = tpu.memref_squeeze %dma_wait3A_1257 : memref<1x104xi32, #tpu.memory_space<vmem>> -> memref<104xi32, #tpu.memory_space<vmem>>
    %dma_wait3A_1259 = arith.constant 0 : i32
    %dma_wait3A_1260 = arith.constant 0 : i32
    %dma_wait3A_1261 = tpu.memref_slice %arg3[%dma_wait3A_1259, %dma_wait3A_1260] : memref<1000000x64xf32, #tpu.memory_space<hbm>> -> memref<1000000x64xf32, #tpu.memory_space<hbm>>
    tpu.wait_indirect_dma semaphore(%arg13 : memref<!tpu.dma_semaphore, #tpu.memory_space<semaphore_mem>>) src(%dma_wait3A_1261 : memref<1000000x64xf32, #tpu.memory_space<hbm>>) dst(%dma_wait3A_1255 : memref<104x64xf32, #tpu.memory_space<vmem>>)
    %dma_wait3A_1262 = arith.constant 1 : i32
    %dma_wait3A_1263 = arith.constant 304 : i32
    %dma_wait3A_1264 = arith.constant 0 : i32
    %dma_wait3A_1265 = tpu.memref_slice %arg8[%dma_wait3A_1263, %dma_wait3A_1264] : memref<800x64xf32, #tpu.memory_space<vmem>> -> memref<96x64xf32, #tpu.memory_space<vmem>>
    %dma_wait3A_1266 = arith.constant 104 : i32
    %dma_wait3A_1267 = tpu.memref_slice %arg6[%dma_wait3A_1262, %dma_wait3A_1266] : memref<4x200xi32, #tpu.memory_space<vmem>> -> memref<1x96xi32, #tpu.memory_space<vmem>>
    %dma_wait3A_1268 = tpu.memref_squeeze %dma_wait3A_1267 : memref<1x96xi32, #tpu.memory_space<vmem>> -> memref<96xi32, #tpu.memory_space<vmem>>
    %dma_wait3A_1269 = arith.constant 0 : i32
    %dma_wait3A_1270 = arith.constant 0 : i32
    %dma_wait3A_1271 = tpu.memref_slice %arg3[%dma_wait3A_1269, %dma_wait3A_1270] : memref<1000000x64xf32, #tpu.memory_space<hbm>> -> memref<1000000x64xf32, #tpu.memory_space<hbm>>
    tpu.wait_indirect_dma semaphore(%arg13 : memref<!tpu.dma_semaphore, #tpu.memory_space<semaphore_mem>>) src(%dma_wait3A_1271 : memref<1000000x64xf32, #tpu.memory_space<hbm>>) dst(%dma_wait3A_1265 : memref<96x64xf32, #tpu.memory_space<vmem>>)
    %dma_wait3A_1272 = arith.constant 2 : i32
    %dma_wait3A_1273 = arith.constant 400 : i32
    %dma_wait3A_1274 = arith.constant 0 : i32
    %dma_wait3A_1275 = tpu.memref_slice %arg8[%dma_wait3A_1273, %dma_wait3A_1274] : memref<800x64xf32, #tpu.memory_space<vmem>> -> memref<104x64xf32, #tpu.memory_space<vmem>>
    %dma_wait3A_1276 = arith.constant 0 : i32
    %dma_wait3A_1277 = tpu.memref_slice %arg6[%dma_wait3A_1272, %dma_wait3A_1276] : memref<4x200xi32, #tpu.memory_space<vmem>> -> memref<1x104xi32, #tpu.memory_space<vmem>>
    %dma_wait3A_1278 = tpu.memref_squeeze %dma_wait3A_1277 : memref<1x104xi32, #tpu.memory_space<vmem>> -> memref<104xi32, #tpu.memory_space<vmem>>
    %dma_wait3A_1279 = arith.constant 0 : i32
    %dma_wait3A_1280 = arith.constant 0 : i32
    %dma_wait3A_1281 = tpu.memref_slice %arg3[%dma_wait3A_1279, %dma_wait3A_1280] : memref<1000000x64xf32, #tpu.memory_space<hbm>> -> memref<1000000x64xf32, #tpu.memory_space<hbm>>
    tpu.wait_indirect_dma semaphore(%arg13 : memref<!tpu.dma_semaphore, #tpu.memory_space<semaphore_mem>>) src(%dma_wait3A_1281 : memref<1000000x64xf32, #tpu.memory_space<hbm>>) dst(%dma_wait3A_1275 : memref<104x64xf32, #tpu.memory_space<vmem>>)
    %dma_wait3A_1282 = arith.constant 2 : i32
    %dma_wait3A_1283 = arith.constant 504 : i32
    %dma_wait3A_1284 = arith.constant 0 : i32
    %dma_wait3A_1285 = tpu.memref_slice %arg8[%dma_wait3A_1283, %dma_wait3A_1284] : memref<800x64xf32, #tpu.memory_space<vmem>> -> memref<96x64xf32, #tpu.memory_space<vmem>>
    %dma_wait3A_1286 = arith.constant 104 : i32
    %dma_wait3A_1287 = tpu.memref_slice %arg6[%dma_wait3A_1282, %dma_wait3A_1286] : memref<4x200xi32, #tpu.memory_space<vmem>> -> memref<1x96xi32, #tpu.memory_space<vmem>>
    %dma_wait3A_1288 = tpu.memref_squeeze %dma_wait3A_1287 : memref<1x96xi32, #tpu.memory_space<vmem>> -> memref<96xi32, #tpu.memory_space<vmem>>
    %dma_wait3A_1289 = arith.constant 0 : i32
    %dma_wait3A_1290 = arith.constant 0 : i32
    %dma_wait3A_1291 = tpu.memref_slice %arg3[%dma_wait3A_1289, %dma_wait3A_1290] : memref<1000000x64xf32, #tpu.memory_space<hbm>> -> memref<1000000x64xf32, #tpu.memory_space<hbm>>
    tpu.wait_indirect_dma semaphore(%arg13 : memref<!tpu.dma_semaphore, #tpu.memory_space<semaphore_mem>>) src(%dma_wait3A_1291 : memref<1000000x64xf32, #tpu.memory_space<hbm>>) dst(%dma_wait3A_1285 : memref<96x64xf32, #tpu.memory_space<vmem>>)
    %dma_wait3A_1292 = arith.constant 3 : i32
    %dma_wait3A_1293 = arith.constant 600 : i32
    %dma_wait3A_1294 = arith.constant 0 : i32
    %dma_wait3A_1295 = tpu.memref_slice %arg8[%dma_wait3A_1293, %dma_wait3A_1294] : memref<800x64xf32, #tpu.memory_space<vmem>> -> memref<104x64xf32, #tpu.memory_space<vmem>>
    %dma_wait3A_1296 = arith.constant 0 : i32
    %dma_wait3A_1297 = tpu.memref_slice %arg6[%dma_wait3A_1292, %dma_wait3A_1296] : memref<4x200xi32, #tpu.memory_space<vmem>> -> memref<1x104xi32, #tpu.memory_space<vmem>>
    %dma_wait3A_1298 = tpu.memref_squeeze %dma_wait3A_1297 : memref<1x104xi32, #tpu.memory_space<vmem>> -> memref<104xi32, #tpu.memory_space<vmem>>
    %dma_wait3A_1299 = arith.constant 0 : i32
    %dma_wait3A_1300 = arith.constant 0 : i32
    %dma_wait3A_1301 = tpu.memref_slice %arg3[%dma_wait3A_1299, %dma_wait3A_1300] : memref<1000000x64xf32, #tpu.memory_space<hbm>> -> memref<1000000x64xf32, #tpu.memory_space<hbm>>
    tpu.wait_indirect_dma semaphore(%arg13 : memref<!tpu.dma_semaphore, #tpu.memory_space<semaphore_mem>>) src(%dma_wait3A_1301 : memref<1000000x64xf32, #tpu.memory_space<hbm>>) dst(%dma_wait3A_1295 : memref<104x64xf32, #tpu.memory_space<vmem>>)
    %dma_wait3A_1302 = arith.constant 3 : i32
    %dma_wait3A_1303 = arith.constant 704 : i32
    %dma_wait3A_1304 = arith.constant 0 : i32
    %dma_wait3A_1305 = tpu.memref_slice %arg8[%dma_wait3A_1303, %dma_wait3A_1304] : memref<800x64xf32, #tpu.memory_space<vmem>> -> memref<96x64xf32, #tpu.memory_space<vmem>>
    %dma_wait3A_1306 = arith.constant 104 : i32
    %dma_wait3A_1307 = tpu.memref_slice %arg6[%dma_wait3A_1302, %dma_wait3A_1306] : memref<4x200xi32, #tpu.memory_space<vmem>> -> memref<1x96xi32, #tpu.memory_space<vmem>>
    %dma_wait3A_1308 = tpu.memref_squeeze %dma_wait3A_1307 : memref<1x96xi32, #tpu.memory_space<vmem>> -> memref<96xi32, #tpu.memory_space<vmem>>
    %dma_wait3A_1309 = arith.constant 0 : i32
    %dma_wait3A_1310 = arith.constant 0 : i32
    %dma_wait3A_1311 = tpu.memref_slice %arg3[%dma_wait3A_1309, %dma_wait3A_1310] : memref<1000000x64xf32, #tpu.memory_space<hbm>> -> memref<1000000x64xf32, #tpu.memory_space<hbm>>
    tpu.wait_indirect_dma semaphore(%arg13 : memref<!tpu.dma_semaphore, #tpu.memory_space<semaphore_mem>>) src(%dma_wait3A_1311 : memref<1000000x64xf32, #tpu.memory_space<hbm>>) dst(%dma_wait3A_1305 : memref<96x64xf32, #tpu.memory_space<vmem>>)
    %dma_wait3A_1312 = arith.constant 0 : i32
    %dma_wait3A_1313 = tpu.memref_slice %arg5[%mul3A_1227, %dma_wait3A_1312] : memref<204800x64xf32, #tpu.memory_space<hbm>> -> memref<800x64xf32, #tpu.memory_space<hbm>>
    %dma_wait3A_1314 = arith.constant 0 : i32
    %dma_wait3A_1315 = tpu.memref_slice %arg5[%mul3A_1227, %dma_wait3A_1314] : memref<204800x64xf32, #tpu.memory_space<hbm>> -> memref<800x64xf32, #tpu.memory_space<hbm>>
    tpu.wait_dma2 semaphore(%arg16 : memref<!tpu.dma_semaphore, #tpu.memory_space<semaphore_mem>>) src(%arg9 : memref<800x64xf32, #tpu.memory_space<vmem>>) dst(%dma_wait3A_1315 : memref<800x64xf32, #tpu.memory_space<hbm>>)
    %dma_wait3A_1316 = arith.constant 0 : i32
    %dma_wait3A_1317 = tpu.memref_slice %arg2[%add3A_1211, %dma_wait3A_1316] : memref<1024x200xi32, #tpu.memory_space<hbm>> -> memref<4x200xi32, #tpu.memory_space<hbm>>
    %dma_wait3A_1318 = arith.constant 0 : i32
    %dma_wait3A_1319 = tpu.memref_slice %arg2[%add3A_1211, %dma_wait3A_1318] : memref<1024x200xi32, #tpu.memory_space<hbm>> -> memref<4x200xi32, #tpu.memory_space<hbm>>
    tpu.wait_dma2 semaphore(%arg12 : memref<!tpu.dma_semaphore, #tpu.memory_space<semaphore_mem>>) src(%dma_wait3A_1319 : memref<4x200xi32, #tpu.memory_space<hbm>>) dst(%arg7 : memref<4x200xi32, #tpu.memory_space<vmem>>)
    %dma_start3A_1320 = arith.constant 0 : i32
    %dma_start3A_1321 = arith.constant 0 : i32
    %dma_start3A_1322 = arith.constant 0 : i32
    %dma_start3A_1323 = tpu.memref_slice %arg9[%dma_start3A_1321, %dma_start3A_1322] : memref<800x64xf32, #tpu.memory_space<vmem>> -> memref<104x64xf32, #tpu.memory_space<vmem>>
    %dma_start3A_1324 = arith.constant 0 : i32
    %dma_start3A_1325 = tpu.memref_slice %arg7[%dma_start3A_1320, %dma_start3A_1324] : memref<4x200xi32, #tpu.memory_space<vmem>> -> memref<1x104xi32, #tpu.memory_space<vmem>>
    %dma_start3A_1326 = tpu.memref_squeeze %dma_start3A_1325 : memref<1x104xi32, #tpu.memory_space<vmem>> -> memref<104xi32, #tpu.memory_space<vmem>>
    %dma_start3A_1327 = arith.constant 0 : i32
    %dma_start3A_1328 = arith.constant 0 : i32
    %dma_start3A_1329 = tpu.memref_slice %arg3[%dma_start3A_1327, %dma_start3A_1328] : memref<1000000x64xf32, #tpu.memory_space<hbm>> -> memref<1000000x64xf32, #tpu.memory_space<hbm>>
    tpu.enqueue_indirect_dma source(%dma_start3A_1329 : memref<1000000x64xf32, #tpu.memory_space<hbm>>) target(%dma_start3A_1323 : memref<104x64xf32, #tpu.memory_space<vmem>>) offsets(%dma_start3A_1326 : memref<104xi32, #tpu.memory_space<vmem>>) semaphore(%arg14 : memref<!tpu.dma_semaphore, #tpu.memory_space<semaphore_mem>>)
    %dma_start3A_1330 = arith.constant 0 : i32
    %dma_start3A_1331 = arith.constant 104 : i32
    %dma_start3A_1332 = arith.constant 0 : i32
    %dma_start3A_1333 = tpu.memref_slice %arg9[%dma_start3A_1331, %dma_start3A_1332] : memref<800x64xf32, #tpu.memory_space<vmem>> -> memref<96x64xf32, #tpu.memory_space<vmem>>
    %dma_start3A_1334 = arith.constant 104 : i32
    %dma_start3A_1335 = tpu.memref_slice %arg7[%dma_start3A_1330, %dma_start3A_1334] : memref<4x200xi32, #tpu.memory_space<vmem>> -> memref<1x96xi32, #tpu.memory_space<vmem>>
    %dma_start3A_1336 = tpu.memref_squeeze %dma_start3A_1335 : memref<1x96xi32, #tpu.memory_space<vmem>> -> memref<96xi32, #tpu.memory_space<vmem>>
    %dma_start3A_1337 = arith.constant 0 : i32
    %dma_start3A_1338 = arith.constant 0 : i32
    %dma_start3A_1339 = tpu.memref_slice %arg3[%dma_start3A_1337, %dma_start3A_1338] : memref<1000000x64xf32, #tpu.memory_space<hbm>> -> memref<1000000x64xf32, #tpu.memory_space<hbm>>
    tpu.enqueue_indirect_dma source(%dma_start3A_1339 : memref<1000000x64xf32, #tpu.memory_space<hbm>>) target(%dma_start3A_1333 : memref<96x64xf32, #tpu.memory_space<vmem>>) offsets(%dma_start3A_1336 : memref<96xi32, #tpu.memory_space<vmem>>) semaphore(%arg14 : memref<!tpu.dma_semaphore, #tpu.memory_space<semaphore_mem>>)
    %dma_start3A_1340 = arith.constant 1 : i32
    %dma_start3A_1341 = arith.constant 200 : i32
    %dma_start3A_1342 = arith.constant 0 : i32
    %dma_start3A_1343 = tpu.memref_slice %arg9[%dma_start3A_1341, %dma_start3A_1342] : memref<800x64xf32, #tpu.memory_space<vmem>> -> memref<104x64xf32, #tpu.memory_space<vmem>>
    %dma_start3A_1344 = arith.constant 0 : i32
    %dma_start3A_1345 = tpu.memref_slice %arg7[%dma_start3A_1340, %dma_start3A_1344] : memref<4x200xi32, #tpu.memory_space<vmem>> -> memref<1x104xi32, #tpu.memory_space<vmem>>
    %dma_start3A_1346 = tpu.memref_squeeze %dma_start3A_1345 : memref<1x104xi32, #tpu.memory_space<vmem>> -> memref<104xi32, #tpu.memory_space<vmem>>
    %dma_start3A_1347 = arith.constant 0 : i32
    %dma_start3A_1348 = arith.constant 0 : i32
    %dma_start3A_1349 = tpu.memref_slice %arg3[%dma_start3A_1347, %dma_start3A_1348] : memref<1000000x64xf32, #tpu.memory_space<hbm>> -> memref<1000000x64xf32, #tpu.memory_space<hbm>>
    tpu.enqueue_indirect_dma source(%dma_start3A_1349 : memref<1000000x64xf32, #tpu.memory_space<hbm>>) target(%dma_start3A_1343 : memref<104x64xf32, #tpu.memory_space<vmem>>) offsets(%dma_start3A_1346 : memref<104xi32, #tpu.memory_space<vmem>>) semaphore(%arg14 : memref<!tpu.dma_semaphore, #tpu.memory_space<semaphore_mem>>)
    %dma_start3A_1350 = arith.constant 1 : i32
    %dma_start3A_1351 = arith.constant 304 : i32
    %dma_start3A_1352 = arith.constant 0 : i32
    %dma_start3A_1353 = tpu.memref_slice %arg9[%dma_start3A_1351, %dma_start3A_1352] : memref<800x64xf32, #tpu.memory_space<vmem>> -> memref<96x64xf32, #tpu.memory_space<vmem>>
    %dma_start3A_1354 = arith.constant 104 : i32
    %dma_start3A_1355 = tpu.memref_slice %arg7[%dma_start3A_1350, %dma_start3A_1354] : memref<4x200xi32, #tpu.memory_space<vmem>> -> memref<1x96xi32, #tpu.memory_space<vmem>>
    %dma_start3A_1356 = tpu.memref_squeeze %dma_start3A_1355 : memref<1x96xi32, #tpu.memory_space<vmem>> -> memref<96xi32, #tpu.memory_space<vmem>>
    %dma_start3A_1357 = arith.constant 0 : i32
    %dma_start3A_1358 = arith.constant 0 : i32
    %dma_start3A_1359 = tpu.memref_slice %arg3[%dma_start3A_1357, %dma_start3A_1358] : memref<1000000x64xf32, #tpu.memory_space<hbm>> -> memref<1000000x64xf32, #tpu.memory_space<hbm>>
    tpu.enqueue_indirect_dma source(%dma_start3A_1359 : memref<1000000x64xf32, #tpu.memory_space<hbm>>) target(%dma_start3A_1353 : memref<96x64xf32, #tpu.memory_space<vmem>>) offsets(%dma_start3A_1356 : memref<96xi32, #tpu.memory_space<vmem>>) semaphore(%arg14 : memref<!tpu.dma_semaphore, #tpu.memory_space<semaphore_mem>>)
    %dma_start3A_1360 = arith.constant 2 : i32
    %dma_start3A_1361 = arith.constant 400 : i32
    %dma_start3A_1362 = arith.constant 0 : i32
    %dma_start3A_1363 = tpu.memref_slice %arg9[%dma_start3A_1361, %dma_start3A_1362] : memref<800x64xf32, #tpu.memory_space<vmem>> -> memref<104x64xf32, #tpu.memory_space<vmem>>
    %dma_start3A_1364 = arith.constant 0 : i32
    %dma_start3A_1365 = tpu.memref_slice %arg7[%dma_start3A_1360, %dma_start3A_1364] : memref<4x200xi32, #tpu.memory_space<vmem>> -> memref<1x104xi32, #tpu.memory_space<vmem>>
    %dma_start3A_1366 = tpu.memref_squeeze %dma_start3A_1365 : memref<1x104xi32, #tpu.memory_space<vmem>> -> memref<104xi32, #tpu.memory_space<vmem>>
    %dma_start3A_1367 = arith.constant 0 : i32
    %dma_start3A_1368 = arith.constant 0 : i32
    %dma_start3A_1369 = tpu.memref_slice %arg3[%dma_start3A_1367, %dma_start3A_1368] : memref<1000000x64xf32, #tpu.memory_space<hbm>> -> memref<1000000x64xf32, #tpu.memory_space<hbm>>
    tpu.enqueue_indirect_dma source(%dma_start3A_1369 : memref<1000000x64xf32, #tpu.memory_space<hbm>>) target(%dma_start3A_1363 : memref<104x64xf32, #tpu.memory_space<vmem>>) offsets(%dma_start3A_1366 : memref<104xi32, #tpu.memory_space<vmem>>) semaphore(%arg14 : memref<!tpu.dma_semaphore, #tpu.memory_space<semaphore_mem>>)
    %dma_start3A_1370 = arith.constant 2 : i32
    %dma_start3A_1371 = arith.constant 504 : i32
    %dma_start3A_1372 = arith.constant 0 : i32
    %dma_start3A_1373 = tpu.memref_slice %arg9[%dma_start3A_1371, %dma_start3A_1372] : memref<800x64xf32, #tpu.memory_space<vmem>> -> memref<96x64xf32, #tpu.memory_space<vmem>>
    %dma_start3A_1374 = arith.constant 104 : i32
    %dma_start3A_1375 = tpu.memref_slice %arg7[%dma_start3A_1370, %dma_start3A_1374] : memref<4x200xi32, #tpu.memory_space<vmem>> -> memref<1x96xi32, #tpu.memory_space<vmem>>
    %dma_start3A_1376 = tpu.memref_squeeze %dma_start3A_1375 : memref<1x96xi32, #tpu.memory_space<vmem>> -> memref<96xi32, #tpu.memory_space<vmem>>
    %dma_start3A_1377 = arith.constant 0 : i32
    %dma_start3A_1378 = arith.constant 0 : i32
    %dma_start3A_1379 = tpu.memref_slice %arg3[%dma_start3A_1377, %dma_start3A_1378] : memref<1000000x64xf32, #tpu.memory_space<hbm>> -> memref<1000000x64xf32, #tpu.memory_space<hbm>>
    tpu.enqueue_indirect_dma source(%dma_start3A_1379 : memref<1000000x64xf32, #tpu.memory_space<hbm>>) target(%dma_start3A_1373 : memref<96x64xf32, #tpu.memory_space<vmem>>) offsets(%dma_start3A_1376 : memref<96xi32, #tpu.memory_space<vmem>>) semaphore(%arg14 : memref<!tpu.dma_semaphore, #tpu.memory_space<semaphore_mem>>)
    %dma_start3A_1380 = arith.constant 3 : i32
    %dma_start3A_1381 = arith.constant 600 : i32
    %dma_start3A_1382 = arith.constant 0 : i32
    %dma_start3A_1383 = tpu.memref_slice %arg9[%dma_start3A_1381, %dma_start3A_1382] : memref<800x64xf32, #tpu.memory_space<vmem>> -> memref<104x64xf32, #tpu.memory_space<vmem>>
    %dma_start3A_1384 = arith.constant 0 : i32
    %dma_start3A_1385 = tpu.memref_slice %arg7[%dma_start3A_1380, %dma_start3A_1384] : memref<4x200xi32, #tpu.memory_space<vmem>> -> memref<1x104xi32, #tpu.memory_space<vmem>>
    %dma_start3A_1386 = tpu.memref_squeeze %dma_start3A_1385 : memref<1x104xi32, #tpu.memory_space<vmem>> -> memref<104xi32, #tpu.memory_space<vmem>>
    %dma_start3A_1387 = arith.constant 0 : i32
    %dma_start3A_1388 = arith.constant 0 : i32
    %dma_start3A_1389 = tpu.memref_slice %arg3[%dma_start3A_1387, %dma_start3A_1388] : memref<1000000x64xf32, #tpu.memory_space<hbm>> -> memref<1000000x64xf32, #tpu.memory_space<hbm>>
    tpu.enqueue_indirect_dma source(%dma_start3A_1389 : memref<1000000x64xf32, #tpu.memory_space<hbm>>) target(%dma_start3A_1383 : memref<104x64xf32, #tpu.memory_space<vmem>>) offsets(%dma_start3A_1386 : memref<104xi32, #tpu.memory_space<vmem>>) semaphore(%arg14 : memref<!tpu.dma_semaphore, #tpu.memory_space<semaphore_mem>>)
    %dma_start3A_1390 = arith.constant 3 : i32
    %dma_start3A_1391 = arith.constant 704 : i32
    %dma_start3A_1392 = arith.constant 0 : i32
    %dma_start3A_1393 = tpu.memref_slice %arg9[%dma_start3A_1391, %dma_start3A_1392] : memref<800x64xf32, #tpu.memory_space<vmem>> -> memref<96x64xf32, #tpu.memory_space<vmem>>
    %dma_start3A_1394 = arith.constant 104 : i32
    %dma_start3A_1395 = tpu.memref_slice %arg7[%dma_start3A_1390, %dma_start3A_1394] : memref<4x200xi32, #tpu.memory_space<vmem>> -> memref<1x96xi32, #tpu.memory_space<vmem>>
    %dma_start3A_1396 = tpu.memref_squeeze %dma_start3A_1395 : memref<1x96xi32, #tpu.memory_space<vmem>> -> memref<96xi32, #tpu.memory_space<vmem>>
    %dma_start3A_1397 = arith.constant 0 : i32
    %dma_start3A_1398 = arith.constant 0 : i32
    %dma_start3A_1399 = tpu.memref_slice %arg3[%dma_start3A_1397, %dma_start3A_1398] : memref<1000000x64xf32, #tpu.memory_space<hbm>> -> memref<1000000x64xf32, #tpu.memory_space<hbm>>
    tpu.enqueue_indirect_dma source(%dma_start3A_1399 : memref<1000000x64xf32, #tpu.memory_space<hbm>>) target(%dma_start3A_1393 : memref<96x64xf32, #tpu.memory_space<vmem>>) offsets(%dma_start3A_1396 : memref<96xi32, #tpu.memory_space<vmem>>) semaphore(%arg14 : memref<!tpu.dma_semaphore, #tpu.memory_space<semaphore_mem>>)
    %scan3A_1400 = arith.constant 0 : i32
    %scan3A_1401 = arith.constant 0 : i32
    %scan3A_1402 = arith.constant 200 : i32
    %scan3A_1403 = arith.addi %scan3A_1401, %scan3A_1402 : i32
    %scan3A_1404 = arith.constant 1 : i32
    scf.for %scan3A_1520 = %scan3A_1401 to %scan3A_1403 step %scan3A_1404  : i32 {
      %get3A = arith.index_cast %scan3A_1520 : i32 to index
      %get3A_1521 = arith.constant 0 : index
      %get3A_1522 = tpu.vector_load %arg10[%get3A, %get3A_1521] {strides = array<i32>} : memref<200x64xf32, #tpu.memory_space<vmem>>, vector<1x16xf32>,
      %get3A_1523 = vector.shape_cast %get3A_1522 : vector<1x16xf32> to vector<16xf32>
      %add3A_1524 = arith.constant 0 : i32
      %add3A_1525 = arith.addi %add3A_1524, %scan3A_1520 : i32
      %swap3A = arith.index_cast %add3A_1525 : i32 to index
      %swap3A_1526 = arith.constant 0 : index
      %swap3A_1527 = tpu.vector_load %arg8[%swap3A, %swap3A_1526] {strides = array<i32>} : memref<800x64xf32, #tpu.memory_space<vmem>>, vector<1x16xf32>,
      %swap3A_1528 = vector.shape_cast %swap3A_1527 : vector<1x16xf32> to vector<16xf32>
      %swap3A_1529 = vector.shape_cast %get3A_1523 : vector<16xf32> to vector<1x16xf32>
      tpu.vector_store %arg8[%swap3A, %swap3A_1526], %swap3A_1529 {add = true, strides = array<i32>} : memref<800x64xf32, #tpu.memory_space<vmem>>, vector<1x16xf32>,
      %add3A_1530 = arith.constant 200 : i32
      %add3A_1531 = arith.addi %add3A_1530, %scan3A_1520 : i32
      %swap3A_1532 = arith.index_cast %add3A_1531 : i32 to index
      %swap3A_1533 = arith.constant 0 : index
      %swap3A_1534 = tpu.vector_load %arg8[%swap3A_1532, %swap3A_1533] {strides = array<i32>} : memref<800x64xf32, #tpu.memory_space<vmem>>, vector<1x16xf32>,
      %swap3A_1535 = vector.shape_cast %swap3A_1534 : vector<1x16xf32> to vector<16xf32>
      %swap3A_1536 = vector.shape_cast %get3A_1523 : vector<16xf32> to vector<1x16xf32>
      tpu.vector_store %arg8[%swap3A_1532, %swap3A_1533], %swap3A_1536 {add = true, strides = array<i32>} : memref<800x64xf32, #tpu.memory_space<vmem>>, vector<1x16xf32>,
      %add3A_1537 = arith.constant 400 : i32
      %add3A_1538 = arith.addi %add3A_1537, %scan3A_1520 : i32
      %swap3A_1539 = arith.index_cast %add3A_1538 : i32 to index
      %swap3A_1540 = arith.constant 0 : index
      %swap3A_1541 = tpu.vector_load %arg8[%swap3A_1539, %swap3A_1540] {strides = array<i32>} : memref<800x64xf32, #tpu.memory_space<vmem>>, vector<1x16xf32>,
      %swap3A_1542 = vector.shape_cast %swap3A_1541 : vector<1x16xf32> to vector<16xf32>
      %swap3A_1543 = vector.shape_cast %get3A_1523 : vector<16xf32> to vector<1x16xf32>
      tpu.vector_store %arg8[%swap3A_1539, %swap3A_1540], %swap3A_1543 {add = true, strides = array<i32>} : memref<800x64xf32, #tpu.memory_space<vmem>>, vector<1x16xf32>,
      %add3A_1544 = arith.constant 600 : i32
      %add3A_1545 = arith.addi %add3A_1544, %scan3A_1520 : i32
      %swap3A_1546 = arith.index_cast %add3A_1545 : i32 to index
      %swap3A_1547 = arith.constant 0 : index
      %swap3A_1548 = tpu.vector_load %arg8[%swap3A_1546, %swap3A_1547] {strides = array<i32>} : memref<800x64xf32, #tpu.memory_space<vmem>>, vector<1x16xf32>,
      %swap3A_1549 = vector.shape_cast %swap3A_1548 : vector<1x16xf32> to vector<16xf32>
      %swap3A_1550 = vector.shape_cast %get3A_1523 : vector<16xf32> to vector<1x16xf32>
      tpu.vector_store %arg8[%swap3A_1546, %swap3A_1547], %swap3A_1550 {add = true, strides = array<i32>} : memref<800x64xf32, #tpu.memory_space<vmem>>, vector<1x16xf32>,
      %get3A_1551 = arith.index_cast %scan3A_1520 : i32 to index
      %get3A_1552 = arith.constant 16 : index
      %get3A_1553 = tpu.vector_load %arg10[%get3A_1551, %get3A_1552] {strides = array<i32>} : memref<200x64xf32, #tpu.memory_space<vmem>>, vector<1x16xf32>,
      %get3A_1554 = vector.shape_cast %get3A_1553 : vector<1x16xf32> to vector<16xf32>
      %add3A_1555 = arith.constant 0 : i32
      %add3A_1556 = arith.addi %add3A_1555, %scan3A_1520 : i32
      %swap3A_1557 = arith.index_cast %add3A_1556 : i32 to index
      %swap3A_1558 = arith.constant 16 : index
      %swap3A_1559 = tpu.vector_load %arg8[%swap3A_1557, %swap3A_1558] {strides = array<i32>} : memref<800x64xf32, #tpu.memory_space<vmem>>, vector<1x16xf32>,
      %swap3A_1560 = vector.shape_cast %swap3A_1559 : vector<1x16xf32> to vector<16xf32>
      %swap3A_1561 = vector.shape_cast %get3A_1554 : vector<16xf32> to vector<1x16xf32>
      tpu.vector_store %arg8[%swap3A_1557, %swap3A_1558], %swap3A_1561 {add = true, strides = array<i32>} : memref<800x64xf32, #tpu.memory_space<vmem>>, vector<1x16xf32>,
      %add3A_1562 = arith.constant 200 : i32
      %add3A_1563 = arith.addi %add3A_1562, %scan3A_1520 : i32
      %swap3A_1564 = arith.index_cast %add3A_1563 : i32 to index
      %swap3A_1565 = arith.constant 16 : index
      %swap3A_1566 = tpu.vector_load %arg8[%swap3A_1564, %swap3A_1565] {strides = array<i32>} : memref<800x64xf32, #tpu.memory_space<vmem>>, vector<1x16xf32>,
      %swap3A_1567 = vector.shape_cast %swap3A_1566 : vector<1x16xf32> to vector<16xf32>
      %swap3A_1568 = vector.shape_cast %get3A_1554 : vector<16xf32> to vector<1x16xf32>
      tpu.vector_store %arg8[%swap3A_1564, %swap3A_1565], %swap3A_1568 {add = true, strides = array<i32>} : memref<800x64xf32, #tpu.memory_space<vmem>>, vector<1x16xf32>,
      %add3A_1569 = arith.constant 400 : i32
      %add3A_1570 = arith.addi %add3A_1569, %scan3A_1520 : i32
      %swap3A_1571 = arith.index_cast %add3A_1570 : i32 to index
      %swap3A_1572 = arith.constant 16 : index
      %swap3A_1573 = tpu.vector_load %arg8[%swap3A_1571, %swap3A_1572] {strides = array<i32>} : memref<800x64xf32, #tpu.memory_space<vmem>>, vector<1x16xf32>,
      %swap3A_1574 = vector.shape_cast %swap3A_1573 : vector<1x16xf32> to vector<16xf32>
      %swap3A_1575 = vector.shape_cast %get3A_1554 : vector<16xf32> to vector<1x16xf32>
      tpu.vector_store %arg8[%swap3A_1571, %swap3A_1572], %swap3A_1575 {add = true, strides = array<i32>} : memref<800x64xf32, #tpu.memory_space<vmem>>, vector<1x16xf32>,
      %add3A_1576 = arith.constant 600 : i32
      %add3A_1577 = arith.addi %add3A_1576, %scan3A_1520 : i32
      %swap3A_1578 = arith.index_cast %add3A_1577 : i32 to index
      %swap3A_1579 = arith.constant 16 : index
      %swap3A_1580 = tpu.vector_load %arg8[%swap3A_1578, %swap3A_1579] {strides = array<i32>} : memref<800x64xf32, #tpu.memory_space<vmem>>, vector<1x16xf32>,
      %swap3A_1581 = vector.shape_cast %swap3A_1580 : vector<1x16xf32> to vector<16xf32>
      %swap3A_1582 = vector.shape_cast %get3A_1554 : vector<16xf32> to vector<1x16xf32>
      tpu.vector_store %arg8[%swap3A_1578, %swap3A_1579], %swap3A_1582 {add = true, strides = array<i32>} : memref<800x64xf32, #tpu.memory_space<vmem>>, vector<1x16xf32>,
      %get3A_1583 = arith.index_cast %scan3A_1520 : i32 to index
      %get3A_1584 = arith.constant 32 : index
      %get3A_1585 = tpu.vector_load %arg10[%get3A_1583, %get3A_1584] {strides = array<i32>} : memref<200x64xf32, #tpu.memory_space<vmem>>, vector<1x16xf32>,
      %get3A_1586 = vector.shape_cast %get3A_1585 : vector<1x16xf32> to vector<16xf32>
      %add3A_1587 = arith.constant 0 : i32
      %add3A_1588 = arith.addi %add3A_1587, %scan3A_1520 : i32
      %swap3A_1589 = arith.index_cast %add3A_1588 : i32 to index
      %swap3A_1590 = arith.constant 32 : index
      %swap3A_1591 = tpu.vector_load %arg8[%swap3A_1589, %swap3A_1590] {strides = array<i32>} : memref<800x64xf32, #tpu.memory_space<vmem>>, vector<1x16xf32>,
      %swap3A_1592 = vector.shape_cast %swap3A_1591 : vector<1x16xf32> to vector<16xf32>
      %swap3A_1593 = vector.shape_cast %get3A_1586 : vector<16xf32> to vector<1x16xf32>
      tpu.vector_store %arg8[%swap3A_1589, %swap3A_1590], %swap3A_1593 {add = true, strides = array<i32>} : memref<800x64xf32, #tpu.memory_space<vmem>>, vector<1x16xf32>,
      %add3A_1594 = arith.constant 200 : i32
      %add3A_1595 = arith.addi %add3A_1594, %scan3A_1520 : i32
      %swap3A_1596 = arith.index_cast %add3A_1595 : i32 to index
      %swap3A_1597 = arith.constant 32 : index
      %swap3A_1598 = tpu.vector_load %arg8[%swap3A_1596, %swap3A_1597] {strides = array<i32>} : memref<800x64xf32, #tpu.memory_space<vmem>>, vector<1x16xf32>,
      %swap3A_1599 = vector.shape_cast %swap3A_1598 : vector<1x16xf32> to vector<16xf32>
      %swap3A_1600 = vector.shape_cast %get3A_1586 : vector<16xf32> to vector<1x16xf32>
      tpu.vector_store %arg8[%swap3A_1596, %swap3A_1597], %swap3A_1600 {add = true, strides = array<i32>} : memref<800x64xf32, #tpu.memory_space<vmem>>, vector<1x16xf32>,
      %add3A_1601 = arith.constant 400 : i32
      %add3A_1602 = arith.addi %add3A_1601, %scan3A_1520 : i32
      %swap3A_1603 = arith.index_cast %add3A_1602 : i32 to index
      %swap3A_1604 = arith.constant 32 : index
      %swap3A_1605 = tpu.vector_load %arg8[%swap3A_1603, %swap3A_1604] {strides = array<i32>} : memref<800x64xf32, #tpu.memory_space<vmem>>, vector<1x16xf32>,
      %swap3A_1606 = vector.shape_cast %swap3A_1605 : vector<1x16xf32> to vector<16xf32>
      %swap3A_1607 = vector.shape_cast %get3A_1586 : vector<16xf32> to vector<1x16xf32>
      tpu.vector_store %arg8[%swap3A_1603, %swap3A_1604], %swap3A_1607 {add = true, strides = array<i32>} : memref<800x64xf32, #tpu.memory_space<vmem>>, vector<1x16xf32>,
      %add3A_1608 = arith.constant 600 : i32
      %add3A_1609 = arith.addi %add3A_1608, %scan3A_1520 : i32
      %swap3A_1610 = arith.index_cast %add3A_1609 : i32 to index
      %swap3A_1611 = arith.constant 32 : index
      %swap3A_1612 = tpu.vector_load %arg8[%swap3A_1610, %swap3A_1611] {strides = array<i32>} : memref<800x64xf32, #tpu.memory_space<vmem>>, vector<1x16xf32>,
      %swap3A_1613 = vector.shape_cast %swap3A_1612 : vector<1x16xf32> to vector<16xf32>
      %swap3A_1614 = vector.shape_cast %get3A_1586 : vector<16xf32> to vector<1x16xf32>
      tpu.vector_store %arg8[%swap3A_1610, %swap3A_1611], %swap3A_1614 {add = true, strides = array<i32>} : memref<800x64xf32, #tpu.memory_space<vmem>>, vector<1x16xf32>,
      %get3A_1615 = arith.index_cast %scan3A_1520 : i32 to index
      %get3A_1616 = arith.constant 48 : index
      %get3A_1617 = tpu.vector_load %arg10[%get3A_1615, %get3A_1616] {strides = array<i32>} : memref<200x64xf32, #tpu.memory_space<vmem>>, vector<1x16xf32>,
      %get3A_1618 = vector.shape_cast %get3A_1617 : vector<1x16xf32> to vector<16xf32>
      %add3A_1619 = arith.constant 0 : i32
      %add3A_1620 = arith.addi %add3A_1619, %scan3A_1520 : i32
      %swap3A_1621 = arith.index_cast %add3A_1620 : i32 to index
      %swap3A_1622 = arith.constant 48 : index
      %swap3A_1623 = tpu.vector_load %arg8[%swap3A_1621, %swap3A_1622] {strides = array<i32>} : memref<800x64xf32, #tpu.memory_space<vmem>>, vector<1x16xf32>,
      %swap3A_1624 = vector.shape_cast %swap3A_1623 : vector<1x16xf32> to vector<16xf32>
      %swap3A_1625 = vector.shape_cast %get3A_1618 : vector<16xf32> to vector<1x16xf32>
      tpu.vector_store %arg8[%swap3A_1621, %swap3A_1622], %swap3A_1625 {add = true, strides = array<i32>} : memref<800x64xf32, #tpu.memory_space<vmem>>, vector<1x16xf32>,
      %add3A_1626 = arith.constant 200 : i32
      %add3A_1627 = arith.addi %add3A_1626, %scan3A_1520 : i32
      %swap3A_1628 = arith.index_cast %add3A_1627 : i32 to index
      %swap3A_1629 = arith.constant 48 : index
      %swap3A_1630 = tpu.vector_load %arg8[%swap3A_1628, %swap3A_1629] {strides = array<i32>} : memref<800x64xf32, #tpu.memory_space<vmem>>, vector<1x16xf32>,
      %swap3A_1631 = vector.shape_cast %swap3A_1630 : vector<1x16xf32> to vector<16xf32>
      %swap3A_1632 = vector.shape_cast %get3A_1618 : vector<16xf32> to vector<1x16xf32>
      tpu.vector_store %arg8[%swap3A_1628, %swap3A_1629], %swap3A_1632 {add = true, strides = array<i32>} : memref<800x64xf32, #tpu.memory_space<vmem>>, vector<1x16xf32>,
      %add3A_1633 = arith.constant 400 : i32
      %add3A_1634 = arith.addi %add3A_1633, %scan3A_1520 : i32
      %swap3A_1635 = arith.index_cast %add3A_1634 : i32 to index
      %swap3A_1636 = arith.constant 48 : index
      %swap3A_1637 = tpu.vector_load %arg8[%swap3A_1635, %swap3A_1636] {strides = array<i32>} : memref<800x64xf32, #tpu.memory_space<vmem>>, vector<1x16xf32>,
      %swap3A_1638 = vector.shape_cast %swap3A_1637 : vector<1x16xf32> to vector<16xf32>
      %swap3A_1639 = vector.shape_cast %get3A_1618 : vector<16xf32> to vector<1x16xf32>
      tpu.vector_store %arg8[%swap3A_1635, %swap3A_1636], %swap3A_1639 {add = true, strides = array<i32>} : memref<800x64xf32, #tpu.memory_space<vmem>>, vector<1x16xf32>,
      %add3A_1640 = arith.constant 600 : i32
      %add3A_1641 = arith.addi %add3A_1640, %scan3A_1520 : i32
      %swap3A_1642 = arith.index_cast %add3A_1641 : i32 to index
      %swap3A_1643 = arith.constant 48 : index
      %swap3A_1644 = tpu.vector_load %arg8[%swap3A_1642, %swap3A_1643] {strides = array<i32>} : memref<800x64xf32, #tpu.memory_space<vmem>>, vector<1x16xf32>,
      %swap3A_1645 = vector.shape_cast %swap3A_1644 : vector<1x16xf32> to vector<16xf32>
      %swap3A_1646 = vector.shape_cast %get3A_1618 : vector<16xf32> to vector<1x16xf32>
      tpu.vector_store %arg8[%swap3A_1642, %swap3A_1643], %swap3A_1646 {add = true, strides = array<i32>} : memref<800x64xf32, #tpu.memory_space<vmem>>, vector<1x16xf32>,
    }
    %scan3A_1405 = arith.constant 200 : i32
    %mul3A_1406 = arith.constant 8 : i32
    %mul3A_1407 = arith.muli %add3A, %mul3A_1406 : i32
    %add3A_1408 = arith.constant 6 : i32
    %add3A_1409 = arith.addi %mul3A_1407, %add3A_1408 : i32
    %mul3A_1410 = arith.constant 800 : i32
    %mul3A_1411 = arith.muli %add3A_1409, %mul3A_1410 : i32
    %dma_start3A_1412 = arith.constant 0 : i32
    %dma_start3A_1413 = tpu.memref_slice %arg5[%mul3A_1411, %dma_start3A_1412] : memref<204800x64xf32, #tpu.memory_space<hbm>> -> memref<800x64xf32, #tpu.memory_space<hbm>>
    %dma_start3A_1414 = arith.constant 0 : i32
    %dma_start3A_1415 = tpu.memref_slice %arg5[%mul3A_1411, %dma_start3A_1414] : memref<204800x64xf32, #tpu.memory_space<hbm>> -> memref<800x64xf32, #tpu.memory_space<hbm>>
    tpu.enqueue_dma source(%arg8 : memref<800x64xf32, #tpu.memory_space<vmem>>) target(%dma_start3A_1415 : memref<800x64xf32, #tpu.memory_space<hbm>>) target_semaphore(%arg15 : memref<!tpu.dma_semaphore, #tpu.memory_space<semaphore_mem>>)
    %dma_wait3A_1416 = arith.constant 0 : i32
    %dma_wait3A_1417 = arith.constant 0 : i32
    %dma_wait3A_1418 = arith.constant 0 : i32
    %dma_wait3A_1419 = tpu.memref_slice %arg9[%dma_wait3A_1417, %dma_wait3A_1418] : memref<800x64xf32, #tpu.memory_space<vmem>> -> memref<104x64xf32, #tpu.memory_space<vmem>>
    %dma_wait3A_1420 = arith.constant 0 : i32
    %dma_wait3A_1421 = tpu.memref_slice %arg7[%dma_wait3A_1416, %dma_wait3A_1420] : memref<4x200xi32, #tpu.memory_space<vmem>> -> memref<1x104xi32, #tpu.memory_space<vmem>>
    %dma_wait3A_1422 = tpu.memref_squeeze %dma_wait3A_1421 : memref<1x104xi32, #tpu.memory_space<vmem>> -> memref<104xi32, #tpu.memory_space<vmem>>
    %dma_wait3A_1423 = arith.constant 0 : i32
    %dma_wait3A_1424 = arith.constant 0 : i32
    %dma_wait3A_1425 = tpu.memref_slice %arg3[%dma_wait3A_1423, %dma_wait3A_1424] : memref<1000000x64xf32, #tpu.memory_space<hbm>> -> memref<1000000x64xf32, #tpu.memory_space<hbm>>
    tpu.wait_indirect_dma semaphore(%arg14 : memref<!tpu.dma_semaphore, #tpu.memory_space<semaphore_mem>>) src(%dma_wait3A_1425 : memref<1000000x64xf32, #tpu.memory_space<hbm>>) dst(%dma_wait3A_1419 : memref<104x64xf32, #tpu.memory_space<vmem>>)
    %dma_wait3A_1426 = arith.constant 0 : i32
    %dma_wait3A_1427 = arith.constant 104 : i32
    %dma_wait3A_1428 = arith.constant 0 : i32
    %dma_wait3A_1429 = tpu.memref_slice %arg9[%dma_wait3A_1427, %dma_wait3A_1428] : memref<800x64xf32, #tpu.memory_space<vmem>> -> memref<96x64xf32, #tpu.memory_space<vmem>>
    %dma_wait3A_1430 = arith.constant 104 : i32
    %dma_wait3A_1431 = tpu.memref_slice %arg7[%dma_wait3A_1426, %dma_wait3A_1430] : memref<4x200xi32, #tpu.memory_space<vmem>> -> memref<1x96xi32, #tpu.memory_space<vmem>>
    %dma_wait3A_1432 = tpu.memref_squeeze %dma_wait3A_1431 : memref<1x96xi32, #tpu.memory_space<vmem>> -> memref<96xi32, #tpu.memory_space<vmem>>
    %dma_wait3A_1433 = arith.constant 0 : i32
    %dma_wait3A_1434 = arith.constant 0 : i32
    %dma_wait3A_1435 = tpu.memref_slice %arg3[%dma_wait3A_1433, %dma_wait3A_1434] : memref<1000000x64xf32, #tpu.memory_space<hbm>> -> memref<1000000x64xf32, #tpu.memory_space<hbm>>
    tpu.wait_indirect_dma semaphore(%arg14 : memref<!tpu.dma_semaphore, #tpu.memory_space<semaphore_mem>>) src(%dma_wait3A_1435 : memref<1000000x64xf32, #tpu.memory_space<hbm>>) dst(%dma_wait3A_1429 : memref<96x64xf32, #tpu.memory_space<vmem>>)
    %dma_wait3A_1436 = arith.constant 1 : i32
    %dma_wait3A_1437 = arith.constant 200 : i32
    %dma_wait3A_1438 = arith.constant 0 : i32
    %dma_wait3A_1439 = tpu.memref_slice %arg9[%dma_wait3A_1437, %dma_wait3A_1438] : memref<800x64xf32, #tpu.memory_space<vmem>> -> memref<104x64xf32, #tpu.memory_space<vmem>>
    %dma_wait3A_1440 = arith.constant 0 : i32
    %dma_wait3A_1441 = tpu.memref_slice %arg7[%dma_wait3A_1436, %dma_wait3A_1440] : memref<4x200xi32, #tpu.memory_space<vmem>> -> memref<1x104xi32, #tpu.memory_space<vmem>>
    %dma_wait3A_1442 = tpu.memref_squeeze %dma_wait3A_1441 : memref<1x104xi32, #tpu.memory_space<vmem>> -> memref<104xi32, #tpu.memory_space<vmem>>
    %dma_wait3A_1443 = arith.constant 0 : i32
    %dma_wait3A_1444 = arith.constant 0 : i32
    %dma_wait3A_1445 = tpu.memref_slice %arg3[%dma_wait3A_1443, %dma_wait3A_1444] : memref<1000000x64xf32, #tpu.memory_space<hbm>> -> memref<1000000x64xf32, #tpu.memory_space<hbm>>
    tpu.wait_indirect_dma semaphore(%arg14 : memref<!tpu.dma_semaphore, #tpu.memory_space<semaphore_mem>>) src(%dma_wait3A_1445 : memref<1000000x64xf32, #tpu.memory_space<hbm>>) dst(%dma_wait3A_1439 : memref<104x64xf32, #tpu.memory_space<vmem>>)
    %dma_wait3A_1446 = arith.constant 1 : i32
    %dma_wait3A_1447 = arith.constant 304 : i32
    %dma_wait3A_1448 = arith.constant 0 : i32
    %dma_wait3A_1449 = tpu.memref_slice %arg9[%dma_wait3A_1447, %dma_wait3A_1448] : memref<800x64xf32, #tpu.memory_space<vmem>> -> memref<96x64xf32, #tpu.memory_space<vmem>>
    %dma_wait3A_1450 = arith.constant 104 : i32
    %dma_wait3A_1451 = tpu.memref_slice %arg7[%dma_wait3A_1446, %dma_wait3A_1450] : memref<4x200xi32, #tpu.memory_space<vmem>> -> memref<1x96xi32, #tpu.memory_space<vmem>>
    %dma_wait3A_1452 = tpu.memref_squeeze %dma_wait3A_1451 : memref<1x96xi32, #tpu.memory_space<vmem>> -> memref<96xi32, #tpu.memory_space<vmem>>
    %dma_wait3A_1453 = arith.constant 0 : i32
    %dma_wait3A_1454 = arith.constant 0 : i32
    %dma_wait3A_1455 = tpu.memref_slice %arg3[%dma_wait3A_1453, %dma_wait3A_1454] : memref<1000000x64xf32, #tpu.memory_space<hbm>> -> memref<1000000x64xf32, #tpu.memory_space<hbm>>
    tpu.wait_indirect_dma semaphore(%arg14 : memref<!tpu.dma_semaphore, #tpu.memory_space<semaphore_mem>>) src(%dma_wait3A_1455 : memref<1000000x64xf32, #tpu.memory_space<hbm>>) dst(%dma_wait3A_1449 : memref<96x64xf32, #tpu.memory_space<vmem>>)
    %dma_wait3A_1456 = arith.constant 2 : i32
    %dma_wait3A_1457 = arith.constant 400 : i32
    %dma_wait3A_1458 = arith.constant 0 : i32
    %dma_wait3A_1459 = tpu.memref_slice %arg9[%dma_wait3A_1457, %dma_wait3A_1458] : memref<800x64xf32, #tpu.memory_space<vmem>> -> memref<104x64xf32, #tpu.memory_space<vmem>>
    %dma_wait3A_1460 = arith.constant 0 : i32
    %dma_wait3A_1461 = tpu.memref_slice %arg7[%dma_wait3A_1456, %dma_wait3A_1460] : memref<4x200xi32, #tpu.memory_space<vmem>> -> memref<1x104xi32, #tpu.memory_space<vmem>>
    %dma_wait3A_1462 = tpu.memref_squeeze %dma_wait3A_1461 : memref<1x104xi32, #tpu.memory_space<vmem>> -> memref<104xi32, #tpu.memory_space<vmem>>
    %dma_wait3A_1463 = arith.constant 0 : i32
    %dma_wait3A_1464 = arith.constant 0 : i32
    %dma_wait3A_1465 = tpu.memref_slice %arg3[%dma_wait3A_1463, %dma_wait3A_1464] : memref<1000000x64xf32, #tpu.memory_space<hbm>> -> memref<1000000x64xf32, #tpu.memory_space<hbm>>
    tpu.wait_indirect_dma semaphore(%arg14 : memref<!tpu.dma_semaphore, #tpu.memory_space<semaphore_mem>>) src(%dma_wait3A_1465 : memref<1000000x64xf32, #tpu.memory_space<hbm>>) dst(%dma_wait3A_1459 : memref<104x64xf32, #tpu.memory_space<vmem>>)
    %dma_wait3A_1466 = arith.constant 2 : i32
    %dma_wait3A_1467 = arith.constant 504 : i32
    %dma_wait3A_1468 = arith.constant 0 : i32
    %dma_wait3A_1469 = tpu.memref_slice %arg9[%dma_wait3A_1467, %dma_wait3A_1468] : memref<800x64xf32, #tpu.memory_space<vmem>> -> memref<96x64xf32, #tpu.memory_space<vmem>>
    %dma_wait3A_1470 = arith.constant 104 : i32
    %dma_wait3A_1471 = tpu.memref_slice %arg7[%dma_wait3A_1466, %dma_wait3A_1470] : memref<4x200xi32, #tpu.memory_space<vmem>> -> memref<1x96xi32, #tpu.memory_space<vmem>>
    %dma_wait3A_1472 = tpu.memref_squeeze %dma_wait3A_1471 : memref<1x96xi32, #tpu.memory_space<vmem>> -> memref<96xi32, #tpu.memory_space<vmem>>
    %dma_wait3A_1473 = arith.constant 0 : i32
    %dma_wait3A_1474 = arith.constant 0 : i32
    %dma_wait3A_1475 = tpu.memref_slice %arg3[%dma_wait3A_1473, %dma_wait3A_1474] : memref<1000000x64xf32, #tpu.memory_space<hbm>> -> memref<1000000x64xf32, #tpu.memory_space<hbm>>
    tpu.wait_indirect_dma semaphore(%arg14 : memref<!tpu.dma_semaphore, #tpu.memory_space<semaphore_mem>>) src(%dma_wait3A_1475 : memref<1000000x64xf32, #tpu.memory_space<hbm>>) dst(%dma_wait3A_1469 : memref<96x64xf32, #tpu.memory_space<vmem>>)
    %dma_wait3A_1476 = arith.constant 3 : i32
    %dma_wait3A_1477 = arith.constant 600 : i32
    %dma_wait3A_1478 = arith.constant 0 : i32
    %dma_wait3A_1479 = tpu.memref_slice %arg9[%dma_wait3A_1477, %dma_wait3A_1478] : memref<800x64xf32, #tpu.memory_space<vmem>> -> memref<104x64xf32, #tpu.memory_space<vmem>>
    %dma_wait3A_1480 = arith.constant 0 : i32
    %dma_wait3A_1481 = tpu.memref_slice %arg7[%dma_wait3A_1476, %dma_wait3A_1480] : memref<4x200xi32, #tpu.memory_space<vmem>> -> memref<1x104xi32, #tpu.memory_space<vmem>>
    %dma_wait3A_1482 = tpu.memref_squeeze %dma_wait3A_1481 : memref<1x104xi32, #tpu.memory_space<vmem>> -> memref<104xi32, #tpu.memory_space<vmem>>
    %dma_wait3A_1483 = arith.constant 0 : i32
    %dma_wait3A_1484 = arith.constant 0 : i32
    %dma_wait3A_1485 = tpu.memref_slice %arg3[%dma_wait3A_1483, %dma_wait3A_1484] : memref<1000000x64xf32, #tpu.memory_space<hbm>> -> memref<1000000x64xf32, #tpu.memory_space<hbm>>
    tpu.wait_indirect_dma semaphore(%arg14 : memref<!tpu.dma_semaphore, #tpu.memory_space<semaphore_mem>>) src(%dma_wait3A_1485 : memref<1000000x64xf32, #tpu.memory_space<hbm>>) dst(%dma_wait3A_1479 : memref<104x64xf32, #tpu.memory_space<vmem>>)
    %dma_wait3A_1486 = arith.constant 3 : i32
    %dma_wait3A_1487 = arith.constant 704 : i32
    %dma_wait3A_1488 = arith.constant 0 : i32
    %dma_wait3A_1489 = tpu.memref_slice %arg9[%dma_wait3A_1487, %dma_wait3A_1488] : memref<800x64xf32, #tpu.memory_space<vmem>> -> memref<96x64xf32, #tpu.memory_space<vmem>>
    %dma_wait3A_1490 = arith.constant 104 : i32
    %dma_wait3A_1491 = tpu.memref_slice %arg7[%dma_wait3A_1486, %dma_wait3A_1490] : memref<4x200xi32, #tpu.memory_space<vmem>> -> memref<1x96xi32, #tpu.memory_space<vmem>>
    %dma_wait3A_1492 = tpu.memref_squeeze %dma_wait3A_1491 : memref<1x96xi32, #tpu.memory_space<vmem>> -> memref<96xi32, #tpu.memory_space<vmem>>
    %dma_wait3A_1493 = arith.constant 0 : i32
    %dma_wait3A_1494 = arith.constant 0 : i32
    %dma_wait3A_1495 = tpu.memref_slice %arg3[%dma_wait3A_1493, %dma_wait3A_1494] : memref<1000000x64xf32, #tpu.memory_space<hbm>> -> memref<1000000x64xf32, #tpu.memory_space<hbm>>
    tpu.wait_indirect_dma semaphore(%arg14 : memref<!tpu.dma_semaphore, #tpu.memory_space<semaphore_mem>>) src(%dma_wait3A_1495 : memref<1000000x64xf32, #tpu.memory_space<hbm>>) dst(%dma_wait3A_1489 : memref<96x64xf32, #tpu.memory_space<vmem>>)
    %scan3A_1496 = arith.constant 0 : i32
    %scan3A_1497 = arith.constant 0 : i32
    %scan3A_1498 = arith.constant 200 : i32
    %scan3A_1499 = arith.addi %scan3A_1497, %scan3A_1498 : i32
    %scan3A_1500 = arith.constant 1 : i32
    scf.for %scan3A_1520 = %scan3A_1497 to %scan3A_1499 step %scan3A_1500  : i32 {
      %get3A = arith.index_cast %scan3A_1520 : i32 to index
      %get3A_1521 = arith.constant 0 : index
      %get3A_1522 = tpu.vector_load %arg10[%get3A, %get3A_1521] {strides = array<i32>} : memref<200x64xf32, #tpu.memory_space<vmem>>, vector<1x16xf32>,
      %get3A_1523 = vector.shape_cast %get3A_1522 : vector<1x16xf32> to vector<16xf32>
      %add3A_1524 = arith.constant 0 : i32
      %add3A_1525 = arith.addi %add3A_1524, %scan3A_1520 : i32
      %swap3A = arith.index_cast %add3A_1525 : i32 to index
      %swap3A_1526 = arith.constant 0 : index
      %swap3A_1527 = tpu.vector_load %arg9[%swap3A, %swap3A_1526] {strides = array<i32>} : memref<800x64xf32, #tpu.memory_space<vmem>>, vector<1x16xf32>,
      %swap3A_1528 = vector.shape_cast %swap3A_1527 : vector<1x16xf32> to vector<16xf32>
      %swap3A_1529 = vector.shape_cast %get3A_1523 : vector<16xf32> to vector<1x16xf32>
      tpu.vector_store %arg9[%swap3A, %swap3A_1526], %swap3A_1529 {add = true, strides = array<i32>} : memref<800x64xf32, #tpu.memory_space<vmem>>, vector<1x16xf32>,
      %add3A_1530 = arith.constant 200 : i32
      %add3A_1531 = arith.addi %add3A_1530, %scan3A_1520 : i32
      %swap3A_1532 = arith.index_cast %add3A_1531 : i32 to index
      %swap3A_1533 = arith.constant 0 : index
      %swap3A_1534 = tpu.vector_load %arg9[%swap3A_1532, %swap3A_1533] {strides = array<i32>} : memref<800x64xf32, #tpu.memory_space<vmem>>, vector<1x16xf32>,
      %swap3A_1535 = vector.shape_cast %swap3A_1534 : vector<1x16xf32> to vector<16xf32>
      %swap3A_1536 = vector.shape_cast %get3A_1523 : vector<16xf32> to vector<1x16xf32>
      tpu.vector_store %arg9[%swap3A_1532, %swap3A_1533], %swap3A_1536 {add = true, strides = array<i32>} : memref<800x64xf32, #tpu.memory_space<vmem>>, vector<1x16xf32>,
      %add3A_1537 = arith.constant 400 : i32
      %add3A_1538 = arith.addi %add3A_1537, %scan3A_1520 : i32
      %swap3A_1539 = arith.index_cast %add3A_1538 : i32 to index
      %swap3A_1540 = arith.constant 0 : index
      %swap3A_1541 = tpu.vector_load %arg9[%swap3A_1539, %swap3A_1540] {strides = array<i32>} : memref<800x64xf32, #tpu.memory_space<vmem>>, vector<1x16xf32>,
      %swap3A_1542 = vector.shape_cast %swap3A_1541 : vector<1x16xf32> to vector<16xf32>
      %swap3A_1543 = vector.shape_cast %get3A_1523 : vector<16xf32> to vector<1x16xf32>
      tpu.vector_store %arg9[%swap3A_1539, %swap3A_1540], %swap3A_1543 {add = true, strides = array<i32>} : memref<800x64xf32, #tpu.memory_space<vmem>>, vector<1x16xf32>,
      %add3A_1544 = arith.constant 600 : i32
      %add3A_1545 = arith.addi %add3A_1544, %scan3A_1520 : i32
      %swap3A_1546 = arith.index_cast %add3A_1545 : i32 to index
      %swap3A_1547 = arith.constant 0 : index
      %swap3A_1548 = tpu.vector_load %arg9[%swap3A_1546, %swap3A_1547] {strides = array<i32>} : memref<800x64xf32, #tpu.memory_space<vmem>>, vector<1x16xf32>,
      %swap3A_1549 = vector.shape_cast %swap3A_1548 : vector<1x16xf32> to vector<16xf32>
      %swap3A_1550 = vector.shape_cast %get3A_1523 : vector<16xf32> to vector<1x16xf32>
      tpu.vector_store %arg9[%swap3A_1546, %swap3A_1547], %swap3A_1550 {add = true, strides = array<i32>} : memref<800x64xf32, #tpu.memory_space<vmem>>, vector<1x16xf32>,
      %get3A_1551 = arith.index_cast %scan3A_1520 : i32 to index
      %get3A_1552 = arith.constant 16 : index
      %get3A_1553 = tpu.vector_load %arg10[%get3A_1551, %get3A_1552] {strides = array<i32>} : memref<200x64xf32, #tpu.memory_space<vmem>>, vector<1x16xf32>,
      %get3A_1554 = vector.shape_cast %get3A_1553 : vector<1x16xf32> to vector<16xf32>
      %add3A_1555 = arith.constant 0 : i32
      %add3A_1556 = arith.addi %add3A_1555, %scan3A_1520 : i32
      %swap3A_1557 = arith.index_cast %add3A_1556 : i32 to index
      %swap3A_1558 = arith.constant 16 : index
      %swap3A_1559 = tpu.vector_load %arg9[%swap3A_1557, %swap3A_1558] {strides = array<i32>} : memref<800x64xf32, #tpu.memory_space<vmem>>, vector<1x16xf32>,
      %swap3A_1560 = vector.shape_cast %swap3A_1559 : vector<1x16xf32> to vector<16xf32>
      %swap3A_1561 = vector.shape_cast %get3A_1554 : vector<16xf32> to vector<1x16xf32>
      tpu.vector_store %arg9[%swap3A_1557, %swap3A_1558], %swap3A_1561 {add = true, strides = array<i32>} : memref<800x64xf32, #tpu.memory_space<vmem>>, vector<1x16xf32>,
      %add3A_1562 = arith.constant 200 : i32
      %add3A_1563 = arith.addi %add3A_1562, %scan3A_1520 : i32
      %swap3A_1564 = arith.index_cast %add3A_1563 : i32 to index
      %swap3A_1565 = arith.constant 16 : index
      %swap3A_1566 = tpu.vector_load %arg9[%swap3A_1564, %swap3A_1565] {strides = array<i32>} : memref<800x64xf32, #tpu.memory_space<vmem>>, vector<1x16xf32>,
      %swap3A_1567 = vector.shape_cast %swap3A_1566 : vector<1x16xf32> to vector<16xf32>
      %swap3A_1568 = vector.shape_cast %get3A_1554 : vector<16xf32> to vector<1x16xf32>
      tpu.vector_store %arg9[%swap3A_1564, %swap3A_1565], %swap3A_1568 {add = true, strides = array<i32>} : memref<800x64xf32, #tpu.memory_space<vmem>>, vector<1x16xf32>,
      %add3A_1569 = arith.constant 400 : i32
      %add3A_1570 = arith.addi %add3A_1569, %scan3A_1520 : i32
      %swap3A_1571 = arith.index_cast %add3A_1570 : i32 to index
      %swap3A_1572 = arith.constant 16 : index
      %swap3A_1573 = tpu.vector_load %arg9[%swap3A_1571, %swap3A_1572] {strides = array<i32>} : memref<800x64xf32, #tpu.memory_space<vmem>>, vector<1x16xf32>,
      %swap3A_1574 = vector.shape_cast %swap3A_1573 : vector<1x16xf32> to vector<16xf32>
      %swap3A_1575 = vector.shape_cast %get3A_1554 : vector<16xf32> to vector<1x16xf32>
      tpu.vector_store %arg9[%swap3A_1571, %swap3A_1572], %swap3A_1575 {add = true, strides = array<i32>} : memref<800x64xf32, #tpu.memory_space<vmem>>, vector<1x16xf32>,
      %add3A_1576 = arith.constant 600 : i32
      %add3A_1577 = arith.addi %add3A_1576, %scan3A_1520 : i32
      %swap3A_1578 = arith.index_cast %add3A_1577 : i32 to index
      %swap3A_1579 = arith.constant 16 : index
      %swap3A_1580 = tpu.vector_load %arg9[%swap3A_1578, %swap3A_1579] {strides = array<i32>} : memref<800x64xf32, #tpu.memory_space<vmem>>, vector<1x16xf32>,
      %swap3A_1581 = vector.shape_cast %swap3A_1580 : vector<1x16xf32> to vector<16xf32>
      %swap3A_1582 = vector.shape_cast %get3A_1554 : vector<16xf32> to vector<1x16xf32>
      tpu.vector_store %arg9[%swap3A_1578, %swap3A_1579], %swap3A_1582 {add = true, strides = array<i32>} : memref<800x64xf32, #tpu.memory_space<vmem>>, vector<1x16xf32>,
      %get3A_1583 = arith.index_cast %scan3A_1520 : i32 to index
      %get3A_1584 = arith.constant 32 : index
      %get3A_1585 = tpu.vector_load %arg10[%get3A_1583, %get3A_1584] {strides = array<i32>} : memref<200x64xf32, #tpu.memory_space<vmem>>, vector<1x16xf32>,
      %get3A_1586 = vector.shape_cast %get3A_1585 : vector<1x16xf32> to vector<16xf32>
      %add3A_1587 = arith.constant 0 : i32
      %add3A_1588 = arith.addi %add3A_1587, %scan3A_1520 : i32
      %swap3A_1589 = arith.index_cast %add3A_1588 : i32 to index
      %swap3A_1590 = arith.constant 32 : index
      %swap3A_1591 = tpu.vector_load %arg9[%swap3A_1589, %swap3A_1590] {strides = array<i32>} : memref<800x64xf32, #tpu.memory_space<vmem>>, vector<1x16xf32>,
      %swap3A_1592 = vector.shape_cast %swap3A_1591 : vector<1x16xf32> to vector<16xf32>
      %swap3A_1593 = vector.shape_cast %get3A_1586 : vector<16xf32> to vector<1x16xf32>
      tpu.vector_store %arg9[%swap3A_1589, %swap3A_1590], %swap3A_1593 {add = true, strides = array<i32>} : memref<800x64xf32, #tpu.memory_space<vmem>>, vector<1x16xf32>,
      %add3A_1594 = arith.constant 200 : i32
      %add3A_1595 = arith.addi %add3A_1594, %scan3A_1520 : i32
      %swap3A_1596 = arith.index_cast %add3A_1595 : i32 to index
      %swap3A_1597 = arith.constant 32 : index
      %swap3A_1598 = tpu.vector_load %arg9[%swap3A_1596, %swap3A_1597] {strides = array<i32>} : memref<800x64xf32, #tpu.memory_space<vmem>>, vector<1x16xf32>,
      %swap3A_1599 = vector.shape_cast %swap3A_1598 : vector<1x16xf32> to vector<16xf32>
      %swap3A_1600 = vector.shape_cast %get3A_1586 : vector<16xf32> to vector<1x16xf32>
      tpu.vector_store %arg9[%swap3A_1596, %swap3A_1597], %swap3A_1600 {add = true, strides = array<i32>} : memref<800x64xf32, #tpu.memory_space<vmem>>, vector<1x16xf32>,
      %add3A_1601 = arith.constant 400 : i32
      %add3A_1602 = arith.addi %add3A_1601, %scan3A_1520 : i32
      %swap3A_1603 = arith.index_cast %add3A_1602 : i32 to index
      %swap3A_1604 = arith.constant 32 : index
      %swap3A_1605 = tpu.vector_load %arg9[%swap3A_1603, %swap3A_1604] {strides = array<i32>} : memref<800x64xf32, #tpu.memory_space<vmem>>, vector<1x16xf32>,
      %swap3A_1606 = vector.shape_cast %swap3A_1605 : vector<1x16xf32> to vector<16xf32>
      %swap3A_1607 = vector.shape_cast %get3A_1586 : vector<16xf32> to vector<1x16xf32>
      tpu.vector_store %arg9[%swap3A_1603, %swap3A_1604], %swap3A_1607 {add = true, strides = array<i32>} : memref<800x64xf32, #tpu.memory_space<vmem>>, vector<1x16xf32>,
      %add3A_1608 = arith.constant 600 : i32
      %add3A_1609 = arith.addi %add3A_1608, %scan3A_1520 : i32
      %swap3A_1610 = arith.index_cast %add3A_1609 : i32 to index
      %swap3A_1611 = arith.constant 32 : index
      %swap3A_1612 = tpu.vector_load %arg9[%swap3A_1610, %swap3A_1611] {strides = array<i32>} : memref<800x64xf32, #tpu.memory_space<vmem>>, vector<1x16xf32>,
      %swap3A_1613 = vector.shape_cast %swap3A_1612 : vector<1x16xf32> to vector<16xf32>
      %swap3A_1614 = vector.shape_cast %get3A_1586 : vector<16xf32> to vector<1x16xf32>
      tpu.vector_store %arg9[%swap3A_1610, %swap3A_1611], %swap3A_1614 {add = true, strides = array<i32>} : memref<800x64xf32, #tpu.memory_space<vmem>>, vector<1x16xf32>,
      %get3A_1615 = arith.index_cast %scan3A_1520 : i32 to index
      %get3A_1616 = arith.constant 48 : index
      %get3A_1617 = tpu.vector_load %arg10[%get3A_1615, %get3A_1616] {strides = array<i32>} : memref<200x64xf32, #tpu.memory_space<vmem>>, vector<1x16xf32>,
      %get3A_1618 = vector.shape_cast %get3A_1617 : vector<1x16xf32> to vector<16xf32>
      %add3A_1619 = arith.constant 0 : i32
      %add3A_1620 = arith.addi %add3A_1619, %scan3A_1520 : i32
      %swap3A_1621 = arith.index_cast %add3A_1620 : i32 to index
      %swap3A_1622 = arith.constant 48 : index
      %swap3A_1623 = tpu.vector_load %arg9[%swap3A_1621, %swap3A_1622] {strides = array<i32>} : memref<800x64xf32, #tpu.memory_space<vmem>>, vector<1x16xf32>,
      %swap3A_1624 = vector.shape_cast %swap3A_1623 : vector<1x16xf32> to vector<16xf32>
      %swap3A_1625 = vector.shape_cast %get3A_1618 : vector<16xf32> to vector<1x16xf32>
      tpu.vector_store %arg9[%swap3A_1621, %swap3A_1622], %swap3A_1625 {add = true, strides = array<i32>} : memref<800x64xf32, #tpu.memory_space<vmem>>, vector<1x16xf32>,
      %add3A_1626 = arith.constant 200 : i32
      %add3A_1627 = arith.addi %add3A_1626, %scan3A_1520 : i32
      %swap3A_1628 = arith.index_cast %add3A_1627 : i32 to index
      %swap3A_1629 = arith.constant 48 : index
      %swap3A_1630 = tpu.vector_load %arg9[%swap3A_1628, %swap3A_1629] {strides = array<i32>} : memref<800x64xf32, #tpu.memory_space<vmem>>, vector<1x16xf32>,
      %swap3A_1631 = vector.shape_cast %swap3A_1630 : vector<1x16xf32> to vector<16xf32>
      %swap3A_1632 = vector.shape_cast %get3A_1618 : vector<16xf32> to vector<1x16xf32>
      tpu.vector_store %arg9[%swap3A_1628, %swap3A_1629], %swap3A_1632 {add = true, strides = array<i32>} : memref<800x64xf32, #tpu.memory_space<vmem>>, vector<1x16xf32>,
      %add3A_1633 = arith.constant 400 : i32
      %add3A_1634 = arith.addi %add3A_1633, %scan3A_1520 : i32
      %swap3A_1635 = arith.index_cast %add3A_1634 : i32 to index
      %swap3A_1636 = arith.constant 48 : index
      %swap3A_1637 = tpu.vector_load %arg9[%swap3A_1635, %swap3A_1636] {strides = array<i32>} : memref<800x64xf32, #tpu.memory_space<vmem>>, vector<1x16xf32>,
      %swap3A_1638 = vector.shape_cast %swap3A_1637 : vector<1x16xf32> to vector<16xf32>
      %swap3A_1639 = vector.shape_cast %get3A_1618 : vector<16xf32> to vector<1x16xf32>
      tpu.vector_store %arg9[%swap3A_1635, %swap3A_1636], %swap3A_1639 {add = true, strides = array<i32>} : memref<800x64xf32, #tpu.memory_space<vmem>>, vector<1x16xf32>,
      %add3A_1640 = arith.constant 600 : i32
      %add3A_1641 = arith.addi %add3A_1640, %scan3A_1520 : i32
      %swap3A_1642 = arith.index_cast %add3A_1641 : i32 to index
      %swap3A_1643 = arith.constant 48 : index
      %swap3A_1644 = tpu.vector_load %arg9[%swap3A_1642, %swap3A_1643] {strides = array<i32>} : memref<800x64xf32, #tpu.memory_space<vmem>>, vector<1x16xf32>,
      %swap3A_1645 = vector.shape_cast %swap3A_1644 : vector<1x16xf32> to vector<16xf32>
      %swap3A_1646 = vector.shape_cast %get3A_1618 : vector<16xf32> to vector<1x16xf32>
      tpu.vector_store %arg9[%swap3A_1642, %swap3A_1643], %swap3A_1646 {add = true, strides = array<i32>} : memref<800x64xf32, #tpu.memory_space<vmem>>, vector<1x16xf32>,
    }
    %scan3A_1501 = arith.constant 200 : i32
    %mul3A_1502 = arith.constant 8 : i32
    %mul3A_1503 = arith.muli %add3A, %mul3A_1502 : i32
    %add3A_1504 = arith.constant 7 : i32
    %add3A_1505 = arith.addi %mul3A_1503, %add3A_1504 : i32
    %mul3A_1506 = arith.constant 800 : i32
    %mul3A_1507 = arith.muli %add3A_1505, %mul3A_1506 : i32
    %dma_start3A_1508 = arith.constant 0 : i32
    %dma_start3A_1509 = tpu.memref_slice %arg5[%mul3A_1507, %dma_start3A_1508] : memref<204800x64xf32, #tpu.memory_space<hbm>> -> memref<800x64xf32, #tpu.memory_space<hbm>>
    %dma_start3A_1510 = arith.constant 0 : i32
    %dma_start3A_1511 = tpu.memref_slice %arg5[%mul3A_1507, %dma_start3A_1510] : memref<204800x64xf32, #tpu.memory_space<hbm>> -> memref<800x64xf32, #tpu.memory_space<hbm>>
    tpu.enqueue_dma source(%arg9 : memref<800x64xf32, #tpu.memory_space<vmem>>) target(%dma_start3A_1511 : memref<800x64xf32, #tpu.memory_space<hbm>>) target_semaphore(%arg16 : memref<!tpu.dma_semaphore, #tpu.memory_space<semaphore_mem>>)
    %dma_wait3A_1512 = arith.constant 0 : i32
    %dma_wait3A_1513 = tpu.memref_slice %arg5[%mul3A_1411, %dma_wait3A_1512] : memref<204800x64xf32, #tpu.memory_space<hbm>> -> memref<800x64xf32, #tpu.memory_space<hbm>>
    %dma_wait3A_1514 = arith.constant 0 : i32
    %dma_wait3A_1515 = tpu.memref_slice %arg5[%mul3A_1411, %dma_wait3A_1514] : memref<204800x64xf32, #tpu.memory_space<hbm>> -> memref<800x64xf32, #tpu.memory_space<hbm>>
    tpu.wait_dma2 semaphore(%arg15 : memref<!tpu.dma_semaphore, #tpu.memory_space<semaphore_mem>>) src(%arg8 : memref<800x64xf32, #tpu.memory_space<vmem>>) dst(%dma_wait3A_1515 : memref<800x64xf32, #tpu.memory_space<hbm>>)
    %dma_wait3A_1516 = arith.constant 0 : i32
    %dma_wait3A_1517 = tpu.memref_slice %arg5[%mul3A_1507, %dma_wait3A_1516] : memref<204800x64xf32, #tpu.memory_space<hbm>> -> memref<800x64xf32, #tpu.memory_space<hbm>>
    %dma_wait3A_1518 = arith.constant 0 : i32
    %dma_wait3A_1519 = tpu.memref_slice %arg5[%mul3A_1507, %dma_wait3A_1518] : memref<204800x64xf32, #tpu.memory_space<hbm>> -> memref<800x64xf32, #tpu.memory_space<hbm>>
    tpu.wait_dma2 semaphore(%arg16 : memref<!tpu.dma_semaphore, #tpu.memory_space<semaphore_mem>>) src(%arg9 : memref<800x64xf32, #tpu.memory_space<vmem>>) dst(%dma_wait3A_1519 : memref<800x64xf32, #tpu.memory_space<hbm>>)
    return
  }
}

</mosaic_0001>

<sc_bundles>
// kernel: _embed.3.cloned.1.call-start
scs
__scs_entry_jumppad:
0x0: {  	(pc) =	sbr.rel $0x88, $3  }
0x1: {  	(tag) =	ssettag $0x0;
	lr =	simm.s32 $0x1  }
0x2: {  	[smem:$0x3F9E] =	sst lr;
	_ =	strace $0xD0000000  }
0x3: {  	_ = 	snop  }
0x4: {  	_ = 	snop  }
0x5: {  	_ = 	snop  }
0x6: {  	_ = 	snop  }
0x7: {  	_ = 	snop  }
__scs_overlays_trampoline_lowered:
0x8: {  	[smem:$0x3FAD] =	sst s0  }
0x9: {  	[smem:$0x3FAE] =	sst s1  }
0xa: {  	[smem:$0x3FAF] =	sst s2  }
0xb: {  	[smem:$0x3FB0] =	sst s3  }
0xc: {  	[smem:$0x3FB1] =	sst s4  }
0xd: {  	[smem:$0x3FB2] =	sst s5  }
0xe: {  	[smem:$0x3FB3] =	sst s6  }
0xf: {  	[smem:$0x3FB4] =	sst s7  }
0x10: {  	[smem:$0x3FB5] =	sst s8  }
0x11: {  	[smem:$0x3FB6] =	sst s9;
	s0 =	simm.s32 @!p0 $0x0  }
0x12: {  	s1 =	sld [smem:$0x3F9C];
	s0 =	simm.s32 @p0 $0x1  }
0x13: {  	[smem:$0x3FB7] =	sst s0;
	s0 =	simm.s32 @!p1 $0x0  }
0x14: {  	s2 =	sld [smem:$0x3F9B];
	s0 =	simm.s32 @p1 $0x1  }
0x15: {  	[smem:$0x3FB8] =	sst s0;
	s0 =	simm.s32 @!p2 $0x0  }
0x16: {  	s3 =	sld [smem:$0x3FDB];
	s0 =	simm.s32 @p2 $0x1  }
0x17: {  	s4 =	simm.s32 $0x1BF5;
	[smem:$0x3FBA] =	sst s0  }
0x18: {  	s0 =	sld [smem:$0x3F9D];
	_ =	swait.ge [sflag:s4], $0x0  }
0x19: {  	s7 =	sld [smem:$0x3F9E]  }
0x1a: {  	s8 =	sadd.s32 $0xFFFFE003, lr  }
0x1b: {  	s9 =	sadd.s32 $0xFFFFFEF7, lr;
	s5 =	simm.s32 $0xFFFFFFFF;
	p2 =	slt.u32 s8, $0xFFFFF086  }
0x1c: {  	p1 =	slt.u32 s9, $0xF7A;
	s5 =	simm.s32 @!p2 $0x0  }
0x1d: {  	s5 =	simm.s32 @p1 $0x1;
	p0 =	seq.s32 s7, s2  }
0x1e: {  	s7 =	smul.u32 @!p0 $0xF7A, s2;
	p2 =	seq.s32 @!p0 s5, $0x0  }
0x1f: {  	s9 =	smul.u32 $0xF7A, s1;
	s8 =	simm.s32 @!p0 $0x1BF5;
	p2 =	por !p2, p0  }
0x20: {  	[sflag:s8] =	ssyncset.s32 @!p0 $0xFFFFF086;
	s6 =	sadd.s32 @!p0 s3, s7;
	s7 =	simm.s32 @!p0 $0x108  }
0x21: {  	s3 =	sadd.s32 s3, s9;
	s6 =	sadd.s32 @!p0 $0x88, s6;
	s7 =	simm.s32 @p2 $0x1082  }
0x22: {  	[simem:s7], [sflag:s8] =	dma.local @!p0 [hbm:s6], $0xF7A  }
0x23: {  	s9 =	sor.u32 $0xD0000000, s2;
	s6 =	simm.s32 $0x108;
	_ =	swait.ge @!p0 [sflag:s8], $0x0  }
0x24: {  	s3 =	sadd.s32 $0x88, s3;
	s6 =	simm.s32 @!p1 $0x1082;
	[sflag:s4] =	ssyncset.s32 $0xFFFFF086  }
0x25: {  	[simem:s6], [sflag:s4] =	dma.local [hbm:s3], $0xF7A  }
0x26: {  	[smem:$0x3F9E] =	sst s1;
	(tag) =	ssettag s2;
	_ =	strace s9  }
0x27: {  	s1 =	sld [smem:$0x3FAE]  }
0x28: {  	s2 =	sld [smem:$0x3FAF]  }
0x29: {  	s4 =	sld [smem:$0x3FB1]  }
0x2a: {  	p0 =	seq.s32 s5, $0x0;
	s5 =	sld [smem:$0x3FB2]  }
0x2b: {  	s6 =	sld [smem:$0x3FB3]  }
0x2c: {  	s7 =	sld [smem:$0x3FB4]  }
0x2d: {  	s3 =	simm.s32 $0x108;
	s8 =	sld [smem:$0x3FB5]  }
0x2e: {  	s3 =	simm.s32 @!p0 $0x1082;
	s9 =	sld [smem:$0x3FB6]  }
0x2f: {  	lr =	sadd.s32 s0, s3;
	s0 =	sld [smem:$0x3FAD]  }
0x30: {  	s3 =	sld [smem:$0x3FB0]  }
0x31: {  	[smem:$0x3FB9] =	sst s10  }
0x32: {  	s10 =	sld [smem:$0x3FB7];
	_ =	sdelay $0x3  }
0x33: {  	p0 =	seq.s32 s10, $0x1;
	s10 =	sld [smem:$0x3FB9];
	_ =	sdelay $0x3  }
0x34: {  	[smem:$0x3FB9] =	sst s10  }
0x35: {  	s10 =	sld [smem:$0x3FB8];
	_ =	sdelay $0x3  }
0x36: {  	p1 =	seq.s32 s10, $0x1;
	s10 =	sld [smem:$0x3FB9];
	_ =	sdelay $0x3  }
0x37: {  	[smem:$0x3FB9] =	sst s10  }
0x38: {  	s10 =	sld [smem:$0x3FBA]  }
0x39: {  	_ = 	snop;
	(pc) =	sbr.ind lr, $3  }
0x3a: {  	_ = 	snop  }
0x3b: {  	_ = 	snop  }
0x3c: {  	p2 =	seq.s32 s10, $0x1;
	s10 =	sld [smem:$0x3FB9]  }
0x3d: {  	_ =	shalt  }
0x3e: {  	_ =	shalt  }
0x3f: {  	_ =	shalt  }
0x40: {  	_ =	shalt  }
0x41: {  	_ =	shalt  }
0x42: {  	_ =	shalt  }
0x43: {  	_ =	shalt  }
0x44: {  	_ =	shalt  }
0x45: {  	_ =	shalt  }
0x46: {  	_ =	shalt  }
0x47: {  	_ =	shalt  }
0x48: {  	_ =	shalt  }
0x49: {  	_ =	shalt  }
0x4a: {  	_ =	shalt  }
0x4b: {  	_ =	shalt  }
0x4c: {  	_ =	shalt  }
0x4d: {  	_ =	shalt  }
0x4e: {  	_ =	shalt  }
0x4f: {  	_ =	shalt  }
0x50: {  	_ =	shalt  }
0x51: {  	_ =	shalt  }
0x52: {  	_ =	shalt  }
0x53: {  	_ =	shalt  }
0x54: {  	_ =	shalt  }
0x55: {  	_ =	shalt  }
0x56: {  	_ =	shalt  }
0x57: {  	_ =	shalt  }
0x58: {  	_ =	shalt  }
0x59: {  	_ =	shalt  }
0x5a: {  	_ =	shalt  }
0x5b: {  	_ =	shalt  }
0x5c: {  	_ =	shalt  }
0x5d: {  	_ =	shalt  }
0x5e: {  	_ =	shalt  }
0x5f: {  	_ =	shalt  }
0x60: {  	_ =	shalt  }
0x61: {  	_ =	shalt  }
0x62: {  	_ =	shalt  }
0x63: {  	_ =	shalt  }
0x64: {  	_ =	shalt  }
0x65: {  	_ =	shalt  }
0x66: {  	_ =	shalt  }
0x67: {  	_ =	shalt  }
0x68: {  	_ =	shalt  }
0x69: {  	_ =	shalt  }
0x6a: {  	_ =	shalt  }
0x6b: {  	_ =	shalt  }
0x6c: {  	_ =	shalt  }
0x6d: {  	_ =	shalt  }
0x6e: {  	_ =	shalt  }
0x6f: {  	_ =	shalt  }
0x70: {  	_ =	shalt  }
0x71: {  	_ =	shalt  }
0x72: {  	_ =	shalt  }
0x73: {  	_ =	shalt  }
0x74: {  	_ =	shalt  }
0x75: {  	_ =	shalt  }
0x76: {  	_ =	shalt  }
0x77: {  	_ =	shalt  }
0x78: {  	_ =	shalt  }
0x79: {  	_ =	shalt  }
0x7a: {  	_ =	shalt  }
0x7b: {  	_ =	shalt  }
0x7c: {  	_ =	shalt  }
0x7d: {  	_ =	shalt  }
0x7e: {  	_ =	shalt  }
0x7f: {  	_ =	shalt  }
0x80: {  	_ =	shalt  }
0x81: {  	_ =	shalt  }
0x82: {  	_ =	shalt  }
0x83: {  	_ =	shalt  }
0x84: {  	_ =	shalt  }
0x85: {  	_ =	shalt  }
0x86: {  	_ =	shalt  }
0x87: {  	_ =	shalt  }
.Lfunc_end0:
.L_simem_size_0:
called_computation.1_lowered:
.L_overlay_start_0:
0x88: {  	s2 =	sld [smem:$0x3FD9]  }
0x89: {  	s3 =	sld [smem:$0x3FFE];
	_ =	sdelay $0x1  }
0x8a: {  	s1 =	srdreg.scid  }
0x8b: {  	s0 =	sand.u32 $0x1, s1  }
0x8c: {  	s17 =	sshll.u32 s0, $0xA;
	s2 =	sadd.s32 s3, s2  }
0x8d: {  	s2 =	sadd.s32 s2, s17  }
0x8e: {  	[smem:$0x3FC5] =	sst s2  }
0x8f: {  	_ = 	snop  }
0x90: {  	s2 =	sld [smem:$0x3FD0];
	(tm) =	ssettm $0x1  }
0x91: {  	s18 =	sld [smem:$0x3FFB];
	_ =	sdelay $0x3  }
0x92: {  	_ =	strace s18  }
0x93: {  	s3 =	sld [smem:$0x3FFC];
	_ =	sdelay $0x3  }
0x94: {  	_ =	strace s3  }
0x95: {  	s3 =	sld [smem:$0x3FFD];
	_ =	sdelay $0x3  }
0x96: {  	_ =	strace s3  }
0x97: {  	_ =	strace $0x8FFFFFFF  }
0x98: {  	s19 =	sld [smem:$0x3FDB];
	_ =	sdelay $0x1  }
0x99: {  	s4 =	simm.s32 $_scs_section_size  }
0x9a: {  	s5 =	simm.s32 $_size__tile_overlayer_lowered;
	s6 =	simm.s32 $_tile_overlayer_lowered  }
0x9b: {  	s22 =	simm.s32 $0x1BFF;
	s21 =	sshll.u32 s6, $0x1;
	s3 =	sadd.s32 s4, s19  }
0x9c: {  	s7 =	simm.s32 $0x0;
	s20 =	sshll.u32 s5, $0x1;
	s5 =	sadd.s32 s21, s3  }
0x9d: {  	[timem:s7], [sflag:s22] =	dma.local [hbm:s5], s20  }
0x9e: {  	_ =	swait.ge [sflag:s22], s20  }
0x9f: {  	s4 =	ssub.s32 $0x0, s20;
	[sflag:s22] =	ssyncset.done $0x0  }
0xa0: {  	[sflag:s22] =	ssyncadd.s32 s4;
	_ =	sdelay $0x1  }
0xa1: {  	s23 =	simm.s32 $0x1B8B  }
0xa2: {  	_ =	swait.ge [sflag:s23], $0x1  }
0xa3: {  	[sflag:s23] =	ssyncset.done $0x0  }
0xa4: {  	s25 =	simm.s32 $0x1B8E;
	s24 =	sld [smem:$0x3FFE];
	[sflag:s23] =	ssyncadd.s32 $0xFFFFFFFF  }
0xa5: {  	s26 =	simm.s32 $execute0_lowered;
	[smem:$0x3FD2] =	sst s25  }
0xa6: {  	s5 =	sshll.u32 s26, $0x1;
	_ =	strace $0x80000046;
	[dreg:$0x1] =	wrdreg $0xFFFFFFFF  }
0xa7: {  	s28 =	simm.s32 $_size_execute0_lowered;
	s3 =	sadd.s32 s3, s5;
	[dreg:$0x0] =	wrdreg $0x0  }
0xa8: {  	s5 =	sshll.u32 s28, $0x1;
	[dreg:$0x2] =	wrdreg s3  }
0xa9: {  	[dreg:$0x3] =	wrdreg s5  }
0xaa: {  	[dreg:$0x4] =	wrdreg $0xC0  }
0xab: {  	_ =	task [dreg:s7], $0x5FFFF  }
0xac: {  	[dreg:$0x1] =	wrdreg $0xFFFFFFFF  }
0xad: {  	[dreg:$0x0] =	wrdreg $0x60  }
0xae: {  	[dreg:$0x2] =	wrdreg s24  }
0xaf: {  	[dreg:$0x3] =	wrdreg s2  }
0xb0: {  	[dreg:$0x4] =	wrdreg $0x9  }
0xb1: {  	_ =	task.clear_ibuf [dreg:s7], $0x5FFFF;
	_ =	strace $0x90000046  }
0xb2: {  	s29 =	simm.s32 $0x9;
	_ =	strace $0x80000048  }
0xb3: {  	_ =	swait.ge [sflag:s29], $0x1  }
0xb4: {  	[sflag:s29] =	ssyncadd.s32 $0xFFFFFFFF  }
0xb5: {  	_ =	strace $0x90000048  }
0xb6: {  	_ =	sfence  }
0xb7: {  	s30 =	sld [smem:$0x0];
	_ =	sdelay $0x2  }
0xb8: {  	s31 =	sshll.u32 s1, $0xD;
	s1 =	sshrl.u32 s1, $0x2  }
0xb9: {  	s3 =	sand.u32 $0x4000, s31;
	s1 =	sadd.s32 s1, s30  }
0xba: {  	s0 =	sor.u32 s3, s0;
	s1 =	sshll.u32 s1, $0x11  }
0xbb: {  	s0 =	sor.u32 s1, s0  }
0xbc: {  	s0 =	sadd.s32 $0x8F2B, s0  }
0xbd: {  	[sflag:s0] =	ssyncadd.remote.s32 $0x1  }
0xbe: {  	_ =	sfence.sel $0xFFFF  }
0xbf: {  	[dreg:$0x0] =	wrdreg $0xFFFFFFFF;
	(pc) =	sbr.abs _section_cstart, $3  }
0xc0: {  	[dreg:$0x1] =	wrdreg $0xFFFFFFFF  }
0xc1: {  	_ =	task.clear_ibuf [dreg:s7], $0x2FFFF;
	_ =	strace $0x9FFFFFFF  }
0xc2: {  	(tm) =	ssettm $0x7FFFFFFF  }
0xc3: {  	_ =	shalt  }
tec
execute0_lowered:
.L_overlay_start_1:
0x0: {  	(tag) =	ssettag $0x1  }
0x1: {  	s3 =	srdreg.scid;
	s5 =	stileid.u32  }
0x2: {  	s0 =	rddreg [dreg:$0x0];
	s4 =	sand.u32 $0x1, s3;
	s10 =	sshll.u32 s5, $0x1  }
0x3: {  	s1 =	rddreg [dreg:$0x1];
	s2 =	simm.s32 $0x0;
	s5 =	sor.u32 s4, s10  }
0x4: {  	[smem:$0x7FF] =	sst s2;
	s7 =	smul.u32 $0x1900, s5  }
0x5: {  	s6 =	sadd.s32 $0xC00, s0;
	s3 =	sadd.s32 $0xF43000, s0;
	s12 =	smul.u32 $0x320, s5  }
0x6: {  	s0 =	sadd.s32 $0x7000, s0;
	s11 =	ssub.s32 $0x2, s4;
	s9 =	smul.u32 $0x64000, s5  }
0x7: {  	_ =	strace $0x80000047;
	s8 =	sshrl.u32 s11, $0x1;
	s5 =	smul.u32 $0xC800, s5  }
0x8: {  	[dreg:$0x3] =	wrdreg s0;
	s0 =	ssub.s32 s11, s8;
	s4 =	sadd.s32 s6, s12  }
0x9: {  	s7 =	sshrl.u32 s7, $0x3;
	s5 =	sadd.s32 s1, s5;
	[dreg:$0x4] =	wrdreg s4  }
0xa: {  	s0 =	smax.u32 s0, $0x1;
	s7 =	sadd.s32 s6, s7;
	[dreg:$0x7] =	wrdreg s5  }
0xb: {  	s28 =	simm.s32 $0x640;
	[dreg:$0x14] =	wrdreg s0;
	s13 =	sadd.s32 $0x64, s7  }
0xc: {  	s14 =	sshrl.u32 s9, $0x3;
	s15 =	sadd.s32 $0xC8, s7;
	[dreg:$0x5] =	wrdreg s13  }
0xd: {  	s1 =	sadd.s32 s1, s14;
	s16 =	sadd.s32 $0x12C, s7;
	[dreg:$0x6] =	wrdreg s15  }
0xe: {  	s29 =	simm.s32 $0x60;
	s17 =	sadd.s32 $0x1900, s1;
	[dreg:$0x8] =	wrdreg s16  }
0xf: {  	s30 =	simm.s32 $0x518;
	s18 =	sadd.s32 $0x190, s7;
	[dreg:$0x9] =	wrdreg s17  }
0x10: {  	s31 =	simm.s32 $0x14C40;
	s19 =	sadd.s32 $0x3200, s1;
	[dreg:$0xa] =	wrdreg s18  }
0x11: {  	s8 =	simm.s32 $0x0;
	s20 =	sadd.s32 $0x1F4, s7;
	[dreg:$0xb] =	wrdreg s19  }
0x12: {  	s12 =	simm.s32 $0x3;
	s21 =	sadd.s32 $0x4B00, s1;
	[dreg:$0xc] =	wrdreg s20  }
0x13: {  	s14 =	simm.s32 $0xCE40;
	s22 =	sadd.s32 $0x258, s7;
	[dreg:$0xd] =	wrdreg s21  }
0x14: {  	s0 =	simm.s32 $0x578;
	s23 =	sadd.s32 $0x6400, s1;
	[dreg:$0xe] =	wrdreg s22  }
0x15: {  	s4 =	simm.s32 $0x17E40;
	s24 =	sadd.s32 $0x2BC, s7;
	[dreg:$0xf] =	wrdreg s23  }
0x16: {  	s5 =	simm.s32 $0x4;
	s25 =	sadd.s32 $0x7D00, s1;
	[dreg:$0x10] =	wrdreg s24  }
0x17: {  	s6 =	simm.s32 $0x5;
	s26 =	sadd.s32 $0x9600, s1;
	[dreg:$0x11] =	wrdreg s25  }
0x18: {  	s1 =	sadd.s32 $0xAF00, s1;
	s7 =	simm.s32 $0x6;
	[dreg:$0x12] =	wrdreg s26  }
0x19: {  	[dreg:$0x13] =	wrdreg s1;
	s24 =	simm.s32 $0x320;
	s25 =	simm.s32 $0x1  }
0x1a: {  	s26 =	simm.s32 $0x68;
	s13 =	simm.s32 $0x2;
	s15 =	simm.s32 $0x388  }
0x1b: {  	s16 =	simm.s32 $0xE840;
	s17 =	simm.s32 $0x3E8;
	s18 =	simm.s32 $0x10040  }
0x1c: {  	s19 =	simm.s32 $0x450;
	s20 =	simm.s32 $0x11A40;
	s21 =	simm.s32 $0x4B0  }
0x1d: {  	s23 =	simm.s32 $0x13240;
	s1 =	simm.s32 $0x16440;
	s22 =	simm.s32 $0x5E0  }
.LBB2_1:
0x1e: {  	s9 =	rddreg [dreg:$0x3];
	s10 =	simm.s32 $0x19640  }
0x1f: {  	[tilespmem:s10], [sflag:$0x7] =	stream.linear.gather [hbm4b:s9+s2], $0x3200, $0x38;
	[tilespmem:$0x1C840] =	vst v63  }
0x20: {  	s10 =	simm.s32 $0x7  }
0x21: {  	_ =	swait.ge [sflag:s10], $0x3200  }
0x22: {  	[sflag:s10] =	ssyncset.done $0x0  }
0x23: {  	s11 =	rddreg [dreg:$0x4];
	[sflag:s10] =	ssyncadd.s32 $0xFFFFCE00  }
0x24: {  	[tilespmem:s2], [sflag:$0x1] =	stream.linear.gather [hbm4b:s11+s2], $0x320, $0x38;
	[tilespmem:$0x1C840] =	vst v63  }
0x25: {  	s10 =	rddreg [dreg:$0x5]  }
0x26: {  	[tilespmem:s24], [sflag:$0x2] =	stream.linear.gather [hbm4b:s10+s2], $0x320, $0x38;
	[tilespmem:$0x1C840] =	vst v63  }
0x27: {  	_ =	swait.ge [sflag:s25], $0x320  }
0x28: {  	[sflag:s25] =	ssyncset.done $0x0  }
0x29: {  	[sflag:s25] =	ssyncadd.s32 $0xFFFFFCE0  }
0x2a: {  	[tilespmem:s28], [sflag:$0x3] =	stream.indirect.gather [hbm4b:s3+s26], $0x40, s2, s26, $0xb8;
	[tilespmem:$0x1C840] =	vst v63  }
0x2b: {  	s11 =	simm.s32 $0x2040  }
0x2c: {  	[tilespmem:s11], [sflag:$0x3] =	stream.indirect.gather [hbm4b:s3+s29], $0x40, s26, s29, $0xb8;
	[tilespmem:$0x1C840] =	vst v63  }
0x2d: {  	s10 =	simm.s32 $0xC8;
	s11 =	simm.s32 $0x3840  }
0x2e: {  	[tilespmem:s11], [sflag:$0x3] =	stream.indirect.gather [hbm4b:s3+s26], $0x40, s10, s26, $0xb8;
	[tilespmem:$0x1C840] =	vst v63  }
0x2f: {  	s10 =	simm.s32 $0x130;
	s11 =	simm.s32 $0x5240  }
0x30: {  	[tilespmem:s11], [sflag:$0x3] =	stream.indirect.gather [hbm4b:s3+s29], $0x40, s10, s29, $0xb8;
	[tilespmem:$0x1C840] =	vst v63  }
0x31: {  	s10 =	simm.s32 $0x190;
	s11 =	simm.s32 $0x6A40  }
0x32: {  	[tilespmem:s11], [sflag:$0x3] =	stream.indirect.gather [hbm4b:s3+s26], $0x40, s10, s26, $0xb8;
	[tilespmem:$0x1C840] =	vst v63  }
0x33: {  	s10 =	simm.s32 $0x1F8;
	s11 =	simm.s32 $0x8440  }
0x34: {  	[tilespmem:s11], [sflag:$0x3] =	stream.indirect.gather [hbm4b:s3+s29], $0x40, s10, s29, $0xb8;
	[tilespmem:$0x1C840] =	vst v63  }
0x35: {  	s10 =	simm.s32 $0x258;
	s11 =	simm.s32 $0x9C40  }
0x36: {  	[tilespmem:s11], [sflag:$0x3] =	stream.indirect.gather [hbm4b:s3+s26], $0x40, s10, s26, $0xb8;
	[tilespmem:$0x1C840] =	vst v63  }
0x37: {  	s10 =	simm.s32 $0x2C0;
	s11 =	simm.s32 $0xB640  }
0x38: {  	[tilespmem:s11], [sflag:$0x3] =	stream.indirect.gather [hbm4b:s3+s29], $0x40, s10, s29, $0xb8;
	[tilespmem:$0x1C840] =	vst v63  }
0x39: {  	_ =	swait.ge [sflag:s12], $0x1A00  }
0x3a: {  	[sflag:s12] =	ssyncset.done $0x0  }
0x3b: {  	[sflag:s12] =	ssyncadd.s32 $0xFFFFE600  }
0x3c: {  	_ =	swait.ge [sflag:s12], $0x1800  }
0x3d: {  	[sflag:s12] =	ssyncset.done $0x0  }
0x3e: {  	[sflag:s12] =	ssyncadd.s32 $0xFFFFE800  }
0x3f: {  	_ =	swait.ge [sflag:s12], $0x1A00  }
0x40: {  	[sflag:s12] =	ssyncset.done $0x0  }
0x41: {  	[sflag:s12] =	ssyncadd.s32 $0xFFFFE600  }
0x42: {  	_ =	swait.ge [sflag:s12], $0x1800  }
0x43: {  	[sflag:s12] =	ssyncset.done $0x0  }
0x44: {  	[sflag:s12] =	ssyncadd.s32 $0xFFFFE800  }
0x45: {  	_ =	swait.ge [sflag:s12], $0x1A00  }
0x46: {  	[sflag:s12] =	ssyncset.done $0x0  }
0x47: {  	[sflag:s12] =	ssyncadd.s32 $0xFFFFE600  }
0x48: {  	_ =	swait.ge [sflag:s12], $0x1800  }
0x49: {  	[sflag:s12] =	ssyncset.done $0x0  }
0x4a: {  	[sflag:s12] =	ssyncadd.s32 $0xFFFFE800  }
0x4b: {  	_ =	swait.ge [sflag:s12], $0x1A00  }
0x4c: {  	[sflag:s12] =	ssyncset.done $0x0  }
0x4d: {  	[sflag:s12] =	ssyncadd.s32 $0xFFFFE600  }
0x4e: {  	_ =	swait.ge [sflag:s12], $0x1800  }
0x4f: {  	[sflag:s12] =	ssyncset.done $0x0  }
0x50: {  	[sflag:s12] =	ssyncadd.s32 $0xFFFFE800  }
0x51: {  	_ =	swait.ge [sflag:s13], $0x320  }
0x52: {  	[sflag:s13] =	ssyncset.done $0x0  }
0x53: {  	[sflag:s13] =	ssyncadd.s32 $0xFFFFFCE0  }
0x54: {  	[tilespmem:s14], [sflag:$0x4] =	stream.indirect.gather [hbm4b:s3+s26], $0x40, s24, s26, $0xb8;
	[tilespmem:$0x1C840] =	vst v63  }
0x55: {  	_ = 	snop  }
0x56: {  	[tilespmem:s16], [sflag:$0x4] =	stream.indirect.gather [hbm4b:s3+s29], $0x40, s15, s29, $0xb8;
	[tilespmem:$0x1C840] =	vst v63  }
0x57: {  	_ = 	snop  }
0x58: {  	[tilespmem:s18], [sflag:$0x4] =	stream.indirect.gather [hbm4b:s3+s26], $0x40, s17, s26, $0xb8;
	[tilespmem:$0x1C840] =	vst v63  }
0x59: {  	_ = 	snop  }
0x5a: {  	[tilespmem:s20], [sflag:$0x4] =	stream.indirect.gather [hbm4b:s3+s29], $0x40, s19, s29, $0xb8;
	[tilespmem:$0x1C840] =	vst v63  }
0x5b: {  	_ = 	snop  }
0x5c: {  	[tilespmem:s23], [sflag:$0x4] =	stream.indirect.gather [hbm4b:s3+s26], $0x40, s21, s26, $0xb8;
	[tilespmem:$0x1C840] =	vst v63  }
0x5d: {  	_ = 	snop  }
0x5e: {  	[tilespmem:s31], [sflag:$0x4] =	stream.indirect.gather [hbm4b:s3+s29], $0x40, s30, s29, $0xb8;
	[tilespmem:$0x1C840] =	vst v63  }
0x5f: {  	_ = 	snop  }
0x60: {  	[tilespmem:s1], [sflag:$0x4] =	stream.indirect.gather [hbm4b:s3+s26], $0x40, s0, s26, $0xb8;
	[tilespmem:$0x1C840] =	vst v63  }
0x61: {  	_ = 	snop  }
0x62: {  	[tilespmem:s4], [sflag:$0x4] =	stream.indirect.gather [hbm4b:s3+s29], $0x40, s22, s29, $0xb8;
	[tilespmem:$0x1C840] =	vst v63  }
0x63: {  	s9 =	simm.s32 $0x0;
	s11 =	rddreg [dreg:$0x6]  }
0x64: {  	[tilespmem:s2], [sflag:$0x1] =	stream.linear.gather [hbm4b:s11+s2], $0x320, $0x38;
	[tilespmem:$0x1C840] =	vst v63  }
0x65: {  	v0 =	vld [tilespmem:s9+$0x19670]  }
0x66: {  	v1 =	vld [tilespmem:s9+$0x19640];
	_ =	sdelay $0x1  }
0x67: {  	v2 =	vld [tilespmem:s9+$0x19650]  }
0x68: {  	v3 =	vld [tilespmem:s9+$0x19660]  }
0x69: {  	[tilespmem:s9+$0x9C70] =	vst.add.f32.msk $0xffff, v0  }
0x6a: {  	[tilespmem:s9+$0x640] =	vst.add.f32.msk $0xffff, v1  }
0x6b: {  	[tilespmem:s9+$0x3840] =	vst.add.f32.msk $0xffff, v1  }
0x6c: {  	[tilespmem:s9+$0x6A40] =	vst.add.f32.msk $0xffff, v1  }
0x6d: {  	[tilespmem:s9+$0x9C40] =	vst.add.f32.msk $0xffff, v1  }
0x6e: {  	[tilespmem:s9+$0x650] =	vst.add.f32.msk $0xffff, v2  }
0x6f: {  	[tilespmem:s9+$0x3850] =	vst.add.f32.msk $0xffff, v2  }
0x70: {  	[tilespmem:s9+$0x6A50] =	vst.add.f32.msk $0xffff, v2  }
0x71: {  	[tilespmem:s9+$0x9C50] =	vst.add.f32.msk $0xffff, v2  }
0x72: {  	[tilespmem:s9+$0x660] =	vst.add.f32.msk $0xffff, v3  }
0x73: {  	[tilespmem:s9+$0x3860] =	vst.add.f32.msk $0xffff, v3  }
0x74: {  	[tilespmem:s9+$0x6A60] =	vst.add.f32.msk $0xffff, v3  }
0x75: {  	[tilespmem:s9+$0x9C60] =	vst.add.f32.msk $0xffff, v3  }
0x76: {  	[tilespmem:s9+$0x670] =	vst.add.f32.msk $0xffff, v0  }
0x77: {  	s10 =	simm.s32 $0x200;
	s11 =	simm.s32 $0x40;
	[tilespmem:s9+$0x3870] =	vst.add.f32.msk $0xffff, v0  }
.LBB2_2:
0x78: {  	p0 =	sne.s32 s10, $0xC700;
	v1 =	vld [tilespmem:s11+$0x19670]  }
0x79: {  	v2 =	vld [tilespmem:s11+$0x19640]  }
0x7a: {  	v3 =	vld [tilespmem:s11+$0x19650]  }
0x7b: {  	v4 =	vld [tilespmem:s11+$0x19660]  }
0x7c: {  	[tilespmem:s9+$0x6A70] =	vst.add.f32.msk $0xffff, v0;
	s9 =	smov.u32 s11  }
0x7d: {  	[tilespmem:s9+$0x9C70] =	vst.add.f32.msk $0xffff, v1;
	v0 =	vmov v1  }
0x7e: {  	[tilespmem:s9+$0x640] =	vst.add.f32.msk $0xffff, v2  }
0x7f: {  	[tilespmem:s9+$0x3840] =	vst.add.f32.msk $0xffff, v2  }
0x80: {  	[tilespmem:s9+$0x6A40] =	vst.add.f32.msk $0xffff, v2  }
0x81: {  	[tilespmem:s9+$0x9C40] =	vst.add.f32.msk $0xffff, v2  }
0x82: {  	[tilespmem:s9+$0x650] =	vst.add.f32.msk $0xffff, v3  }
0x83: {  	[tilespmem:s9+$0x3850] =	vst.add.f32.msk $0xffff, v3  }
0x84: {  	[tilespmem:s9+$0x6A50] =	vst.add.f32.msk $0xffff, v3  }
0x85: {  	[tilespmem:s9+$0x9C50] =	vst.add.f32.msk $0xffff, v3  }
0x86: {  	[tilespmem:s9+$0x660] =	vst.add.f32.msk $0xffff, v4  }
.Ltmp0:
0x87: {  	[tilespmem:s9+$0x3860] =	vst.add.f32.msk $0xffff, v4;
	(pc) =	sbr.rel @p0 .LBB2_2-.Ltmp0, $4  }
0x88: {  	[tilespmem:s9+$0x6A60] =	vst.add.f32.msk $0xffff, v4  }
0x89: {  	[tilespmem:s9+$0x9C60] =	vst.add.f32.msk $0xffff, v4  }
0x8a: {  	[tilespmem:s9+$0x670] =	vst.add.f32.msk $0xffff, v0  }
0x8b: {  	s11 =	sshra.s32 s10, $0x2;
	s10 =	sadd.s32 $0x100, s10;
	[tilespmem:s9+$0x3870] =	vst.add.f32.msk $0xffff, v0  }
0x8c: {  	v1 =	vld [tilespmem:s11+$0x19670]  }
0x8d: {  	v2 =	vld [tilespmem:s11+$0x19640]  }
0x8e: {  	v3 =	vld [tilespmem:s11+$0x19650]  }
0x8f: {  	v4 =	vld [tilespmem:s11+$0x19660]  }
0x90: {  	[tilespmem:s9+$0x6A70] =	vst.add.f32.msk $0xffff, v0  }
0x91: {  	[tilespmem:s11+$0x9C70] =	vst.add.f32.msk $0xffff, v1  }
0x92: {  	[tilespmem:s11+$0x640] =	vst.add.f32.msk $0xffff, v2  }
0x93: {  	[tilespmem:s11+$0x3840] =	vst.add.f32.msk $0xffff, v2  }
0x94: {  	[tilespmem:s11+$0x6A40] =	vst.add.f32.msk $0xffff, v2  }
0x95: {  	[tilespmem:s11+$0x9C40] =	vst.add.f32.msk $0xffff, v2  }
0x96: {  	[tilespmem:s11+$0x650] =	vst.add.f32.msk $0xffff, v3  }
0x97: {  	[tilespmem:s11+$0x3850] =	vst.add.f32.msk $0xffff, v3  }
0x98: {  	[tilespmem:s11+$0x6A50] =	vst.add.f32.msk $0xffff, v3  }
0x99: {  	[tilespmem:s11+$0x9C50] =	vst.add.f32.msk $0xffff, v3  }
0x9a: {  	[tilespmem:s11+$0x660] =	vst.add.f32.msk $0xffff, v4  }
0x9b: {  	[tilespmem:s11+$0x3860] =	vst.add.f32.msk $0xffff, v4  }
0x9c: {  	[tilespmem:s11+$0x6A60] =	vst.add.f32.msk $0xffff, v4  }
0x9d: {  	[tilespmem:s11+$0x9C60] =	vst.add.f32.msk $0xffff, v4  }
0x9e: {  	[tilespmem:s11+$0x670] =	vst.add.f32.msk $0xffff, v1  }
0x9f: {  	[tilespmem:s11+$0x3870] =	vst.add.f32.msk $0xffff, v1  }
0xa0: {  	s9 =	simm.s32 $0x0;
	s10 =	rddreg [dreg:$0x7];
	[tilespmem:s11+$0x6A70] =	vst.add.f32.msk $0xffff, v1  }
0xa1: {  	[hbm4b:s10+s9] =	stream.linear.scatter [tilespmem:s28], [sflag:$0x5], $0xC800, $0x38;
	[tilespmem:$0x1C840] =	vst v63  }
0xa2: {  	_ =	swait.ge [sflag:s5], $0x1A00  }
0xa3: {  	[sflag:s5] =	ssyncset.done $0x0  }
0xa4: {  	[sflag:s5] =	ssyncadd.s32 $0xFFFFE600  }
0xa5: {  	_ =	swait.ge [sflag:s5], $0x1800  }
0xa6: {  	[sflag:s5] =	ssyncset.done $0x0  }
0xa7: {  	[sflag:s5] =	ssyncadd.s32 $0xFFFFE800  }
0xa8: {  	_ =	swait.ge [sflag:s5], $0x1A00  }
0xa9: {  	[sflag:s5] =	ssyncset.done $0x0  }
0xaa: {  	[sflag:s5] =	ssyncadd.s32 $0xFFFFE600  }
0xab: {  	_ =	swait.ge [sflag:s5], $0x1800  }
0xac: {  	[sflag:s5] =	ssyncset.done $0x0  }
0xad: {  	[sflag:s5] =	ssyncadd.s32 $0xFFFFE800  }
0xae: {  	_ =	swait.ge [sflag:s5], $0x1A00  }
0xaf: {  	[sflag:s5] =	ssyncset.done $0x0  }
0xb0: {  	[sflag:s5] =	ssyncadd.s32 $0xFFFFE600  }
0xb1: {  	_ =	swait.ge [sflag:s5], $0x1800  }
0xb2: {  	[sflag:s5] =	ssyncset.done $0x0  }
0xb3: {  	[sflag:s5] =	ssyncadd.s32 $0xFFFFE800  }
0xb4: {  	_ =	swait.ge [sflag:s5], $0x1A00  }
0xb5: {  	[sflag:s5] =	ssyncset.done $0x0  }
0xb6: {  	[sflag:s5] =	ssyncadd.s32 $0xFFFFE600  }
0xb7: {  	_ =	swait.ge [sflag:s5], $0x1800  }
0xb8: {  	[sflag:s5] =	ssyncset.done $0x0  }
0xb9: {  	[sflag:s5] =	ssyncadd.s32 $0xFFFFE800  }
0xba: {  	_ =	swait.ge [sflag:s6], $0xC800  }
0xbb: {  	[sflag:s6] =	ssyncset.done $0x0  }
0xbc: {  	[sflag:s6] =	ssyncadd.s32 $0xFFFF3800  }
0xbd: {  	_ =	swait.ge [sflag:s25], $0x320  }
0xbe: {  	[sflag:s25] =	ssyncset.done $0x0  }
0xbf: {  	[sflag:s25] =	ssyncadd.s32 $0xFFFFFCE0  }
0xc0: {  	[tilespmem:s28], [sflag:$0x3] =	stream.indirect.gather [hbm4b:s3+s26], $0x40, s9, s26, $0xb8;
	[tilespmem:$0x1C840] =	vst v63  }
0xc1: {  	s11 =	simm.s32 $0x2040  }
0xc2: {  	[tilespmem:s11], [sflag:$0x3] =	stream.indirect.gather [hbm4b:s3+s29], $0x40, s26, s29, $0xb8;
	[tilespmem:$0x1C840] =	vst v63  }
0xc3: {  	s10 =	simm.s32 $0xC8;
	s11 =	simm.s32 $0x3840  }
0xc4: {  	[tilespmem:s11], [sflag:$0x3] =	stream.indirect.gather [hbm4b:s3+s26], $0x40, s10, s26, $0xb8;
	[tilespmem:$0x1C840] =	vst v63  }
0xc5: {  	s10 =	simm.s32 $0x130;
	s11 =	simm.s32 $0x5240  }
0xc6: {  	[tilespmem:s11], [sflag:$0x3] =	stream.indirect.gather [hbm4b:s3+s29], $0x40, s10, s29, $0xb8;
	[tilespmem:$0x1C840] =	vst v63  }
0xc7: {  	s10 =	simm.s32 $0x190;
	s11 =	simm.s32 $0x6A40  }
0xc8: {  	[tilespmem:s11], [sflag:$0x3] =	stream.indirect.gather [hbm4b:s3+s26], $0x40, s10, s26, $0xb8;
	[tilespmem:$0x1C840] =	vst v63  }
0xc9: {  	s10 =	simm.s32 $0x1F8;
	s11 =	simm.s32 $0x8440  }
0xca: {  	[tilespmem:s11], [sflag:$0x3] =	stream.indirect.gather [hbm4b:s3+s29], $0x40, s10, s29, $0xb8;
	[tilespmem:$0x1C840] =	vst v63  }
0xcb: {  	s10 =	simm.s32 $0x258;
	s11 =	simm.s32 $0x9C40  }
0xcc: {  	[tilespmem:s11], [sflag:$0x3] =	stream.indirect.gather [hbm4b:s3+s26], $0x40, s10, s26, $0xb8;
	[tilespmem:$0x1C840] =	vst v63  }
0xcd: {  	s10 =	simm.s32 $0x2C0;
	s11 =	simm.s32 $0xB640  }
0xce: {  	[tilespmem:s11], [sflag:$0x3] =	stream.indirect.gather [hbm4b:s3+s29], $0x40, s10, s29, $0xb8;
	[tilespmem:$0x1C840] =	vst v63  }
0xcf: {  	s11 =	rddreg [dreg:$0x8]  }
0xd0: {  	[tilespmem:s24], [sflag:$0x2] =	stream.linear.gather [hbm4b:s11+s9], $0x320, $0x38;
	[tilespmem:$0x1C840] =	vst v63  }
0xd1: {  	s9 =	simm.s32 $0x0  }
0xd2: {  	v0 =	vld [tilespmem:s9+$0x19670]  }
0xd3: {  	v1 =	vld [tilespmem:s9+$0x19640];
	_ =	sdelay $0x1  }
0xd4: {  	v2 =	vld [tilespmem:s9+$0x19650]  }
0xd5: {  	v3 =	vld [tilespmem:s9+$0x19660]  }
0xd6: {  	[tilespmem:s9+$0x16470] =	vst.add.f32.msk $0xffff, v0  }
0xd7: {  	[tilespmem:s9+$0xCE40] =	vst.add.f32.msk $0xffff, v1  }
0xd8: {  	[tilespmem:s9+$0x10040] =	vst.add.f32.msk $0xffff, v1  }
0xd9: {  	[tilespmem:s9+$0x13240] =	vst.add.f32.msk $0xffff, v1  }
0xda: {  	[tilespmem:s9+$0x16440] =	vst.add.f32.msk $0xffff, v1  }
0xdb: {  	[tilespmem:s9+$0xCE50] =	vst.add.f32.msk $0xffff, v2  }
0xdc: {  	[tilespmem:s9+$0x10050] =	vst.add.f32.msk $0xffff, v2  }
0xdd: {  	[tilespmem:s9+$0x13250] =	vst.add.f32.msk $0xffff, v2  }
0xde: {  	[tilespmem:s9+$0x16450] =	vst.add.f32.msk $0xffff, v2  }
0xdf: {  	[tilespmem:s9+$0xCE60] =	vst.add.f32.msk $0xffff, v3  }
0xe0: {  	[tilespmem:s9+$0x10060] =	vst.add.f32.msk $0xffff, v3  }
0xe1: {  	[tilespmem:s9+$0x13260] =	vst.add.f32.msk $0xffff, v3  }
0xe2: {  	[tilespmem:s9+$0x16460] =	vst.add.f32.msk $0xffff, v3  }
0xe3: {  	[tilespmem:s9+$0xCE70] =	vst.add.f32.msk $0xffff, v0  }
0xe4: {  	s10 =	simm.s32 $0x200;
	s11 =	simm.s32 $0x40;
	[tilespmem:s9+$0x10070] =	vst.add.f32.msk $0xffff, v0  }
.LBB2_4:
0xe5: {  	p0 =	sne.s32 s10, $0xC700;
	v1 =	vld [tilespmem:s11+$0x19670]  }
0xe6: {  	v2 =	vld [tilespmem:s11+$0x19640]  }
0xe7: {  	v3 =	vld [tilespmem:s11+$0x19650]  }
0xe8: {  	v4 =	vld [tilespmem:s11+$0x19660]  }
0xe9: {  	[tilespmem:s9+$0x13270] =	vst.add.f32.msk $0xffff, v0;
	s9 =	smov.u32 s11  }
0xea: {  	[tilespmem:s9+$0x16470] =	vst.add.f32.msk $0xffff, v1;
	v0 =	vmov v1  }
0xeb: {  	[tilespmem:s9+$0xCE40] =	vst.add.f32.msk $0xffff, v2  }
0xec: {  	[tilespmem:s9+$0x10040] =	vst.add.f32.msk $0xffff, v2  }
0xed: {  	[tilespmem:s9+$0x13240] =	vst.add.f32.msk $0xffff, v2  }
0xee: {  	[tilespmem:s9+$0x16440] =	vst.add.f32.msk $0xffff, v2  }
0xef: {  	[tilespmem:s9+$0xCE50] =	vst.add.f32.msk $0xffff, v3  }
0xf0: {  	[tilespmem:s9+$0x10050] =	vst.add.f32.msk $0xffff, v3  }
0xf1: {  	[tilespmem:s9+$0x13250] =	vst.add.f32.msk $0xffff, v3  }
0xf2: {  	[tilespmem:s9+$0x16450] =	vst.add.f32.msk $0xffff, v3  }
0xf3: {  	[tilespmem:s9+$0xCE60] =	vst.add.f32.msk $0xffff, v4  }
.Ltmp1:
0xf4: {  	[tilespmem:s9+$0x10060] =	vst.add.f32.msk $0xffff, v4;
	(pc) =	sbr.rel @p0 .LBB2_4-.Ltmp1, $4  }
0xf5: {  	[tilespmem:s9+$0x13260] =	vst.add.f32.msk $0xffff, v4  }
0xf6: {  	[tilespmem:s9+$0x16460] =	vst.add.f32.msk $0xffff, v4  }
0xf7: {  	[tilespmem:s9+$0xCE70] =	vst.add.f32.msk $0xffff, v0  }
0xf8: {  	s11 =	sshra.s32 s10, $0x2;
	s10 =	sadd.s32 $0x100, s10;
	[tilespmem:s9+$0x10070] =	vst.add.f32.msk $0xffff, v0  }
0xf9: {  	v1 =	vld [tilespmem:s11+$0x19670]  }
0xfa: {  	v2 =	vld [tilespmem:s11+$0x19640]  }
0xfb: {  	v3 =	vld [tilespmem:s11+$0x19650]  }
0xfc: {  	v4 =	vld [tilespmem:s11+$0x19660]  }
0xfd: {  	[tilespmem:s9+$0x13270] =	vst.add.f32.msk $0xffff, v0  }
0xfe: {  	[tilespmem:s11+$0x16470] =	vst.add.f32.msk $0xffff, v1  }
0xff: {  	[tilespmem:s11+$0xCE40] =	vst.add.f32.msk $0xffff, v2  }
0x100: {  	[tilespmem:s11+$0x10040] =	vst.add.f32.msk $0xffff, v2  }
0x101: {  	[tilespmem:s11+$0x13240] =	vst.add.f32.msk $0xffff, v2  }
0x102: {  	[tilespmem:s11+$0x16440] =	vst.add.f32.msk $0xffff, v2  }
0x103: {  	[tilespmem:s11+$0xCE50] =	vst.add.f32.msk $0xffff, v3  }
0x104: {  	[tilespmem:s11+$0x10050] =	vst.add.f32.msk $0xffff, v3  }
0x105: {  	[tilespmem:s11+$0x13250] =	vst.add.f32.msk $0xffff, v3  }
0x106: {  	[tilespmem:s11+$0x16450] =	vst.add.f32.msk $0xffff, v3  }
0x107: {  	[tilespmem:s11+$0xCE60] =	vst.add.f32.msk $0xffff, v4  }
0x108: {  	[tilespmem:s11+$0x10060] =	vst.add.f32.msk $0xffff, v4  }
0x109: {  	[tilespmem:s11+$0x13260] =	vst.add.f32.msk $0xffff, v4  }
0x10a: {  	[tilespmem:s11+$0x16460] =	vst.add.f32.msk $0xffff, v4  }
0x10b: {  	[tilespmem:s11+$0xCE70] =	vst.add.f32.msk $0xffff, v1  }
0x10c: {  	[tilespmem:s11+$0x10070] =	vst.add.f32.msk $0xffff, v1  }
0x10d: {  	s9 =	simm.s32 $0x0;
	s10 =	rddreg [dreg:$0x9];
	[tilespmem:s11+$0x13270] =	vst.add.f32.msk $0xffff, v1  }
0x10e: {  	[hbm4b:s10+s9] =	stream.linear.scatter [tilespmem:s14], [sflag:$0x6], $0xC800, $0x38;
	[tilespmem:$0x1C840] =	vst v63  }
0x10f: {  	_ =	swait.ge [sflag:s12], $0x1A00  }
0x110: {  	[sflag:s12] =	ssyncset.done $0x0  }
0x111: {  	[sflag:s12] =	ssyncadd.s32 $0xFFFFE600  }
0x112: {  	_ =	swait.ge [sflag:s12], $0x1800  }
0x113: {  	[sflag:s12] =	ssyncset.done $0x0  }
0x114: {  	[sflag:s12] =	ssyncadd.s32 $0xFFFFE800  }
0x115: {  	_ =	swait.ge [sflag:s12], $0x1A00  }
0x116: {  	[sflag:s12] =	ssyncset.done $0x0  }
0x117: {  	[sflag:s12] =	ssyncadd.s32 $0xFFFFE600  }
0x118: {  	_ =	swait.ge [sflag:s12], $0x1800  }
0x119: {  	[sflag:s12] =	ssyncset.done $0x0  }
0x11a: {  	[sflag:s12] =	ssyncadd.s32 $0xFFFFE800  }
0x11b: {  	_ =	swait.ge [sflag:s12], $0x1A00  }
0x11c: {  	[sflag:s12] =	ssyncset.done $0x0  }
0x11d: {  	[sflag:s12] =	ssyncadd.s32 $0xFFFFE600  }
0x11e: {  	_ =	swait.ge [sflag:s12], $0x1800  }
0x11f: {  	[sflag:s12] =	ssyncset.done $0x0  }
0x120: {  	[sflag:s12] =	ssyncadd.s32 $0xFFFFE800  }
0x121: {  	_ =	swait.ge [sflag:s12], $0x1A00  }
0x122: {  	[sflag:s12] =	ssyncset.done $0x0  }
0x123: {  	[sflag:s12] =	ssyncadd.s32 $0xFFFFE600  }
0x124: {  	_ =	swait.ge [sflag:s12], $0x1800  }
0x125: {  	[sflag:s12] =	ssyncset.done $0x0  }
0x126: {  	[sflag:s12] =	ssyncadd.s32 $0xFFFFE800  }
0x127: {  	_ =	swait.ge [sflag:s7], $0xC800  }
0x128: {  	[sflag:s7] =	ssyncset.done $0x0  }
0x129: {  	[sflag:s7] =	ssyncadd.s32 $0xFFFF3800  }
0x12a: {  	_ =	swait.ge [sflag:s13], $0x320  }
0x12b: {  	[sflag:s13] =	ssyncset.done $0x0  }
0x12c: {  	[sflag:s13] =	ssyncadd.s32 $0xFFFFFCE0  }
0x12d: {  	[tilespmem:s14], [sflag:$0x4] =	stream.indirect.gather [hbm4b:s3+s26], $0x40, s24, s26, $0xb8;
	[tilespmem:$0x1C840] =	vst v63  }
0x12e: {  	_ = 	snop  }
0x12f: {  	[tilespmem:s16], [sflag:$0x4] =	stream.indirect.gather [hbm4b:s3+s29], $0x40, s15, s29, $0xb8;
	[tilespmem:$0x1C840] =	vst v63  }
0x130: {  	_ = 	snop  }
0x131: {  	[tilespmem:s18], [sflag:$0x4] =	stream.indirect.gather [hbm4b:s3+s26], $0x40, s17, s26, $0xb8;
	[tilespmem:$0x1C840] =	vst v63  }
0x132: {  	_ = 	snop  }
0x133: {  	[tilespmem:s20], [sflag:$0x4] =	stream.indirect.gather [hbm4b:s3+s29], $0x40, s19, s29, $0xb8;
	[tilespmem:$0x1C840] =	vst v63  }
0x134: {  	_ = 	snop  }
0x135: {  	[tilespmem:s23], [sflag:$0x4] =	stream.indirect.gather [hbm4b:s3+s26], $0x40, s21, s26, $0xb8;
	[tilespmem:$0x1C840] =	vst v63  }
0x136: {  	_ = 	snop  }
0x137: {  	[tilespmem:s31], [sflag:$0x4] =	stream.indirect.gather [hbm4b:s3+s29], $0x40, s30, s29, $0xb8;
	[tilespmem:$0x1C840] =	vst v63  }
0x138: {  	_ = 	snop  }
0x139: {  	[tilespmem:s1], [sflag:$0x4] =	stream.indirect.gather [hbm4b:s3+s26], $0x40, s0, s26, $0xb8;
	[tilespmem:$0x1C840] =	vst v63  }
0x13a: {  	_ = 	snop  }
0x13b: {  	[tilespmem:s4], [sflag:$0x4] =	stream.indirect.gather [hbm4b:s3+s29], $0x40, s22, s29, $0xb8;
	[tilespmem:$0x1C840] =	vst v63  }
0x13c: {  	s11 =	rddreg [dreg:$0xa]  }
0x13d: {  	[tilespmem:s9], [sflag:$0x1] =	stream.linear.gather [hbm4b:s11+s9], $0x320, $0x38;
	[tilespmem:$0x1C840] =	vst v63  }
0x13e: {  	s9 =	simm.s32 $0x0  }
0x13f: {  	v0 =	vld [tilespmem:s9+$0x19670]  }
0x140: {  	v1 =	vld [tilespmem:s9+$0x19640];
	_ =	sdelay $0x1  }
0x141: {  	v2 =	vld [tilespmem:s9+$0x19650]  }
0x142: {  	v3 =	vld [tilespmem:s9+$0x19660]  }
0x143: {  	[tilespmem:s9+$0x9C70] =	vst.add.f32.msk $0xffff, v0  }
0x144: {  	[tilespmem:s9+$0x640] =	vst.add.f32.msk $0xffff, v1  }
0x145: {  	[tilespmem:s9+$0x3840] =	vst.add.f32.msk $0xffff, v1  }
0x146: {  	[tilespmem:s9+$0x6A40] =	vst.add.f32.msk $0xffff, v1  }
0x147: {  	[tilespmem:s9+$0x9C40] =	vst.add.f32.msk $0xffff, v1  }
0x148: {  	[tilespmem:s9+$0x650] =	vst.add.f32.msk $0xffff, v2  }
0x149: {  	[tilespmem:s9+$0x3850] =	vst.add.f32.msk $0xffff, v2  }
0x14a: {  	[tilespmem:s9+$0x6A50] =	vst.add.f32.msk $0xffff, v2  }
0x14b: {  	[tilespmem:s9+$0x9C50] =	vst.add.f32.msk $0xffff, v2  }
0x14c: {  	[tilespmem:s9+$0x660] =	vst.add.f32.msk $0xffff, v3  }
0x14d: {  	[tilespmem:s9+$0x3860] =	vst.add.f32.msk $0xffff, v3  }
0x14e: {  	[tilespmem:s9+$0x6A60] =	vst.add.f32.msk $0xffff, v3  }
0x14f: {  	[tilespmem:s9+$0x9C60] =	vst.add.f32.msk $0xffff, v3  }
0x150: {  	[tilespmem:s9+$0x670] =	vst.add.f32.msk $0xffff, v0  }
0x151: {  	s10 =	simm.s32 $0x200;
	s11 =	simm.s32 $0x40;
	[tilespmem:s9+$0x3870] =	vst.add.f32.msk $0xffff, v0  }
.LBB2_6:
0x152: {  	p0 =	sne.s32 s10, $0xC700;
	v1 =	vld [tilespmem:s11+$0x19670]  }
0x153: {  	v2 =	vld [tilespmem:s11+$0x19640]  }
0x154: {  	v3 =	vld [tilespmem:s11+$0x19650]  }
0x155: {  	v4 =	vld [tilespmem:s11+$0x19660]  }
0x156: {  	[tilespmem:s9+$0x6A70] =	vst.add.f32.msk $0xffff, v0;
	s9 =	smov.u32 s11  }
0x157: {  	[tilespmem:s9+$0x9C70] =	vst.add.f32.msk $0xffff, v1;
	v0 =	vmov v1  }
0x158: {  	[tilespmem:s9+$0x640] =	vst.add.f32.msk $0xffff, v2  }
0x159: {  	[tilespmem:s9+$0x3840] =	vst.add.f32.msk $0xffff, v2  }
0x15a: {  	[tilespmem:s9+$0x6A40] =	vst.add.f32.msk $0xffff, v2  }
0x15b: {  	[tilespmem:s9+$0x9C40] =	vst.add.f32.msk $0xffff, v2  }
0x15c: {  	[tilespmem:s9+$0x650] =	vst.add.f32.msk $0xffff, v3  }
0x15d: {  	[tilespmem:s9+$0x3850] =	vst.add.f32.msk $0xffff, v3  }
0x15e: {  	[tilespmem:s9+$0x6A50] =	vst.add.f32.msk $0xffff, v3  }
0x15f: {  	[tilespmem:s9+$0x9C50] =	vst.add.f32.msk $0xffff, v3  }
0x160: {  	[tilespmem:s9+$0x660] =	vst.add.f32.msk $0xffff, v4  }
.Ltmp2:
0x161: {  	[tilespmem:s9+$0x3860] =	vst.add.f32.msk $0xffff, v4;
	(pc) =	sbr.rel @p0 .LBB2_6-.Ltmp2, $4  }
0x162: {  	[tilespmem:s9+$0x6A60] =	vst.add.f32.msk $0xffff, v4  }
0x163: {  	[tilespmem:s9+$0x9C60] =	vst.add.f32.msk $0xffff, v4  }
0x164: {  	[tilespmem:s9+$0x670] =	vst.add.f32.msk $0xffff, v0  }
0x165: {  	s11 =	sshra.s32 s10, $0x2;
	s10 =	sadd.s32 $0x100, s10;
	[tilespmem:s9+$0x3870] =	vst.add.f32.msk $0xffff, v0  }
0x166: {  	v1 =	vld [tilespmem:s11+$0x19670]  }
0x167: {  	v2 =	vld [tilespmem:s11+$0x19640]  }
0x168: {  	v3 =	vld [tilespmem:s11+$0x19650]  }
0x169: {  	v4 =	vld [tilespmem:s11+$0x19660]  }
0x16a: {  	[tilespmem:s9+$0x6A70] =	vst.add.f32.msk $0xffff, v0  }
0x16b: {  	[tilespmem:s11+$0x9C70] =	vst.add.f32.msk $0xffff, v1  }
0x16c: {  	[tilespmem:s11+$0x640] =	vst.add.f32.msk $0xffff, v2  }
0x16d: {  	[tilespmem:s11+$0x3840] =	vst.add.f32.msk $0xffff, v2  }
0x16e: {  	[tilespmem:s11+$0x6A40] =	vst.add.f32.msk $0xffff, v2  }
0x16f: {  	[tilespmem:s11+$0x9C40] =	vst.add.f32.msk $0xffff, v2  }
0x170: {  	[tilespmem:s11+$0x650] =	vst.add.f32.msk $0xffff, v3  }
0x171: {  	[tilespmem:s11+$0x3850] =	vst.add.f32.msk $0xffff, v3  }
0x172: {  	[tilespmem:s11+$0x6A50] =	vst.add.f32.msk $0xffff, v3  }
0x173: {  	[tilespmem:s11+$0x9C50] =	vst.add.f32.msk $0xffff, v3  }
0x174: {  	[tilespmem:s11+$0x660] =	vst.add.f32.msk $0xffff, v4  }
0x175: {  	[tilespmem:s11+$0x3860] =	vst.add.f32.msk $0xffff, v4  }
0x176: {  	[tilespmem:s11+$0x6A60] =	vst.add.f32.msk $0xffff, v4  }
0x177: {  	[tilespmem:s11+$0x9C60] =	vst.add.f32.msk $0xffff, v4  }
0x178: {  	[tilespmem:s11+$0x670] =	vst.add.f32.msk $0xffff, v1  }
0x179: {  	[tilespmem:s11+$0x3870] =	vst.add.f32.msk $0xffff, v1  }
0x17a: {  	s9 =	simm.s32 $0x0;
	s10 =	rddreg [dreg:$0xb];
	[tilespmem:s11+$0x6A70] =	vst.add.f32.msk $0xffff, v1  }
0x17b: {  	[hbm4b:s10+s9] =	stream.linear.scatter [tilespmem:s28], [sflag:$0x5], $0xC800, $0x38;
	[tilespmem:$0x1C840] =	vst v63  }
0x17c: {  	_ =	swait.ge [sflag:s5], $0x1A00  }
0x17d: {  	[sflag:s5] =	ssyncset.done $0x0  }
0x17e: {  	[sflag:s5] =	ssyncadd.s32 $0xFFFFE600  }
0x17f: {  	_ =	swait.ge [sflag:s5], $0x1800  }
0x180: {  	[sflag:s5] =	ssyncset.done $0x0  }
0x181: {  	[sflag:s5] =	ssyncadd.s32 $0xFFFFE800  }
0x182: {  	_ =	swait.ge [sflag:s5], $0x1A00  }
0x183: {  	[sflag:s5] =	ssyncset.done $0x0  }
0x184: {  	[sflag:s5] =	ssyncadd.s32 $0xFFFFE600  }
0x185: {  	_ =	swait.ge [sflag:s5], $0x1800  }
0x186: {  	[sflag:s5] =	ssyncset.done $0x0  }
0x187: {  	[sflag:s5] =	ssyncadd.s32 $0xFFFFE800  }
0x188: {  	_ =	swait.ge [sflag:s5], $0x1A00  }
0x189: {  	[sflag:s5] =	ssyncset.done $0x0  }
0x18a: {  	[sflag:s5] =	ssyncadd.s32 $0xFFFFE600  }
0x18b: {  	_ =	swait.ge [sflag:s5], $0x1800  }
0x18c: {  	[sflag:s5] =	ssyncset.done $0x0  }
0x18d: {  	[sflag:s5] =	ssyncadd.s32 $0xFFFFE800  }
0x18e: {  	_ =	swait.ge [sflag:s5], $0x1A00  }
0x18f: {  	[sflag:s5] =	ssyncset.done $0x0  }
0x190: {  	[sflag:s5] =	ssyncadd.s32 $0xFFFFE600  }
0x191: {  	_ =	swait.ge [sflag:s5], $0x1800  }
0x192: {  	[sflag:s5] =	ssyncset.done $0x0  }
0x193: {  	[sflag:s5] =	ssyncadd.s32 $0xFFFFE800  }
0x194: {  	_ =	swait.ge [sflag:s6], $0xC800  }
0x195: {  	[sflag:s6] =	ssyncset.done $0x0  }
0x196: {  	[sflag:s6] =	ssyncadd.s32 $0xFFFF3800  }
0x197: {  	_ =	swait.ge [sflag:s25], $0x320  }
0x198: {  	[sflag:s25] =	ssyncset.done $0x0  }
0x199: {  	[sflag:s25] =	ssyncadd.s32 $0xFFFFFCE0  }
0x19a: {  	[tilespmem:s28], [sflag:$0x3] =	stream.indirect.gather [hbm4b:s3+s26], $0x40, s9, s26, $0xb8;
	[tilespmem:$0x1C840] =	vst v63  }
0x19b: {  	s11 =	simm.s32 $0x2040  }
0x19c: {  	[tilespmem:s11], [sflag:$0x3] =	stream.indirect.gather [hbm4b:s3+s29], $0x40, s26, s29, $0xb8;
	[tilespmem:$0x1C840] =	vst v63  }
0x19d: {  	s10 =	simm.s32 $0xC8;
	s11 =	simm.s32 $0x3840  }
0x19e: {  	[tilespmem:s11], [sflag:$0x3] =	stream.indirect.gather [hbm4b:s3+s26], $0x40, s10, s26, $0xb8;
	[tilespmem:$0x1C840] =	vst v63  }
0x19f: {  	s10 =	simm.s32 $0x130;
	s11 =	simm.s32 $0x5240  }
0x1a0: {  	[tilespmem:s11], [sflag:$0x3] =	stream.indirect.gather [hbm4b:s3+s29], $0x40, s10, s29, $0xb8;
	[tilespmem:$0x1C840] =	vst v63  }
0x1a1: {  	s10 =	simm.s32 $0x190;
	s11 =	simm.s32 $0x6A40  }
0x1a2: {  	[tilespmem:s11], [sflag:$0x3] =	stream.indirect.gather [hbm4b:s3+s26], $0x40, s10, s26, $0xb8;
	[tilespmem:$0x1C840] =	vst v63  }
0x1a3: {  	s10 =	simm.s32 $0x1F8;
	s11 =	simm.s32 $0x8440  }
0x1a4: {  	[tilespmem:s11], [sflag:$0x3] =	stream.indirect.gather [hbm4b:s3+s29], $0x40, s10, s29, $0xb8;
	[tilespmem:$0x1C840] =	vst v63  }
0x1a5: {  	s10 =	simm.s32 $0x258;
	s11 =	simm.s32 $0x9C40  }
0x1a6: {  	[tilespmem:s11], [sflag:$0x3] =	stream.indirect.gather [hbm4b:s3+s26], $0x40, s10, s26, $0xb8;
	[tilespmem:$0x1C840] =	vst v63  }
0x1a7: {  	s10 =	simm.s32 $0x2C0;
	s11 =	simm.s32 $0xB640  }
0x1a8: {  	[tilespmem:s11], [sflag:$0x3] =	stream.indirect.gather [hbm4b:s3+s29], $0x40, s10, s29, $0xb8;
	[tilespmem:$0x1C840] =	vst v63  }
0x1a9: {  	s11 =	rddreg [dreg:$0xc]  }
0x1aa: {  	[tilespmem:s24], [sflag:$0x2] =	stream.linear.gather [hbm4b:s11+s9], $0x320, $0x38;
	[tilespmem:$0x1C840] =	vst v63  }
0x1ab: {  	s9 =	simm.s32 $0x0  }
0x1ac: {  	v0 =	vld [tilespmem:s9+$0x19670]  }
0x1ad: {  	v1 =	vld [tilespmem:s9+$0x19640];
	_ =	sdelay $0x1  }
0x1ae: {  	v2 =	vld [tilespmem:s9+$0x19650]  }
0x1af: {  	v3 =	vld [tilespmem:s9+$0x19660]  }
0x1b0: {  	[tilespmem:s9+$0x16470] =	vst.add.f32.msk $0xffff, v0  }
0x1b1: {  	[tilespmem:s9+$0xCE40] =	vst.add.f32.msk $0xffff, v1  }
0x1b2: {  	[tilespmem:s9+$0x10040] =	vst.add.f32.msk $0xffff, v1  }
0x1b3: {  	[tilespmem:s9+$0x13240] =	vst.add.f32.msk $0xffff, v1  }
0x1b4: {  	[tilespmem:s9+$0x16440] =	vst.add.f32.msk $0xffff, v1  }
0x1b5: {  	[tilespmem:s9+$0xCE50] =	vst.add.f32.msk $0xffff, v2  }
0x1b6: {  	[tilespmem:s9+$0x10050] =	vst.add.f32.msk $0xffff, v2  }
0x1b7: {  	[tilespmem:s9+$0x13250] =	vst.add.f32.msk $0xffff, v2  }
0x1b8: {  	[tilespmem:s9+$0x16450] =	vst.add.f32.msk $0xffff, v2  }
0x1b9: {  	[tilespmem:s9+$0xCE60] =	vst.add.f32.msk $0xffff, v3  }
0x1ba: {  	[tilespmem:s9+$0x10060] =	vst.add.f32.msk $0xffff, v3  }
0x1bb: {  	[tilespmem:s9+$0x13260] =	vst.add.f32.msk $0xffff, v3  }
0x1bc: {  	[tilespmem:s9+$0x16460] =	vst.add.f32.msk $0xffff, v3  }
0x1bd: {  	[tilespmem:s9+$0xCE70] =	vst.add.f32.msk $0xffff, v0  }
0x1be: {  	s10 =	simm.s32 $0x200;
	s11 =	simm.s32 $0x40;
	[tilespmem:s9+$0x10070] =	vst.add.f32.msk $0xffff, v0  }
.LBB2_8:
0x1bf: {  	p0 =	sne.s32 s10, $0xC700;
	v1 =	vld [tilespmem:s11+$0x19670]  }
0x1c0: {  	v2 =	vld [tilespmem:s11+$0x19640]  }
0x1c1: {  	v3 =	vld [tilespmem:s11+$0x19650]  }
0x1c2: {  	v4 =	vld [tilespmem:s11+$0x19660]  }
0x1c3: {  	[tilespmem:s9+$0x13270] =	vst.add.f32.msk $0xffff, v0;
	s9 =	smov.u32 s11  }
0x1c4: {  	[tilespmem:s9+$0x16470] =	vst.add.f32.msk $0xffff, v1;
	v0 =	vmov v1  }
0x1c5: {  	[tilespmem:s9+$0xCE40] =	vst.add.f32.msk $0xffff, v2  }
0x1c6: {  	[tilespmem:s9+$0x10040] =	vst.add.f32.msk $0xffff, v2  }
0x1c7: {  	[tilespmem:s9+$0x13240] =	vst.add.f32.msk $0xffff, v2  }
0x1c8: {  	[tilespmem:s9+$0x16440] =	vst.add.f32.msk $0xffff, v2  }
0x1c9: {  	[tilespmem:s9+$0xCE50] =	vst.add.f32.msk $0xffff, v3  }
0x1ca: {  	[tilespmem:s9+$0x10050] =	vst.add.f32.msk $0xffff, v3  }
0x1cb: {  	[tilespmem:s9+$0x13250] =	vst.add.f32.msk $0xffff, v3  }
0x1cc: {  	[tilespmem:s9+$0x16450] =	vst.add.f32.msk $0xffff, v3  }
0x1cd: {  	[tilespmem:s9+$0xCE60] =	vst.add.f32.msk $0xffff, v4  }
.Ltmp3:
0x1ce: {  	[tilespmem:s9+$0x10060] =	vst.add.f32.msk $0xffff, v4;
	(pc) =	sbr.rel @p0 .LBB2_8-.Ltmp3, $4  }
0x1cf: {  	[tilespmem:s9+$0x13260] =	vst.add.f32.msk $0xffff, v4  }
0x1d0: {  	[tilespmem:s9+$0x16460] =	vst.add.f32.msk $0xffff, v4  }
0x1d1: {  	[tilespmem:s9+$0xCE70] =	vst.add.f32.msk $0xffff, v0  }
0x1d2: {  	s11 =	sshra.s32 s10, $0x2;
	s10 =	sadd.s32 $0x100, s10;
	[tilespmem:s9+$0x10070] =	vst.add.f32.msk $0xffff, v0  }
0x1d3: {  	v1 =	vld [tilespmem:s11+$0x19670]  }
0x1d4: {  	v2 =	vld [tilespmem:s11+$0x19640]  }
0x1d5: {  	v3 =	vld [tilespmem:s11+$0x19650]  }
0x1d6: {  	v4 =	vld [tilespmem:s11+$0x19660]  }
0x1d7: {  	[tilespmem:s9+$0x13270] =	vst.add.f32.msk $0xffff, v0  }
0x1d8: {  	[tilespmem:s11+$0x16470] =	vst.add.f32.msk $0xffff, v1  }
0x1d9: {  	[tilespmem:s11+$0xCE40] =	vst.add.f32.msk $0xffff, v2  }
0x1da: {  	[tilespmem:s11+$0x10040] =	vst.add.f32.msk $0xffff, v2  }
0x1db: {  	[tilespmem:s11+$0x13240] =	vst.add.f32.msk $0xffff, v2  }
0x1dc: {  	[tilespmem:s11+$0x16440] =	vst.add.f32.msk $0xffff, v2  }
0x1dd: {  	[tilespmem:s11+$0xCE50] =	vst.add.f32.msk $0xffff, v3  }
0x1de: {  	[tilespmem:s11+$0x10050] =	vst.add.f32.msk $0xffff, v3  }
0x1df: {  	[tilespmem:s11+$0x13250] =	vst.add.f32.msk $0xffff, v3  }
0x1e0: {  	[tilespmem:s11+$0x16450] =	vst.add.f32.msk $0xffff, v3  }
0x1e1: {  	[tilespmem:s11+$0xCE60] =	vst.add.f32.msk $0xffff, v4  }
0x1e2: {  	[tilespmem:s11+$0x10060] =	vst.add.f32.msk $0xffff, v4  }
0x1e3: {  	[tilespmem:s11+$0x13260] =	vst.add.f32.msk $0xffff, v4  }
0x1e4: {  	[tilespmem:s11+$0x16460] =	vst.add.f32.msk $0xffff, v4  }
0x1e5: {  	[tilespmem:s11+$0xCE70] =	vst.add.f32.msk $0xffff, v1  }
0x1e6: {  	[tilespmem:s11+$0x10070] =	vst.add.f32.msk $0xffff, v1  }
0x1e7: {  	s9 =	simm.s32 $0x0;
	s10 =	rddreg [dreg:$0xd];
	[tilespmem:s11+$0x13270] =	vst.add.f32.msk $0xffff, v1  }
0x1e8: {  	[hbm4b:s10+s9] =	stream.linear.scatter [tilespmem:s14], [sflag:$0x6], $0xC800, $0x38;
	[tilespmem:$0x1C840] =	vst v63  }
0x1e9: {  	_ =	swait.ge [sflag:s12], $0x1A00  }
0x1ea: {  	[sflag:s12] =	ssyncset.done $0x0  }
0x1eb: {  	[sflag:s12] =	ssyncadd.s32 $0xFFFFE600  }
0x1ec: {  	_ =	swait.ge [sflag:s12], $0x1800  }
0x1ed: {  	[sflag:s12] =	ssyncset.done $0x0  }
0x1ee: {  	[sflag:s12] =	ssyncadd.s32 $0xFFFFE800  }
0x1ef: {  	_ =	swait.ge [sflag:s12], $0x1A00  }
0x1f0: {  	[sflag:s12] =	ssyncset.done $0x0  }
0x1f1: {  	[sflag:s12] =	ssyncadd.s32 $0xFFFFE600  }
0x1f2: {  	_ =	swait.ge [sflag:s12], $0x1800  }
0x1f3: {  	[sflag:s12] =	ssyncset.done $0x0  }
0x1f4: {  	[sflag:s12] =	ssyncadd.s32 $0xFFFFE800  }
0x1f5: {  	_ =	swait.ge [sflag:s12], $0x1A00  }
0x1f6: {  	[sflag:s12] =	ssyncset.done $0x0  }
0x1f7: {  	[sflag:s12] =	ssyncadd.s32 $0xFFFFE600  }
0x1f8: {  	_ =	swait.ge [sflag:s12], $0x1800  }
0x1f9: {  	[sflag:s12] =	ssyncset.done $0x0  }
0x1fa: {  	[sflag:s12] =	ssyncadd.s32 $0xFFFFE800  }
0x1fb: {  	_ =	swait.ge [sflag:s12], $0x1A00  }
0x1fc: {  	[sflag:s12] =	ssyncset.done $0x0  }
0x1fd: {  	[sflag:s12] =	ssyncadd.s32 $0xFFFFE600  }
0x1fe: {  	_ =	swait.ge [sflag:s12], $0x1800  }
0x1ff: {  	[sflag:s12] =	ssyncset.done $0x0  }
0x200: {  	[sflag:s12] =	ssyncadd.s32 $0xFFFFE800  }
0x201: {  	_ =	swait.ge [sflag:s7], $0xC800  }
0x202: {  	[sflag:s7] =	ssyncset.done $0x0  }
0x203: {  	[sflag:s7] =	ssyncadd.s32 $0xFFFF3800  }
0x204: {  	_ =	swait.ge [sflag:s13], $0x320  }
0x205: {  	[sflag:s13] =	ssyncset.done $0x0  }
0x206: {  	[sflag:s13] =	ssyncadd.s32 $0xFFFFFCE0  }
0x207: {  	[tilespmem:s14], [sflag:$0x4] =	stream.indirect.gather [hbm4b:s3+s26], $0x40, s24, s26, $0xb8;
	[tilespmem:$0x1C840] =	vst v63  }
0x208: {  	_ = 	snop  }
0x209: {  	[tilespmem:s16], [sflag:$0x4] =	stream.indirect.gather [hbm4b:s3+s29], $0x40, s15, s29, $0xb8;
	[tilespmem:$0x1C840] =	vst v63  }
0x20a: {  	_ = 	snop  }
0x20b: {  	[tilespmem:s18], [sflag:$0x4] =	stream.indirect.gather [hbm4b:s3+s26], $0x40, s17, s26, $0xb8;
	[tilespmem:$0x1C840] =	vst v63  }
0x20c: {  	_ = 	snop  }
0x20d: {  	[tilespmem:s20], [sflag:$0x4] =	stream.indirect.gather [hbm4b:s3+s29], $0x40, s19, s29, $0xb8;
	[tilespmem:$0x1C840] =	vst v63  }
0x20e: {  	_ = 	snop  }
0x20f: {  	[tilespmem:s23], [sflag:$0x4] =	stream.indirect.gather [hbm4b:s3+s26], $0x40, s21, s26, $0xb8;
	[tilespmem:$0x1C840] =	vst v63  }
0x210: {  	_ = 	snop  }
0x211: {  	[tilespmem:s31], [sflag:$0x4] =	stream.indirect.gather [hbm4b:s3+s29], $0x40, s30, s29, $0xb8;
	[tilespmem:$0x1C840] =	vst v63  }
0x212: {  	_ = 	snop  }
0x213: {  	[tilespmem:s1], [sflag:$0x4] =	stream.indirect.gather [hbm4b:s3+s26], $0x40, s0, s26, $0xb8;
	[tilespmem:$0x1C840] =	vst v63  }
0x214: {  	_ = 	snop  }
0x215: {  	[tilespmem:s4], [sflag:$0x4] =	stream.indirect.gather [hbm4b:s3+s29], $0x40, s22, s29, $0xb8;
	[tilespmem:$0x1C840] =	vst v63  }
0x216: {  	s11 =	rddreg [dreg:$0xe]  }
0x217: {  	[tilespmem:s9], [sflag:$0x1] =	stream.linear.gather [hbm4b:s11+s9], $0x320, $0x38;
	[tilespmem:$0x1C840] =	vst v63  }
0x218: {  	s9 =	simm.s32 $0x0  }
0x219: {  	v0 =	vld [tilespmem:s9+$0x19670]  }
0x21a: {  	v1 =	vld [tilespmem:s9+$0x19640];
	_ =	sdelay $0x1  }
0x21b: {  	v2 =	vld [tilespmem:s9+$0x19650]  }
0x21c: {  	v3 =	vld [tilespmem:s9+$0x19660]  }
0x21d: {  	[tilespmem:s9+$0x9C70] =	vst.add.f32.msk $0xffff, v0  }
0x21e: {  	[tilespmem:s9+$0x640] =	vst.add.f32.msk $0xffff, v1  }
0x21f: {  	[tilespmem:s9+$0x3840] =	vst.add.f32.msk $0xffff, v1  }
0x220: {  	[tilespmem:s9+$0x6A40] =	vst.add.f32.msk $0xffff, v1  }
0x221: {  	[tilespmem:s9+$0x9C40] =	vst.add.f32.msk $0xffff, v1  }
0x222: {  	[tilespmem:s9+$0x650] =	vst.add.f32.msk $0xffff, v2  }
0x223: {  	[tilespmem:s9+$0x3850] =	vst.add.f32.msk $0xffff, v2  }
0x224: {  	[tilespmem:s9+$0x6A50] =	vst.add.f32.msk $0xffff, v2  }
0x225: {  	[tilespmem:s9+$0x9C50] =	vst.add.f32.msk $0xffff, v2  }
0x226: {  	[tilespmem:s9+$0x660] =	vst.add.f32.msk $0xffff, v3  }
0x227: {  	[tilespmem:s9+$0x3860] =	vst.add.f32.msk $0xffff, v3  }
0x228: {  	[tilespmem:s9+$0x6A60] =	vst.add.f32.msk $0xffff, v3  }
0x229: {  	[tilespmem:s9+$0x9C60] =	vst.add.f32.msk $0xffff, v3  }
0x22a: {  	[tilespmem:s9+$0x670] =	vst.add.f32.msk $0xffff, v0  }
0x22b: {  	s10 =	simm.s32 $0x200;
	s11 =	simm.s32 $0x40;
	[tilespmem:s9+$0x3870] =	vst.add.f32.msk $0xffff, v0  }
.LBB2_10:
0x22c: {  	p0 =	sne.s32 s10, $0xC700;
	v1 =	vld [tilespmem:s11+$0x19670]  }
0x22d: {  	v2 =	vld [tilespmem:s11+$0x19640]  }
0x22e: {  	v3 =	vld [tilespmem:s11+$0x19650]  }
0x22f: {  	v4 =	vld [tilespmem:s11+$0x19660]  }
0x230: {  	[tilespmem:s9+$0x6A70] =	vst.add.f32.msk $0xffff, v0;
	s9 =	smov.u32 s11  }
0x231: {  	[tilespmem:s9+$0x9C70] =	vst.add.f32.msk $0xffff, v1;
	v0 =	vmov v1  }
0x232: {  	[tilespmem:s9+$0x640] =	vst.add.f32.msk $0xffff, v2  }
0x233: {  	[tilespmem:s9+$0x3840] =	vst.add.f32.msk $0xffff, v2  }
0x234: {  	[tilespmem:s9+$0x6A40] =	vst.add.f32.msk $0xffff, v2  }
0x235: {  	[tilespmem:s9+$0x9C40] =	vst.add.f32.msk $0xffff, v2  }
0x236: {  	[tilespmem:s9+$0x650] =	vst.add.f32.msk $0xffff, v3  }
0x237: {  	[tilespmem:s9+$0x3850] =	vst.add.f32.msk $0xffff, v3  }
0x238: {  	[tilespmem:s9+$0x6A50] =	vst.add.f32.msk $0xffff, v3  }
0x239: {  	[tilespmem:s9+$0x9C50] =	vst.add.f32.msk $0xffff, v3  }
0x23a: {  	[tilespmem:s9+$0x660] =	vst.add.f32.msk $0xffff, v4  }
.Ltmp4:
0x23b: {  	[tilespmem:s9+$0x3860] =	vst.add.f32.msk $0xffff, v4;
	(pc) =	sbr.rel @p0 .LBB2_10-.Ltmp4, $4  }
0x23c: {  	[tilespmem:s9+$0x6A60] =	vst.add.f32.msk $0xffff, v4  }
0x23d: {  	[tilespmem:s9+$0x9C60] =	vst.add.f32.msk $0xffff, v4  }
0x23e: {  	[tilespmem:s9+$0x670] =	vst.add.f32.msk $0xffff, v0  }
0x23f: {  	s11 =	sshra.s32 s10, $0x2;
	s10 =	sadd.s32 $0x100, s10;
	[tilespmem:s9+$0x3870] =	vst.add.f32.msk $0xffff, v0  }
0x240: {  	v1 =	vld [tilespmem:s11+$0x19670]  }
0x241: {  	v2 =	vld [tilespmem:s11+$0x19640]  }
0x242: {  	v3 =	vld [tilespmem:s11+$0x19650]  }
0x243: {  	v4 =	vld [tilespmem:s11+$0x19660]  }
0x244: {  	[tilespmem:s9+$0x6A70] =	vst.add.f32.msk $0xffff, v0  }
0x245: {  	[tilespmem:s11+$0x9C70] =	vst.add.f32.msk $0xffff, v1  }
0x246: {  	[tilespmem:s11+$0x640] =	vst.add.f32.msk $0xffff, v2  }
0x247: {  	[tilespmem:s11+$0x3840] =	vst.add.f32.msk $0xffff, v2  }
0x248: {  	[tilespmem:s11+$0x6A40] =	vst.add.f32.msk $0xffff, v2  }
0x249: {  	[tilespmem:s11+$0x9C40] =	vst.add.f32.msk $0xffff, v2  }
0x24a: {  	[tilespmem:s11+$0x650] =	vst.add.f32.msk $0xffff, v3  }
0x24b: {  	[tilespmem:s11+$0x3850] =	vst.add.f32.msk $0xffff, v3  }
0x24c: {  	[tilespmem:s11+$0x6A50] =	vst.add.f32.msk $0xffff, v3  }
0x24d: {  	[tilespmem:s11+$0x9C50] =	vst.add.f32.msk $0xffff, v3  }
0x24e: {  	[tilespmem:s11+$0x660] =	vst.add.f32.msk $0xffff, v4  }
0x24f: {  	[tilespmem:s11+$0x3860] =	vst.add.f32.msk $0xffff, v4  }
0x250: {  	[tilespmem:s11+$0x6A60] =	vst.add.f32.msk $0xffff, v4  }
0x251: {  	[tilespmem:s11+$0x9C60] =	vst.add.f32.msk $0xffff, v4  }
0x252: {  	[tilespmem:s11+$0x670] =	vst.add.f32.msk $0xffff, v1  }
0x253: {  	[tilespmem:s11+$0x3870] =	vst.add.f32.msk $0xffff, v1  }
0x254: {  	s9 =	simm.s32 $0x0;
	s10 =	rddreg [dreg:$0xf];
	[tilespmem:s11+$0x6A70] =	vst.add.f32.msk $0xffff, v1  }
0x255: {  	[hbm4b:s10+s9] =	stream.linear.scatter [tilespmem:s28], [sflag:$0x5], $0xC800, $0x38;
	[tilespmem:$0x1C840] =	vst v63  }
0x256: {  	_ =	swait.ge [sflag:s5], $0x1A00  }
0x257: {  	[sflag:s5] =	ssyncset.done $0x0  }
0x258: {  	[sflag:s5] =	ssyncadd.s32 $0xFFFFE600  }
0x259: {  	_ =	swait.ge [sflag:s5], $0x1800  }
0x25a: {  	[sflag:s5] =	ssyncset.done $0x0  }
0x25b: {  	[sflag:s5] =	ssyncadd.s32 $0xFFFFE800  }
0x25c: {  	_ =	swait.ge [sflag:s5], $0x1A00  }
0x25d: {  	[sflag:s5] =	ssyncset.done $0x0  }
0x25e: {  	[sflag:s5] =	ssyncadd.s32 $0xFFFFE600  }
0x25f: {  	_ =	swait.ge [sflag:s5], $0x1800  }
0x260: {  	[sflag:s5] =	ssyncset.done $0x0  }
0x261: {  	[sflag:s5] =	ssyncadd.s32 $0xFFFFE800  }
0x262: {  	_ =	swait.ge [sflag:s5], $0x1A00  }
0x263: {  	[sflag:s5] =	ssyncset.done $0x0  }
0x264: {  	[sflag:s5] =	ssyncadd.s32 $0xFFFFE600  }
0x265: {  	_ =	swait.ge [sflag:s5], $0x1800  }
0x266: {  	[sflag:s5] =	ssyncset.done $0x0  }
0x267: {  	[sflag:s5] =	ssyncadd.s32 $0xFFFFE800  }
0x268: {  	_ =	swait.ge [sflag:s5], $0x1A00  }
0x269: {  	[sflag:s5] =	ssyncset.done $0x0  }
0x26a: {  	[sflag:s5] =	ssyncadd.s32 $0xFFFFE600  }
0x26b: {  	_ =	swait.ge [sflag:s5], $0x1800  }
0x26c: {  	[sflag:s5] =	ssyncset.done $0x0  }
0x26d: {  	[sflag:s5] =	ssyncadd.s32 $0xFFFFE800  }
0x26e: {  	_ =	swait.ge [sflag:s6], $0xC800  }
0x26f: {  	[sflag:s6] =	ssyncset.done $0x0  }
0x270: {  	[sflag:s6] =	ssyncadd.s32 $0xFFFF3800  }
0x271: {  	_ =	swait.ge [sflag:s25], $0x320  }
0x272: {  	[sflag:s25] =	ssyncset.done $0x0  }
0x273: {  	[sflag:s25] =	ssyncadd.s32 $0xFFFFFCE0  }
0x274: {  	[tilespmem:s28], [sflag:$0x3] =	stream.indirect.gather [hbm4b:s3+s26], $0x40, s9, s26, $0xb8;
	[tilespmem:$0x1C840] =	vst v63  }
0x275: {  	s11 =	simm.s32 $0x2040  }
0x276: {  	[tilespmem:s11], [sflag:$0x3] =	stream.indirect.gather [hbm4b:s3+s29], $0x40, s26, s29, $0xb8;
	[tilespmem:$0x1C840] =	vst v63  }
0x277: {  	s10 =	simm.s32 $0xC8;
	s11 =	simm.s32 $0x3840  }
0x278: {  	[tilespmem:s11], [sflag:$0x3] =	stream.indirect.gather [hbm4b:s3+s26], $0x40, s10, s26, $0xb8;
	[tilespmem:$0x1C840] =	vst v63  }
0x279: {  	s10 =	simm.s32 $0x130;
	s11 =	simm.s32 $0x5240  }
0x27a: {  	[tilespmem:s11], [sflag:$0x3] =	stream.indirect.gather [hbm4b:s3+s29], $0x40, s10, s29, $0xb8;
	[tilespmem:$0x1C840] =	vst v63  }
0x27b: {  	s10 =	simm.s32 $0x190;
	s11 =	simm.s32 $0x6A40  }
0x27c: {  	[tilespmem:s11], [sflag:$0x3] =	stream.indirect.gather [hbm4b:s3+s26], $0x40, s10, s26, $0xb8;
	[tilespmem:$0x1C840] =	vst v63  }
0x27d: {  	s10 =	simm.s32 $0x1F8;
	s11 =	simm.s32 $0x8440  }
0x27e: {  	[tilespmem:s11], [sflag:$0x3] =	stream.indirect.gather [hbm4b:s3+s29], $0x40, s10, s29, $0xb8;
	[tilespmem:$0x1C840] =	vst v63  }
0x27f: {  	s10 =	simm.s32 $0x258;
	s11 =	simm.s32 $0x9C40  }
0x280: {  	[tilespmem:s11], [sflag:$0x3] =	stream.indirect.gather [hbm4b:s3+s26], $0x40, s10, s26, $0xb8;
	[tilespmem:$0x1C840] =	vst v63  }
0x281: {  	s10 =	simm.s32 $0x2C0;
	s11 =	simm.s32 $0xB640  }
0x282: {  	[tilespmem:s11], [sflag:$0x3] =	stream.indirect.gather [hbm4b:s3+s29], $0x40, s10, s29, $0xb8;
	[tilespmem:$0x1C840] =	vst v63  }
0x283: {  	s11 =	rddreg [dreg:$0x10]  }
0x284: {  	[tilespmem:s24], [sflag:$0x2] =	stream.linear.gather [hbm4b:s11+s9], $0x320, $0x38;
	[tilespmem:$0x1C840] =	vst v63  }
0x285: {  	s9 =	simm.s32 $0x0  }
0x286: {  	v0 =	vld [tilespmem:s9+$0x19670]  }
0x287: {  	v1 =	vld [tilespmem:s9+$0x19640];
	_ =	sdelay $0x1  }
0x288: {  	v2 =	vld [tilespmem:s9+$0x19650]  }
0x289: {  	v3 =	vld [tilespmem:s9+$0x19660]  }
0x28a: {  	[tilespmem:s9+$0x16470] =	vst.add.f32.msk $0xffff, v0  }
0x28b: {  	[tilespmem:s9+$0xCE40] =	vst.add.f32.msk $0xffff, v1  }
0x28c: {  	[tilespmem:s9+$0x10040] =	vst.add.f32.msk $0xffff, v1  }
0x28d: {  	[tilespmem:s9+$0x13240] =	vst.add.f32.msk $0xffff, v1  }
0x28e: {  	[tilespmem:s9+$0x16440] =	vst.add.f32.msk $0xffff, v1  }
0x28f: {  	[tilespmem:s9+$0xCE50] =	vst.add.f32.msk $0xffff, v2  }
0x290: {  	[tilespmem:s9+$0x10050] =	vst.add.f32.msk $0xffff, v2  }
0x291: {  	[tilespmem:s9+$0x13250] =	vst.add.f32.msk $0xffff, v2  }
0x292: {  	[tilespmem:s9+$0x16450] =	vst.add.f32.msk $0xffff, v2  }
0x293: {  	[tilespmem:s9+$0xCE60] =	vst.add.f32.msk $0xffff, v3  }
0x294: {  	[tilespmem:s9+$0x10060] =	vst.add.f32.msk $0xffff, v3  }
0x295: {  	[tilespmem:s9+$0x13260] =	vst.add.f32.msk $0xffff, v3  }
0x296: {  	[tilespmem:s9+$0x16460] =	vst.add.f32.msk $0xffff, v3  }
0x297: {  	[tilespmem:s9+$0xCE70] =	vst.add.f32.msk $0xffff, v0  }
0x298: {  	s10 =	simm.s32 $0x200;
	s11 =	simm.s32 $0x40;
	[tilespmem:s9+$0x10070] =	vst.add.f32.msk $0xffff, v0  }
.LBB2_12:
0x299: {  	p0 =	sne.s32 s10, $0xC700;
	v1 =	vld [tilespmem:s11+$0x19670]  }
0x29a: {  	v2 =	vld [tilespmem:s11+$0x19640]  }
0x29b: {  	v3 =	vld [tilespmem:s11+$0x19650]  }
0x29c: {  	v4 =	vld [tilespmem:s11+$0x19660]  }
0x29d: {  	[tilespmem:s9+$0x13270] =	vst.add.f32.msk $0xffff, v0;
	s9 =	smov.u32 s11  }
0x29e: {  	[tilespmem:s9+$0x16470] =	vst.add.f32.msk $0xffff, v1;
	v0 =	vmov v1  }
0x29f: {  	[tilespmem:s9+$0xCE40] =	vst.add.f32.msk $0xffff, v2  }
0x2a0: {  	[tilespmem:s9+$0x10040] =	vst.add.f32.msk $0xffff, v2  }
0x2a1: {  	[tilespmem:s9+$0x13240] =	vst.add.f32.msk $0xffff, v2  }
0x2a2: {  	[tilespmem:s9+$0x16440] =	vst.add.f32.msk $0xffff, v2  }
0x2a3: {  	[tilespmem:s9+$0xCE50] =	vst.add.f32.msk $0xffff, v3  }
0x2a4: {  	[tilespmem:s9+$0x10050] =	vst.add.f32.msk $0xffff, v3  }
0x2a5: {  	[tilespmem:s9+$0x13250] =	vst.add.f32.msk $0xffff, v3  }
0x2a6: {  	[tilespmem:s9+$0x16450] =	vst.add.f32.msk $0xffff, v3  }
0x2a7: {  	[tilespmem:s9+$0xCE60] =	vst.add.f32.msk $0xffff, v4  }
.Ltmp5:
0x2a8: {  	[tilespmem:s9+$0x10060] =	vst.add.f32.msk $0xffff, v4;
	(pc) =	sbr.rel @p0 .LBB2_12-.Ltmp5, $4  }
0x2a9: {  	[tilespmem:s9+$0x13260] =	vst.add.f32.msk $0xffff, v4  }
0x2aa: {  	[tilespmem:s9+$0x16460] =	vst.add.f32.msk $0xffff, v4  }
0x2ab: {  	[tilespmem:s9+$0xCE70] =	vst.add.f32.msk $0xffff, v0  }
0x2ac: {  	s11 =	sshra.s32 s10, $0x2;
	s10 =	sadd.s32 $0x100, s10;
	[tilespmem:s9+$0x10070] =	vst.add.f32.msk $0xffff, v0  }
0x2ad: {  	v1 =	vld [tilespmem:s11+$0x19670]  }
0x2ae: {  	v2 =	vld [tilespmem:s11+$0x19640]  }
0x2af: {  	v3 =	vld [tilespmem:s11+$0x19650]  }
0x2b0: {  	v4 =	vld [tilespmem:s11+$0x19660]  }
0x2b1: {  	[tilespmem:s9+$0x13270] =	vst.add.f32.msk $0xffff, v0  }
0x2b2: {  	[tilespmem:s11+$0x16470] =	vst.add.f32.msk $0xffff, v1  }
0x2b3: {  	[tilespmem:s11+$0xCE40] =	vst.add.f32.msk $0xffff, v2  }
0x2b4: {  	[tilespmem:s11+$0x10040] =	vst.add.f32.msk $0xffff, v2  }
0x2b5: {  	[tilespmem:s11+$0x13240] =	vst.add.f32.msk $0xffff, v2  }
0x2b6: {  	[tilespmem:s11+$0x16440] =	vst.add.f32.msk $0xffff, v2  }
0x2b7: {  	[tilespmem:s11+$0xCE50] =	vst.add.f32.msk $0xffff, v3  }
0x2b8: {  	[tilespmem:s11+$0x10050] =	vst.add.f32.msk $0xffff, v3  }
0x2b9: {  	[tilespmem:s11+$0x13250] =	vst.add.f32.msk $0xffff, v3  }
0x2ba: {  	[tilespmem:s11+$0x16450] =	vst.add.f32.msk $0xffff, v3  }
0x2bb: {  	[tilespmem:s11+$0xCE60] =	vst.add.f32.msk $0xffff, v4  }
0x2bc: {  	[tilespmem:s11+$0x10060] =	vst.add.f32.msk $0xffff, v4  }
0x2bd: {  	[tilespmem:s11+$0x13260] =	vst.add.f32.msk $0xffff, v4  }
0x2be: {  	[tilespmem:s11+$0x16460] =	vst.add.f32.msk $0xffff, v4  }
0x2bf: {  	[tilespmem:s11+$0xCE70] =	vst.add.f32.msk $0xffff, v1  }
0x2c0: {  	[tilespmem:s11+$0x10070] =	vst.add.f32.msk $0xffff, v1  }
0x2c1: {  	s10 =	rddreg [dreg:$0x11];
	[tilespmem:s11+$0x13270] =	vst.add.f32.msk $0xffff, v1;
	s11 =	simm.s32 $0x0  }
0x2c2: {  	[hbm4b:s10+s11] =	stream.linear.scatter [tilespmem:s14], [sflag:$0x6], $0xC800, $0x38;
	[tilespmem:$0x1C840] =	vst v63  }
0x2c3: {  	_ =	swait.ge [sflag:s12], $0x1A00  }
0x2c4: {  	[sflag:s12] =	ssyncset.done $0x0  }
0x2c5: {  	[sflag:s12] =	ssyncadd.s32 $0xFFFFE600  }
0x2c6: {  	_ =	swait.ge [sflag:s12], $0x1800  }
0x2c7: {  	[sflag:s12] =	ssyncset.done $0x0  }
0x2c8: {  	[sflag:s12] =	ssyncadd.s32 $0xFFFFE800  }
0x2c9: {  	_ =	swait.ge [sflag:s12], $0x1A00  }
0x2ca: {  	[sflag:s12] =	ssyncset.done $0x0  }
0x2cb: {  	[sflag:s12] =	ssyncadd.s32 $0xFFFFE600  }
0x2cc: {  	_ =	swait.ge [sflag:s12], $0x1800  }
0x2cd: {  	[sflag:s12] =	ssyncset.done $0x0  }
0x2ce: {  	[sflag:s12] =	ssyncadd.s32 $0xFFFFE800  }
0x2cf: {  	_ =	swait.ge [sflag:s12], $0x1A00  }
0x2d0: {  	[sflag:s12] =	ssyncset.done $0x0  }
0x2d1: {  	[sflag:s12] =	ssyncadd.s32 $0xFFFFE600  }
0x2d2: {  	_ =	swait.ge [sflag:s12], $0x1800  }
0x2d3: {  	[sflag:s12] =	ssyncset.done $0x0  }
0x2d4: {  	[sflag:s12] =	ssyncadd.s32 $0xFFFFE800  }
0x2d5: {  	_ =	swait.ge [sflag:s12], $0x1A00  }
0x2d6: {  	[sflag:s12] =	ssyncset.done $0x0  }
0x2d7: {  	[sflag:s12] =	ssyncadd.s32 $0xFFFFE600  }
0x2d8: {  	_ =	swait.ge [sflag:s12], $0x1800  }
0x2d9: {  	[sflag:s12] =	ssyncset.done $0x0  }
0x2da: {  	[sflag:s12] =	ssyncadd.s32 $0xFFFFE800  }
0x2db: {  	_ =	swait.ge [sflag:s7], $0xC800  }
0x2dc: {  	[sflag:s7] =	ssyncset.done $0x0  }
0x2dd: {  	[sflag:s7] =	ssyncadd.s32 $0xFFFF3800  }
0x2de: {  	_ =	swait.ge [sflag:s13], $0x320  }
0x2df: {  	[sflag:s13] =	ssyncset.done $0x0  }
0x2e0: {  	[sflag:s13] =	ssyncadd.s32 $0xFFFFFCE0  }
0x2e1: {  	[tilespmem:s14], [sflag:$0x4] =	stream.indirect.gather [hbm4b:s3+s26], $0x40, s24, s26, $0xb8;
	[tilespmem:$0x1C840] =	vst v63  }
0x2e2: {  	_ = 	snop  }
0x2e3: {  	[tilespmem:s16], [sflag:$0x4] =	stream.indirect.gather [hbm4b:s3+s29], $0x40, s15, s29, $0xb8;
	[tilespmem:$0x1C840] =	vst v63  }
0x2e4: {  	_ = 	snop  }
0x2e5: {  	[tilespmem:s18], [sflag:$0x4] =	stream.indirect.gather [hbm4b:s3+s26], $0x40, s17, s26, $0xb8;
	[tilespmem:$0x1C840] =	vst v63  }
0x2e6: {  	_ = 	snop  }
0x2e7: {  	[tilespmem:s20], [sflag:$0x4] =	stream.indirect.gather [hbm4b:s3+s29], $0x40, s19, s29, $0xb8;
	[tilespmem:$0x1C840] =	vst v63  }
0x2e8: {  	_ = 	snop  }
0x2e9: {  	[tilespmem:s23], [sflag:$0x4] =	stream.indirect.gather [hbm4b:s3+s26], $0x40, s21, s26, $0xb8;
	[tilespmem:$0x1C840] =	vst v63  }
0x2ea: {  	_ = 	snop  }
0x2eb: {  	[tilespmem:s31], [sflag:$0x4] =	stream.indirect.gather [hbm4b:s3+s29], $0x40, s30, s29, $0xb8;
	[tilespmem:$0x1C840] =	vst v63  }
0x2ec: {  	_ = 	snop  }
0x2ed: {  	[tilespmem:s1], [sflag:$0x4] =	stream.indirect.gather [hbm4b:s3+s26], $0x40, s0, s26, $0xb8;
	[tilespmem:$0x1C840] =	vst v63  }
0x2ee: {  	s9 =	simm.s32 $0x0  }
0x2ef: {  	[tilespmem:s4], [sflag:$0x4] =	stream.indirect.gather [hbm4b:s3+s29], $0x40, s22, s29, $0xb8;
	[tilespmem:$0x1C840] =	vst v63  }
0x2f0: {  	v0 =	vld [tilespmem:s9+$0x19670]  }
0x2f1: {  	v1 =	vld [tilespmem:s9+$0x19640];
	_ =	sdelay $0x1  }
0x2f2: {  	v2 =	vld [tilespmem:s9+$0x19650]  }
0x2f3: {  	v3 =	vld [tilespmem:s9+$0x19660]  }
0x2f4: {  	[tilespmem:s9+$0x9C70] =	vst.add.f32.msk $0xffff, v0  }
0x2f5: {  	[tilespmem:s9+$0x640] =	vst.add.f32.msk $0xffff, v1  }
0x2f6: {  	[tilespmem:s9+$0x3840] =	vst.add.f32.msk $0xffff, v1  }
0x2f7: {  	[tilespmem:s9+$0x6A40] =	vst.add.f32.msk $0xffff, v1  }
0x2f8: {  	[tilespmem:s9+$0x9C40] =	vst.add.f32.msk $0xffff, v1  }
0x2f9: {  	[tilespmem:s9+$0x650] =	vst.add.f32.msk $0xffff, v2  }
0x2fa: {  	[tilespmem:s9+$0x3850] =	vst.add.f32.msk $0xffff, v2  }
0x2fb: {  	[tilespmem:s9+$0x6A50] =	vst.add.f32.msk $0xffff, v2  }
0x2fc: {  	[tilespmem:s9+$0x9C50] =	vst.add.f32.msk $0xffff, v2  }
0x2fd: {  	[tilespmem:s9+$0x660] =	vst.add.f32.msk $0xffff, v3  }
0x2fe: {  	[tilespmem:s9+$0x3860] =	vst.add.f32.msk $0xffff, v3  }
0x2ff: {  	[tilespmem:s9+$0x6A60] =	vst.add.f32.msk $0xffff, v3  }
0x300: {  	[tilespmem:s9+$0x9C60] =	vst.add.f32.msk $0xffff, v3  }
0x301: {  	[tilespmem:s9+$0x670] =	vst.add.f32.msk $0xffff, v0  }
0x302: {  	s11 =	simm.s32 $0x40;
	s10 =	simm.s32 $0x200;
	[tilespmem:s9+$0x3870] =	vst.add.f32.msk $0xffff, v0  }
.LBB2_14:
0x303: {  	p0 =	sne.s32 s10, $0xC700;
	v1 =	vld [tilespmem:s11+$0x19670]  }
0x304: {  	v2 =	vld [tilespmem:s11+$0x19640]  }
0x305: {  	v3 =	vld [tilespmem:s11+$0x19650]  }
0x306: {  	v4 =	vld [tilespmem:s11+$0x19660]  }
0x307: {  	[tilespmem:s9+$0x6A70] =	vst.add.f32.msk $0xffff, v0;
	s9 =	smov.u32 s11  }
0x308: {  	[tilespmem:s9+$0x9C70] =	vst.add.f32.msk $0xffff, v1;
	v0 =	vmov v1  }
0x309: {  	[tilespmem:s9+$0x640] =	vst.add.f32.msk $0xffff, v2  }
0x30a: {  	[tilespmem:s9+$0x3840] =	vst.add.f32.msk $0xffff, v2  }
0x30b: {  	[tilespmem:s9+$0x6A40] =	vst.add.f32.msk $0xffff, v2  }
0x30c: {  	[tilespmem:s9+$0x9C40] =	vst.add.f32.msk $0xffff, v2  }
0x30d: {  	[tilespmem:s9+$0x650] =	vst.add.f32.msk $0xffff, v3  }
0x30e: {  	[tilespmem:s9+$0x3850] =	vst.add.f32.msk $0xffff, v3  }
0x30f: {  	[tilespmem:s9+$0x6A50] =	vst.add.f32.msk $0xffff, v3  }
0x310: {  	[tilespmem:s9+$0x9C50] =	vst.add.f32.msk $0xffff, v3  }
0x311: {  	[tilespmem:s9+$0x660] =	vst.add.f32.msk $0xffff, v4  }
.Ltmp6:
0x312: {  	[tilespmem:s9+$0x3860] =	vst.add.f32.msk $0xffff, v4;
	(pc) =	sbr.rel @p0 .LBB2_14-.Ltmp6, $4  }
0x313: {  	[tilespmem:s9+$0x6A60] =	vst.add.f32.msk $0xffff, v4  }
0x314: {  	[tilespmem:s9+$0x9C60] =	vst.add.f32.msk $0xffff, v4  }
0x315: {  	[tilespmem:s9+$0x670] =	vst.add.f32.msk $0xffff, v0  }
0x316: {  	s11 =	sshra.s32 s10, $0x2;
	s10 =	sadd.s32 $0x100, s10;
	[tilespmem:s9+$0x3870] =	vst.add.f32.msk $0xffff, v0  }
0x317: {  	v1 =	vld [tilespmem:s11+$0x19670]  }
0x318: {  	v2 =	vld [tilespmem:s11+$0x19640]  }
0x319: {  	v3 =	vld [tilespmem:s11+$0x19650]  }
0x31a: {  	v4 =	vld [tilespmem:s11+$0x19660]  }
0x31b: {  	[tilespmem:s9+$0x6A70] =	vst.add.f32.msk $0xffff, v0  }
0x31c: {  	[tilespmem:s11+$0x9C70] =	vst.add.f32.msk $0xffff, v1  }
0x31d: {  	[tilespmem:s11+$0x640] =	vst.add.f32.msk $0xffff, v2  }
0x31e: {  	[tilespmem:s11+$0x3840] =	vst.add.f32.msk $0xffff, v2  }
0x31f: {  	[tilespmem:s11+$0x6A40] =	vst.add.f32.msk $0xffff, v2  }
0x320: {  	[tilespmem:s11+$0x9C40] =	vst.add.f32.msk $0xffff, v2  }
0x321: {  	[tilespmem:s11+$0x650] =	vst.add.f32.msk $0xffff, v3  }
0x322: {  	[tilespmem:s11+$0x3850] =	vst.add.f32.msk $0xffff, v3  }
0x323: {  	[tilespmem:s11+$0x6A50] =	vst.add.f32.msk $0xffff, v3  }
0x324: {  	[tilespmem:s11+$0x9C50] =	vst.add.f32.msk $0xffff, v3  }
0x325: {  	[tilespmem:s11+$0x660] =	vst.add.f32.msk $0xffff, v4  }
0x326: {  	[tilespmem:s11+$0x3860] =	vst.add.f32.msk $0xffff, v4  }
0x327: {  	[tilespmem:s11+$0x6A60] =	vst.add.f32.msk $0xffff, v4  }
0x328: {  	[tilespmem:s11+$0x9C60] =	vst.add.f32.msk $0xffff, v4  }
0x329: {  	[tilespmem:s11+$0x670] =	vst.add.f32.msk $0xffff, v1  }
0x32a: {  	[tilespmem:s11+$0x3870] =	vst.add.f32.msk $0xffff, v1  }
0x32b: {  	s10 =	rddreg [dreg:$0x12];
	[tilespmem:s11+$0x6A70] =	vst.add.f32.msk $0xffff, v1;
	s11 =	simm.s32 $0x0  }
0x32c: {  	[hbm4b:s10+s11] =	stream.linear.scatter [tilespmem:s28], [sflag:$0x5], $0xC800, $0x38;
	[tilespmem:$0x1C840] =	vst v63  }
0x32d: {  	_ =	swait.ge [sflag:s5], $0x1A00  }
0x32e: {  	[sflag:s5] =	ssyncset.done $0x0  }
0x32f: {  	[sflag:s5] =	ssyncadd.s32 $0xFFFFE600  }
0x330: {  	_ =	swait.ge [sflag:s5], $0x1800  }
0x331: {  	[sflag:s5] =	ssyncset.done $0x0  }
0x332: {  	[sflag:s5] =	ssyncadd.s32 $0xFFFFE800  }
0x333: {  	_ =	swait.ge [sflag:s5], $0x1A00  }
0x334: {  	[sflag:s5] =	ssyncset.done $0x0  }
0x335: {  	[sflag:s5] =	ssyncadd.s32 $0xFFFFE600  }
0x336: {  	_ =	swait.ge [sflag:s5], $0x1800  }
0x337: {  	[sflag:s5] =	ssyncset.done $0x0  }
0x338: {  	[sflag:s5] =	ssyncadd.s32 $0xFFFFE800  }
0x339: {  	_ =	swait.ge [sflag:s5], $0x1A00  }
0x33a: {  	[sflag:s5] =	ssyncset.done $0x0  }
0x33b: {  	[sflag:s5] =	ssyncadd.s32 $0xFFFFE600  }
0x33c: {  	_ =	swait.ge [sflag:s5], $0x1800  }
0x33d: {  	[sflag:s5] =	ssyncset.done $0x0  }
0x33e: {  	[sflag:s5] =	ssyncadd.s32 $0xFFFFE800  }
0x33f: {  	_ =	swait.ge [sflag:s5], $0x1A00  }
0x340: {  	[sflag:s5] =	ssyncset.done $0x0  }
0x341: {  	[sflag:s5] =	ssyncadd.s32 $0xFFFFE600  }
0x342: {  	_ =	swait.ge [sflag:s5], $0x1800  }
0x343: {  	[sflag:s5] =	ssyncset.done $0x0  }
0x344: {  	s9 =	simm.s32 $0x0;
	[sflag:s5] =	ssyncadd.s32 $0xFFFFE800  }
0x345: {  	v0 =	vld [tilespmem:s9+$0x19670]  }
0x346: {  	v1 =	vld [tilespmem:s9+$0x19640];
	_ =	sdelay $0x1  }
0x347: {  	v2 =	vld [tilespmem:s9+$0x19650]  }
0x348: {  	v3 =	vld [tilespmem:s9+$0x19660]  }
0x349: {  	[tilespmem:s9+$0x16470] =	vst.add.f32.msk $0xffff, v0  }
0x34a: {  	[tilespmem:s9+$0xCE40] =	vst.add.f32.msk $0xffff, v1  }
0x34b: {  	[tilespmem:s9+$0x10040] =	vst.add.f32.msk $0xffff, v1  }
0x34c: {  	[tilespmem:s9+$0x13240] =	vst.add.f32.msk $0xffff, v1  }
0x34d: {  	[tilespmem:s9+$0x16440] =	vst.add.f32.msk $0xffff, v1  }
0x34e: {  	[tilespmem:s9+$0xCE50] =	vst.add.f32.msk $0xffff, v2  }
0x34f: {  	[tilespmem:s9+$0x10050] =	vst.add.f32.msk $0xffff, v2  }
0x350: {  	[tilespmem:s9+$0x13250] =	vst.add.f32.msk $0xffff, v2  }
0x351: {  	[tilespmem:s9+$0x16450] =	vst.add.f32.msk $0xffff, v2  }
0x352: {  	[tilespmem:s9+$0xCE60] =	vst.add.f32.msk $0xffff, v3  }
0x353: {  	[tilespmem:s9+$0x10060] =	vst.add.f32.msk $0xffff, v3  }
0x354: {  	[tilespmem:s9+$0x13260] =	vst.add.f32.msk $0xffff, v3  }
0x355: {  	[tilespmem:s9+$0x16460] =	vst.add.f32.msk $0xffff, v3  }
0x356: {  	[tilespmem:s9+$0xCE70] =	vst.add.f32.msk $0xffff, v0  }
0x357: {  	s11 =	simm.s32 $0x40;
	s10 =	simm.s32 $0x200;
	[tilespmem:s9+$0x10070] =	vst.add.f32.msk $0xffff, v0  }
.LBB2_16:
0x358: {  	p0 =	sne.s32 s10, $0xC700;
	v1 =	vld [tilespmem:s11+$0x19670]  }
0x359: {  	v2 =	vld [tilespmem:s11+$0x19640]  }
0x35a: {  	v3 =	vld [tilespmem:s11+$0x19650]  }
0x35b: {  	v4 =	vld [tilespmem:s11+$0x19660]  }
0x35c: {  	[tilespmem:s9+$0x13270] =	vst.add.f32.msk $0xffff, v0;
	s9 =	smov.u32 s11  }
0x35d: {  	[tilespmem:s9+$0x16470] =	vst.add.f32.msk $0xffff, v1;
	v0 =	vmov v1  }
0x35e: {  	[tilespmem:s9+$0xCE40] =	vst.add.f32.msk $0xffff, v2  }
0x35f: {  	[tilespmem:s9+$0x10040] =	vst.add.f32.msk $0xffff, v2  }
0x360: {  	[tilespmem:s9+$0x13240] =	vst.add.f32.msk $0xffff, v2  }
0x361: {  	[tilespmem:s9+$0x16440] =	vst.add.f32.msk $0xffff, v2  }
0x362: {  	[tilespmem:s9+$0xCE50] =	vst.add.f32.msk $0xffff, v3  }
0x363: {  	[tilespmem:s9+$0x10050] =	vst.add.f32.msk $0xffff, v3  }
0x364: {  	[tilespmem:s9+$0x13250] =	vst.add.f32.msk $0xffff, v3  }
0x365: {  	[tilespmem:s9+$0x16450] =	vst.add.f32.msk $0xffff, v3  }
0x366: {  	[tilespmem:s9+$0xCE60] =	vst.add.f32.msk $0xffff, v4  }
.Ltmp7:
0x367: {  	[tilespmem:s9+$0x10060] =	vst.add.f32.msk $0xffff, v4;
	(pc) =	sbr.rel @p0 .LBB2_16-.Ltmp7, $4  }
0x368: {  	[tilespmem:s9+$0x13260] =	vst.add.f32.msk $0xffff, v4  }
0x369: {  	[tilespmem:s9+$0x16460] =	vst.add.f32.msk $0xffff, v4  }
0x36a: {  	[tilespmem:s9+$0xCE70] =	vst.add.f32.msk $0xffff, v0  }
0x36b: {  	s11 =	sshra.s32 s10, $0x2;
	s10 =	sadd.s32 $0x100, s10;
	[tilespmem:s9+$0x10070] =	vst.add.f32.msk $0xffff, v0  }
0x36c: {  	v1 =	vld [tilespmem:s11+$0x19670]  }
0x36d: {  	v2 =	vld [tilespmem:s11+$0x19640]  }
0x36e: {  	v3 =	vld [tilespmem:s11+$0x19650]  }
0x36f: {  	v4 =	vld [tilespmem:s11+$0x19660]  }
0x370: {  	[tilespmem:s9+$0x13270] =	vst.add.f32.msk $0xffff, v0  }
0x371: {  	[tilespmem:s11+$0x16470] =	vst.add.f32.msk $0xffff, v1  }
0x372: {  	[tilespmem:s11+$0xCE40] =	vst.add.f32.msk $0xffff, v2  }
0x373: {  	[tilespmem:s11+$0x10040] =	vst.add.f32.msk $0xffff, v2  }
0x374: {  	[tilespmem:s11+$0x13240] =	vst.add.f32.msk $0xffff, v2  }
0x375: {  	[tilespmem:s11+$0x16440] =	vst.add.f32.msk $0xffff, v2  }
0x376: {  	[tilespmem:s11+$0xCE50] =	vst.add.f32.msk $0xffff, v3  }
0x377: {  	[tilespmem:s11+$0x10050] =	vst.add.f32.msk $0xffff, v3  }
0x378: {  	[tilespmem:s11+$0x13250] =	vst.add.f32.msk $0xffff, v3  }
0x379: {  	[tilespmem:s11+$0x16450] =	vst.add.f32.msk $0xffff, v3  }
0x37a: {  	[tilespmem:s11+$0xCE60] =	vst.add.f32.msk $0xffff, v4  }
0x37b: {  	[tilespmem:s11+$0x10060] =	vst.add.f32.msk $0xffff, v4  }
0x37c: {  	[tilespmem:s11+$0x13260] =	vst.add.f32.msk $0xffff, v4  }
0x37d: {  	[tilespmem:s11+$0x16460] =	vst.add.f32.msk $0xffff, v4  }
0x37e: {  	[tilespmem:s11+$0xCE70] =	vst.add.f32.msk $0xffff, v1  }
0x37f: {  	[tilespmem:s11+$0x10070] =	vst.add.f32.msk $0xffff, v1  }
0x380: {  	s10 =	rddreg [dreg:$0x13];
	[tilespmem:s11+$0x13270] =	vst.add.f32.msk $0xffff, v1  }
0x381: {  	[hbm4b:s10+s2] =	stream.linear.scatter [tilespmem:s14], [sflag:$0x6], $0xC800, $0x38;
	[tilespmem:$0x1C840] =	vst v63  }
0x382: {  	_ =	swait.ge [sflag:s6], $0xC800  }
0x383: {  	[sflag:s6] =	ssyncset.done $0x0  }
0x384: {  	[sflag:s6] =	ssyncadd.s32 $0xFFFF3800  }
0x385: {  	_ =	swait.ge [sflag:s7], $0xC800  }
0x386: {  	s8 =	sadd.s32 $0x1, s8;
	s11 =	rddreg [dreg:$0x14]  }
0x387: {  	p0 =	sne.s32 s8, s11  }
.Ltmp8:
0x388: {  	_ = 	snop;
	(pc) =	sbr.rel @p0 .LBB2_1-.Ltmp8, $3  }
0x389: {  	_ =	sdelay $0x1  }
0x38a: {  	[sflag:s7] =	ssyncset.done $0x0  }
0x38b: {  	[sflag:s7] =	ssyncadd.s32 $0xFFFF3800  }
0x38c: {  	_ =	sfence.sel $0x180000  }
0x38d: {  	[bflag:$0x0] =	sbarrier.arrive $0xFFFF  }
0x38e: {  	_ =	strace $0x90000047  }
0x38f: {  	s0 =	stileid.u32;
	[bflag:$0x2] =	sbarrier.arrive $0xFFFF  }
0x390: {  	p0 =	sne.s32 s0, $0x0;
	s0 =	rddreg [dreg:$0x2]  }
0x391: {  	s0 =	sadd.s32 @!p0 $0x100000, s0  }
0x392: {  	[sflag:s0] =	ssyncadd.tile.s32 @!p0 $0x1;
	_ =	shalt  }
.Lfunc_end2:
_tile_overlayer_lowered:
.L_overlay_start_2:
0x393: {  	(tag) =	ssettag $0x2  }
0x394: {  	s0 =	rddreg [dreg:$0x0];
	s2 =	stileid.u32  }
0x395: {  	s1 =	rddreg [dreg:$0x1];
	p0 =	sne.s32 s2, $0x0  }
0x396: {  	s3 =	rddreg [dreg:$0x2];
	[bflag:$0x3] =	sbarrier.arrive $0xFFFF;
	s2 =	simm.s32 @!p0 $0x1C07  }
0x397: {  	[timem:s3], [sflag:s2] =	dma.local @!p0 [hbm:s0], s1  }
0x398: {  	s0 =	simm.s32 @!p0 $0x7  }
0x399: {  	_ =	swait.ge @!p0 [sflag:s0], s1  }
0x39a: {  	s1 =	ssub.s32 @!p0 $0x0, s1;
	[sflag:s0] =	ssyncset.done @!p0 $0x0  }
0x39b: {  	[sflag:s0] =	ssyncadd.s32 @!p0 s1  }
0x39c: {  	[bflag:$0x3] =	sbarrier.arrive $0xFFFF  }
0x39d: {  	_ =	shalt  }

// kernel: sparse-core-data-format-call.cloned.1.call-start
scs
called_computation_lowered:
.L_overlay_start_0:
0x0: {  	s2 =	sld [smem:$0x3FD9]  }
0x1: {  	s3 =	sld [smem:$0x3FFE];
	_ =	sdelay $0x1  }
0x2: {  	s1 =	srdreg.scid  }
0x3: {  	s0 =	sand.u32 $0x1, s1  }
0x4: {  	s18 =	sshll.u32 s0, $0xA;
	s2 =	sadd.s32 s3, s2  }
0x5: {  	s2 =	sadd.s32 s2, s18  }
0x6: {  	[smem:$0x3FC5] =	sst s2  }
0x7: {  	_ = 	snop  }
0x8: {  	s2 =	sld [smem:$0x3FD0];
	(tm) =	ssettm $0x1  }
0x9: {  	s19 =	sld [smem:$0x3FFB];
	_ =	sdelay $0x3  }
0xa: {  	_ =	strace s19  }
0xb: {  	s3 =	sld [smem:$0x3FFC];
	_ =	sdelay $0x3  }
0xc: {  	_ =	strace s3  }
0xd: {  	s3 =	sld [smem:$0x3FFD];
	_ =	sdelay $0x3  }
0xe: {  	_ =	strace s3  }
0xf: {  	_ =	strace $0x8FFFFFFF  }
0x10: {  	s20 =	sld [smem:$0x3FDB];
	_ =	sdelay $0x1  }
0x11: {  	s4 =	simm.s32 $_scs_section_size  }
0x12: {  	s5 =	simm.s32 $_size__tile_overlayer_lowered;
	s6 =	simm.s32 $_tile_overlayer_lowered  }
0x13: {  	s23 =	simm.s32 $0x1BFF;
	s22 =	sshll.u32 s6, $0x1;
	s3 =	sadd.s32 s4, s20  }
0x14: {  	s7 =	simm.s32 $0x0;
	s21 =	sshll.u32 s5, $0x1;
	s5 =	sadd.s32 s22, s3  }
0x15: {  	[timem:s7], [sflag:s23] =	dma.local [hbm:s5], s21  }
0x16: {  	_ =	swait.ge [sflag:s23], s21  }
0x17: {  	s4 =	ssub.s32 $0x0, s21;
	[sflag:s23] =	ssyncset.done $0x0  }
0x18: {  	[sflag:s23] =	ssyncadd.s32 s4;
	_ =	sdelay $0x1  }
0x19: {  	s24 =	simm.s32 $0x1B8B  }
0x1a: {  	_ =	swait.ge [sflag:s24], $0x1  }
0x1b: {  	[sflag:s24] =	ssyncset.done $0x0  }
0x1c: {  	s26 =	simm.s32 $0x1B8E;
	s25 =	sld [smem:$0x3FFE];
	[sflag:s24] =	ssyncadd.s32 $0xFFFFFFFF  }
0x1d: {  	s27 =	simm.s32 $execute0_lowered;
	[smem:$0x3FD2] =	sst s26  }
0x1e: {  	s5 =	sshll.u32 s27, $0x1;
	_ =	strace $0x80000049;
	[dreg:$0x1] =	wrdreg $0xFFFFFFFF  }
0x1f: {  	s28 =	simm.s32 $_size_execute0_lowered;
	s3 =	sadd.s32 s3, s5;
	[dreg:$0x0] =	wrdreg $0x0  }
0x20: {  	s5 =	sshll.u32 s28, $0x1;
	[dreg:$0x2] =	wrdreg s3  }
0x21: {  	[dreg:$0x3] =	wrdreg s5  }
0x22: {  	[dreg:$0x4] =	wrdreg $0xC0  }
0x23: {  	_ =	task [dreg:s7], $0x5FFFF  }
0x24: {  	[dreg:$0x1] =	wrdreg $0xFFFFFFFF  }
0x25: {  	[dreg:$0x0] =	wrdreg $0x60  }
0x26: {  	[dreg:$0x2] =	wrdreg s25  }
0x27: {  	[dreg:$0x3] =	wrdreg s2  }
0x28: {  	[dreg:$0x4] =	wrdreg $0x9  }
0x29: {  	_ =	task.clear_ibuf [dreg:s7], $0x5FFFF;
	_ =	strace $0x90000049  }
0x2a: {  	s29 =	simm.s32 $0x9;
	_ =	strace $0x8000004B  }
0x2b: {  	_ =	swait.ge [sflag:s29], $0x1  }
0x2c: {  	[sflag:s29] =	ssyncadd.s32 $0xFFFFFFFF  }
0x2d: {  	_ =	strace $0x9000004B  }
0x2e: {  	_ =	sfence  }
0x2f: {  	s30 =	sld [smem:$0x0];
	_ =	sdelay $0x2  }
0x30: {  	s31 =	sshll.u32 s1, $0xD;
	s1 =	sshrl.u32 s1, $0x2  }
0x31: {  	s3 =	sand.u32 $0x4000, s31;
	s1 =	sadd.s32 s1, s30  }
0x32: {  	s0 =	sor.u32 s3, s0;
	s1 =	sshll.u32 s1, $0x11  }
0x33: {  	s0 =	sor.u32 s1, s0  }
0x34: {  	s0 =	sadd.s32 $0x8F2B, s0  }
0x35: {  	[sflag:s0] =	ssyncadd.remote.s32 $0x1  }
0x36: {  	_ =	sfence.sel $0xFFFF  }
0x37: {  	[dreg:$0x0] =	wrdreg $0xFFFFFFFF;
	(pc) =	sbr.abs _section_cstart, $3  }
0x38: {  	[dreg:$0x1] =	wrdreg $0xFFFFFFFF  }
0x39: {  	_ =	task.clear_ibuf [dreg:s7], $0x2FFFF;
	_ =	strace $0x9FFFFFFF  }
0x3a: {  	(tm) =	ssettm $0x7FFFFFFF  }
0x3b: {  	_ =	shalt  }
tec
execute0_lowered:
.L_overlay_start_1:
0x0: {  	(tag) =	ssettag $0x1  }
0x1: {  	s0 =	srdreg.scid  }
0x2: {  	s1 =	sshll.u32 s0, $0x4  }
0x3: {  	s4 =	rddreg [dreg:$0x0];
	s0 =	stileid.u32;
	s1 =	sand.u32 $0x10, s1  }
0x4: {  	s2 =	rddreg [dreg:$0x1];
	s7 =	simm.s32 $0x1;
	s1 =	sor.u32 s0, s1  }
0x5: {  	s8 =	simm.s32 $0x2;
	s11 =	simm.s32 $0x0;
	s3 =	sshll.u32 s1, $0x7  }
0x6: {  	s10 =	simm.s32 $0x0;
	s4 =	sadd.s32 $0xC00, s4;
	s6 =	ssub.s32 $0x32000, s3  }
.Ltmp0:
0x7: {  	s1 =	rddreg [dreg:$0x2];
	s5 =	sand.u32 $0xF80, s6;
	(pc) =	sbr.rel .LBB1_1-.Ltmp0, $4  }
0x8: {  	_ =	strace $0x8000004A;
	s9 =	smov.u32 s3;
	p0 =	sne.s32 s5, $0x0  }
0x9: {  	s6 =	sshrl.u32 s6, $0xC;
	s5 =	simm.s32 $0x1;
	s7 =	simm.s32 @!p0 $0x0  }
0xa: {  	[sflag:s5] =	ssyncpa.u1 $0x0;
	p0 =	por $0x0, $0x0;
	s6 =	sadd.s32 s7, s6  }
0xb: {  	[sflag:s8] =	ssyncpa.u1 $0x0;
	s8 =	simm.s32 $0x190000;
	s7 =	sadd.s32 $0x1, s6  }
.LBB1_4:
0xc: {  	s14 =	sshll.u32 s11, $0x3  }
0xd: {  	s30 =	sand.u32 $0x7F, s11;
	s15 =	sand.u32 $0xFFFFFC00, s14  }
0xe: {  	s11 =	sor.u32 s30, s15  }
0xf: {  	s15 =	smulhi.u32 $0x51EB851F, s11  }
0x10: {  	s14 =	smulhi.u32 $0x51EB851F, s14  }
0x11: {  	s15 =	sshrl.u32 s15, $0x10  }
0x12: {  	s14 =	sshrl.u32 s14, $0x10;
	s15 =	smul.u32 $0x32000, s15  }
0x13: {  	s14 =	sand.u32 $0x3F, s14  }
0x14: {  	s14 =	smul.u32 $0x6400, s14;
	s11 =	ssub.s32 s11, s15  }
0x15: {  	[tilespmem:s13+$0x810 ss:$0x81] =	vst.msk $0xffff, v2;
	s15 =	sand.u32 $0x7, s11  }
0x16: {  	[tilespmem:s13+$0x1020 ss:$0x81] =	vst.msk $0xffff, v0;
	s14 =	sadd.s32 s2, s14;
	s11 =	sshrl.u32 s11, $0x3;
	s15 =	sshll.u32 s15, $0x12  }
0x17: {  	[tilespmem:s13+$0x0 ss:$0x81] =	vst.msk $0xffff, v1;
	s11 =	sadd.s32 s11, s14;
	s31 =	sor.u32 $0x400, s15  }
0x18: {  	[hbm4b:s11+s31] =	stream.strided.scatter [tilespmem:s12], [sflag:$0x2], $0x2000, s8, s31, $0x20;
	[tilespmem:$0x8080] =	vst v63  }
.LBB1_5:
0x19: {  	s13 =	sadd.s32 $0x1000, s9  }
0x1a: {  	p2 =	sgt.s32 s13, $0x31FFF  }
0x1b: {  	s13 =	smov.u32 @p2 s3;
	p2 =	sne.s32 s10, s7  }
.Ltmp1:
0x1c: {  	p1 =	slt.u32 s10, $0x2;
	(pc) =	sbr.rel @!p2 .LBB1_6-.Ltmp1, $4  }
0x1d: {  	s12 =	simm.s32 @!p1 $0x2  }
0x1e: {  	s14 =	sadd.s32 $0x1, s10;
	_ =	swait.ge @!p1 [sflag:s12], $0x2000  }
0x1f: {  	s11 =	smov.u32 s9;
	p0 =	por !p0, !p0;
	[sflag:s12] =	ssyncset.done @!p1 $0x0  }
0x20: {  	s10 =	smov.u32 s14;
	s9 =	smov.u32 s13;
	[sflag:s12] =	ssyncadd.s32 @!p1 $0xFFFFE000  }
.LBB1_1:
0x21: {  	p1 =	sge.u32 s10, s6  }
0x22: {  	s12 =	sand.u32 @!p1 $0x1FFFFFF, s9  }
0x23: {  	s13 =	smulhi.u32 @!p1 $0x147AE15, s12;
	_ =	sdelay $0x1  }
0x24: {  	s13 =	sshrl.u32 @!p1 s13, $0xA  }
0x25: {  	s13 =	smul.u32 @!p1 $0x32000, s13;
	_ =	sdelay $0x1  }
0x26: {  	s31 =	sadd.s32 $0xFFFFFFFF, s10;
	s14 =	sxor.u32 @!p1 $0xFFFFFFFF, s10;
	s12 =	ssub.s32 @!p1 s12, s13  }
0x27: {  	s15 =	simm.s32 @!p1 $0x80;
	s14 =	sshll.u32 @!p1 s14, $0xD;
	s12 =	sshll.u32 @!p1 s12, $0x4  }
0x28: {  	s13 =	sand.u32 @!p1 $0x2000, s14;
	s14 =	simm.s32 @!p1 $0x40;
	s12 =	sadd.s32 @!p1 s4, s12  }
0x29: {  	[tilespmem:s13], [sflag:$0x1] =	stream.strided.gather @!p1 [hbm4b:s12+s14], $0x2000, s15, s14, $0x38;
	[tilespmem:$0x8080] =	vst v63  }
0x2a: {  	p1 =	sge.u32 s31, s6  }
.Ltmp2:
0x2b: {  	_ = 	snop;
	(pc) =	sbr.rel @p1 .LBB1_5-.Ltmp2, $1  }
0x2c: {  	_ =	sdelay $0x3  }
0x2d: {  	s12 =	simm.s32 $0x1  }
0x2e: {  	_ =	swait.ge [sflag:s5], $0x2000;
	s12 =	simm.s32 @!p0 $0x0  }
0x2f: {  	[sflag:s5] =	ssyncset.done $0x0;
	s13 =	sshll.u32 s12, $0xD  }
0x30: {  	[sflag:s5] =	ssyncadd.s32 $0xFFFFE000;
	s16 =	sor.u32 $0x20, s13  }
0x31: {  	s12 =	smul.u32 $0x8100, s12;
	v3 =	vld [tilespmem:s16+$0x10]  }
0x32: {  	s30 =	sand.u32 $0x1, s10;
	v2 =	vld [tilespmem:s16+$0xFFFFFFF0]  }
0x33: {  	s13 =	smul.u32 $0x8100, s30;
	s12 =	sshrl.u32 s12, $0x2;
	v0 =	vld [tilespmem:s16+$0x0]  }
0x34: {  	v1 =	vld [tilespmem:s16+$0xFFFFFFE0];
	s14 =	sor.u32 $0x4000, s12  }
0x35: {  	s31 =	sshrl.u32 s13, $0x2;
	s13 =	sadd.s32 $0x0, s14  }
0x36: {  	s15 =	simm.s32 $0x4;
	s16 =	sadd.s32 $0x40, s16;
	s12 =	sor.u32 $0x4000, s31;
	[tilespmem:s13+$0x1830 ss:$0x81] =	vst.msk $0xffff, v3  }
.LBB1_3:
0x37: {  	v3 =	vld [tilespmem:s16+$0x10];
	p1 =	sne.s32 s15, $0x1FC;
	[tilespmem:s13+$0x810 ss:$0x81] =	vst.msk $0xffff, v2;
	s17 =	smov.u32 s15;
	s15 =	sadd.s32 $0x4, s15  }
.Ltmp3:
0x38: {  	v2 =	vld [tilespmem:s16+$0xFFFFFFF0];
	[tilespmem:s13+$0x1020 ss:$0x81] =	vst.msk $0xffff, v0;
	(pc) =	sbr.rel @p1 .LBB1_3-.Ltmp3, $4  }
0x39: {  	v0 =	vld [tilespmem:s16+$0x0];
	[tilespmem:s13+$0x0 ss:$0x81] =	vst.msk $0xffff, v1  }
0x3a: {  	s13 =	sshra.s32 s17, $0x2;
	v1 =	vld [tilespmem:s16+$0xFFFFFFE0]  }
0x3b: {  	s13 =	sadd.s32 s13, s14  }
0x3c: {  	s16 =	sadd.s32 $0x40, s16;
	[tilespmem:s13+$0x1830 ss:$0x81] =	vst.msk $0xffff, v3  }
.Ltmp4:
0x3d: {  	_ = 	snop;
	(pc) =	sbr.rel .LBB1_4-.Ltmp4, $1  }
0x3e: {  	_ =	sdelay $0x3  }
.LBB1_6:
0x3f: {  	_ =	sfence.sel $0x180000  }
0x40: {  	s2 =	simm.s32 $0x1;
	[bflag:$0x0] =	sbarrier.arrive $0xFFFF  }
0x41: {  	s31 =	simm.s32 $0x2;
	[sflag:s2] =	ssyncpa.u1 $0x1  }
0x42: {  	[sflag:s31] =	ssyncpa.u1 $0x1  }
0x43: {  	p0 =	sne.s32 s0, $0x0;
	_ =	strace $0x9000004A  }
0x44: {  	s0 =	sadd.s32 @!p0 $0x100000, s1;
	[bflag:$0x2] =	sbarrier.arrive $0xFFFF  }
0x45: {  	[sflag:s0] =	ssyncadd.tile.s32 @!p0 $0x1;
	_ =	shalt  }
.Lfunc_end1:
_tile_overlayer_lowered:
.L_overlay_start_2:
0x46: {  	(tag) =	ssettag $0x2  }
0x47: {  	s0 =	rddreg [dreg:$0x0];
	s2 =	stileid.u32  }
0x48: {  	s1 =	rddreg [dreg:$0x1];
	p0 =	sne.s32 s2, $0x0  }
0x49: {  	s3 =	rddreg [dreg:$0x2];
	[bflag:$0x3] =	sbarrier.arrive $0xFFFF;
	s2 =	simm.s32 @!p0 $0x1C01  }
0x4a: {  	[timem:s3], [sflag:s2] =	dma.local @!p0 [hbm:s0], s1  }
0x4b: {  	s0 =	simm.s32 @!p0 $0x1  }
0x4c: {  	_ =	swait.ge @!p0 [sflag:s0], s1  }
0x4d: {  	s1 =	ssub.s32 @!p0 $0x0, s1;
	[sflag:s0] =	ssyncset.done @!p0 $0x0  }
0x4e: {  	[sflag:s0] =	ssyncadd.s32 @!p0 s1  }
0x4f: {  	[bflag:$0x3] =	sbarrier.arrive $0xFFFF  }
0x50: {  	_ =	shalt  }

</sc_bundles>
